<compile_context>
chip_gen: v7x
topology: tpu7x:2x2x1
jax: 0.10.2.dev20260603
libtpu: 0.0.44.dev20260713+nightly
codegen_flags: <defaults>
</compile_context>

<pallas_src>
import functools

import jax
import jax.numpy as jnp
from jax import lax
from jax.experimental import pallas as pl
from jax.experimental.pallas import tpu as pltpu
from jax.experimental.pallas import tpu_sc as plsc

D_MODEL = 64
MAX_REL = 32
SEQ = 2048
NTAB = 2 * MAX_REL + 1
NUM_CORES = 2
NUM_SUBCORES = 16
NUM_WORKERS = NUM_CORES * NUM_SUBCORES
ROWS_PER_W = SEQ // NUM_WORKERS
BAND_W = 256
NBUF = 3
CONST_W = SEQ - BAND_W
RB_W = 640
RB_HI = 384


def _sc_body(rowbuf_hbm, out_hbm, rowbuf_v, stage,
             const_lo, const_hi, sem_band, sem_const):
    cid = lax.axis_index("c")
    sid = lax.axis_index("s")

    pltpu.sync_copy(rowbuf_hbm, rowbuf_v)
    chunk = pl.multiple_of((sid % 8) * BAND_W, 128)

    @pl.when(sid < 8)
    def _():
        pltpu.sync_copy(rowbuf_v.at[:, pl.ds(0, BAND_W)],
                        const_lo.at[:, pl.ds(chunk, BAND_W)])

    @pl.when(sid >= 8)
    def _():
        pltpu.sync_copy(rowbuf_v.at[:, pl.ds(RB_HI, BAND_W)],
                        const_hi.at[:, pl.ds(chunk, BAND_W)])

    plsc.subcore_barrier()

    wid = sid * NUM_CORES + cid
    base_i = wid * ROWS_PER_W

    def jb0_of(r):
        i = base_i + r
        return pl.multiple_of(
            jnp.clip((i - MAX_REL) // 128 * 128, 0, SEQ - BAND_W), 128)

    lanes = lax.iota(jnp.int32, 16)

    def build_stage(r):
        i = base_i + r
        off = (MAX_REL + BAND_W) - i + jb0_of(r)
        q = off & 15
        a0 = off - q
        sel = lanes + q
        idx16 = sel & 15
        use_b = sel >= 16
        b = r % NBUF

        def fill_dd(dd, carry):
            for c in range(BAND_W // 16):
                lo = rowbuf_v[dd, pl.ds(
                    pl.multiple_of(a0 + c * 16, 16), 16)]
                hi = rowbuf_v[dd, pl.ds(
                    pl.multiple_of(a0 + c * 16 + 16, 16), 16)]
                g_lo = lo.at[idx16].get(mode="promise_in_bounds")
                g_hi = hi.at[idx16].get(mode="promise_in_bounds")
                stage[b * D_MODEL + dd, pl.ds(c * 16, 16)] = (
                    jnp.where(use_b, g_hi, g_lo))
            return carry

        lax.fori_loop(0, D_MODEL, fill_dd, 0)

    def band_copy(r):
        i = base_i + r
        b_al = pl.multiple_of((r % NBUF) * D_MODEL, 8)
        return pltpu.make_async_copy(
            stage.at[pl.ds(b_al, D_MODEL)],
            out_hbm.at[i].at[:, pl.ds(jb0_of(r), BAND_W)], sem_band)

    def start_row(r):
        i = base_i + r
        jb0 = jb0_of(r)
        band_copy(r).start()
        hi0 = jb0 + BAND_W
        w_hi = SEQ - hi0
        for size in (1024, 512, 256, 128):
            lo_off = jb0 & ~(2 * size - 1)
            hi_off = hi0 + (w_hi & ~(2 * size - 1))

            @pl.when((jb0 & size) != 0)
            def _():
                pltpu.make_async_copy(
                    const_lo.at[:, pl.ds(0, size)],
                    out_hbm.at[i].at[
                        :, pl.ds(pl.multiple_of(lo_off, 128), size)],
                    sem_const).start()

            @pl.when((w_hi & size) != 0)
            def _():
                pltpu.make_async_copy(
                    const_hi.at[:, pl.ds(0, size)],
                    out_hbm.at[i].at[
                        :, pl.ds(pl.multiple_of(hi_off, 128), size)],
                    sem_const).start()

    def wait_row(r):
        band_copy(r).wait()
        i = base_i + r
        pltpu.make_async_copy(
            const_lo.at[:, pl.ds(0, CONST_W)],
            out_hbm.at[i].at[:, pl.ds(0, CONST_W)], sem_const).wait()

    for r in range(NBUF):
        build_stage(r)
        start_row(r)

    def step(r, carry):
        wait_row(r)

        @pl.when(r + NBUF < ROWS_PER_W)
        def _():
            build_stage(r + NBUF)
            start_row(r + NBUF)

        return carry

    lax.fori_loop(0, ROWS_PER_W, step, 0)


def kernel(seq_len, table):
    del seq_len
    rb_idx = jnp.clip(jnp.arange(RB_W) - BAND_W, 0, NTAB - 1)
    rowbuf = jnp.take(table, rb_idx, axis=0).T.copy()

    mesh = plsc.VectorSubcoreMesh(core_axis_name="c", subcore_axis_name="s")
    run = functools.partial(
        pl.kernel,
        out_type=jax.ShapeDtypeStruct((SEQ, D_MODEL, SEQ), jnp.float32),
        mesh=mesh,
        scratch_types=[
            pltpu.VMEM((D_MODEL, RB_W), jnp.float32),
            pltpu.VMEM((NBUF * D_MODEL, BAND_W), jnp.float32),
            pltpu.VMEM_SHARED((D_MODEL, SEQ), jnp.float32),
            pltpu.VMEM_SHARED((D_MODEL, SEQ), jnp.float32),
            pltpu.SemaphoreType.DMA,
            pltpu.SemaphoreType.DMA,
        ],
    )(_sc_body)
    return jnp.swapaxes(run(rowbuf), 1, 2)

# --- scband reference (transcript-rebuilt; emitter-appended) ---
"""Pipeline reference for scband-relative-positional-encoding-49177375539811 (READ-ONLY COPY).

The authoritative reference and input builder live on the scoring server;
editing this copy changes nothing except your own understanding.
"""

import jax, jax.numpy as jnp
import numpy as np

D_MODEL = 64
MAX_REL = 32
SEQ_LEN = 2048

def setup_inputs(seed: int = 0) -> dict:
    key = jax.random.key(seed)
    num_embeddings = 2 * MAX_REL + 1
    # xavier_uniform init: a = sqrt(6 / (fan_in + fan_out))
    a = float(np.sqrt(6.0 / (num_embeddings + D_MODEL)))
    table = jax.random.uniform(key, (num_embeddings, D_MODEL), dtype=jnp.float32, minval=-a, maxval=a)
    return {"seq_len": SEQ_LEN, "table": table}

def reference(seq_len, table):
    range_vec = jnp.arange(SEQ_LEN) + (seq_len - seq_len)
    distance_mat = range_vec[None, :] - range_vec[:, None]
    distance_mat = jnp.clip(distance_mat, -MAX_REL, MAX_REL)
    distance_mat = distance_mat + MAX_REL
    # embedding lookup: gather rows of the table -> [seq_len, seq_len, d_model]
    embeddings = jnp.take(table, distance_mat, axis=0)
    return embeddings

if __name__ == "__main__":
    import jax
    _d = setup_inputs()
    print(jax.jit(kernel)(*tuple(_d.values())))

</pallas_src>

<mosaic_0001>
#map = affine_map<(d0, d1) -> (0, 0)>
#map1 = affine_map<(d0, d1) -> (0, 0, 0)>
module attributes {stable_mosaic.version = 14 : i64} {
  func.func @_sc_body(%arg0: i32, %arg1: i32, %arg2: memref<64x640xf32, #tpu.memory_space<hbm>>, %arg3: memref<2048x64x2048xf32, #tpu.memory_space<hbm>>, %arg4: memref<64x640xf32, #tpu.memory_space<vmem>>, %arg5: memref<192x256xf32, #tpu.memory_space<vmem>>, %arg6: memref<64x2048xf32, #tpu.memory_space<vmem_shared>>, %arg7: memref<64x2048xf32, #tpu.memory_space<vmem_shared>>, %arg8: memref<!tpu.dma_semaphore, #tpu.memory_space<semaphore_mem>>, %arg9: memref<!tpu.dma_semaphore, #tpu.memory_space<semaphore_mem>>) attributes {dimension_semantics = [#tpu.dimension_semantics<core_parallel>, #tpu.dimension_semantics<subcore_parallel>], iteration_bounds = array<i64: 2, 16>, scalar_prefetch = 0 : i64, scratch_operands = 6 : i64, tpu.core_type = #tpu.core_type<sc_vector_subcore>, window_params = [{transform_indices = #map}, {transform_indices = #map1}]} {
    "tpu.region"() ({
      %run_scoped3A = tpu.sem_alloc : memref<!tpu.dma_semaphore, #tpu.memory_space<semaphore_mem>>
      tpu.enqueue_dma source(%arg2 : memref<64x640xf32, #tpu.memory_space<hbm>>) target(%arg4 : memref<64x640xf32, #tpu.memory_space<vmem>>) target_semaphore(%run_scoped3A : memref<!tpu.dma_semaphore, #tpu.memory_space<semaphore_mem>>)
      tpu.wait_dma2 semaphore(%run_scoped3A : memref<!tpu.dma_semaphore, #tpu.memory_space<semaphore_mem>>) src(%arg2 : memref<64x640xf32, #tpu.memory_space<hbm>>) dst(%arg4 : memref<64x640xf32, #tpu.memory_space<vmem>>)
      tpu.yield
    }) : () -> ()
    %jit3A = arith.constant 8 : i32
    %eq3A = arith.constant 0 : i32
    %eq3A_0 = arith.cmpi eq, %jit3A, %eq3A : i32
    %jit3A_1 = arith.constant 1 : i32
    %select_n3A = arith.select %eq3A_0, %jit3A_1, %jit3A : i32
    %rem3A = arith.remsi %arg1, %select_n3A : i32
    %ne3A = arith.constant 0 : i32
    %ne3A_2 = arith.cmpi ne, %rem3A, %ne3A : i32
    %lt3A = arith.constant 0 : i32
    %lt3A_3 = arith.cmpi slt, %rem3A, %lt3A : i32
    %lt3A_4 = arith.constant 0 : i32
    %lt3A_5 = arith.cmpi slt, %select_n3A, %lt3A_4 : i32
    %ne3A_6 = arith.xori %lt3A_3, %lt3A_5 : i1
    %and3A = arith.andi %ne3A_6, %ne3A_2 : i1
    %add3A = arith.addi %rem3A, %select_n3A : i32
    %select_n3A_7 = arith.select %and3A, %add3A, %rem3A : i32
    %mul3A = arith.constant 256 : i32
    %mul3A_8 = arith.muli %select_n3A_7, %mul3A : i32
    %multiple_of3A = tpu.assume_multiple %mul3A_8, 128 : i32
    %lt3A_9 = arith.constant 8 : i32
    %lt3A_10 = arith.cmpi slt, %arg1, %lt3A_9 : i32
    %convert_element_type3A = arith.extui %lt3A_10 : i1 to i32
    %cond3A = arith.constant 0 : i32
    %cond3A_11 = arith.cmpi ne, %convert_element_type3A, %cond3A : i32
    scf.if %cond3A_11 {
      "tpu.region"() ({
        %run_scoped3A = tpu.sem_alloc : memref<!tpu.dma_semaphore, #tpu.memory_space<semaphore_mem>>
        %dma_start3A_707 = arith.constant 0 : i32
        %dma_start3A_708 = arith.constant 0 : i32
        %dma_start3A_709 = tpu.memref_slice %arg4[%dma_start3A_707, %dma_start3A_708] : memref<64x640xf32, #tpu.memory_space<vmem>> -> memref<64x256xf32, #tpu.memory_space<vmem>>
        %dma_start3A_710 = arith.constant 0 : i32
        %dma_start3A_711 = tpu.memref_slice %arg6[%dma_start3A_710, %multiple_of3A] : memref<64x2048xf32, #tpu.memory_space<vmem_shared>> -> memref<64x256xf32, #tpu.memory_space<vmem_shared>>
        %dma_start3A_712 = arith.constant 0 : i32
        %dma_start3A_713 = tpu.memref_slice %arg6[%dma_start3A_712, %multiple_of3A] : memref<64x2048xf32, #tpu.memory_space<vmem_shared>> -> memref<64x256xf32, #tpu.memory_space<vmem_shared>>
        %dma_start3A_714 = arith.constant 0 : i32
        %dma_start3A_715 = arith.constant 0 : i32
        %dma_start3A_716 = tpu.memref_slice %arg4[%dma_start3A_714, %dma_start3A_715] : memref<64x640xf32, #tpu.memory_space<vmem>> -> memref<64x256xf32, #tpu.memory_space<vmem>>
        tpu.enqueue_dma source(%dma_start3A_716 : memref<64x256xf32, #tpu.memory_space<vmem>>) target(%dma_start3A_713 : memref<64x256xf32, #tpu.memory_space<vmem_shared>>) target_semaphore(%run_scoped3A : memref<!tpu.dma_semaphore, #tpu.memory_space<semaphore_mem>>)
        %dma_wait3A = arith.constant 0 : i32
        %dma_wait3A_717 = arith.constant 0 : i32
        %dma_wait3A_718 = tpu.memref_slice %arg4[%dma_wait3A, %dma_wait3A_717] : memref<64x640xf32, #tpu.memory_space<vmem>> -> memref<64x256xf32, #tpu.memory_space<vmem>>
        %dma_wait3A_719 = arith.constant 0 : i32
        %dma_wait3A_720 = tpu.memref_slice %arg6[%dma_wait3A_719, %multiple_of3A] : memref<64x2048xf32, #tpu.memory_space<vmem_shared>> -> memref<64x256xf32, #tpu.memory_space<vmem_shared>>
        %dma_wait3A_721 = arith.constant 0 : i32
        %dma_wait3A_722 = tpu.memref_slice %arg6[%dma_wait3A_721, %multiple_of3A] : memref<64x2048xf32, #tpu.memory_space<vmem_shared>> -> memref<64x256xf32, #tpu.memory_space<vmem_shared>>
        %dma_wait3A_723 = arith.constant 0 : i32
        %dma_wait3A_724 = arith.constant 0 : i32
        %dma_wait3A_725 = tpu.memref_slice %arg4[%dma_wait3A_723, %dma_wait3A_724] : memref<64x640xf32, #tpu.memory_space<vmem>> -> memref<64x256xf32, #tpu.memory_space<vmem>>
        tpu.wait_dma2 semaphore(%run_scoped3A : memref<!tpu.dma_semaphore, #tpu.memory_space<semaphore_mem>>) src(%dma_wait3A_725 : memref<64x256xf32, #tpu.memory_space<vmem>>) dst(%dma_wait3A_722 : memref<64x256xf32, #tpu.memory_space<vmem_shared>>)
        tpu.yield
      }) : () -> ()
    } else {
    }
    %ge3A = arith.constant 8 : i32
    %ge3A_12 = arith.cmpi sge, %arg1, %ge3A : i32
    %convert_element_type3A_13 = arith.extui %ge3A_12 : i1 to i32
    %cond3A_14 = arith.constant 0 : i32
    %cond3A_15 = arith.cmpi ne, %convert_element_type3A_13, %cond3A_14 : i32
    scf.if %cond3A_15 {
      "tpu.region"() ({
        %run_scoped3A = tpu.sem_alloc : memref<!tpu.dma_semaphore, #tpu.memory_space<semaphore_mem>>
        %dma_start3A_707 = arith.constant 0 : i32
        %dma_start3A_708 = arith.constant 384 : i32
        %dma_start3A_709 = tpu.memref_slice %arg4[%dma_start3A_707, %dma_start3A_708] : memref<64x640xf32, #tpu.memory_space<vmem>> -> memref<64x256xf32, #tpu.memory_space<vmem>>
        %dma_start3A_710 = arith.constant 0 : i32
        %dma_start3A_711 = tpu.memref_slice %arg7[%dma_start3A_710, %multiple_of3A] : memref<64x2048xf32, #tpu.memory_space<vmem_shared>> -> memref<64x256xf32, #tpu.memory_space<vmem_shared>>
        %dma_start3A_712 = arith.constant 0 : i32
        %dma_start3A_713 = tpu.memref_slice %arg7[%dma_start3A_712, %multiple_of3A] : memref<64x2048xf32, #tpu.memory_space<vmem_shared>> -> memref<64x256xf32, #tpu.memory_space<vmem_shared>>
        %dma_start3A_714 = arith.constant 0 : i32
        %dma_start3A_715 = arith.constant 384 : i32
        %dma_start3A_716 = tpu.memref_slice %arg4[%dma_start3A_714, %dma_start3A_715] : memref<64x640xf32, #tpu.memory_space<vmem>> -> memref<64x256xf32, #tpu.memory_space<vmem>>
        tpu.enqueue_dma source(%dma_start3A_716 : memref<64x256xf32, #tpu.memory_space<vmem>>) target(%dma_start3A_713 : memref<64x256xf32, #tpu.memory_space<vmem_shared>>) target_semaphore(%run_scoped3A : memref<!tpu.dma_semaphore, #tpu.memory_space<semaphore_mem>>)
        %dma_wait3A = arith.constant 0 : i32
        %dma_wait3A_717 = arith.constant 384 : i32
        %dma_wait3A_718 = tpu.memref_slice %arg4[%dma_wait3A, %dma_wait3A_717] : memref<64x640xf32, #tpu.memory_space<vmem>> -> memref<64x256xf32, #tpu.memory_space<vmem>>
        %dma_wait3A_719 = arith.constant 0 : i32
        %dma_wait3A_720 = tpu.memref_slice %arg7[%dma_wait3A_719, %multiple_of3A] : memref<64x2048xf32, #tpu.memory_space<vmem_shared>> -> memref<64x256xf32, #tpu.memory_space<vmem_shared>>
        %dma_wait3A_721 = arith.constant 0 : i32
        %dma_wait3A_722 = tpu.memref_slice %arg7[%dma_wait3A_721, %multiple_of3A] : memref<64x2048xf32, #tpu.memory_space<vmem_shared>> -> memref<64x256xf32, #tpu.memory_space<vmem_shared>>
        %dma_wait3A_723 = arith.constant 0 : i32
        %dma_wait3A_724 = arith.constant 384 : i32
        %dma_wait3A_725 = tpu.memref_slice %arg4[%dma_wait3A_723, %dma_wait3A_724] : memref<64x640xf32, #tpu.memory_space<vmem>> -> memref<64x256xf32, #tpu.memory_space<vmem>>
        tpu.wait_dma2 semaphore(%run_scoped3A : memref<!tpu.dma_semaphore, #tpu.memory_space<semaphore_mem>>) src(%dma_wait3A_725 : memref<64x256xf32, #tpu.memory_space<vmem>>) dst(%dma_wait3A_722 : memref<64x256xf32, #tpu.memory_space<vmem_shared>>)
        tpu.yield
      }) : () -> ()
    } else {
    }
    %barrier3A = arith.constant 0 : index
    tpu.barrier barrier_id(%barrier3A)
    %mul3A_16 = arith.constant 2 : i32
    %mul3A_17 = arith.muli %arg1, %mul3A_16 : i32
    %add3A_18 = arith.addi %mul3A_17, %arg0 : i32
    %mul3A_19 = arith.constant 64 : i32
    %mul3A_20 = arith.muli %add3A_18, %mul3A_19 : i32
    %iota3A = tpu.iota {dimensions = array<i32: 0>} : vector<16xi32>
    %add3A_21 = arith.constant 0 : i32
    %add3A_22 = arith.addi %mul3A_20, %add3A_21 : i32
    %sub3A = arith.constant 288 : i32
    %sub3A_23 = arith.subi %sub3A, %add3A_22 : i32
    %add3A_24 = arith.constant 0 : i32
    %add3A_25 = arith.addi %mul3A_20, %add3A_24 : i32
    %sub3A_26 = arith.constant 32 : i32
    %sub3A_27 = arith.subi %add3A_25, %sub3A_26 : i32
    %jit3A_28 = arith.constant 128 : i32
    %div3A = arith.divsi %sub3A_27, %jit3A_28 : i32
    %sign3A = arith.constant 0 : i32
    %sign3A_29 = arith.cmpi sgt, %sub3A_27, %sign3A : i32
    %sign3A_30 = arith.extui %sign3A_29 : i1 to i32
    %sign3A_31 = arith.constant 0 : i32
    %sign3A_32 = arith.cmpi slt, %sub3A_27, %sign3A_31 : i32
    %sign3A_33 = arith.extui %sign3A_32 : i1 to i32
    %sign3A_34 = arith.subi %sign3A_30, %sign3A_33 : i32
    %sign3A_35 = arith.constant 0 : i32
    %sign3A_36 = arith.cmpi sgt, %jit3A_28, %sign3A_35 : i32
    %sign3A_37 = arith.extui %sign3A_36 : i1 to i32
    %sign3A_38 = arith.constant 0 : i32
    %sign3A_39 = arith.cmpi slt, %jit3A_28, %sign3A_38 : i32
    %sign3A_40 = arith.extui %sign3A_39 : i1 to i32
    %sign3A_41 = arith.subi %sign3A_37, %sign3A_40 : i32
    %ne3A_42 = arith.cmpi ne, %sign3A_34, %sign3A_41 : i32
    %rem3A_43 = arith.remsi %sub3A_27, %jit3A_28 : i32
    %ne3A_44 = arith.constant 0 : i32
    %ne3A_45 = arith.cmpi ne, %rem3A_43, %ne3A_44 : i32
    %and3A_46 = arith.andi %ne3A_42, %ne3A_45 : i1
    %sub3A_47 = arith.constant 1 : i32
    %sub3A_48 = arith.subi %div3A, %sub3A_47 : i32
    %select_n3A_49 = arith.select %and3A_46, %sub3A_48, %div3A : i32
    %mul3A_50 = arith.constant 128 : i32
    %mul3A_51 = arith.muli %select_n3A_49, %mul3A_50 : i32
    %jit3A_52 = arith.constant 0 : i32
    %jit3A_53 = arith.constant 1792 : i32
    %max3A = arith.maxsi %jit3A_52, %mul3A_51 : i32
    %min3A = arith.minsi %jit3A_53, %max3A : i32
    %multiple_of3A_54 = tpu.assume_multiple %min3A, 128 : i32
    %add3A_55 = arith.addi %sub3A_23, %multiple_of3A_54 : i32
    %and3A_56 = arith.constant 15 : i32
    %and3A_57 = arith.andi %add3A_55, %and3A_56 : i32
    %sub3A_58 = arith.subi %add3A_55, %and3A_57 : i32
    %add3A_59 = vector.broadcast %and3A_57 : i32 to vector<16xi32>
    %add3A_60 = arith.addi %iota3A, %add3A_59 : vector<16xi32>
    %and3A_61 = arith.constant 15 : i32
    %and3A_62 = vector.broadcast %and3A_61 : i32 to vector<16xi32>
    %and3A_63 = arith.andi %add3A_60, %and3A_62 : vector<16xi32>
    %ge3A_64 = arith.constant 16 : i32
    %ge3A_65 = vector.broadcast %ge3A_64 : i32 to vector<16xi32>
    %ge3A_66 = arith.cmpi sge, %add3A_60, %ge3A_65 : vector<16xi32>
    %scan3A = arith.constant 0 : i32
    %scan3A_67 = arith.constant 0 : i32
    %scan3A_68 = arith.constant 64 : i32
    %scan3A_69 = arith.addi %scan3A_67, %scan3A_68 : i32
    %scan3A_70 = arith.constant 1 : i32
    scf.for %scan3A_707 = %scan3A_67 to %scan3A_69 step %scan3A_70  : i32 {
      %add3A_708 = arith.constant 0 : i32
      %add3A_709 = arith.addi %sub3A_58, %add3A_708 : i32
      %multiple_of3A_710 = tpu.assume_multiple %add3A_709, 16 : i32
      %get3A = arith.index_cast %scan3A_707 : i32 to index
      %get3A_711 = arith.index_cast %multiple_of3A_710 : i32 to index
      %get3A_712 = tpu.vector_load %arg4[%get3A, %get3A_711] {strides = array<i32>} : memref<64x640xf32, #tpu.memory_space<vmem>>, vector<1x16xf32>,
      %get3A_713 = vector.shape_cast %get3A_712 : vector<1x16xf32> to vector<16xf32>
      %add3A_714 = arith.constant 0 : i32
      %add3A_715 = arith.addi %sub3A_58, %add3A_714 : i32
      %add3A_716 = arith.constant 16 : i32
      %add3A_717 = arith.addi %add3A_715, %add3A_716 : i32
      %multiple_of3A_718 = tpu.assume_multiple %add3A_717, 16 : i32
      %get3A_719 = arith.index_cast %scan3A_707 : i32 to index
      %get3A_720 = arith.index_cast %multiple_of3A_718 : i32 to index
      %get3A_721 = tpu.vector_load %arg4[%get3A_719, %get3A_720] {strides = array<i32>} : memref<64x640xf32, #tpu.memory_space<vmem>>, vector<1x16xf32>,
      %get3A_722 = vector.shape_cast %get3A_721 : vector<1x16xf32> to vector<16xf32>
      %lt3A_723 = arith.constant 0 : i32
      %lt3A_724 = vector.broadcast %lt3A_723 : i32 to vector<16xi32>
      %lt3A_725 = arith.cmpi slt, %and3A_63, %lt3A_724 : vector<16xi32>
      %add3A_726 = arith.constant 16 : i32
      %add3A_727 = vector.broadcast %add3A_726 : i32 to vector<16xi32>
      %add3A_728 = arith.addi %and3A_63, %add3A_727 : vector<16xi32>
      %select_n3A_729 = arith.select %lt3A_725, %add3A_728, %and3A_63 : vector<16xi1>, vector<16xi32>
      %broadcast_in_dim3A = vector.shape_cast %select_n3A_729 : vector<16xi32> to vector<16x1xi32>
      %gather3A = vector.shape_cast %broadcast_in_dim3A : vector<16x1xi32> to vector<16xi32>
      %gather3A_730 = tpu.dynamic_gather %get3A_713[%gather3A] in [0] : vector<16xf32>, vector<16xi32> -> vector<16xf32>
      %lt3A_731 = arith.constant 0 : i32
      %lt3A_732 = vector.broadcast %lt3A_731 : i32 to vector<16xi32>
      %lt3A_733 = arith.cmpi slt, %and3A_63, %lt3A_732 : vector<16xi32>
      %add3A_734 = arith.constant 16 : i32
      %add3A_735 = vector.broadcast %add3A_734 : i32 to vector<16xi32>
      %add3A_736 = arith.addi %and3A_63, %add3A_735 : vector<16xi32>
      %select_n3A_737 = arith.select %lt3A_733, %add3A_736, %and3A_63 : vector<16xi1>, vector<16xi32>
      %broadcast_in_dim3A_738 = vector.shape_cast %select_n3A_737 : vector<16xi32> to vector<16x1xi32>
      %gather3A_739 = vector.shape_cast %broadcast_in_dim3A_738 : vector<16x1xi32> to vector<16xi32>
      %gather3A_740 = tpu.dynamic_gather %get3A_722[%gather3A_739] in [0] : vector<16xf32>, vector<16xi32> -> vector<16xf32>
      %select_n3A_741 = arith.select %ge3A_66, %gather3A_740, %gather3A_730 : vector<16xi1>, vector<16xf32>
      %add3A_742 = arith.constant 0 : i32
      %add3A_743 = arith.addi %add3A_742, %scan3A_707 : i32
      %swap3A = arith.index_cast %add3A_743 : i32 to index
      %swap3A_744 = arith.constant 0 : index
      %swap3A_745 = tpu.vector_load %arg5[%swap3A, %swap3A_744] {strides = array<i32>} : memref<192x256xf32, #tpu.memory_space<vmem>>, vector<1x16xf32>,
      %swap3A_746 = vector.shape_cast %swap3A_745 : vector<1x16xf32> to vector<16xf32>
      %swap3A_747 = vector.shape_cast %select_n3A_741 : vector<16xf32> to vector<1x16xf32>
      tpu.vector_store %arg5[%swap3A, %swap3A_744], %swap3A_747 {strides = array<i32>} : memref<192x256xf32, #tpu.memory_space<vmem>>, vector<1x16xf32>,
      %add3A_748 = arith.constant 16 : i32
      %add3A_749 = arith.addi %sub3A_58, %add3A_748 : i32
      %multiple_of3A_750 = tpu.assume_multiple %add3A_749, 16 : i32
      %get3A_751 = arith.index_cast %scan3A_707 : i32 to index
      %get3A_752 = arith.index_cast %multiple_of3A_750 : i32 to index
      %get3A_753 = tpu.vector_load %arg4[%get3A_751, %get3A_752] {strides = array<i32>} : memref<64x640xf32, #tpu.memory_space<vmem>>, vector<1x16xf32>,
      %get3A_754 = vector.shape_cast %get3A_753 : vector<1x16xf32> to vector<16xf32>
      %add3A_755 = arith.constant 16 : i32
      %add3A_756 = arith.addi %sub3A_58, %add3A_755 : i32
      %add3A_757 = arith.constant 16 : i32
      %add3A_758 = arith.addi %add3A_756, %add3A_757 : i32
      %multiple_of3A_759 = tpu.assume_multiple %add3A_758, 16 : i32
      %get3A_760 = arith.index_cast %scan3A_707 : i32 to index
      %get3A_761 = arith.index_cast %multiple_of3A_759 : i32 to index
      %get3A_762 = tpu.vector_load %arg4[%get3A_760, %get3A_761] {strides = array<i32>} : memref<64x640xf32, #tpu.memory_space<vmem>>, vector<1x16xf32>,
      %get3A_763 = vector.shape_cast %get3A_762 : vector<1x16xf32> to vector<16xf32>
      %lt3A_764 = arith.constant 0 : i32
      %lt3A_765 = vector.broadcast %lt3A_764 : i32 to vector<16xi32>
      %lt3A_766 = arith.cmpi slt, %and3A_63, %lt3A_765 : vector<16xi32>
      %add3A_767 = arith.constant 16 : i32
      %add3A_768 = vector.broadcast %add3A_767 : i32 to vector<16xi32>
      %add3A_769 = arith.addi %and3A_63, %add3A_768 : vector<16xi32>
      %select_n3A_770 = arith.select %lt3A_766, %add3A_769, %and3A_63 : vector<16xi1>, vector<16xi32>
      %broadcast_in_dim3A_771 = vector.shape_cast %select_n3A_770 : vector<16xi32> to vector<16x1xi32>
      %gather3A_772 = vector.shape_cast %broadcast_in_dim3A_771 : vector<16x1xi32> to vector<16xi32>
      %gather3A_773 = tpu.dynamic_gather %get3A_754[%gather3A_772] in [0] : vector<16xf32>, vector<16xi32> -> vector<16xf32>
      %lt3A_774 = arith.constant 0 : i32
      %lt3A_775 = vector.broadcast %lt3A_774 : i32 to vector<16xi32>
      %lt3A_776 = arith.cmpi slt, %and3A_63, %lt3A_775 : vector<16xi32>
      %add3A_777 = arith.constant 16 : i32
      %add3A_778 = vector.broadcast %add3A_777 : i32 to vector<16xi32>
      %add3A_779 = arith.addi %and3A_63, %add3A_778 : vector<16xi32>
      %select_n3A_780 = arith.select %lt3A_776, %add3A_779, %and3A_63 : vector<16xi1>, vector<16xi32>
      %broadcast_in_dim3A_781 = vector.shape_cast %select_n3A_780 : vector<16xi32> to vector<16x1xi32>
      %gather3A_782 = vector.shape_cast %broadcast_in_dim3A_781 : vector<16x1xi32> to vector<16xi32>
      %gather3A_783 = tpu.dynamic_gather %get3A_763[%gather3A_782] in [0] : vector<16xf32>, vector<16xi32> -> vector<16xf32>
      %select_n3A_784 = arith.select %ge3A_66, %gather3A_783, %gather3A_773 : vector<16xi1>, vector<16xf32>
      %add3A_785 = arith.constant 0 : i32
      %add3A_786 = arith.addi %add3A_785, %scan3A_707 : i32
      %swap3A_787 = arith.index_cast %add3A_786 : i32 to index
      %swap3A_788 = arith.constant 16 : index
      %swap3A_789 = tpu.vector_load %arg5[%swap3A_787, %swap3A_788] {strides = array<i32>} : memref<192x256xf32, #tpu.memory_space<vmem>>, vector<1x16xf32>,
      %swap3A_790 = vector.shape_cast %swap3A_789 : vector<1x16xf32> to vector<16xf32>
      %swap3A_791 = vector.shape_cast %select_n3A_784 : vector<16xf32> to vector<1x16xf32>
      tpu.vector_store %arg5[%swap3A_787, %swap3A_788], %swap3A_791 {strides = array<i32>} : memref<192x256xf32, #tpu.memory_space<vmem>>, vector<1x16xf32>,
      %add3A_792 = arith.constant 32 : i32
      %add3A_793 = arith.addi %sub3A_58, %add3A_792 : i32
      %multiple_of3A_794 = tpu.assume_multiple %add3A_793, 16 : i32
      %get3A_795 = arith.index_cast %scan3A_707 : i32 to index
      %get3A_796 = arith.index_cast %multiple_of3A_794 : i32 to index
      %get3A_797 = tpu.vector_load %arg4[%get3A_795, %get3A_796] {strides = array<i32>} : memref<64x640xf32, #tpu.memory_space<vmem>>, vector<1x16xf32>,
      %get3A_798 = vector.shape_cast %get3A_797 : vector<1x16xf32> to vector<16xf32>
      %add3A_799 = arith.constant 32 : i32
      %add3A_800 = arith.addi %sub3A_58, %add3A_799 : i32
      %add3A_801 = arith.constant 16 : i32
      %add3A_802 = arith.addi %add3A_800, %add3A_801 : i32
      %multiple_of3A_803 = tpu.assume_multiple %add3A_802, 16 : i32
      %get3A_804 = arith.index_cast %scan3A_707 : i32 to index
      %get3A_805 = arith.index_cast %multiple_of3A_803 : i32 to index
      %get3A_806 = tpu.vector_load %arg4[%get3A_804, %get3A_805] {strides = array<i32>} : memref<64x640xf32, #tpu.memory_space<vmem>>, vector<1x16xf32>,
      %get3A_807 = vector.shape_cast %get3A_806 : vector<1x16xf32> to vector<16xf32>
      %lt3A_808 = arith.constant 0 : i32
      %lt3A_809 = vector.broadcast %lt3A_808 : i32 to vector<16xi32>
      %lt3A_810 = arith.cmpi slt, %and3A_63, %lt3A_809 : vector<16xi32>
      %add3A_811 = arith.constant 16 : i32
      %add3A_812 = vector.broadcast %add3A_811 : i32 to vector<16xi32>
      %add3A_813 = arith.addi %and3A_63, %add3A_812 : vector<16xi32>
      %select_n3A_814 = arith.select %lt3A_810, %add3A_813, %and3A_63 : vector<16xi1>, vector<16xi32>
      %broadcast_in_dim3A_815 = vector.shape_cast %select_n3A_814 : vector<16xi32> to vector<16x1xi32>
      %gather3A_816 = vector.shape_cast %broadcast_in_dim3A_815 : vector<16x1xi32> to vector<16xi32>
      %gather3A_817 = tpu.dynamic_gather %get3A_798[%gather3A_816] in [0] : vector<16xf32>, vector<16xi32> -> vector<16xf32>
      %lt3A_818 = arith.constant 0 : i32
      %lt3A_819 = vector.broadcast %lt3A_818 : i32 to vector<16xi32>
      %lt3A_820 = arith.cmpi slt, %and3A_63, %lt3A_819 : vector<16xi32>
      %add3A_821 = arith.constant 16 : i32
      %add3A_822 = vector.broadcast %add3A_821 : i32 to vector<16xi32>
      %add3A_823 = arith.addi %and3A_63, %add3A_822 : vector<16xi32>
      %select_n3A_824 = arith.select %lt3A_820, %add3A_823, %and3A_63 : vector<16xi1>, vector<16xi32>
      %broadcast_in_dim3A_825 = vector.shape_cast %select_n3A_824 : vector<16xi32> to vector<16x1xi32>
      %gather3A_826 = vector.shape_cast %broadcast_in_dim3A_825 : vector<16x1xi32> to vector<16xi32>
      %gather3A_827 = tpu.dynamic_gather %get3A_807[%gather3A_826] in [0] : vector<16xf32>, vector<16xi32> -> vector<16xf32>
      %select_n3A_828 = arith.select %ge3A_66, %gather3A_827, %gather3A_817 : vector<16xi1>, vector<16xf32>
      %add3A_829 = arith.constant 0 : i32
      %add3A_830 = arith.addi %add3A_829, %scan3A_707 : i32
      %swap3A_831 = arith.index_cast %add3A_830 : i32 to index
      %swap3A_832 = arith.constant 32 : index
      %swap3A_833 = tpu.vector_load %arg5[%swap3A_831, %swap3A_832] {strides = array<i32>} : memref<192x256xf32, #tpu.memory_space<vmem>>, vector<1x16xf32>,
      %swap3A_834 = vector.shape_cast %swap3A_833 : vector<1x16xf32> to vector<16xf32>
      %swap3A_835 = vector.shape_cast %select_n3A_828 : vector<16xf32> to vector<1x16xf32>
      tpu.vector_store %arg5[%swap3A_831, %swap3A_832], %swap3A_835 {strides = array<i32>} : memref<192x256xf32, #tpu.memory_space<vmem>>, vector<1x16xf32>,
      %add3A_836 = arith.constant 48 : i32
      %add3A_837 = arith.addi %sub3A_58, %add3A_836 : i32
      %multiple_of3A_838 = tpu.assume_multiple %add3A_837, 16 : i32
      %get3A_839 = arith.index_cast %scan3A_707 : i32 to index
      %get3A_840 = arith.index_cast %multiple_of3A_838 : i32 to index
      %get3A_841 = tpu.vector_load %arg4[%get3A_839, %get3A_840] {strides = array<i32>} : memref<64x640xf32, #tpu.memory_space<vmem>>, vector<1x16xf32>,
      %get3A_842 = vector.shape_cast %get3A_841 : vector<1x16xf32> to vector<16xf32>
      %add3A_843 = arith.constant 48 : i32
      %add3A_844 = arith.addi %sub3A_58, %add3A_843 : i32
      %add3A_845 = arith.constant 16 : i32
      %add3A_846 = arith.addi %add3A_844, %add3A_845 : i32
      %multiple_of3A_847 = tpu.assume_multiple %add3A_846, 16 : i32
      %get3A_848 = arith.index_cast %scan3A_707 : i32 to index
      %get3A_849 = arith.index_cast %multiple_of3A_847 : i32 to index
      %get3A_850 = tpu.vector_load %arg4[%get3A_848, %get3A_849] {strides = array<i32>} : memref<64x640xf32, #tpu.memory_space<vmem>>, vector<1x16xf32>,
      %get3A_851 = vector.shape_cast %get3A_850 : vector<1x16xf32> to vector<16xf32>
      %lt3A_852 = arith.constant 0 : i32
      %lt3A_853 = vector.broadcast %lt3A_852 : i32 to vector<16xi32>
      %lt3A_854 = arith.cmpi slt, %and3A_63, %lt3A_853 : vector<16xi32>
      %add3A_855 = arith.constant 16 : i32
      %add3A_856 = vector.broadcast %add3A_855 : i32 to vector<16xi32>
      %add3A_857 = arith.addi %and3A_63, %add3A_856 : vector<16xi32>
      %select_n3A_858 = arith.select %lt3A_854, %add3A_857, %and3A_63 : vector<16xi1>, vector<16xi32>
      %broadcast_in_dim3A_859 = vector.shape_cast %select_n3A_858 : vector<16xi32> to vector<16x1xi32>
      %gather3A_860 = vector.shape_cast %broadcast_in_dim3A_859 : vector<16x1xi32> to vector<16xi32>
      %gather3A_861 = tpu.dynamic_gather %get3A_842[%gather3A_860] in [0] : vector<16xf32>, vector<16xi32> -> vector<16xf32>
      %lt3A_862 = arith.constant 0 : i32
      %lt3A_863 = vector.broadcast %lt3A_862 : i32 to vector<16xi32>
      %lt3A_864 = arith.cmpi slt, %and3A_63, %lt3A_863 : vector<16xi32>
      %add3A_865 = arith.constant 16 : i32
      %add3A_866 = vector.broadcast %add3A_865 : i32 to vector<16xi32>
      %add3A_867 = arith.addi %and3A_63, %add3A_866 : vector<16xi32>
      %select_n3A_868 = arith.select %lt3A_864, %add3A_867, %and3A_63 : vector<16xi1>, vector<16xi32>
      %broadcast_in_dim3A_869 = vector.shape_cast %select_n3A_868 : vector<16xi32> to vector<16x1xi32>
      %gather3A_870 = vector.shape_cast %broadcast_in_dim3A_869 : vector<16x1xi32> to vector<16xi32>
      %gather3A_871 = tpu.dynamic_gather %get3A_851[%gather3A_870] in [0] : vector<16xf32>, vector<16xi32> -> vector<16xf32>
      %select_n3A_872 = arith.select %ge3A_66, %gather3A_871, %gather3A_861 : vector<16xi1>, vector<16xf32>
      %add3A_873 = arith.constant 0 : i32
      %add3A_874 = arith.addi %add3A_873, %scan3A_707 : i32
      %swap3A_875 = arith.index_cast %add3A_874 : i32 to index
      %swap3A_876 = arith.constant 48 : index
      %swap3A_877 = tpu.vector_load %arg5[%swap3A_875, %swap3A_876] {strides = array<i32>} : memref<192x256xf32, #tpu.memory_space<vmem>>, vector<1x16xf32>,
      %swap3A_878 = vector.shape_cast %swap3A_877 : vector<1x16xf32> to vector<16xf32>
      %swap3A_879 = vector.shape_cast %select_n3A_872 : vector<16xf32> to vector<1x16xf32>
      tpu.vector_store %arg5[%swap3A_875, %swap3A_876], %swap3A_879 {strides = array<i32>} : memref<192x256xf32, #tpu.memory_space<vmem>>, vector<1x16xf32>,
      %add3A_880 = arith.constant 64 : i32
      %add3A_881 = arith.addi %sub3A_58, %add3A_880 : i32
      %multiple_of3A_882 = tpu.assume_multiple %add3A_881, 16 : i32
      %get3A_883 = arith.index_cast %scan3A_707 : i32 to index
      %get3A_884 = arith.index_cast %multiple_of3A_882 : i32 to index
      %get3A_885 = tpu.vector_load %arg4[%get3A_883, %get3A_884] {strides = array<i32>} : memref<64x640xf32, #tpu.memory_space<vmem>>, vector<1x16xf32>,
      %get3A_886 = vector.shape_cast %get3A_885 : vector<1x16xf32> to vector<16xf32>
      %add3A_887 = arith.constant 64 : i32
      %add3A_888 = arith.addi %sub3A_58, %add3A_887 : i32
      %add3A_889 = arith.constant 16 : i32
      %add3A_890 = arith.addi %add3A_888, %add3A_889 : i32
      %multiple_of3A_891 = tpu.assume_multiple %add3A_890, 16 : i32
      %get3A_892 = arith.index_cast %scan3A_707 : i32 to index
      %get3A_893 = arith.index_cast %multiple_of3A_891 : i32 to index
      %get3A_894 = tpu.vector_load %arg4[%get3A_892, %get3A_893] {strides = array<i32>} : memref<64x640xf32, #tpu.memory_space<vmem>>, vector<1x16xf32>,
      %get3A_895 = vector.shape_cast %get3A_894 : vector<1x16xf32> to vector<16xf32>
      %lt3A_896 = arith.constant 0 : i32
      %lt3A_897 = vector.broadcast %lt3A_896 : i32 to vector<16xi32>
      %lt3A_898 = arith.cmpi slt, %and3A_63, %lt3A_897 : vector<16xi32>
      %add3A_899 = arith.constant 16 : i32
      %add3A_900 = vector.broadcast %add3A_899 : i32 to vector<16xi32>
      %add3A_901 = arith.addi %and3A_63, %add3A_900 : vector<16xi32>
      %select_n3A_902 = arith.select %lt3A_898, %add3A_901, %and3A_63 : vector<16xi1>, vector<16xi32>
      %broadcast_in_dim3A_903 = vector.shape_cast %select_n3A_902 : vector<16xi32> to vector<16x1xi32>
      %gather3A_904 = vector.shape_cast %broadcast_in_dim3A_903 : vector<16x1xi32> to vector<16xi32>
      %gather3A_905 = tpu.dynamic_gather %get3A_886[%gather3A_904] in [0] : vector<16xf32>, vector<16xi32> -> vector<16xf32>
      %lt3A_906 = arith.constant 0 : i32
      %lt3A_907 = vector.broadcast %lt3A_906 : i32 to vector<16xi32>
      %lt3A_908 = arith.cmpi slt, %and3A_63, %lt3A_907 : vector<16xi32>
      %add3A_909 = arith.constant 16 : i32
      %add3A_910 = vector.broadcast %add3A_909 : i32 to vector<16xi32>
      %add3A_911 = arith.addi %and3A_63, %add3A_910 : vector<16xi32>
      %select_n3A_912 = arith.select %lt3A_908, %add3A_911, %and3A_63 : vector<16xi1>, vector<16xi32>
      %broadcast_in_dim3A_913 = vector.shape_cast %select_n3A_912 : vector<16xi32> to vector<16x1xi32>
      %gather3A_914 = vector.shape_cast %broadcast_in_dim3A_913 : vector<16x1xi32> to vector<16xi32>
      %gather3A_915 = tpu.dynamic_gather %get3A_895[%gather3A_914] in [0] : vector<16xf32>, vector<16xi32> -> vector<16xf32>
      %select_n3A_916 = arith.select %ge3A_66, %gather3A_915, %gather3A_905 : vector<16xi1>, vector<16xf32>
      %add3A_917 = arith.constant 0 : i32
      %add3A_918 = arith.addi %add3A_917, %scan3A_707 : i32
      %swap3A_919 = arith.index_cast %add3A_918 : i32 to index
      %swap3A_920 = arith.constant 64 : index
      %swap3A_921 = tpu.vector_load %arg5[%swap3A_919, %swap3A_920] {strides = array<i32>} : memref<192x256xf32, #tpu.memory_space<vmem>>, vector<1x16xf32>,
      %swap3A_922 = vector.shape_cast %swap3A_921 : vector<1x16xf32> to vector<16xf32>
      %swap3A_923 = vector.shape_cast %select_n3A_916 : vector<16xf32> to vector<1x16xf32>
      tpu.vector_store %arg5[%swap3A_919, %swap3A_920], %swap3A_923 {strides = array<i32>} : memref<192x256xf32, #tpu.memory_space<vmem>>, vector<1x16xf32>,
      %add3A_924 = arith.constant 80 : i32
      %add3A_925 = arith.addi %sub3A_58, %add3A_924 : i32
      %multiple_of3A_926 = tpu.assume_multiple %add3A_925, 16 : i32
      %get3A_927 = arith.index_cast %scan3A_707 : i32 to index
      %get3A_928 = arith.index_cast %multiple_of3A_926 : i32 to index
      %get3A_929 = tpu.vector_load %arg4[%get3A_927, %get3A_928] {strides = array<i32>} : memref<64x640xf32, #tpu.memory_space<vmem>>, vector<1x16xf32>,
      %get3A_930 = vector.shape_cast %get3A_929 : vector<1x16xf32> to vector<16xf32>
      %add3A_931 = arith.constant 80 : i32
      %add3A_932 = arith.addi %sub3A_58, %add3A_931 : i32
      %add3A_933 = arith.constant 16 : i32
      %add3A_934 = arith.addi %add3A_932, %add3A_933 : i32
      %multiple_of3A_935 = tpu.assume_multiple %add3A_934, 16 : i32
      %get3A_936 = arith.index_cast %scan3A_707 : i32 to index
      %get3A_937 = arith.index_cast %multiple_of3A_935 : i32 to index
      %get3A_938 = tpu.vector_load %arg4[%get3A_936, %get3A_937] {strides = array<i32>} : memref<64x640xf32, #tpu.memory_space<vmem>>, vector<1x16xf32>,
      %get3A_939 = vector.shape_cast %get3A_938 : vector<1x16xf32> to vector<16xf32>
      %lt3A_940 = arith.constant 0 : i32
      %lt3A_941 = vector.broadcast %lt3A_940 : i32 to vector<16xi32>
      %lt3A_942 = arith.cmpi slt, %and3A_63, %lt3A_941 : vector<16xi32>
      %add3A_943 = arith.constant 16 : i32
      %add3A_944 = vector.broadcast %add3A_943 : i32 to vector<16xi32>
      %add3A_945 = arith.addi %and3A_63, %add3A_944 : vector<16xi32>
      %select_n3A_946 = arith.select %lt3A_942, %add3A_945, %and3A_63 : vector<16xi1>, vector<16xi32>
      %broadcast_in_dim3A_947 = vector.shape_cast %select_n3A_946 : vector<16xi32> to vector<16x1xi32>
      %gather3A_948 = vector.shape_cast %broadcast_in_dim3A_947 : vector<16x1xi32> to vector<16xi32>
      %gather3A_949 = tpu.dynamic_gather %get3A_930[%gather3A_948] in [0] : vector<16xf32>, vector<16xi32> -> vector<16xf32>
      %lt3A_950 = arith.constant 0 : i32
      %lt3A_951 = vector.broadcast %lt3A_950 : i32 to vector<16xi32>
      %lt3A_952 = arith.cmpi slt, %and3A_63, %lt3A_951 : vector<16xi32>
      %add3A_953 = arith.constant 16 : i32
      %add3A_954 = vector.broadcast %add3A_953 : i32 to vector<16xi32>
      %add3A_955 = arith.addi %and3A_63, %add3A_954 : vector<16xi32>
      %select_n3A_956 = arith.select %lt3A_952, %add3A_955, %and3A_63 : vector<16xi1>, vector<16xi32>
      %broadcast_in_dim3A_957 = vector.shape_cast %select_n3A_956 : vector<16xi32> to vector<16x1xi32>
      %gather3A_958 = vector.shape_cast %broadcast_in_dim3A_957 : vector<16x1xi32> to vector<16xi32>
      %gather3A_959 = tpu.dynamic_gather %get3A_939[%gather3A_958] in [0] : vector<16xf32>, vector<16xi32> -> vector<16xf32>
      %select_n3A_960 = arith.select %ge3A_66, %gather3A_959, %gather3A_949 : vector<16xi1>, vector<16xf32>
      %add3A_961 = arith.constant 0 : i32
      %add3A_962 = arith.addi %add3A_961, %scan3A_707 : i32
      %swap3A_963 = arith.index_cast %add3A_962 : i32 to index
      %swap3A_964 = arith.constant 80 : index
      %swap3A_965 = tpu.vector_load %arg5[%swap3A_963, %swap3A_964] {strides = array<i32>} : memref<192x256xf32, #tpu.memory_space<vmem>>, vector<1x16xf32>,
      %swap3A_966 = vector.shape_cast %swap3A_965 : vector<1x16xf32> to vector<16xf32>
      %swap3A_967 = vector.shape_cast %select_n3A_960 : vector<16xf32> to vector<1x16xf32>
      tpu.vector_store %arg5[%swap3A_963, %swap3A_964], %swap3A_967 {strides = array<i32>} : memref<192x256xf32, #tpu.memory_space<vmem>>, vector<1x16xf32>,
      %add3A_968 = arith.constant 96 : i32
      %add3A_969 = arith.addi %sub3A_58, %add3A_968 : i32
      %multiple_of3A_970 = tpu.assume_multiple %add3A_969, 16 : i32
      %get3A_971 = arith.index_cast %scan3A_707 : i32 to index
      %get3A_972 = arith.index_cast %multiple_of3A_970 : i32 to index
      %get3A_973 = tpu.vector_load %arg4[%get3A_971, %get3A_972] {strides = array<i32>} : memref<64x640xf32, #tpu.memory_space<vmem>>, vector<1x16xf32>,
      %get3A_974 = vector.shape_cast %get3A_973 : vector<1x16xf32> to vector<16xf32>
      %add3A_975 = arith.constant 96 : i32
      %add3A_976 = arith.addi %sub3A_58, %add3A_975 : i32
      %add3A_977 = arith.constant 16 : i32
      %add3A_978 = arith.addi %add3A_976, %add3A_977 : i32
      %multiple_of3A_979 = tpu.assume_multiple %add3A_978, 16 : i32
      %get3A_980 = arith.index_cast %scan3A_707 : i32 to index
      %get3A_981 = arith.index_cast %multiple_of3A_979 : i32 to index
      %get3A_982 = tpu.vector_load %arg4[%get3A_980, %get3A_981] {strides = array<i32>} : memref<64x640xf32, #tpu.memory_space<vmem>>, vector<1x16xf32>,
      %get3A_983 = vector.shape_cast %get3A_982 : vector<1x16xf32> to vector<16xf32>
      %lt3A_984 = arith.constant 0 : i32
      %lt3A_985 = vector.broadcast %lt3A_984 : i32 to vector<16xi32>
      %lt3A_986 = arith.cmpi slt, %and3A_63, %lt3A_985 : vector<16xi32>
      %add3A_987 = arith.constant 16 : i32
      %add3A_988 = vector.broadcast %add3A_987 : i32 to vector<16xi32>
      %add3A_989 = arith.addi %and3A_63, %add3A_988 : vector<16xi32>
      %select_n3A_990 = arith.select %lt3A_986, %add3A_989, %and3A_63 : vector<16xi1>, vector<16xi32>
      %broadcast_in_dim3A_991 = vector.shape_cast %select_n3A_990 : vector<16xi32> to vector<16x1xi32>
      %gather3A_992 = vector.shape_cast %broadcast_in_dim3A_991 : vector<16x1xi32> to vector<16xi32>
      %gather3A_993 = tpu.dynamic_gather %get3A_974[%gather3A_992] in [0] : vector<16xf32>, vector<16xi32> -> vector<16xf32>
      %lt3A_994 = arith.constant 0 : i32
      %lt3A_995 = vector.broadcast %lt3A_994 : i32 to vector<16xi32>
      %lt3A_996 = arith.cmpi slt, %and3A_63, %lt3A_995 : vector<16xi32>
      %add3A_997 = arith.constant 16 : i32
      %add3A_998 = vector.broadcast %add3A_997 : i32 to vector<16xi32>
      %add3A_999 = arith.addi %and3A_63, %add3A_998 : vector<16xi32>
      %select_n3A_1000 = arith.select %lt3A_996, %add3A_999, %and3A_63 : vector<16xi1>, vector<16xi32>
      %broadcast_in_dim3A_1001 = vector.shape_cast %select_n3A_1000 : vector<16xi32> to vector<16x1xi32>
      %gather3A_1002 = vector.shape_cast %broadcast_in_dim3A_1001 : vector<16x1xi32> to vector<16xi32>
      %gather3A_1003 = tpu.dynamic_gather %get3A_983[%gather3A_1002] in [0] : vector<16xf32>, vector<16xi32> -> vector<16xf32>
      %select_n3A_1004 = arith.select %ge3A_66, %gather3A_1003, %gather3A_993 : vector<16xi1>, vector<16xf32>
      %add3A_1005 = arith.constant 0 : i32
      %add3A_1006 = arith.addi %add3A_1005, %scan3A_707 : i32
      %swap3A_1007 = arith.index_cast %add3A_1006 : i32 to index
      %swap3A_1008 = arith.constant 96 : index
      %swap3A_1009 = tpu.vector_load %arg5[%swap3A_1007, %swap3A_1008] {strides = array<i32>} : memref<192x256xf32, #tpu.memory_space<vmem>>, vector<1x16xf32>,
      %swap3A_1010 = vector.shape_cast %swap3A_1009 : vector<1x16xf32> to vector<16xf32>
      %swap3A_1011 = vector.shape_cast %select_n3A_1004 : vector<16xf32> to vector<1x16xf32>
      tpu.vector_store %arg5[%swap3A_1007, %swap3A_1008], %swap3A_1011 {strides = array<i32>} : memref<192x256xf32, #tpu.memory_space<vmem>>, vector<1x16xf32>,
      %add3A_1012 = arith.constant 112 : i32
      %add3A_1013 = arith.addi %sub3A_58, %add3A_1012 : i32
      %multiple_of3A_1014 = tpu.assume_multiple %add3A_1013, 16 : i32
      %get3A_1015 = arith.index_cast %scan3A_707 : i32 to index
      %get3A_1016 = arith.index_cast %multiple_of3A_1014 : i32 to index
      %get3A_1017 = tpu.vector_load %arg4[%get3A_1015, %get3A_1016] {strides = array<i32>} : memref<64x640xf32, #tpu.memory_space<vmem>>, vector<1x16xf32>,
      %get3A_1018 = vector.shape_cast %get3A_1017 : vector<1x16xf32> to vector<16xf32>
      %add3A_1019 = arith.constant 112 : i32
      %add3A_1020 = arith.addi %sub3A_58, %add3A_1019 : i32
      %add3A_1021 = arith.constant 16 : i32
      %add3A_1022 = arith.addi %add3A_1020, %add3A_1021 : i32
      %multiple_of3A_1023 = tpu.assume_multiple %add3A_1022, 16 : i32
      %get3A_1024 = arith.index_cast %scan3A_707 : i32 to index
      %get3A_1025 = arith.index_cast %multiple_of3A_1023 : i32 to index
      %get3A_1026 = tpu.vector_load %arg4[%get3A_1024, %get3A_1025] {strides = array<i32>} : memref<64x640xf32, #tpu.memory_space<vmem>>, vector<1x16xf32>,
      %get3A_1027 = vector.shape_cast %get3A_1026 : vector<1x16xf32> to vector<16xf32>
      %lt3A_1028 = arith.constant 0 : i32
      %lt3A_1029 = vector.broadcast %lt3A_1028 : i32 to vector<16xi32>
      %lt3A_1030 = arith.cmpi slt, %and3A_63, %lt3A_1029 : vector<16xi32>
      %add3A_1031 = arith.constant 16 : i32
      %add3A_1032 = vector.broadcast %add3A_1031 : i32 to vector<16xi32>
      %add3A_1033 = arith.addi %and3A_63, %add3A_1032 : vector<16xi32>
      %select_n3A_1034 = arith.select %lt3A_1030, %add3A_1033, %and3A_63 : vector<16xi1>, vector<16xi32>
      %broadcast_in_dim3A_1035 = vector.shape_cast %select_n3A_1034 : vector<16xi32> to vector<16x1xi32>
      %gather3A_1036 = vector.shape_cast %broadcast_in_dim3A_1035 : vector<16x1xi32> to vector<16xi32>
      %gather3A_1037 = tpu.dynamic_gather %get3A_1018[%gather3A_1036] in [0] : vector<16xf32>, vector<16xi32> -> vector<16xf32>
      %lt3A_1038 = arith.constant 0 : i32
      %lt3A_1039 = vector.broadcast %lt3A_1038 : i32 to vector<16xi32>
      %lt3A_1040 = arith.cmpi slt, %and3A_63, %lt3A_1039 : vector<16xi32>
      %add3A_1041 = arith.constant 16 : i32
      %add3A_1042 = vector.broadcast %add3A_1041 : i32 to vector<16xi32>
      %add3A_1043 = arith.addi %and3A_63, %add3A_1042 : vector<16xi32>
      %select_n3A_1044 = arith.select %lt3A_1040, %add3A_1043, %and3A_63 : vector<16xi1>, vector<16xi32>
      %broadcast_in_dim3A_1045 = vector.shape_cast %select_n3A_1044 : vector<16xi32> to vector<16x1xi32>
      %gather3A_1046 = vector.shape_cast %broadcast_in_dim3A_1045 : vector<16x1xi32> to vector<16xi32>
      %gather3A_1047 = tpu.dynamic_gather %get3A_1027[%gather3A_1046] in [0] : vector<16xf32>, vector<16xi32> -> vector<16xf32>
      %select_n3A_1048 = arith.select %ge3A_66, %gather3A_1047, %gather3A_1037 : vector<16xi1>, vector<16xf32>
      %add3A_1049 = arith.constant 0 : i32
      %add3A_1050 = arith.addi %add3A_1049, %scan3A_707 : i32
      %swap3A_1051 = arith.index_cast %add3A_1050 : i32 to index
      %swap3A_1052 = arith.constant 112 : index
      %swap3A_1053 = tpu.vector_load %arg5[%swap3A_1051, %swap3A_1052] {strides = array<i32>} : memref<192x256xf32, #tpu.memory_space<vmem>>, vector<1x16xf32>,
      %swap3A_1054 = vector.shape_cast %swap3A_1053 : vector<1x16xf32> to vector<16xf32>
      %swap3A_1055 = vector.shape_cast %select_n3A_1048 : vector<16xf32> to vector<1x16xf32>
      tpu.vector_store %arg5[%swap3A_1051, %swap3A_1052], %swap3A_1055 {strides = array<i32>} : memref<192x256xf32, #tpu.memory_space<vmem>>, vector<1x16xf32>,
      %add3A_1056 = arith.constant 128 : i32
      %add3A_1057 = arith.addi %sub3A_58, %add3A_1056 : i32
      %multiple_of3A_1058 = tpu.assume_multiple %add3A_1057, 16 : i32
      %get3A_1059 = arith.index_cast %scan3A_707 : i32 to index
      %get3A_1060 = arith.index_cast %multiple_of3A_1058 : i32 to index
      %get3A_1061 = tpu.vector_load %arg4[%get3A_1059, %get3A_1060] {strides = array<i32>} : memref<64x640xf32, #tpu.memory_space<vmem>>, vector<1x16xf32>,
      %get3A_1062 = vector.shape_cast %get3A_1061 : vector<1x16xf32> to vector<16xf32>
      %add3A_1063 = arith.constant 128 : i32
      %add3A_1064 = arith.addi %sub3A_58, %add3A_1063 : i32
      %add3A_1065 = arith.constant 16 : i32
      %add3A_1066 = arith.addi %add3A_1064, %add3A_1065 : i32
      %multiple_of3A_1067 = tpu.assume_multiple %add3A_1066, 16 : i32
      %get3A_1068 = arith.index_cast %scan3A_707 : i32 to index
      %get3A_1069 = arith.index_cast %multiple_of3A_1067 : i32 to index
      %get3A_1070 = tpu.vector_load %arg4[%get3A_1068, %get3A_1069] {strides = array<i32>} : memref<64x640xf32, #tpu.memory_space<vmem>>, vector<1x16xf32>,
      %get3A_1071 = vector.shape_cast %get3A_1070 : vector<1x16xf32> to vector<16xf32>
      %lt3A_1072 = arith.constant 0 : i32
      %lt3A_1073 = vector.broadcast %lt3A_1072 : i32 to vector<16xi32>
      %lt3A_1074 = arith.cmpi slt, %and3A_63, %lt3A_1073 : vector<16xi32>
      %add3A_1075 = arith.constant 16 : i32
      %add3A_1076 = vector.broadcast %add3A_1075 : i32 to vector<16xi32>
      %add3A_1077 = arith.addi %and3A_63, %add3A_1076 : vector<16xi32>
      %select_n3A_1078 = arith.select %lt3A_1074, %add3A_1077, %and3A_63 : vector<16xi1>, vector<16xi32>
      %broadcast_in_dim3A_1079 = vector.shape_cast %select_n3A_1078 : vector<16xi32> to vector<16x1xi32>
      %gather3A_1080 = vector.shape_cast %broadcast_in_dim3A_1079 : vector<16x1xi32> to vector<16xi32>
      %gather3A_1081 = tpu.dynamic_gather %get3A_1062[%gather3A_1080] in [0] : vector<16xf32>, vector<16xi32> -> vector<16xf32>
      %lt3A_1082 = arith.constant 0 : i32
      %lt3A_1083 = vector.broadcast %lt3A_1082 : i32 to vector<16xi32>
      %lt3A_1084 = arith.cmpi slt, %and3A_63, %lt3A_1083 : vector<16xi32>
      %add3A_1085 = arith.constant 16 : i32
      %add3A_1086 = vector.broadcast %add3A_1085 : i32 to vector<16xi32>
      %add3A_1087 = arith.addi %and3A_63, %add3A_1086 : vector<16xi32>
      %select_n3A_1088 = arith.select %lt3A_1084, %add3A_1087, %and3A_63 : vector<16xi1>, vector<16xi32>
      %broadcast_in_dim3A_1089 = vector.shape_cast %select_n3A_1088 : vector<16xi32> to vector<16x1xi32>
      %gather3A_1090 = vector.shape_cast %broadcast_in_dim3A_1089 : vector<16x1xi32> to vector<16xi32>
      %gather3A_1091 = tpu.dynamic_gather %get3A_1071[%gather3A_1090] in [0] : vector<16xf32>, vector<16xi32> -> vector<16xf32>
      %select_n3A_1092 = arith.select %ge3A_66, %gather3A_1091, %gather3A_1081 : vector<16xi1>, vector<16xf32>
      %add3A_1093 = arith.constant 0 : i32
      %add3A_1094 = arith.addi %add3A_1093, %scan3A_707 : i32
      %swap3A_1095 = arith.index_cast %add3A_1094 : i32 to index
      %swap3A_1096 = arith.constant 128 : index
      %swap3A_1097 = tpu.vector_load %arg5[%swap3A_1095, %swap3A_1096] {strides = array<i32>} : memref<192x256xf32, #tpu.memory_space<vmem>>, vector<1x16xf32>,
      %swap3A_1098 = vector.shape_cast %swap3A_1097 : vector<1x16xf32> to vector<16xf32>
      %swap3A_1099 = vector.shape_cast %select_n3A_1092 : vector<16xf32> to vector<1x16xf32>
      tpu.vector_store %arg5[%swap3A_1095, %swap3A_1096], %swap3A_1099 {strides = array<i32>} : memref<192x256xf32, #tpu.memory_space<vmem>>, vector<1x16xf32>,
      %add3A_1100 = arith.constant 144 : i32
      %add3A_1101 = arith.addi %sub3A_58, %add3A_1100 : i32
      %multiple_of3A_1102 = tpu.assume_multiple %add3A_1101, 16 : i32
      %get3A_1103 = arith.index_cast %scan3A_707 : i32 to index
      %get3A_1104 = arith.index_cast %multiple_of3A_1102 : i32 to index
      %get3A_1105 = tpu.vector_load %arg4[%get3A_1103, %get3A_1104] {strides = array<i32>} : memref<64x640xf32, #tpu.memory_space<vmem>>, vector<1x16xf32>,
      %get3A_1106 = vector.shape_cast %get3A_1105 : vector<1x16xf32> to vector<16xf32>
      %add3A_1107 = arith.constant 144 : i32
      %add3A_1108 = arith.addi %sub3A_58, %add3A_1107 : i32
      %add3A_1109 = arith.constant 16 : i32
      %add3A_1110 = arith.addi %add3A_1108, %add3A_1109 : i32
      %multiple_of3A_1111 = tpu.assume_multiple %add3A_1110, 16 : i32
      %get3A_1112 = arith.index_cast %scan3A_707 : i32 to index
      %get3A_1113 = arith.index_cast %multiple_of3A_1111 : i32 to index
      %get3A_1114 = tpu.vector_load %arg4[%get3A_1112, %get3A_1113] {strides = array<i32>} : memref<64x640xf32, #tpu.memory_space<vmem>>, vector<1x16xf32>,
      %get3A_1115 = vector.shape_cast %get3A_1114 : vector<1x16xf32> to vector<16xf32>
      %lt3A_1116 = arith.constant 0 : i32
      %lt3A_1117 = vector.broadcast %lt3A_1116 : i32 to vector<16xi32>
      %lt3A_1118 = arith.cmpi slt, %and3A_63, %lt3A_1117 : vector<16xi32>
      %add3A_1119 = arith.constant 16 : i32
      %add3A_1120 = vector.broadcast %add3A_1119 : i32 to vector<16xi32>
      %add3A_1121 = arith.addi %and3A_63, %add3A_1120 : vector<16xi32>
      %select_n3A_1122 = arith.select %lt3A_1118, %add3A_1121, %and3A_63 : vector<16xi1>, vector<16xi32>
      %broadcast_in_dim3A_1123 = vector.shape_cast %select_n3A_1122 : vector<16xi32> to vector<16x1xi32>
      %gather3A_1124 = vector.shape_cast %broadcast_in_dim3A_1123 : vector<16x1xi32> to vector<16xi32>
      %gather3A_1125 = tpu.dynamic_gather %get3A_1106[%gather3A_1124] in [0] : vector<16xf32>, vector<16xi32> -> vector<16xf32>
      %lt3A_1126 = arith.constant 0 : i32
      %lt3A_1127 = vector.broadcast %lt3A_1126 : i32 to vector<16xi32>
      %lt3A_1128 = arith.cmpi slt, %and3A_63, %lt3A_1127 : vector<16xi32>
      %add3A_1129 = arith.constant 16 : i32
      %add3A_1130 = vector.broadcast %add3A_1129 : i32 to vector<16xi32>
      %add3A_1131 = arith.addi %and3A_63, %add3A_1130 : vector<16xi32>
      %select_n3A_1132 = arith.select %lt3A_1128, %add3A_1131, %and3A_63 : vector<16xi1>, vector<16xi32>
      %broadcast_in_dim3A_1133 = vector.shape_cast %select_n3A_1132 : vector<16xi32> to vector<16x1xi32>
      %gather3A_1134 = vector.shape_cast %broadcast_in_dim3A_1133 : vector<16x1xi32> to vector<16xi32>
      %gather3A_1135 = tpu.dynamic_gather %get3A_1115[%gather3A_1134] in [0] : vector<16xf32>, vector<16xi32> -> vector<16xf32>
      %select_n3A_1136 = arith.select %ge3A_66, %gather3A_1135, %gather3A_1125 : vector<16xi1>, vector<16xf32>
      %add3A_1137 = arith.constant 0 : i32
      %add3A_1138 = arith.addi %add3A_1137, %scan3A_707 : i32
      %swap3A_1139 = arith.index_cast %add3A_1138 : i32 to index
      %swap3A_1140 = arith.constant 144 : index
      %swap3A_1141 = tpu.vector_load %arg5[%swap3A_1139, %swap3A_1140] {strides = array<i32>} : memref<192x256xf32, #tpu.memory_space<vmem>>, vector<1x16xf32>,
      %swap3A_1142 = vector.shape_cast %swap3A_1141 : vector<1x16xf32> to vector<16xf32>
      %swap3A_1143 = vector.shape_cast %select_n3A_1136 : vector<16xf32> to vector<1x16xf32>
      tpu.vector_store %arg5[%swap3A_1139, %swap3A_1140], %swap3A_1143 {strides = array<i32>} : memref<192x256xf32, #tpu.memory_space<vmem>>, vector<1x16xf32>,
      %add3A_1144 = arith.constant 160 : i32
      %add3A_1145 = arith.addi %sub3A_58, %add3A_1144 : i32
      %multiple_of3A_1146 = tpu.assume_multiple %add3A_1145, 16 : i32
      %get3A_1147 = arith.index_cast %scan3A_707 : i32 to index
      %get3A_1148 = arith.index_cast %multiple_of3A_1146 : i32 to index
      %get3A_1149 = tpu.vector_load %arg4[%get3A_1147, %get3A_1148] {strides = array<i32>} : memref<64x640xf32, #tpu.memory_space<vmem>>, vector<1x16xf32>,
      %get3A_1150 = vector.shape_cast %get3A_1149 : vector<1x16xf32> to vector<16xf32>
      %add3A_1151 = arith.constant 160 : i32
      %add3A_1152 = arith.addi %sub3A_58, %add3A_1151 : i32
      %add3A_1153 = arith.constant 16 : i32
      %add3A_1154 = arith.addi %add3A_1152, %add3A_1153 : i32
      %multiple_of3A_1155 = tpu.assume_multiple %add3A_1154, 16 : i32
      %get3A_1156 = arith.index_cast %scan3A_707 : i32 to index
      %get3A_1157 = arith.index_cast %multiple_of3A_1155 : i32 to index
      %get3A_1158 = tpu.vector_load %arg4[%get3A_1156, %get3A_1157] {strides = array<i32>} : memref<64x640xf32, #tpu.memory_space<vmem>>, vector<1x16xf32>,
      %get3A_1159 = vector.shape_cast %get3A_1158 : vector<1x16xf32> to vector<16xf32>
      %lt3A_1160 = arith.constant 0 : i32
      %lt3A_1161 = vector.broadcast %lt3A_1160 : i32 to vector<16xi32>
      %lt3A_1162 = arith.cmpi slt, %and3A_63, %lt3A_1161 : vector<16xi32>
      %add3A_1163 = arith.constant 16 : i32
      %add3A_1164 = vector.broadcast %add3A_1163 : i32 to vector<16xi32>
      %add3A_1165 = arith.addi %and3A_63, %add3A_1164 : vector<16xi32>
      %select_n3A_1166 = arith.select %lt3A_1162, %add3A_1165, %and3A_63 : vector<16xi1>, vector<16xi32>
      %broadcast_in_dim3A_1167 = vector.shape_cast %select_n3A_1166 : vector<16xi32> to vector<16x1xi32>
      %gather3A_1168 = vector.shape_cast %broadcast_in_dim3A_1167 : vector<16x1xi32> to vector<16xi32>
      %gather3A_1169 = tpu.dynamic_gather %get3A_1150[%gather3A_1168] in [0] : vector<16xf32>, vector<16xi32> -> vector<16xf32>
      %lt3A_1170 = arith.constant 0 : i32
      %lt3A_1171 = vector.broadcast %lt3A_1170 : i32 to vector<16xi32>
      %lt3A_1172 = arith.cmpi slt, %and3A_63, %lt3A_1171 : vector<16xi32>
      %add3A_1173 = arith.constant 16 : i32
      %add3A_1174 = vector.broadcast %add3A_1173 : i32 to vector<16xi32>
      %add3A_1175 = arith.addi %and3A_63, %add3A_1174 : vector<16xi32>
      %select_n3A_1176 = arith.select %lt3A_1172, %add3A_1175, %and3A_63 : vector<16xi1>, vector<16xi32>
      %broadcast_in_dim3A_1177 = vector.shape_cast %select_n3A_1176 : vector<16xi32> to vector<16x1xi32>
      %gather3A_1178 = vector.shape_cast %broadcast_in_dim3A_1177 : vector<16x1xi32> to vector<16xi32>
      %gather3A_1179 = tpu.dynamic_gather %get3A_1159[%gather3A_1178] in [0] : vector<16xf32>, vector<16xi32> -> vector<16xf32>
      %select_n3A_1180 = arith.select %ge3A_66, %gather3A_1179, %gather3A_1169 : vector<16xi1>, vector<16xf32>
      %add3A_1181 = arith.constant 0 : i32
      %add3A_1182 = arith.addi %add3A_1181, %scan3A_707 : i32
      %swap3A_1183 = arith.index_cast %add3A_1182 : i32 to index
      %swap3A_1184 = arith.constant 160 : index
      %swap3A_1185 = tpu.vector_load %arg5[%swap3A_1183, %swap3A_1184] {strides = array<i32>} : memref<192x256xf32, #tpu.memory_space<vmem>>, vector<1x16xf32>,
      %swap3A_1186 = vector.shape_cast %swap3A_1185 : vector<1x16xf32> to vector<16xf32>
      %swap3A_1187 = vector.shape_cast %select_n3A_1180 : vector<16xf32> to vector<1x16xf32>
      tpu.vector_store %arg5[%swap3A_1183, %swap3A_1184], %swap3A_1187 {strides = array<i32>} : memref<192x256xf32, #tpu.memory_space<vmem>>, vector<1x16xf32>,
      %add3A_1188 = arith.constant 176 : i32
      %add3A_1189 = arith.addi %sub3A_58, %add3A_1188 : i32
      %multiple_of3A_1190 = tpu.assume_multiple %add3A_1189, 16 : i32
      %get3A_1191 = arith.index_cast %scan3A_707 : i32 to index
      %get3A_1192 = arith.index_cast %multiple_of3A_1190 : i32 to index
      %get3A_1193 = tpu.vector_load %arg4[%get3A_1191, %get3A_1192] {strides = array<i32>} : memref<64x640xf32, #tpu.memory_space<vmem>>, vector<1x16xf32>,
      %get3A_1194 = vector.shape_cast %get3A_1193 : vector<1x16xf32> to vector<16xf32>
      %add3A_1195 = arith.constant 176 : i32
      %add3A_1196 = arith.addi %sub3A_58, %add3A_1195 : i32
      %add3A_1197 = arith.constant 16 : i32
      %add3A_1198 = arith.addi %add3A_1196, %add3A_1197 : i32
      %multiple_of3A_1199 = tpu.assume_multiple %add3A_1198, 16 : i32
      %get3A_1200 = arith.index_cast %scan3A_707 : i32 to index
      %get3A_1201 = arith.index_cast %multiple_of3A_1199 : i32 to index
      %get3A_1202 = tpu.vector_load %arg4[%get3A_1200, %get3A_1201] {strides = array<i32>} : memref<64x640xf32, #tpu.memory_space<vmem>>, vector<1x16xf32>,
      %get3A_1203 = vector.shape_cast %get3A_1202 : vector<1x16xf32> to vector<16xf32>
      %lt3A_1204 = arith.constant 0 : i32
      %lt3A_1205 = vector.broadcast %lt3A_1204 : i32 to vector<16xi32>
      %lt3A_1206 = arith.cmpi slt, %and3A_63, %lt3A_1205 : vector<16xi32>
      %add3A_1207 = arith.constant 16 : i32
      %add3A_1208 = vector.broadcast %add3A_1207 : i32 to vector<16xi32>
      %add3A_1209 = arith.addi %and3A_63, %add3A_1208 : vector<16xi32>
      %select_n3A_1210 = arith.select %lt3A_1206, %add3A_1209, %and3A_63 : vector<16xi1>, vector<16xi32>
      %broadcast_in_dim3A_1211 = vector.shape_cast %select_n3A_1210 : vector<16xi32> to vector<16x1xi32>
      %gather3A_1212 = vector.shape_cast %broadcast_in_dim3A_1211 : vector<16x1xi32> to vector<16xi32>
      %gather3A_1213 = tpu.dynamic_gather %get3A_1194[%gather3A_1212] in [0] : vector<16xf32>, vector<16xi32> -> vector<16xf32>
      %lt3A_1214 = arith.constant 0 : i32
      %lt3A_1215 = vector.broadcast %lt3A_1214 : i32 to vector<16xi32>
      %lt3A_1216 = arith.cmpi slt, %and3A_63, %lt3A_1215 : vector<16xi32>
      %add3A_1217 = arith.constant 16 : i32
      %add3A_1218 = vector.broadcast %add3A_1217 : i32 to vector<16xi32>
      %add3A_1219 = arith.addi %and3A_63, %add3A_1218 : vector<16xi32>
      %select_n3A_1220 = arith.select %lt3A_1216, %add3A_1219, %and3A_63 : vector<16xi1>, vector<16xi32>
      %broadcast_in_dim3A_1221 = vector.shape_cast %select_n3A_1220 : vector<16xi32> to vector<16x1xi32>
      %gather3A_1222 = vector.shape_cast %broadcast_in_dim3A_1221 : vector<16x1xi32> to vector<16xi32>
      %gather3A_1223 = tpu.dynamic_gather %get3A_1203[%gather3A_1222] in [0] : vector<16xf32>, vector<16xi32> -> vector<16xf32>
      %select_n3A_1224 = arith.select %ge3A_66, %gather3A_1223, %gather3A_1213 : vector<16xi1>, vector<16xf32>
      %add3A_1225 = arith.constant 0 : i32
      %add3A_1226 = arith.addi %add3A_1225, %scan3A_707 : i32
      %swap3A_1227 = arith.index_cast %add3A_1226 : i32 to index
      %swap3A_1228 = arith.constant 176 : index
      %swap3A_1229 = tpu.vector_load %arg5[%swap3A_1227, %swap3A_1228] {strides = array<i32>} : memref<192x256xf32, #tpu.memory_space<vmem>>, vector<1x16xf32>,
      %swap3A_1230 = vector.shape_cast %swap3A_1229 : vector<1x16xf32> to vector<16xf32>
      %swap3A_1231 = vector.shape_cast %select_n3A_1224 : vector<16xf32> to vector<1x16xf32>
      tpu.vector_store %arg5[%swap3A_1227, %swap3A_1228], %swap3A_1231 {strides = array<i32>} : memref<192x256xf32, #tpu.memory_space<vmem>>, vector<1x16xf32>,
      %add3A_1232 = arith.constant 192 : i32
      %add3A_1233 = arith.addi %sub3A_58, %add3A_1232 : i32
      %multiple_of3A_1234 = tpu.assume_multiple %add3A_1233, 16 : i32
      %get3A_1235 = arith.index_cast %scan3A_707 : i32 to index
      %get3A_1236 = arith.index_cast %multiple_of3A_1234 : i32 to index
      %get3A_1237 = tpu.vector_load %arg4[%get3A_1235, %get3A_1236] {strides = array<i32>} : memref<64x640xf32, #tpu.memory_space<vmem>>, vector<1x16xf32>,
      %get3A_1238 = vector.shape_cast %get3A_1237 : vector<1x16xf32> to vector<16xf32>
      %add3A_1239 = arith.constant 192 : i32
      %add3A_1240 = arith.addi %sub3A_58, %add3A_1239 : i32
      %add3A_1241 = arith.constant 16 : i32
      %add3A_1242 = arith.addi %add3A_1240, %add3A_1241 : i32
      %multiple_of3A_1243 = tpu.assume_multiple %add3A_1242, 16 : i32
      %get3A_1244 = arith.index_cast %scan3A_707 : i32 to index
      %get3A_1245 = arith.index_cast %multiple_of3A_1243 : i32 to index
      %get3A_1246 = tpu.vector_load %arg4[%get3A_1244, %get3A_1245] {strides = array<i32>} : memref<64x640xf32, #tpu.memory_space<vmem>>, vector<1x16xf32>,
      %get3A_1247 = vector.shape_cast %get3A_1246 : vector<1x16xf32> to vector<16xf32>
      %lt3A_1248 = arith.constant 0 : i32
      %lt3A_1249 = vector.broadcast %lt3A_1248 : i32 to vector<16xi32>
      %lt3A_1250 = arith.cmpi slt, %and3A_63, %lt3A_1249 : vector<16xi32>
      %add3A_1251 = arith.constant 16 : i32
      %add3A_1252 = vector.broadcast %add3A_1251 : i32 to vector<16xi32>
      %add3A_1253 = arith.addi %and3A_63, %add3A_1252 : vector<16xi32>
      %select_n3A_1254 = arith.select %lt3A_1250, %add3A_1253, %and3A_63 : vector<16xi1>, vector<16xi32>
      %broadcast_in_dim3A_1255 = vector.shape_cast %select_n3A_1254 : vector<16xi32> to vector<16x1xi32>
      %gather3A_1256 = vector.shape_cast %broadcast_in_dim3A_1255 : vector<16x1xi32> to vector<16xi32>
      %gather3A_1257 = tpu.dynamic_gather %get3A_1238[%gather3A_1256] in [0] : vector<16xf32>, vector<16xi32> -> vector<16xf32>
      %lt3A_1258 = arith.constant 0 : i32
      %lt3A_1259 = vector.broadcast %lt3A_1258 : i32 to vector<16xi32>
      %lt3A_1260 = arith.cmpi slt, %and3A_63, %lt3A_1259 : vector<16xi32>
      %add3A_1261 = arith.constant 16 : i32
      %add3A_1262 = vector.broadcast %add3A_1261 : i32 to vector<16xi32>
      %add3A_1263 = arith.addi %and3A_63, %add3A_1262 : vector<16xi32>
      %select_n3A_1264 = arith.select %lt3A_1260, %add3A_1263, %and3A_63 : vector<16xi1>, vector<16xi32>
      %broadcast_in_dim3A_1265 = vector.shape_cast %select_n3A_1264 : vector<16xi32> to vector<16x1xi32>
      %gather3A_1266 = vector.shape_cast %broadcast_in_dim3A_1265 : vector<16x1xi32> to vector<16xi32>
      %gather3A_1267 = tpu.dynamic_gather %get3A_1247[%gather3A_1266] in [0] : vector<16xf32>, vector<16xi32> -> vector<16xf32>
      %select_n3A_1268 = arith.select %ge3A_66, %gather3A_1267, %gather3A_1257 : vector<16xi1>, vector<16xf32>
      %add3A_1269 = arith.constant 0 : i32
      %add3A_1270 = arith.addi %add3A_1269, %scan3A_707 : i32
      %swap3A_1271 = arith.index_cast %add3A_1270 : i32 to index
      %swap3A_1272 = arith.constant 192 : index
      %swap3A_1273 = tpu.vector_load %arg5[%swap3A_1271, %swap3A_1272] {strides = array<i32>} : memref<192x256xf32, #tpu.memory_space<vmem>>, vector<1x16xf32>,
      %swap3A_1274 = vector.shape_cast %swap3A_1273 : vector<1x16xf32> to vector<16xf32>
      %swap3A_1275 = vector.shape_cast %select_n3A_1268 : vector<16xf32> to vector<1x16xf32>
      tpu.vector_store %arg5[%swap3A_1271, %swap3A_1272], %swap3A_1275 {strides = array<i32>} : memref<192x256xf32, #tpu.memory_space<vmem>>, vector<1x16xf32>,
      %add3A_1276 = arith.constant 208 : i32
      %add3A_1277 = arith.addi %sub3A_58, %add3A_1276 : i32
      %multiple_of3A_1278 = tpu.assume_multiple %add3A_1277, 16 : i32
      %get3A_1279 = arith.index_cast %scan3A_707 : i32 to index
      %get3A_1280 = arith.index_cast %multiple_of3A_1278 : i32 to index
      %get3A_1281 = tpu.vector_load %arg4[%get3A_1279, %get3A_1280] {strides = array<i32>} : memref<64x640xf32, #tpu.memory_space<vmem>>, vector<1x16xf32>,
      %get3A_1282 = vector.shape_cast %get3A_1281 : vector<1x16xf32> to vector<16xf32>
      %add3A_1283 = arith.constant 208 : i32
      %add3A_1284 = arith.addi %sub3A_58, %add3A_1283 : i32
      %add3A_1285 = arith.constant 16 : i32
      %add3A_1286 = arith.addi %add3A_1284, %add3A_1285 : i32
      %multiple_of3A_1287 = tpu.assume_multiple %add3A_1286, 16 : i32
      %get3A_1288 = arith.index_cast %scan3A_707 : i32 to index
      %get3A_1289 = arith.index_cast %multiple_of3A_1287 : i32 to index
      %get3A_1290 = tpu.vector_load %arg4[%get3A_1288, %get3A_1289] {strides = array<i32>} : memref<64x640xf32, #tpu.memory_space<vmem>>, vector<1x16xf32>,
      %get3A_1291 = vector.shape_cast %get3A_1290 : vector<1x16xf32> to vector<16xf32>
      %lt3A_1292 = arith.constant 0 : i32
      %lt3A_1293 = vector.broadcast %lt3A_1292 : i32 to vector<16xi32>
      %lt3A_1294 = arith.cmpi slt, %and3A_63, %lt3A_1293 : vector<16xi32>
      %add3A_1295 = arith.constant 16 : i32
      %add3A_1296 = vector.broadcast %add3A_1295 : i32 to vector<16xi32>
      %add3A_1297 = arith.addi %and3A_63, %add3A_1296 : vector<16xi32>
      %select_n3A_1298 = arith.select %lt3A_1294, %add3A_1297, %and3A_63 : vector<16xi1>, vector<16xi32>
      %broadcast_in_dim3A_1299 = vector.shape_cast %select_n3A_1298 : vector<16xi32> to vector<16x1xi32>
      %gather3A_1300 = vector.shape_cast %broadcast_in_dim3A_1299 : vector<16x1xi32> to vector<16xi32>
      %gather3A_1301 = tpu.dynamic_gather %get3A_1282[%gather3A_1300] in [0] : vector<16xf32>, vector<16xi32> -> vector<16xf32>
      %lt3A_1302 = arith.constant 0 : i32
      %lt3A_1303 = vector.broadcast %lt3A_1302 : i32 to vector<16xi32>
      %lt3A_1304 = arith.cmpi slt, %and3A_63, %lt3A_1303 : vector<16xi32>
      %add3A_1305 = arith.constant 16 : i32
      %add3A_1306 = vector.broadcast %add3A_1305 : i32 to vector<16xi32>
      %add3A_1307 = arith.addi %and3A_63, %add3A_1306 : vector<16xi32>
      %select_n3A_1308 = arith.select %lt3A_1304, %add3A_1307, %and3A_63 : vector<16xi1>, vector<16xi32>
      %broadcast_in_dim3A_1309 = vector.shape_cast %select_n3A_1308 : vector<16xi32> to vector<16x1xi32>
      %gather3A_1310 = vector.shape_cast %broadcast_in_dim3A_1309 : vector<16x1xi32> to vector<16xi32>
      %gather3A_1311 = tpu.dynamic_gather %get3A_1291[%gather3A_1310] in [0] : vector<16xf32>, vector<16xi32> -> vector<16xf32>
      %select_n3A_1312 = arith.select %ge3A_66, %gather3A_1311, %gather3A_1301 : vector<16xi1>, vector<16xf32>
      %add3A_1313 = arith.constant 0 : i32
      %add3A_1314 = arith.addi %add3A_1313, %scan3A_707 : i32
      %swap3A_1315 = arith.index_cast %add3A_1314 : i32 to index
      %swap3A_1316 = arith.constant 208 : index
      %swap3A_1317 = tpu.vector_load %arg5[%swap3A_1315, %swap3A_1316] {strides = array<i32>} : memref<192x256xf32, #tpu.memory_space<vmem>>, vector<1x16xf32>,
      %swap3A_1318 = vector.shape_cast %swap3A_1317 : vector<1x16xf32> to vector<16xf32>
      %swap3A_1319 = vector.shape_cast %select_n3A_1312 : vector<16xf32> to vector<1x16xf32>
      tpu.vector_store %arg5[%swap3A_1315, %swap3A_1316], %swap3A_1319 {strides = array<i32>} : memref<192x256xf32, #tpu.memory_space<vmem>>, vector<1x16xf32>,
      %add3A_1320 = arith.constant 224 : i32
      %add3A_1321 = arith.addi %sub3A_58, %add3A_1320 : i32
      %multiple_of3A_1322 = tpu.assume_multiple %add3A_1321, 16 : i32
      %get3A_1323 = arith.index_cast %scan3A_707 : i32 to index
      %get3A_1324 = arith.index_cast %multiple_of3A_1322 : i32 to index
      %get3A_1325 = tpu.vector_load %arg4[%get3A_1323, %get3A_1324] {strides = array<i32>} : memref<64x640xf32, #tpu.memory_space<vmem>>, vector<1x16xf32>,
      %get3A_1326 = vector.shape_cast %get3A_1325 : vector<1x16xf32> to vector<16xf32>
      %add3A_1327 = arith.constant 224 : i32
      %add3A_1328 = arith.addi %sub3A_58, %add3A_1327 : i32
      %add3A_1329 = arith.constant 16 : i32
      %add3A_1330 = arith.addi %add3A_1328, %add3A_1329 : i32
      %multiple_of3A_1331 = tpu.assume_multiple %add3A_1330, 16 : i32
      %get3A_1332 = arith.index_cast %scan3A_707 : i32 to index
      %get3A_1333 = arith.index_cast %multiple_of3A_1331 : i32 to index
      %get3A_1334 = tpu.vector_load %arg4[%get3A_1332, %get3A_1333] {strides = array<i32>} : memref<64x640xf32, #tpu.memory_space<vmem>>, vector<1x16xf32>,
      %get3A_1335 = vector.shape_cast %get3A_1334 : vector<1x16xf32> to vector<16xf32>
      %lt3A_1336 = arith.constant 0 : i32
      %lt3A_1337 = vector.broadcast %lt3A_1336 : i32 to vector<16xi32>
      %lt3A_1338 = arith.cmpi slt, %and3A_63, %lt3A_1337 : vector<16xi32>
      %add3A_1339 = arith.constant 16 : i32
      %add3A_1340 = vector.broadcast %add3A_1339 : i32 to vector<16xi32>
      %add3A_1341 = arith.addi %and3A_63, %add3A_1340 : vector<16xi32>
      %select_n3A_1342 = arith.select %lt3A_1338, %add3A_1341, %and3A_63 : vector<16xi1>, vector<16xi32>
      %broadcast_in_dim3A_1343 = vector.shape_cast %select_n3A_1342 : vector<16xi32> to vector<16x1xi32>
      %gather3A_1344 = vector.shape_cast %broadcast_in_dim3A_1343 : vector<16x1xi32> to vector<16xi32>
      %gather3A_1345 = tpu.dynamic_gather %get3A_1326[%gather3A_1344] in [0] : vector<16xf32>, vector<16xi32> -> vector<16xf32>
      %lt3A_1346 = arith.constant 0 : i32
      %lt3A_1347 = vector.broadcast %lt3A_1346 : i32 to vector<16xi32>
      %lt3A_1348 = arith.cmpi slt, %and3A_63, %lt3A_1347 : vector<16xi32>
      %add3A_1349 = arith.constant 16 : i32
      %add3A_1350 = vector.broadcast %add3A_1349 : i32 to vector<16xi32>
      %add3A_1351 = arith.addi %and3A_63, %add3A_1350 : vector<16xi32>
      %select_n3A_1352 = arith.select %lt3A_1348, %add3A_1351, %and3A_63 : vector<16xi1>, vector<16xi32>
      %broadcast_in_dim3A_1353 = vector.shape_cast %select_n3A_1352 : vector<16xi32> to vector<16x1xi32>
      %gather3A_1354 = vector.shape_cast %broadcast_in_dim3A_1353 : vector<16x1xi32> to vector<16xi32>
      %gather3A_1355 = tpu.dynamic_gather %get3A_1335[%gather3A_1354] in [0] : vector<16xf32>, vector<16xi32> -> vector<16xf32>
      %select_n3A_1356 = arith.select %ge3A_66, %gather3A_1355, %gather3A_1345 : vector<16xi1>, vector<16xf32>
      %add3A_1357 = arith.constant 0 : i32
      %add3A_1358 = arith.addi %add3A_1357, %scan3A_707 : i32
      %swap3A_1359 = arith.index_cast %add3A_1358 : i32 to index
      %swap3A_1360 = arith.constant 224 : index
      %swap3A_1361 = tpu.vector_load %arg5[%swap3A_1359, %swap3A_1360] {strides = array<i32>} : memref<192x256xf32, #tpu.memory_space<vmem>>, vector<1x16xf32>,
      %swap3A_1362 = vector.shape_cast %swap3A_1361 : vector<1x16xf32> to vector<16xf32>
      %swap3A_1363 = vector.shape_cast %select_n3A_1356 : vector<16xf32> to vector<1x16xf32>
      tpu.vector_store %arg5[%swap3A_1359, %swap3A_1360], %swap3A_1363 {strides = array<i32>} : memref<192x256xf32, #tpu.memory_space<vmem>>, vector<1x16xf32>,
      %add3A_1364 = arith.constant 240 : i32
      %add3A_1365 = arith.addi %sub3A_58, %add3A_1364 : i32
      %multiple_of3A_1366 = tpu.assume_multiple %add3A_1365, 16 : i32
      %get3A_1367 = arith.index_cast %scan3A_707 : i32 to index
      %get3A_1368 = arith.index_cast %multiple_of3A_1366 : i32 to index
      %get3A_1369 = tpu.vector_load %arg4[%get3A_1367, %get3A_1368] {strides = array<i32>} : memref<64x640xf32, #tpu.memory_space<vmem>>, vector<1x16xf32>,
      %get3A_1370 = vector.shape_cast %get3A_1369 : vector<1x16xf32> to vector<16xf32>
      %add3A_1371 = arith.constant 240 : i32
      %add3A_1372 = arith.addi %sub3A_58, %add3A_1371 : i32
      %add3A_1373 = arith.constant 16 : i32
      %add3A_1374 = arith.addi %add3A_1372, %add3A_1373 : i32
      %multiple_of3A_1375 = tpu.assume_multiple %add3A_1374, 16 : i32
      %get3A_1376 = arith.index_cast %scan3A_707 : i32 to index
      %get3A_1377 = arith.index_cast %multiple_of3A_1375 : i32 to index
      %get3A_1378 = tpu.vector_load %arg4[%get3A_1376, %get3A_1377] {strides = array<i32>} : memref<64x640xf32, #tpu.memory_space<vmem>>, vector<1x16xf32>,
      %get3A_1379 = vector.shape_cast %get3A_1378 : vector<1x16xf32> to vector<16xf32>
      %lt3A_1380 = arith.constant 0 : i32
      %lt3A_1381 = vector.broadcast %lt3A_1380 : i32 to vector<16xi32>
      %lt3A_1382 = arith.cmpi slt, %and3A_63, %lt3A_1381 : vector<16xi32>
      %add3A_1383 = arith.constant 16 : i32
      %add3A_1384 = vector.broadcast %add3A_1383 : i32 to vector<16xi32>
      %add3A_1385 = arith.addi %and3A_63, %add3A_1384 : vector<16xi32>
      %select_n3A_1386 = arith.select %lt3A_1382, %add3A_1385, %and3A_63 : vector<16xi1>, vector<16xi32>
      %broadcast_in_dim3A_1387 = vector.shape_cast %select_n3A_1386 : vector<16xi32> to vector<16x1xi32>
      %gather3A_1388 = vector.shape_cast %broadcast_in_dim3A_1387 : vector<16x1xi32> to vector<16xi32>
      %gather3A_1389 = tpu.dynamic_gather %get3A_1370[%gather3A_1388] in [0] : vector<16xf32>, vector<16xi32> -> vector<16xf32>
      %lt3A_1390 = arith.constant 0 : i32
      %lt3A_1391 = vector.broadcast %lt3A_1390 : i32 to vector<16xi32>
      %lt3A_1392 = arith.cmpi slt, %and3A_63, %lt3A_1391 : vector<16xi32>
      %add3A_1393 = arith.constant 16 : i32
      %add3A_1394 = vector.broadcast %add3A_1393 : i32 to vector<16xi32>
      %add3A_1395 = arith.addi %and3A_63, %add3A_1394 : vector<16xi32>
      %select_n3A_1396 = arith.select %lt3A_1392, %add3A_1395, %and3A_63 : vector<16xi1>, vector<16xi32>
      %broadcast_in_dim3A_1397 = vector.shape_cast %select_n3A_1396 : vector<16xi32> to vector<16x1xi32>
      %gather3A_1398 = vector.shape_cast %broadcast_in_dim3A_1397 : vector<16x1xi32> to vector<16xi32>
      %gather3A_1399 = tpu.dynamic_gather %get3A_1379[%gather3A_1398] in [0] : vector<16xf32>, vector<16xi32> -> vector<16xf32>
      %select_n3A_1400 = arith.select %ge3A_66, %gather3A_1399, %gather3A_1389 : vector<16xi1>, vector<16xf32>
      %add3A_1401 = arith.constant 0 : i32
      %add3A_1402 = arith.addi %add3A_1401, %scan3A_707 : i32
      %swap3A_1403 = arith.index_cast %add3A_1402 : i32 to index
      %swap3A_1404 = arith.constant 240 : index
      %swap3A_1405 = tpu.vector_load %arg5[%swap3A_1403, %swap3A_1404] {strides = array<i32>} : memref<192x256xf32, #tpu.memory_space<vmem>>, vector<1x16xf32>,
      %swap3A_1406 = vector.shape_cast %swap3A_1405 : vector<1x16xf32> to vector<16xf32>
      %swap3A_1407 = vector.shape_cast %select_n3A_1400 : vector<16xf32> to vector<1x16xf32>
      tpu.vector_store %arg5[%swap3A_1403, %swap3A_1404], %swap3A_1407 {strides = array<i32>} : memref<192x256xf32, #tpu.memory_space<vmem>>, vector<1x16xf32>,
    }
    %scan3A_71 = arith.constant 64 : i32
    %add3A_72 = arith.constant 0 : i32
    %add3A_73 = arith.addi %mul3A_20, %add3A_72 : i32
    %add3A_74 = arith.constant 0 : i32
    %add3A_75 = arith.addi %mul3A_20, %add3A_74 : i32
    %sub3A_76 = arith.constant 32 : i32
    %sub3A_77 = arith.subi %add3A_75, %sub3A_76 : i32
    %jit3A_78 = arith.constant 128 : i32
    %div3A_79 = arith.divsi %sub3A_77, %jit3A_78 : i32
    %sign3A_80 = arith.constant 0 : i32
    %sign3A_81 = arith.cmpi sgt, %sub3A_77, %sign3A_80 : i32
    %sign3A_82 = arith.extui %sign3A_81 : i1 to i32
    %sign3A_83 = arith.constant 0 : i32
    %sign3A_84 = arith.cmpi slt, %sub3A_77, %sign3A_83 : i32
    %sign3A_85 = arith.extui %sign3A_84 : i1 to i32
    %sign3A_86 = arith.subi %sign3A_82, %sign3A_85 : i32
    %sign3A_87 = arith.constant 0 : i32
    %sign3A_88 = arith.cmpi sgt, %jit3A_78, %sign3A_87 : i32
    %sign3A_89 = arith.extui %sign3A_88 : i1 to i32
    %sign3A_90 = arith.constant 0 : i32
    %sign3A_91 = arith.cmpi slt, %jit3A_78, %sign3A_90 : i32
    %sign3A_92 = arith.extui %sign3A_91 : i1 to i32
    %sign3A_93 = arith.subi %sign3A_89, %sign3A_92 : i32
    %ne3A_94 = arith.cmpi ne, %sign3A_86, %sign3A_93 : i32
    %rem3A_95 = arith.remsi %sub3A_77, %jit3A_78 : i32
    %ne3A_96 = arith.constant 0 : i32
    %ne3A_97 = arith.cmpi ne, %rem3A_95, %ne3A_96 : i32
    %and3A_98 = arith.andi %ne3A_94, %ne3A_97 : i1
    %sub3A_99 = arith.constant 1 : i32
    %sub3A_100 = arith.subi %div3A_79, %sub3A_99 : i32
    %select_n3A_101 = arith.select %and3A_98, %sub3A_100, %div3A_79 : i32
    %mul3A_102 = arith.constant 128 : i32
    %mul3A_103 = arith.muli %select_n3A_101, %mul3A_102 : i32
    %jit3A_104 = arith.constant 0 : i32
    %jit3A_105 = arith.constant 1792 : i32
    %max3A_106 = arith.maxsi %jit3A_104, %mul3A_103 : i32
    %min3A_107 = arith.minsi %jit3A_105, %max3A_106 : i32
    %multiple_of3A_108 = tpu.assume_multiple %min3A_107, 128 : i32
    %add3A_109 = arith.constant 0 : i32
    %add3A_110 = arith.addi %mul3A_20, %add3A_109 : i32
    %multiple_of3A_111 = arith.constant 0 : i32
    %multiple_of3A_112 = tpu.assume_multiple %multiple_of3A_111, 8 : i32
    %add3A_113 = arith.constant 0 : i32
    %add3A_114 = arith.addi %mul3A_20, %add3A_113 : i32
    %sub3A_115 = arith.constant 32 : i32
    %sub3A_116 = arith.subi %add3A_114, %sub3A_115 : i32
    %jit3A_117 = arith.constant 128 : i32
    %div3A_118 = arith.divsi %sub3A_116, %jit3A_117 : i32
    %sign3A_119 = arith.constant 0 : i32
    %sign3A_120 = arith.cmpi sgt, %sub3A_116, %sign3A_119 : i32
    %sign3A_121 = arith.extui %sign3A_120 : i1 to i32
    %sign3A_122 = arith.constant 0 : i32
    %sign3A_123 = arith.cmpi slt, %sub3A_116, %sign3A_122 : i32
    %sign3A_124 = arith.extui %sign3A_123 : i1 to i32
    %sign3A_125 = arith.subi %sign3A_121, %sign3A_124 : i32
    %sign3A_126 = arith.constant 0 : i32
    %sign3A_127 = arith.cmpi sgt, %jit3A_117, %sign3A_126 : i32
    %sign3A_128 = arith.extui %sign3A_127 : i1 to i32
    %sign3A_129 = arith.constant 0 : i32
    %sign3A_130 = arith.cmpi slt, %jit3A_117, %sign3A_129 : i32
    %sign3A_131 = arith.extui %sign3A_130 : i1 to i32
    %sign3A_132 = arith.subi %sign3A_128, %sign3A_131 : i32
    %ne3A_133 = arith.cmpi ne, %sign3A_125, %sign3A_132 : i32
    %rem3A_134 = arith.remsi %sub3A_116, %jit3A_117 : i32
    %ne3A_135 = arith.constant 0 : i32
    %ne3A_136 = arith.cmpi ne, %rem3A_134, %ne3A_135 : i32
    %and3A_137 = arith.andi %ne3A_133, %ne3A_136 : i1
    %sub3A_138 = arith.constant 1 : i32
    %sub3A_139 = arith.subi %div3A_118, %sub3A_138 : i32
    %select_n3A_140 = arith.select %and3A_137, %sub3A_139, %div3A_118 : i32
    %mul3A_141 = arith.constant 128 : i32
    %mul3A_142 = arith.muli %select_n3A_140, %mul3A_141 : i32
    %jit3A_143 = arith.constant 0 : i32
    %jit3A_144 = arith.constant 1792 : i32
    %max3A_145 = arith.maxsi %jit3A_143, %mul3A_142 : i32
    %min3A_146 = arith.minsi %jit3A_144, %max3A_145 : i32
    %multiple_of3A_147 = tpu.assume_multiple %min3A_146, 128 : i32
    %dma_start3A = arith.constant 0 : i32
    %dma_start3A_148 = tpu.memref_slice %arg5[%multiple_of3A_112, %dma_start3A] : memref<192x256xf32, #tpu.memory_space<vmem>> -> memref<64x256xf32, #tpu.memory_space<vmem>>
    %dma_start3A_149 = arith.constant 0 : i32
    %dma_start3A_150 = arith.constant 0 : i32
    %dma_start3A_151 = tpu.memref_slice %arg3[%add3A_110, %dma_start3A_149, %dma_start3A_150] : memref<2048x64x2048xf32, #tpu.memory_space<hbm>> -> memref<1x64x2048xf32, #tpu.memory_space<hbm>>
    %dma_start3A_152 = tpu.memref_squeeze %dma_start3A_151 : memref<1x64x2048xf32, #tpu.memory_space<hbm>> -> memref<64x2048xf32, #tpu.memory_space<hbm>>
    %dma_start3A_153 = arith.constant 0 : i32
    %dma_start3A_154 = tpu.memref_slice %dma_start3A_152[%dma_start3A_153, %multiple_of3A_147] : memref<64x2048xf32, #tpu.memory_space<hbm>> -> memref<64x256xf32, #tpu.memory_space<hbm>>
    %dma_start3A_155 = arith.constant 0 : i32
    %dma_start3A_156 = arith.constant 0 : i32
    %dma_start3A_157 = tpu.memref_slice %arg3[%add3A_110, %dma_start3A_155, %dma_start3A_156] : memref<2048x64x2048xf32, #tpu.memory_space<hbm>> -> memref<1x64x2048xf32, #tpu.memory_space<hbm>>
    %dma_start3A_158 = tpu.memref_squeeze %dma_start3A_157 : memref<1x64x2048xf32, #tpu.memory_space<hbm>> -> memref<64x2048xf32, #tpu.memory_space<hbm>>
    %dma_start3A_159 = arith.constant 0 : i32
    %dma_start3A_160 = tpu.memref_slice %dma_start3A_158[%dma_start3A_159, %multiple_of3A_147] : memref<64x2048xf32, #tpu.memory_space<hbm>> -> memref<64x256xf32, #tpu.memory_space<hbm>>
    %dma_start3A_161 = arith.constant 0 : i32
    %dma_start3A_162 = tpu.memref_slice %arg5[%multiple_of3A_112, %dma_start3A_161] : memref<192x256xf32, #tpu.memory_space<vmem>> -> memref<64x256xf32, #tpu.memory_space<vmem>>
    tpu.enqueue_dma source(%dma_start3A_162 : memref<64x256xf32, #tpu.memory_space<vmem>>) target(%dma_start3A_160 : memref<64x256xf32, #tpu.memory_space<hbm>>) target_semaphore(%arg8 : memref<!tpu.dma_semaphore, #tpu.memory_space<semaphore_mem>>)
    %add3A_163 = arith.constant 256 : i32
    %add3A_164 = arith.addi %multiple_of3A_108, %add3A_163 : i32
    %sub3A_165 = arith.constant 2048 : i32
    %sub3A_166 = arith.subi %sub3A_165, %add3A_164 : i32
    %and3A_167 = arith.constant -2048 : i32
    %and3A_168 = arith.andi %multiple_of3A_108, %and3A_167 : i32
    %and3A_169 = arith.constant -2048 : i32
    %and3A_170 = arith.andi %sub3A_166, %and3A_169 : i32
    %add3A_171 = arith.addi %add3A_164, %and3A_170 : i32
    %and3A_172 = arith.constant 1024 : i32
    %and3A_173 = arith.andi %multiple_of3A_108, %and3A_172 : i32
    %ne3A_174 = arith.constant 0 : i32
    %ne3A_175 = arith.cmpi ne, %and3A_173, %ne3A_174 : i32
    %convert_element_type3A_176 = arith.extui %ne3A_175 : i1 to i32
    %cond3A_177 = arith.constant 0 : i32
    %cond3A_178 = arith.cmpi ne, %convert_element_type3A_176, %cond3A_177 : i32
    scf.if %cond3A_178 {
      %multiple_of3A_707 = tpu.assume_multiple %and3A_168, 128 : i32
      %dma_start3A_708 = arith.constant 0 : i32
      %dma_start3A_709 = arith.constant 0 : i32
      %dma_start3A_710 = tpu.memref_slice %arg3[%add3A_73, %dma_start3A_708, %dma_start3A_709] : memref<2048x64x2048xf32, #tpu.memory_space<hbm>> -> memref<1x64x2048xf32, #tpu.memory_space<hbm>>
      %dma_start3A_711 = tpu.memref_squeeze %dma_start3A_710 : memref<1x64x2048xf32, #tpu.memory_space<hbm>> -> memref<64x2048xf32, #tpu.memory_space<hbm>>
      %dma_start3A_712 = arith.constant 0 : i32
      %dma_start3A_713 = tpu.memref_slice %dma_start3A_711[%dma_start3A_712, %multiple_of3A_707] : memref<64x2048xf32, #tpu.memory_space<hbm>> -> memref<64x1024xf32, #tpu.memory_space<hbm>>
      %dma_start3A_714 = arith.constant 0 : i32
      %dma_start3A_715 = arith.constant 0 : i32
      %dma_start3A_716 = tpu.memref_slice %arg6[%dma_start3A_714, %dma_start3A_715] : memref<64x2048xf32, #tpu.memory_space<vmem_shared>> -> memref<64x1024xf32, #tpu.memory_space<vmem_shared>>
      tpu.enqueue_dma source(%dma_start3A_716 : memref<64x1024xf32, #tpu.memory_space<vmem_shared>>) target(%dma_start3A_713 : memref<64x1024xf32, #tpu.memory_space<hbm>>) target_semaphore(%arg9 : memref<!tpu.dma_semaphore, #tpu.memory_space<semaphore_mem>>)
    } else {
    }
    %and3A_179 = arith.constant 1024 : i32
    %and3A_180 = arith.andi %sub3A_166, %and3A_179 : i32
    %ne3A_181 = arith.constant 0 : i32
    %ne3A_182 = arith.cmpi ne, %and3A_180, %ne3A_181 : i32
    %convert_element_type3A_183 = arith.extui %ne3A_182 : i1 to i32
    %cond3A_184 = arith.constant 0 : i32
    %cond3A_185 = arith.cmpi ne, %convert_element_type3A_183, %cond3A_184 : i32
    scf.if %cond3A_185 {
      %multiple_of3A_707 = tpu.assume_multiple %add3A_171, 128 : i32
      %dma_start3A_708 = arith.constant 0 : i32
      %dma_start3A_709 = arith.constant 0 : i32
      %dma_start3A_710 = tpu.memref_slice %arg3[%add3A_73, %dma_start3A_708, %dma_start3A_709] : memref<2048x64x2048xf32, #tpu.memory_space<hbm>> -> memref<1x64x2048xf32, #tpu.memory_space<hbm>>
      %dma_start3A_711 = tpu.memref_squeeze %dma_start3A_710 : memref<1x64x2048xf32, #tpu.memory_space<hbm>> -> memref<64x2048xf32, #tpu.memory_space<hbm>>
      %dma_start3A_712 = arith.constant 0 : i32
      %dma_start3A_713 = tpu.memref_slice %dma_start3A_711[%dma_start3A_712, %multiple_of3A_707] : memref<64x2048xf32, #tpu.memory_space<hbm>> -> memref<64x1024xf32, #tpu.memory_space<hbm>>
      %dma_start3A_714 = arith.constant 0 : i32
      %dma_start3A_715 = arith.constant 0 : i32
      %dma_start3A_716 = tpu.memref_slice %arg7[%dma_start3A_714, %dma_start3A_715] : memref<64x2048xf32, #tpu.memory_space<vmem_shared>> -> memref<64x1024xf32, #tpu.memory_space<vmem_shared>>
      tpu.enqueue_dma source(%dma_start3A_716 : memref<64x1024xf32, #tpu.memory_space<vmem_shared>>) target(%dma_start3A_713 : memref<64x1024xf32, #tpu.memory_space<hbm>>) target_semaphore(%arg9 : memref<!tpu.dma_semaphore, #tpu.memory_space<semaphore_mem>>)
    } else {
    }
    %and3A_186 = arith.constant -1024 : i32
    %and3A_187 = arith.andi %multiple_of3A_108, %and3A_186 : i32
    %and3A_188 = arith.constant -1024 : i32
    %and3A_189 = arith.andi %sub3A_166, %and3A_188 : i32
    %add3A_190 = arith.addi %add3A_164, %and3A_189 : i32
    %and3A_191 = arith.constant 512 : i32
    %and3A_192 = arith.andi %multiple_of3A_108, %and3A_191 : i32
    %ne3A_193 = arith.constant 0 : i32
    %ne3A_194 = arith.cmpi ne, %and3A_192, %ne3A_193 : i32
    %convert_element_type3A_195 = arith.extui %ne3A_194 : i1 to i32
    %cond3A_196 = arith.constant 0 : i32
    %cond3A_197 = arith.cmpi ne, %convert_element_type3A_195, %cond3A_196 : i32
    scf.if %cond3A_197 {
      %multiple_of3A_707 = tpu.assume_multiple %and3A_187, 128 : i32
      %dma_start3A_708 = arith.constant 0 : i32
      %dma_start3A_709 = arith.constant 0 : i32
      %dma_start3A_710 = tpu.memref_slice %arg3[%add3A_73, %dma_start3A_708, %dma_start3A_709] : memref<2048x64x2048xf32, #tpu.memory_space<hbm>> -> memref<1x64x2048xf32, #tpu.memory_space<hbm>>
      %dma_start3A_711 = tpu.memref_squeeze %dma_start3A_710 : memref<1x64x2048xf32, #tpu.memory_space<hbm>> -> memref<64x2048xf32, #tpu.memory_space<hbm>>
      %dma_start3A_712 = arith.constant 0 : i32
      %dma_start3A_713 = tpu.memref_slice %dma_start3A_711[%dma_start3A_712, %multiple_of3A_707] : memref<64x2048xf32, #tpu.memory_space<hbm>> -> memref<64x512xf32, #tpu.memory_space<hbm>>
      %dma_start3A_714 = arith.constant 0 : i32
      %dma_start3A_715 = arith.constant 0 : i32
      %dma_start3A_716 = tpu.memref_slice %arg6[%dma_start3A_714, %dma_start3A_715] : memref<64x2048xf32, #tpu.memory_space<vmem_shared>> -> memref<64x512xf32, #tpu.memory_space<vmem_shared>>
      tpu.enqueue_dma source(%dma_start3A_716 : memref<64x512xf32, #tpu.memory_space<vmem_shared>>) target(%dma_start3A_713 : memref<64x512xf32, #tpu.memory_space<hbm>>) target_semaphore(%arg9 : memref<!tpu.dma_semaphore, #tpu.memory_space<semaphore_mem>>)
    } else {
    }
    %and3A_198 = arith.constant 512 : i32
    %and3A_199 = arith.andi %sub3A_166, %and3A_198 : i32
    %ne3A_200 = arith.constant 0 : i32
    %ne3A_201 = arith.cmpi ne, %and3A_199, %ne3A_200 : i32
    %convert_element_type3A_202 = arith.extui %ne3A_201 : i1 to i32
    %cond3A_203 = arith.constant 0 : i32
    %cond3A_204 = arith.cmpi ne, %convert_element_type3A_202, %cond3A_203 : i32
    scf.if %cond3A_204 {
      %multiple_of3A_707 = tpu.assume_multiple %add3A_190, 128 : i32
      %dma_start3A_708 = arith.constant 0 : i32
      %dma_start3A_709 = arith.constant 0 : i32
      %dma_start3A_710 = tpu.memref_slice %arg3[%add3A_73, %dma_start3A_708, %dma_start3A_709] : memref<2048x64x2048xf32, #tpu.memory_space<hbm>> -> memref<1x64x2048xf32, #tpu.memory_space<hbm>>
      %dma_start3A_711 = tpu.memref_squeeze %dma_start3A_710 : memref<1x64x2048xf32, #tpu.memory_space<hbm>> -> memref<64x2048xf32, #tpu.memory_space<hbm>>
      %dma_start3A_712 = arith.constant 0 : i32
      %dma_start3A_713 = tpu.memref_slice %dma_start3A_711[%dma_start3A_712, %multiple_of3A_707] : memref<64x2048xf32, #tpu.memory_space<hbm>> -> memref<64x512xf32, #tpu.memory_space<hbm>>
      %dma_start3A_714 = arith.constant 0 : i32
      %dma_start3A_715 = arith.constant 0 : i32
      %dma_start3A_716 = tpu.memref_slice %arg7[%dma_start3A_714, %dma_start3A_715] : memref<64x2048xf32, #tpu.memory_space<vmem_shared>> -> memref<64x512xf32, #tpu.memory_space<vmem_shared>>
      tpu.enqueue_dma source(%dma_start3A_716 : memref<64x512xf32, #tpu.memory_space<vmem_shared>>) target(%dma_start3A_713 : memref<64x512xf32, #tpu.memory_space<hbm>>) target_semaphore(%arg9 : memref<!tpu.dma_semaphore, #tpu.memory_space<semaphore_mem>>)
    } else {
    }
    %and3A_205 = arith.constant -512 : i32
    %and3A_206 = arith.andi %multiple_of3A_108, %and3A_205 : i32
    %and3A_207 = arith.constant -512 : i32
    %and3A_208 = arith.andi %sub3A_166, %and3A_207 : i32
    %add3A_209 = arith.addi %add3A_164, %and3A_208 : i32
    %and3A_210 = arith.constant 256 : i32
    %and3A_211 = arith.andi %multiple_of3A_108, %and3A_210 : i32
    %ne3A_212 = arith.constant 0 : i32
    %ne3A_213 = arith.cmpi ne, %and3A_211, %ne3A_212 : i32
    %convert_element_type3A_214 = arith.extui %ne3A_213 : i1 to i32
    %cond3A_215 = arith.constant 0 : i32
    %cond3A_216 = arith.cmpi ne, %convert_element_type3A_214, %cond3A_215 : i32
    scf.if %cond3A_216 {
      %multiple_of3A_707 = tpu.assume_multiple %and3A_206, 128 : i32
      %dma_start3A_708 = arith.constant 0 : i32
      %dma_start3A_709 = arith.constant 0 : i32
      %dma_start3A_710 = tpu.memref_slice %arg3[%add3A_73, %dma_start3A_708, %dma_start3A_709] : memref<2048x64x2048xf32, #tpu.memory_space<hbm>> -> memref<1x64x2048xf32, #tpu.memory_space<hbm>>
      %dma_start3A_711 = tpu.memref_squeeze %dma_start3A_710 : memref<1x64x2048xf32, #tpu.memory_space<hbm>> -> memref<64x2048xf32, #tpu.memory_space<hbm>>
      %dma_start3A_712 = arith.constant 0 : i32
      %dma_start3A_713 = tpu.memref_slice %dma_start3A_711[%dma_start3A_712, %multiple_of3A_707] : memref<64x2048xf32, #tpu.memory_space<hbm>> -> memref<64x256xf32, #tpu.memory_space<hbm>>
      %dma_start3A_714 = arith.constant 0 : i32
      %dma_start3A_715 = arith.constant 0 : i32
      %dma_start3A_716 = tpu.memref_slice %arg6[%dma_start3A_714, %dma_start3A_715] : memref<64x2048xf32, #tpu.memory_space<vmem_shared>> -> memref<64x256xf32, #tpu.memory_space<vmem_shared>>
      tpu.enqueue_dma source(%dma_start3A_716 : memref<64x256xf32, #tpu.memory_space<vmem_shared>>) target(%dma_start3A_713 : memref<64x256xf32, #tpu.memory_space<hbm>>) target_semaphore(%arg9 : memref<!tpu.dma_semaphore, #tpu.memory_space<semaphore_mem>>)
    } else {
    }
    %and3A_217 = arith.constant 256 : i32
    %and3A_218 = arith.andi %sub3A_166, %and3A_217 : i32
    %ne3A_219 = arith.constant 0 : i32
    %ne3A_220 = arith.cmpi ne, %and3A_218, %ne3A_219 : i32
    %convert_element_type3A_221 = arith.extui %ne3A_220 : i1 to i32
    %cond3A_222 = arith.constant 0 : i32
    %cond3A_223 = arith.cmpi ne, %convert_element_type3A_221, %cond3A_222 : i32
    scf.if %cond3A_223 {
      %multiple_of3A_707 = tpu.assume_multiple %add3A_209, 128 : i32
      %dma_start3A_708 = arith.constant 0 : i32
      %dma_start3A_709 = arith.constant 0 : i32
      %dma_start3A_710 = tpu.memref_slice %arg3[%add3A_73, %dma_start3A_708, %dma_start3A_709] : memref<2048x64x2048xf32, #tpu.memory_space<hbm>> -> memref<1x64x2048xf32, #tpu.memory_space<hbm>>
      %dma_start3A_711 = tpu.memref_squeeze %dma_start3A_710 : memref<1x64x2048xf32, #tpu.memory_space<hbm>> -> memref<64x2048xf32, #tpu.memory_space<hbm>>
      %dma_start3A_712 = arith.constant 0 : i32
      %dma_start3A_713 = tpu.memref_slice %dma_start3A_711[%dma_start3A_712, %multiple_of3A_707] : memref<64x2048xf32, #tpu.memory_space<hbm>> -> memref<64x256xf32, #tpu.memory_space<hbm>>
      %dma_start3A_714 = arith.constant 0 : i32
      %dma_start3A_715 = arith.constant 0 : i32
      %dma_start3A_716 = tpu.memref_slice %arg7[%dma_start3A_714, %dma_start3A_715] : memref<64x2048xf32, #tpu.memory_space<vmem_shared>> -> memref<64x256xf32, #tpu.memory_space<vmem_shared>>
      tpu.enqueue_dma source(%dma_start3A_716 : memref<64x256xf32, #tpu.memory_space<vmem_shared>>) target(%dma_start3A_713 : memref<64x256xf32, #tpu.memory_space<hbm>>) target_semaphore(%arg9 : memref<!tpu.dma_semaphore, #tpu.memory_space<semaphore_mem>>)
    } else {
    }
    %and3A_224 = arith.constant -256 : i32
    %and3A_225 = arith.andi %multiple_of3A_108, %and3A_224 : i32
    %and3A_226 = arith.constant -256 : i32
    %and3A_227 = arith.andi %sub3A_166, %and3A_226 : i32
    %add3A_228 = arith.addi %add3A_164, %and3A_227 : i32
    %and3A_229 = arith.constant 128 : i32
    %and3A_230 = arith.andi %multiple_of3A_108, %and3A_229 : i32
    %ne3A_231 = arith.constant 0 : i32
    %ne3A_232 = arith.cmpi ne, %and3A_230, %ne3A_231 : i32
    %convert_element_type3A_233 = arith.extui %ne3A_232 : i1 to i32
    %cond3A_234 = arith.constant 0 : i32
    %cond3A_235 = arith.cmpi ne, %convert_element_type3A_233, %cond3A_234 : i32
    scf.if %cond3A_235 {
      %multiple_of3A_707 = tpu.assume_multiple %and3A_225, 128 : i32
      %dma_start3A_708 = arith.constant 0 : i32
      %dma_start3A_709 = arith.constant 0 : i32
      %dma_start3A_710 = tpu.memref_slice %arg3[%add3A_73, %dma_start3A_708, %dma_start3A_709] : memref<2048x64x2048xf32, #tpu.memory_space<hbm>> -> memref<1x64x2048xf32, #tpu.memory_space<hbm>>
      %dma_start3A_711 = tpu.memref_squeeze %dma_start3A_710 : memref<1x64x2048xf32, #tpu.memory_space<hbm>> -> memref<64x2048xf32, #tpu.memory_space<hbm>>
      %dma_start3A_712 = arith.constant 0 : i32
      %dma_start3A_713 = tpu.memref_slice %dma_start3A_711[%dma_start3A_712, %multiple_of3A_707] : memref<64x2048xf32, #tpu.memory_space<hbm>> -> memref<64x128xf32, #tpu.memory_space<hbm>>
      %dma_start3A_714 = arith.constant 0 : i32
      %dma_start3A_715 = arith.constant 0 : i32
      %dma_start3A_716 = tpu.memref_slice %arg6[%dma_start3A_714, %dma_start3A_715] : memref<64x2048xf32, #tpu.memory_space<vmem_shared>> -> memref<64x128xf32, #tpu.memory_space<vmem_shared>>
      tpu.enqueue_dma source(%dma_start3A_716 : memref<64x128xf32, #tpu.memory_space<vmem_shared>>) target(%dma_start3A_713 : memref<64x128xf32, #tpu.memory_space<hbm>>) target_semaphore(%arg9 : memref<!tpu.dma_semaphore, #tpu.memory_space<semaphore_mem>>)
    } else {
    }
    %and3A_236 = arith.constant 128 : i32
    %and3A_237 = arith.andi %sub3A_166, %and3A_236 : i32
    %ne3A_238 = arith.constant 0 : i32
    %ne3A_239 = arith.cmpi ne, %and3A_237, %ne3A_238 : i32
    %convert_element_type3A_240 = arith.extui %ne3A_239 : i1 to i32
    %cond3A_241 = arith.constant 0 : i32
    %cond3A_242 = arith.cmpi ne, %convert_element_type3A_240, %cond3A_241 : i32
    scf.if %cond3A_242 {
      %multiple_of3A_707 = tpu.assume_multiple %add3A_228, 128 : i32
      %dma_start3A_708 = arith.constant 0 : i32
      %dma_start3A_709 = arith.constant 0 : i32
      %dma_start3A_710 = tpu.memref_slice %arg3[%add3A_73, %dma_start3A_708, %dma_start3A_709] : memref<2048x64x2048xf32, #tpu.memory_space<hbm>> -> memref<1x64x2048xf32, #tpu.memory_space<hbm>>
      %dma_start3A_711 = tpu.memref_squeeze %dma_start3A_710 : memref<1x64x2048xf32, #tpu.memory_space<hbm>> -> memref<64x2048xf32, #tpu.memory_space<hbm>>
      %dma_start3A_712 = arith.constant 0 : i32
      %dma_start3A_713 = tpu.memref_slice %dma_start3A_711[%dma_start3A_712, %multiple_of3A_707] : memref<64x2048xf32, #tpu.memory_space<hbm>> -> memref<64x128xf32, #tpu.memory_space<hbm>>
      %dma_start3A_714 = arith.constant 0 : i32
      %dma_start3A_715 = arith.constant 0 : i32
      %dma_start3A_716 = tpu.memref_slice %arg7[%dma_start3A_714, %dma_start3A_715] : memref<64x2048xf32, #tpu.memory_space<vmem_shared>> -> memref<64x128xf32, #tpu.memory_space<vmem_shared>>
      tpu.enqueue_dma source(%dma_start3A_716 : memref<64x128xf32, #tpu.memory_space<vmem_shared>>) target(%dma_start3A_713 : memref<64x128xf32, #tpu.memory_space<hbm>>) target_semaphore(%arg9 : memref<!tpu.dma_semaphore, #tpu.memory_space<semaphore_mem>>)
    } else {
    }
    %add3A_243 = arith.constant 1 : i32
    %add3A_244 = arith.addi %mul3A_20, %add3A_243 : i32
    %sub3A_245 = arith.constant 288 : i32
    %sub3A_246 = arith.subi %sub3A_245, %add3A_244 : i32
    %add3A_247 = arith.constant 1 : i32
    %add3A_248 = arith.addi %mul3A_20, %add3A_247 : i32
    %sub3A_249 = arith.constant 32 : i32
    %sub3A_250 = arith.subi %add3A_248, %sub3A_249 : i32
    %jit3A_251 = arith.constant 128 : i32
    %div3A_252 = arith.divsi %sub3A_250, %jit3A_251 : i32
    %sign3A_253 = arith.constant 0 : i32
    %sign3A_254 = arith.cmpi sgt, %sub3A_250, %sign3A_253 : i32
    %sign3A_255 = arith.extui %sign3A_254 : i1 to i32
    %sign3A_256 = arith.constant 0 : i32
    %sign3A_257 = arith.cmpi slt, %sub3A_250, %sign3A_256 : i32
    %sign3A_258 = arith.extui %sign3A_257 : i1 to i32
    %sign3A_259 = arith.subi %sign3A_255, %sign3A_258 : i32
    %sign3A_260 = arith.constant 0 : i32
    %sign3A_261 = arith.cmpi sgt, %jit3A_251, %sign3A_260 : i32
    %sign3A_262 = arith.extui %sign3A_261 : i1 to i32
    %sign3A_263 = arith.constant 0 : i32
    %sign3A_264 = arith.cmpi slt, %jit3A_251, %sign3A_263 : i32
    %sign3A_265 = arith.extui %sign3A_264 : i1 to i32
    %sign3A_266 = arith.subi %sign3A_262, %sign3A_265 : i32
    %ne3A_267 = arith.cmpi ne, %sign3A_259, %sign3A_266 : i32
    %rem3A_268 = arith.remsi %sub3A_250, %jit3A_251 : i32
    %ne3A_269 = arith.constant 0 : i32
    %ne3A_270 = arith.cmpi ne, %rem3A_268, %ne3A_269 : i32
    %and3A_271 = arith.andi %ne3A_267, %ne3A_270 : i1
    %sub3A_272 = arith.constant 1 : i32
    %sub3A_273 = arith.subi %div3A_252, %sub3A_272 : i32
    %select_n3A_274 = arith.select %and3A_271, %sub3A_273, %div3A_252 : i32
    %mul3A_275 = arith.constant 128 : i32
    %mul3A_276 = arith.muli %select_n3A_274, %mul3A_275 : i32
    %jit3A_277 = arith.constant 0 : i32
    %jit3A_278 = arith.constant 1792 : i32
    %max3A_279 = arith.maxsi %jit3A_277, %mul3A_276 : i32
    %min3A_280 = arith.minsi %jit3A_278, %max3A_279 : i32
    %multiple_of3A_281 = tpu.assume_multiple %min3A_280, 128 : i32
    %add3A_282 = arith.addi %sub3A_246, %multiple_of3A_281 : i32
    %and3A_283 = arith.constant 15 : i32
    %and3A_284 = arith.andi %add3A_282, %and3A_283 : i32
    %sub3A_285 = arith.subi %add3A_282, %and3A_284 : i32
    %add3A_286 = vector.broadcast %and3A_284 : i32 to vector<16xi32>
    %add3A_287 = arith.addi %iota3A, %add3A_286 : vector<16xi32>
    %and3A_288 = arith.constant 15 : i32
    %and3A_289 = vector.broadcast %and3A_288 : i32 to vector<16xi32>
    %and3A_290 = arith.andi %add3A_287, %and3A_289 : vector<16xi32>
    %ge3A_291 = arith.constant 16 : i32
    %ge3A_292 = vector.broadcast %ge3A_291 : i32 to vector<16xi32>
    %ge3A_293 = arith.cmpi sge, %add3A_287, %ge3A_292 : vector<16xi32>
    %scan3A_294 = arith.constant 0 : i32
    %scan3A_295 = arith.constant 0 : i32
    %scan3A_296 = arith.constant 64 : i32
    %scan3A_297 = arith.addi %scan3A_295, %scan3A_296 : i32
    %scan3A_298 = arith.constant 1 : i32
    scf.for %scan3A_707 = %scan3A_295 to %scan3A_297 step %scan3A_298  : i32 {
      %add3A_708 = arith.constant 0 : i32
      %add3A_709 = arith.addi %sub3A_285, %add3A_708 : i32
      %multiple_of3A_710 = tpu.assume_multiple %add3A_709, 16 : i32
      %get3A = arith.index_cast %scan3A_707 : i32 to index
      %get3A_711 = arith.index_cast %multiple_of3A_710 : i32 to index
      %get3A_712 = tpu.vector_load %arg4[%get3A, %get3A_711] {strides = array<i32>} : memref<64x640xf32, #tpu.memory_space<vmem>>, vector<1x16xf32>,
      %get3A_713 = vector.shape_cast %get3A_712 : vector<1x16xf32> to vector<16xf32>
      %add3A_714 = arith.constant 0 : i32
      %add3A_715 = arith.addi %sub3A_285, %add3A_714 : i32
      %add3A_716 = arith.constant 16 : i32
      %add3A_717 = arith.addi %add3A_715, %add3A_716 : i32
      %multiple_of3A_718 = tpu.assume_multiple %add3A_717, 16 : i32
      %get3A_719 = arith.index_cast %scan3A_707 : i32 to index
      %get3A_720 = arith.index_cast %multiple_of3A_718 : i32 to index
      %get3A_721 = tpu.vector_load %arg4[%get3A_719, %get3A_720] {strides = array<i32>} : memref<64x640xf32, #tpu.memory_space<vmem>>, vector<1x16xf32>,
      %get3A_722 = vector.shape_cast %get3A_721 : vector<1x16xf32> to vector<16xf32>
      %lt3A_723 = arith.constant 0 : i32
      %lt3A_724 = vector.broadcast %lt3A_723 : i32 to vector<16xi32>
      %lt3A_725 = arith.cmpi slt, %and3A_290, %lt3A_724 : vector<16xi32>
      %add3A_726 = arith.constant 16 : i32
      %add3A_727 = vector.broadcast %add3A_726 : i32 to vector<16xi32>
      %add3A_728 = arith.addi %and3A_290, %add3A_727 : vector<16xi32>
      %select_n3A_729 = arith.select %lt3A_725, %add3A_728, %and3A_290 : vector<16xi1>, vector<16xi32>
      %broadcast_in_dim3A = vector.shape_cast %select_n3A_729 : vector<16xi32> to vector<16x1xi32>
      %gather3A = vector.shape_cast %broadcast_in_dim3A : vector<16x1xi32> to vector<16xi32>
      %gather3A_730 = tpu.dynamic_gather %get3A_713[%gather3A] in [0] : vector<16xf32>, vector<16xi32> -> vector<16xf32>
      %lt3A_731 = arith.constant 0 : i32
      %lt3A_732 = vector.broadcast %lt3A_731 : i32 to vector<16xi32>
      %lt3A_733 = arith.cmpi slt, %and3A_290, %lt3A_732 : vector<16xi32>
      %add3A_734 = arith.constant 16 : i32
      %add3A_735 = vector.broadcast %add3A_734 : i32 to vector<16xi32>
      %add3A_736 = arith.addi %and3A_290, %add3A_735 : vector<16xi32>
      %select_n3A_737 = arith.select %lt3A_733, %add3A_736, %and3A_290 : vector<16xi1>, vector<16xi32>
      %broadcast_in_dim3A_738 = vector.shape_cast %select_n3A_737 : vector<16xi32> to vector<16x1xi32>
      %gather3A_739 = vector.shape_cast %broadcast_in_dim3A_738 : vector<16x1xi32> to vector<16xi32>
      %gather3A_740 = tpu.dynamic_gather %get3A_722[%gather3A_739] in [0] : vector<16xf32>, vector<16xi32> -> vector<16xf32>
      %select_n3A_741 = arith.select %ge3A_293, %gather3A_740, %gather3A_730 : vector<16xi1>, vector<16xf32>
      %add3A_742 = arith.constant 64 : i32
      %add3A_743 = arith.addi %add3A_742, %scan3A_707 : i32
      %swap3A = arith.index_cast %add3A_743 : i32 to index
      %swap3A_744 = arith.constant 0 : index
      %swap3A_745 = tpu.vector_load %arg5[%swap3A, %swap3A_744] {strides = array<i32>} : memref<192x256xf32, #tpu.memory_space<vmem>>, vector<1x16xf32>,
      %swap3A_746 = vector.shape_cast %swap3A_745 : vector<1x16xf32> to vector<16xf32>
      %swap3A_747 = vector.shape_cast %select_n3A_741 : vector<16xf32> to vector<1x16xf32>
      tpu.vector_store %arg5[%swap3A, %swap3A_744], %swap3A_747 {strides = array<i32>} : memref<192x256xf32, #tpu.memory_space<vmem>>, vector<1x16xf32>,
      %add3A_748 = arith.constant 16 : i32
      %add3A_749 = arith.addi %sub3A_285, %add3A_748 : i32
      %multiple_of3A_750 = tpu.assume_multiple %add3A_749, 16 : i32
      %get3A_751 = arith.index_cast %scan3A_707 : i32 to index
      %get3A_752 = arith.index_cast %multiple_of3A_750 : i32 to index
      %get3A_753 = tpu.vector_load %arg4[%get3A_751, %get3A_752] {strides = array<i32>} : memref<64x640xf32, #tpu.memory_space<vmem>>, vector<1x16xf32>,
      %get3A_754 = vector.shape_cast %get3A_753 : vector<1x16xf32> to vector<16xf32>
      %add3A_755 = arith.constant 16 : i32
      %add3A_756 = arith.addi %sub3A_285, %add3A_755 : i32
      %add3A_757 = arith.constant 16 : i32
      %add3A_758 = arith.addi %add3A_756, %add3A_757 : i32
      %multiple_of3A_759 = tpu.assume_multiple %add3A_758, 16 : i32
      %get3A_760 = arith.index_cast %scan3A_707 : i32 to index
      %get3A_761 = arith.index_cast %multiple_of3A_759 : i32 to index
      %get3A_762 = tpu.vector_load %arg4[%get3A_760, %get3A_761] {strides = array<i32>} : memref<64x640xf32, #tpu.memory_space<vmem>>, vector<1x16xf32>,
      %get3A_763 = vector.shape_cast %get3A_762 : vector<1x16xf32> to vector<16xf32>
      %lt3A_764 = arith.constant 0 : i32
      %lt3A_765 = vector.broadcast %lt3A_764 : i32 to vector<16xi32>
      %lt3A_766 = arith.cmpi slt, %and3A_290, %lt3A_765 : vector<16xi32>
      %add3A_767 = arith.constant 16 : i32
      %add3A_768 = vector.broadcast %add3A_767 : i32 to vector<16xi32>
      %add3A_769 = arith.addi %and3A_290, %add3A_768 : vector<16xi32>
      %select_n3A_770 = arith.select %lt3A_766, %add3A_769, %and3A_290 : vector<16xi1>, vector<16xi32>
      %broadcast_in_dim3A_771 = vector.shape_cast %select_n3A_770 : vector<16xi32> to vector<16x1xi32>
      %gather3A_772 = vector.shape_cast %broadcast_in_dim3A_771 : vector<16x1xi32> to vector<16xi32>
      %gather3A_773 = tpu.dynamic_gather %get3A_754[%gather3A_772] in [0] : vector<16xf32>, vector<16xi32> -> vector<16xf32>
      %lt3A_774 = arith.constant 0 : i32
      %lt3A_775 = vector.broadcast %lt3A_774 : i32 to vector<16xi32>
      %lt3A_776 = arith.cmpi slt, %and3A_290, %lt3A_775 : vector<16xi32>
      %add3A_777 = arith.constant 16 : i32
      %add3A_778 = vector.broadcast %add3A_777 : i32 to vector<16xi32>
      %add3A_779 = arith.addi %and3A_290, %add3A_778 : vector<16xi32>
      %select_n3A_780 = arith.select %lt3A_776, %add3A_779, %and3A_290 : vector<16xi1>, vector<16xi32>
      %broadcast_in_dim3A_781 = vector.shape_cast %select_n3A_780 : vector<16xi32> to vector<16x1xi32>
      %gather3A_782 = vector.shape_cast %broadcast_in_dim3A_781 : vector<16x1xi32> to vector<16xi32>
      %gather3A_783 = tpu.dynamic_gather %get3A_763[%gather3A_782] in [0] : vector<16xf32>, vector<16xi32> -> vector<16xf32>
      %select_n3A_784 = arith.select %ge3A_293, %gather3A_783, %gather3A_773 : vector<16xi1>, vector<16xf32>
      %add3A_785 = arith.constant 64 : i32
      %add3A_786 = arith.addi %add3A_785, %scan3A_707 : i32
      %swap3A_787 = arith.index_cast %add3A_786 : i32 to index
      %swap3A_788 = arith.constant 16 : index
      %swap3A_789 = tpu.vector_load %arg5[%swap3A_787, %swap3A_788] {strides = array<i32>} : memref<192x256xf32, #tpu.memory_space<vmem>>, vector<1x16xf32>,
      %swap3A_790 = vector.shape_cast %swap3A_789 : vector<1x16xf32> to vector<16xf32>
      %swap3A_791 = vector.shape_cast %select_n3A_784 : vector<16xf32> to vector<1x16xf32>
      tpu.vector_store %arg5[%swap3A_787, %swap3A_788], %swap3A_791 {strides = array<i32>} : memref<192x256xf32, #tpu.memory_space<vmem>>, vector<1x16xf32>,
      %add3A_792 = arith.constant 32 : i32
      %add3A_793 = arith.addi %sub3A_285, %add3A_792 : i32
      %multiple_of3A_794 = tpu.assume_multiple %add3A_793, 16 : i32
      %get3A_795 = arith.index_cast %scan3A_707 : i32 to index
      %get3A_796 = arith.index_cast %multiple_of3A_794 : i32 to index
      %get3A_797 = tpu.vector_load %arg4[%get3A_795, %get3A_796] {strides = array<i32>} : memref<64x640xf32, #tpu.memory_space<vmem>>, vector<1x16xf32>,
      %get3A_798 = vector.shape_cast %get3A_797 : vector<1x16xf32> to vector<16xf32>
      %add3A_799 = arith.constant 32 : i32
      %add3A_800 = arith.addi %sub3A_285, %add3A_799 : i32
      %add3A_801 = arith.constant 16 : i32
      %add3A_802 = arith.addi %add3A_800, %add3A_801 : i32
      %multiple_of3A_803 = tpu.assume_multiple %add3A_802, 16 : i32
      %get3A_804 = arith.index_cast %scan3A_707 : i32 to index
      %get3A_805 = arith.index_cast %multiple_of3A_803 : i32 to index
      %get3A_806 = tpu.vector_load %arg4[%get3A_804, %get3A_805] {strides = array<i32>} : memref<64x640xf32, #tpu.memory_space<vmem>>, vector<1x16xf32>,
      %get3A_807 = vector.shape_cast %get3A_806 : vector<1x16xf32> to vector<16xf32>
      %lt3A_808 = arith.constant 0 : i32
      %lt3A_809 = vector.broadcast %lt3A_808 : i32 to vector<16xi32>
      %lt3A_810 = arith.cmpi slt, %and3A_290, %lt3A_809 : vector<16xi32>
      %add3A_811 = arith.constant 16 : i32
      %add3A_812 = vector.broadcast %add3A_811 : i32 to vector<16xi32>
      %add3A_813 = arith.addi %and3A_290, %add3A_812 : vector<16xi32>
      %select_n3A_814 = arith.select %lt3A_810, %add3A_813, %and3A_290 : vector<16xi1>, vector<16xi32>
      %broadcast_in_dim3A_815 = vector.shape_cast %select_n3A_814 : vector<16xi32> to vector<16x1xi32>
      %gather3A_816 = vector.shape_cast %broadcast_in_dim3A_815 : vector<16x1xi32> to vector<16xi32>
      %gather3A_817 = tpu.dynamic_gather %get3A_798[%gather3A_816] in [0] : vector<16xf32>, vector<16xi32> -> vector<16xf32>
      %lt3A_818 = arith.constant 0 : i32
      %lt3A_819 = vector.broadcast %lt3A_818 : i32 to vector<16xi32>
      %lt3A_820 = arith.cmpi slt, %and3A_290, %lt3A_819 : vector<16xi32>
      %add3A_821 = arith.constant 16 : i32
      %add3A_822 = vector.broadcast %add3A_821 : i32 to vector<16xi32>
      %add3A_823 = arith.addi %and3A_290, %add3A_822 : vector<16xi32>
      %select_n3A_824 = arith.select %lt3A_820, %add3A_823, %and3A_290 : vector<16xi1>, vector<16xi32>
      %broadcast_in_dim3A_825 = vector.shape_cast %select_n3A_824 : vector<16xi32> to vector<16x1xi32>
      %gather3A_826 = vector.shape_cast %broadcast_in_dim3A_825 : vector<16x1xi32> to vector<16xi32>
      %gather3A_827 = tpu.dynamic_gather %get3A_807[%gather3A_826] in [0] : vector<16xf32>, vector<16xi32> -> vector<16xf32>
      %select_n3A_828 = arith.select %ge3A_293, %gather3A_827, %gather3A_817 : vector<16xi1>, vector<16xf32>
      %add3A_829 = arith.constant 64 : i32
      %add3A_830 = arith.addi %add3A_829, %scan3A_707 : i32
      %swap3A_831 = arith.index_cast %add3A_830 : i32 to index
      %swap3A_832 = arith.constant 32 : index
      %swap3A_833 = tpu.vector_load %arg5[%swap3A_831, %swap3A_832] {strides = array<i32>} : memref<192x256xf32, #tpu.memory_space<vmem>>, vector<1x16xf32>,
      %swap3A_834 = vector.shape_cast %swap3A_833 : vector<1x16xf32> to vector<16xf32>
      %swap3A_835 = vector.shape_cast %select_n3A_828 : vector<16xf32> to vector<1x16xf32>
      tpu.vector_store %arg5[%swap3A_831, %swap3A_832], %swap3A_835 {strides = array<i32>} : memref<192x256xf32, #tpu.memory_space<vmem>>, vector<1x16xf32>,
      %add3A_836 = arith.constant 48 : i32
      %add3A_837 = arith.addi %sub3A_285, %add3A_836 : i32
      %multiple_of3A_838 = tpu.assume_multiple %add3A_837, 16 : i32
      %get3A_839 = arith.index_cast %scan3A_707 : i32 to index
      %get3A_840 = arith.index_cast %multiple_of3A_838 : i32 to index
      %get3A_841 = tpu.vector_load %arg4[%get3A_839, %get3A_840] {strides = array<i32>} : memref<64x640xf32, #tpu.memory_space<vmem>>, vector<1x16xf32>,
      %get3A_842 = vector.shape_cast %get3A_841 : vector<1x16xf32> to vector<16xf32>
      %add3A_843 = arith.constant 48 : i32
      %add3A_844 = arith.addi %sub3A_285, %add3A_843 : i32
      %add3A_845 = arith.constant 16 : i32
      %add3A_846 = arith.addi %add3A_844, %add3A_845 : i32
      %multiple_of3A_847 = tpu.assume_multiple %add3A_846, 16 : i32
      %get3A_848 = arith.index_cast %scan3A_707 : i32 to index
      %get3A_849 = arith.index_cast %multiple_of3A_847 : i32 to index
      %get3A_850 = tpu.vector_load %arg4[%get3A_848, %get3A_849] {strides = array<i32>} : memref<64x640xf32, #tpu.memory_space<vmem>>, vector<1x16xf32>,
      %get3A_851 = vector.shape_cast %get3A_850 : vector<1x16xf32> to vector<16xf32>
      %lt3A_852 = arith.constant 0 : i32
      %lt3A_853 = vector.broadcast %lt3A_852 : i32 to vector<16xi32>
      %lt3A_854 = arith.cmpi slt, %and3A_290, %lt3A_853 : vector<16xi32>
      %add3A_855 = arith.constant 16 : i32
      %add3A_856 = vector.broadcast %add3A_855 : i32 to vector<16xi32>
      %add3A_857 = arith.addi %and3A_290, %add3A_856 : vector<16xi32>
      %select_n3A_858 = arith.select %lt3A_854, %add3A_857, %and3A_290 : vector<16xi1>, vector<16xi32>
      %broadcast_in_dim3A_859 = vector.shape_cast %select_n3A_858 : vector<16xi32> to vector<16x1xi32>
      %gather3A_860 = vector.shape_cast %broadcast_in_dim3A_859 : vector<16x1xi32> to vector<16xi32>
      %gather3A_861 = tpu.dynamic_gather %get3A_842[%gather3A_860] in [0] : vector<16xf32>, vector<16xi32> -> vector<16xf32>
      %lt3A_862 = arith.constant 0 : i32
      %lt3A_863 = vector.broadcast %lt3A_862 : i32 to vector<16xi32>
      %lt3A_864 = arith.cmpi slt, %and3A_290, %lt3A_863 : vector<16xi32>
      %add3A_865 = arith.constant 16 : i32
      %add3A_866 = vector.broadcast %add3A_865 : i32 to vector<16xi32>
      %add3A_867 = arith.addi %and3A_290, %add3A_866 : vector<16xi32>
      %select_n3A_868 = arith.select %lt3A_864, %add3A_867, %and3A_290 : vector<16xi1>, vector<16xi32>
      %broadcast_in_dim3A_869 = vector.shape_cast %select_n3A_868 : vector<16xi32> to vector<16x1xi32>
      %gather3A_870 = vector.shape_cast %broadcast_in_dim3A_869 : vector<16x1xi32> to vector<16xi32>
      %gather3A_871 = tpu.dynamic_gather %get3A_851[%gather3A_870] in [0] : vector<16xf32>, vector<16xi32> -> vector<16xf32>
      %select_n3A_872 = arith.select %ge3A_293, %gather3A_871, %gather3A_861 : vector<16xi1>, vector<16xf32>
      %add3A_873 = arith.constant 64 : i32
      %add3A_874 = arith.addi %add3A_873, %scan3A_707 : i32
      %swap3A_875 = arith.index_cast %add3A_874 : i32 to index
      %swap3A_876 = arith.constant 48 : index
      %swap3A_877 = tpu.vector_load %arg5[%swap3A_875, %swap3A_876] {strides = array<i32>} : memref<192x256xf32, #tpu.memory_space<vmem>>, vector<1x16xf32>,
      %swap3A_878 = vector.shape_cast %swap3A_877 : vector<1x16xf32> to vector<16xf32>
      %swap3A_879 = vector.shape_cast %select_n3A_872 : vector<16xf32> to vector<1x16xf32>
      tpu.vector_store %arg5[%swap3A_875, %swap3A_876], %swap3A_879 {strides = array<i32>} : memref<192x256xf32, #tpu.memory_space<vmem>>, vector<1x16xf32>,
      %add3A_880 = arith.constant 64 : i32
      %add3A_881 = arith.addi %sub3A_285, %add3A_880 : i32
      %multiple_of3A_882 = tpu.assume_multiple %add3A_881, 16 : i32
      %get3A_883 = arith.index_cast %scan3A_707 : i32 to index
      %get3A_884 = arith.index_cast %multiple_of3A_882 : i32 to index
      %get3A_885 = tpu.vector_load %arg4[%get3A_883, %get3A_884] {strides = array<i32>} : memref<64x640xf32, #tpu.memory_space<vmem>>, vector<1x16xf32>,
      %get3A_886 = vector.shape_cast %get3A_885 : vector<1x16xf32> to vector<16xf32>
      %add3A_887 = arith.constant 64 : i32
      %add3A_888 = arith.addi %sub3A_285, %add3A_887 : i32
      %add3A_889 = arith.constant 16 : i32
      %add3A_890 = arith.addi %add3A_888, %add3A_889 : i32
      %multiple_of3A_891 = tpu.assume_multiple %add3A_890, 16 : i32
      %get3A_892 = arith.index_cast %scan3A_707 : i32 to index
      %get3A_893 = arith.index_cast %multiple_of3A_891 : i32 to index
      %get3A_894 = tpu.vector_load %arg4[%get3A_892, %get3A_893] {strides = array<i32>} : memref<64x640xf32, #tpu.memory_space<vmem>>, vector<1x16xf32>,
      %get3A_895 = vector.shape_cast %get3A_894 : vector<1x16xf32> to vector<16xf32>
      %lt3A_896 = arith.constant 0 : i32
      %lt3A_897 = vector.broadcast %lt3A_896 : i32 to vector<16xi32>
      %lt3A_898 = arith.cmpi slt, %and3A_290, %lt3A_897 : vector<16xi32>
      %add3A_899 = arith.constant 16 : i32
      %add3A_900 = vector.broadcast %add3A_899 : i32 to vector<16xi32>
      %add3A_901 = arith.addi %and3A_290, %add3A_900 : vector<16xi32>
      %select_n3A_902 = arith.select %lt3A_898, %add3A_901, %and3A_290 : vector<16xi1>, vector<16xi32>
      %broadcast_in_dim3A_903 = vector.shape_cast %select_n3A_902 : vector<16xi32> to vector<16x1xi32>
      %gather3A_904 = vector.shape_cast %broadcast_in_dim3A_903 : vector<16x1xi32> to vector<16xi32>
      %gather3A_905 = tpu.dynamic_gather %get3A_886[%gather3A_904] in [0] : vector<16xf32>, vector<16xi32> -> vector<16xf32>
      %lt3A_906 = arith.constant 0 : i32
      %lt3A_907 = vector.broadcast %lt3A_906 : i32 to vector<16xi32>
      %lt3A_908 = arith.cmpi slt, %and3A_290, %lt3A_907 : vector<16xi32>
      %add3A_909 = arith.constant 16 : i32
      %add3A_910 = vector.broadcast %add3A_909 : i32 to vector<16xi32>
      %add3A_911 = arith.addi %and3A_290, %add3A_910 : vector<16xi32>
      %select_n3A_912 = arith.select %lt3A_908, %add3A_911, %and3A_290 : vector<16xi1>, vector<16xi32>
      %broadcast_in_dim3A_913 = vector.shape_cast %select_n3A_912 : vector<16xi32> to vector<16x1xi32>
      %gather3A_914 = vector.shape_cast %broadcast_in_dim3A_913 : vector<16x1xi32> to vector<16xi32>
      %gather3A_915 = tpu.dynamic_gather %get3A_895[%gather3A_914] in [0] : vector<16xf32>, vector<16xi32> -> vector<16xf32>
      %select_n3A_916 = arith.select %ge3A_293, %gather3A_915, %gather3A_905 : vector<16xi1>, vector<16xf32>
      %add3A_917 = arith.constant 64 : i32
      %add3A_918 = arith.addi %add3A_917, %scan3A_707 : i32
      %swap3A_919 = arith.index_cast %add3A_918 : i32 to index
      %swap3A_920 = arith.constant 64 : index
      %swap3A_921 = tpu.vector_load %arg5[%swap3A_919, %swap3A_920] {strides = array<i32>} : memref<192x256xf32, #tpu.memory_space<vmem>>, vector<1x16xf32>,
      %swap3A_922 = vector.shape_cast %swap3A_921 : vector<1x16xf32> to vector<16xf32>
      %swap3A_923 = vector.shape_cast %select_n3A_916 : vector<16xf32> to vector<1x16xf32>
      tpu.vector_store %arg5[%swap3A_919, %swap3A_920], %swap3A_923 {strides = array<i32>} : memref<192x256xf32, #tpu.memory_space<vmem>>, vector<1x16xf32>,
      %add3A_924 = arith.constant 80 : i32
      %add3A_925 = arith.addi %sub3A_285, %add3A_924 : i32
      %multiple_of3A_926 = tpu.assume_multiple %add3A_925, 16 : i32
      %get3A_927 = arith.index_cast %scan3A_707 : i32 to index
      %get3A_928 = arith.index_cast %multiple_of3A_926 : i32 to index
      %get3A_929 = tpu.vector_load %arg4[%get3A_927, %get3A_928] {strides = array<i32>} : memref<64x640xf32, #tpu.memory_space<vmem>>, vector<1x16xf32>,
      %get3A_930 = vector.shape_cast %get3A_929 : vector<1x16xf32> to vector<16xf32>
      %add3A_931 = arith.constant 80 : i32
      %add3A_932 = arith.addi %sub3A_285, %add3A_931 : i32
      %add3A_933 = arith.constant 16 : i32
      %add3A_934 = arith.addi %add3A_932, %add3A_933 : i32
      %multiple_of3A_935 = tpu.assume_multiple %add3A_934, 16 : i32
      %get3A_936 = arith.index_cast %scan3A_707 : i32 to index
      %get3A_937 = arith.index_cast %multiple_of3A_935 : i32 to index
      %get3A_938 = tpu.vector_load %arg4[%get3A_936, %get3A_937] {strides = array<i32>} : memref<64x640xf32, #tpu.memory_space<vmem>>, vector<1x16xf32>,
      %get3A_939 = vector.shape_cast %get3A_938 : vector<1x16xf32> to vector<16xf32>
      %lt3A_940 = arith.constant 0 : i32
      %lt3A_941 = vector.broadcast %lt3A_940 : i32 to vector<16xi32>
      %lt3A_942 = arith.cmpi slt, %and3A_290, %lt3A_941 : vector<16xi32>
      %add3A_943 = arith.constant 16 : i32
      %add3A_944 = vector.broadcast %add3A_943 : i32 to vector<16xi32>
      %add3A_945 = arith.addi %and3A_290, %add3A_944 : vector<16xi32>
      %select_n3A_946 = arith.select %lt3A_942, %add3A_945, %and3A_290 : vector<16xi1>, vector<16xi32>
      %broadcast_in_dim3A_947 = vector.shape_cast %select_n3A_946 : vector<16xi32> to vector<16x1xi32>
      %gather3A_948 = vector.shape_cast %broadcast_in_dim3A_947 : vector<16x1xi32> to vector<16xi32>
      %gather3A_949 = tpu.dynamic_gather %get3A_930[%gather3A_948] in [0] : vector<16xf32>, vector<16xi32> -> vector<16xf32>
      %lt3A_950 = arith.constant 0 : i32
      %lt3A_951 = vector.broadcast %lt3A_950 : i32 to vector<16xi32>
      %lt3A_952 = arith.cmpi slt, %and3A_290, %lt3A_951 : vector<16xi32>
      %add3A_953 = arith.constant 16 : i32
      %add3A_954 = vector.broadcast %add3A_953 : i32 to vector<16xi32>
      %add3A_955 = arith.addi %and3A_290, %add3A_954 : vector<16xi32>
      %select_n3A_956 = arith.select %lt3A_952, %add3A_955, %and3A_290 : vector<16xi1>, vector<16xi32>
      %broadcast_in_dim3A_957 = vector.shape_cast %select_n3A_956 : vector<16xi32> to vector<16x1xi32>
      %gather3A_958 = vector.shape_cast %broadcast_in_dim3A_957 : vector<16x1xi32> to vector<16xi32>
      %gather3A_959 = tpu.dynamic_gather %get3A_939[%gather3A_958] in [0] : vector<16xf32>, vector<16xi32> -> vector<16xf32>
      %select_n3A_960 = arith.select %ge3A_293, %gather3A_959, %gather3A_949 : vector<16xi1>, vector<16xf32>
      %add3A_961 = arith.constant 64 : i32
      %add3A_962 = arith.addi %add3A_961, %scan3A_707 : i32
      %swap3A_963 = arith.index_cast %add3A_962 : i32 to index
      %swap3A_964 = arith.constant 80 : index
      %swap3A_965 = tpu.vector_load %arg5[%swap3A_963, %swap3A_964] {strides = array<i32>} : memref<192x256xf32, #tpu.memory_space<vmem>>, vector<1x16xf32>,
      %swap3A_966 = vector.shape_cast %swap3A_965 : vector<1x16xf32> to vector<16xf32>
      %swap3A_967 = vector.shape_cast %select_n3A_960 : vector<16xf32> to vector<1x16xf32>
      tpu.vector_store %arg5[%swap3A_963, %swap3A_964], %swap3A_967 {strides = array<i32>} : memref<192x256xf32, #tpu.memory_space<vmem>>, vector<1x16xf32>,
      %add3A_968 = arith.constant 96 : i32
      %add3A_969 = arith.addi %sub3A_285, %add3A_968 : i32
      %multiple_of3A_970 = tpu.assume_multiple %add3A_969, 16 : i32
      %get3A_971 = arith.index_cast %scan3A_707 : i32 to index
      %get3A_972 = arith.index_cast %multiple_of3A_970 : i32 to index
      %get3A_973 = tpu.vector_load %arg4[%get3A_971, %get3A_972] {strides = array<i32>} : memref<64x640xf32, #tpu.memory_space<vmem>>, vector<1x16xf32>,
      %get3A_974 = vector.shape_cast %get3A_973 : vector<1x16xf32> to vector<16xf32>
      %add3A_975 = arith.constant 96 : i32
      %add3A_976 = arith.addi %sub3A_285, %add3A_975 : i32
      %add3A_977 = arith.constant 16 : i32
      %add3A_978 = arith.addi %add3A_976, %add3A_977 : i32
      %multiple_of3A_979 = tpu.assume_multiple %add3A_978, 16 : i32
      %get3A_980 = arith.index_cast %scan3A_707 : i32 to index
      %get3A_981 = arith.index_cast %multiple_of3A_979 : i32 to index
      %get3A_982 = tpu.vector_load %arg4[%get3A_980, %get3A_981] {strides = array<i32>} : memref<64x640xf32, #tpu.memory_space<vmem>>, vector<1x16xf32>,
      %get3A_983 = vector.shape_cast %get3A_982 : vector<1x16xf32> to vector<16xf32>
      %lt3A_984 = arith.constant 0 : i32
      %lt3A_985 = vector.broadcast %lt3A_984 : i32 to vector<16xi32>
      %lt3A_986 = arith.cmpi slt, %and3A_290, %lt3A_985 : vector<16xi32>
      %add3A_987 = arith.constant 16 : i32
      %add3A_988 = vector.broadcast %add3A_987 : i32 to vector<16xi32>
      %add3A_989 = arith.addi %and3A_290, %add3A_988 : vector<16xi32>
      %select_n3A_990 = arith.select %lt3A_986, %add3A_989, %and3A_290 : vector<16xi1>, vector<16xi32>
      %broadcast_in_dim3A_991 = vector.shape_cast %select_n3A_990 : vector<16xi32> to vector<16x1xi32>
      %gather3A_992 = vector.shape_cast %broadcast_in_dim3A_991 : vector<16x1xi32> to vector<16xi32>
      %gather3A_993 = tpu.dynamic_gather %get3A_974[%gather3A_992] in [0] : vector<16xf32>, vector<16xi32> -> vector<16xf32>
      %lt3A_994 = arith.constant 0 : i32
      %lt3A_995 = vector.broadcast %lt3A_994 : i32 to vector<16xi32>
      %lt3A_996 = arith.cmpi slt, %and3A_290, %lt3A_995 : vector<16xi32>
      %add3A_997 = arith.constant 16 : i32
      %add3A_998 = vector.broadcast %add3A_997 : i32 to vector<16xi32>
      %add3A_999 = arith.addi %and3A_290, %add3A_998 : vector<16xi32>
      %select_n3A_1000 = arith.select %lt3A_996, %add3A_999, %and3A_290 : vector<16xi1>, vector<16xi32>
      %broadcast_in_dim3A_1001 = vector.shape_cast %select_n3A_1000 : vector<16xi32> to vector<16x1xi32>
      %gather3A_1002 = vector.shape_cast %broadcast_in_dim3A_1001 : vector<16x1xi32> to vector<16xi32>
      %gather3A_1003 = tpu.dynamic_gather %get3A_983[%gather3A_1002] in [0] : vector<16xf32>, vector<16xi32> -> vector<16xf32>
      %select_n3A_1004 = arith.select %ge3A_293, %gather3A_1003, %gather3A_993 : vector<16xi1>, vector<16xf32>
      %add3A_1005 = arith.constant 64 : i32
      %add3A_1006 = arith.addi %add3A_1005, %scan3A_707 : i32
      %swap3A_1007 = arith.index_cast %add3A_1006 : i32 to index
      %swap3A_1008 = arith.constant 96 : index
      %swap3A_1009 = tpu.vector_load %arg5[%swap3A_1007, %swap3A_1008] {strides = array<i32>} : memref<192x256xf32, #tpu.memory_space<vmem>>, vector<1x16xf32>,
      %swap3A_1010 = vector.shape_cast %swap3A_1009 : vector<1x16xf32> to vector<16xf32>
      %swap3A_1011 = vector.shape_cast %select_n3A_1004 : vector<16xf32> to vector<1x16xf32>
      tpu.vector_store %arg5[%swap3A_1007, %swap3A_1008], %swap3A_1011 {strides = array<i32>} : memref<192x256xf32, #tpu.memory_space<vmem>>, vector<1x16xf32>,
      %add3A_1012 = arith.constant 112 : i32
      %add3A_1013 = arith.addi %sub3A_285, %add3A_1012 : i32
      %multiple_of3A_1014 = tpu.assume_multiple %add3A_1013, 16 : i32
      %get3A_1015 = arith.index_cast %scan3A_707 : i32 to index
      %get3A_1016 = arith.index_cast %multiple_of3A_1014 : i32 to index
      %get3A_1017 = tpu.vector_load %arg4[%get3A_1015, %get3A_1016] {strides = array<i32>} : memref<64x640xf32, #tpu.memory_space<vmem>>, vector<1x16xf32>,
      %get3A_1018 = vector.shape_cast %get3A_1017 : vector<1x16xf32> to vector<16xf32>
      %add3A_1019 = arith.constant 112 : i32
      %add3A_1020 = arith.addi %sub3A_285, %add3A_1019 : i32
      %add3A_1021 = arith.constant 16 : i32
      %add3A_1022 = arith.addi %add3A_1020, %add3A_1021 : i32
      %multiple_of3A_1023 = tpu.assume_multiple %add3A_1022, 16 : i32
      %get3A_1024 = arith.index_cast %scan3A_707 : i32 to index
      %get3A_1025 = arith.index_cast %multiple_of3A_1023 : i32 to index
      %get3A_1026 = tpu.vector_load %arg4[%get3A_1024, %get3A_1025] {strides = array<i32>} : memref<64x640xf32, #tpu.memory_space<vmem>>, vector<1x16xf32>,
      %get3A_1027 = vector.shape_cast %get3A_1026 : vector<1x16xf32> to vector<16xf32>
      %lt3A_1028 = arith.constant 0 : i32
      %lt3A_1029 = vector.broadcast %lt3A_1028 : i32 to vector<16xi32>
      %lt3A_1030 = arith.cmpi slt, %and3A_290, %lt3A_1029 : vector<16xi32>
      %add3A_1031 = arith.constant 16 : i32
      %add3A_1032 = vector.broadcast %add3A_1031 : i32 to vector<16xi32>
      %add3A_1033 = arith.addi %and3A_290, %add3A_1032 : vector<16xi32>
      %select_n3A_1034 = arith.select %lt3A_1030, %add3A_1033, %and3A_290 : vector<16xi1>, vector<16xi32>
      %broadcast_in_dim3A_1035 = vector.shape_cast %select_n3A_1034 : vector<16xi32> to vector<16x1xi32>
      %gather3A_1036 = vector.shape_cast %broadcast_in_dim3A_1035 : vector<16x1xi32> to vector<16xi32>
      %gather3A_1037 = tpu.dynamic_gather %get3A_1018[%gather3A_1036] in [0] : vector<16xf32>, vector<16xi32> -> vector<16xf32>
      %lt3A_1038 = arith.constant 0 : i32
      %lt3A_1039 = vector.broadcast %lt3A_1038 : i32 to vector<16xi32>
      %lt3A_1040 = arith.cmpi slt, %and3A_290, %lt3A_1039 : vector<16xi32>
      %add3A_1041 = arith.constant 16 : i32
      %add3A_1042 = vector.broadcast %add3A_1041 : i32 to vector<16xi32>
      %add3A_1043 = arith.addi %and3A_290, %add3A_1042 : vector<16xi32>
      %select_n3A_1044 = arith.select %lt3A_1040, %add3A_1043, %and3A_290 : vector<16xi1>, vector<16xi32>
      %broadcast_in_dim3A_1045 = vector.shape_cast %select_n3A_1044 : vector<16xi32> to vector<16x1xi32>
      %gather3A_1046 = vector.shape_cast %broadcast_in_dim3A_1045 : vector<16x1xi32> to vector<16xi32>
      %gather3A_1047 = tpu.dynamic_gather %get3A_1027[%gather3A_1046] in [0] : vector<16xf32>, vector<16xi32> -> vector<16xf32>
      %select_n3A_1048 = arith.select %ge3A_293, %gather3A_1047, %gather3A_1037 : vector<16xi1>, vector<16xf32>
      %add3A_1049 = arith.constant 64 : i32
      %add3A_1050 = arith.addi %add3A_1049, %scan3A_707 : i32
      %swap3A_1051 = arith.index_cast %add3A_1050 : i32 to index
      %swap3A_1052 = arith.constant 112 : index
      %swap3A_1053 = tpu.vector_load %arg5[%swap3A_1051, %swap3A_1052] {strides = array<i32>} : memref<192x256xf32, #tpu.memory_space<vmem>>, vector<1x16xf32>,
      %swap3A_1054 = vector.shape_cast %swap3A_1053 : vector<1x16xf32> to vector<16xf32>
      %swap3A_1055 = vector.shape_cast %select_n3A_1048 : vector<16xf32> to vector<1x16xf32>
      tpu.vector_store %arg5[%swap3A_1051, %swap3A_1052], %swap3A_1055 {strides = array<i32>} : memref<192x256xf32, #tpu.memory_space<vmem>>, vector<1x16xf32>,
      %add3A_1056 = arith.constant 128 : i32
      %add3A_1057 = arith.addi %sub3A_285, %add3A_1056 : i32
      %multiple_of3A_1058 = tpu.assume_multiple %add3A_1057, 16 : i32
      %get3A_1059 = arith.index_cast %scan3A_707 : i32 to index
      %get3A_1060 = arith.index_cast %multiple_of3A_1058 : i32 to index
      %get3A_1061 = tpu.vector_load %arg4[%get3A_1059, %get3A_1060] {strides = array<i32>} : memref<64x640xf32, #tpu.memory_space<vmem>>, vector<1x16xf32>,
      %get3A_1062 = vector.shape_cast %get3A_1061 : vector<1x16xf32> to vector<16xf32>
      %add3A_1063 = arith.constant 128 : i32
      %add3A_1064 = arith.addi %sub3A_285, %add3A_1063 : i32
      %add3A_1065 = arith.constant 16 : i32
      %add3A_1066 = arith.addi %add3A_1064, %add3A_1065 : i32
      %multiple_of3A_1067 = tpu.assume_multiple %add3A_1066, 16 : i32
      %get3A_1068 = arith.index_cast %scan3A_707 : i32 to index
      %get3A_1069 = arith.index_cast %multiple_of3A_1067 : i32 to index
      %get3A_1070 = tpu.vector_load %arg4[%get3A_1068, %get3A_1069] {strides = array<i32>} : memref<64x640xf32, #tpu.memory_space<vmem>>, vector<1x16xf32>,
      %get3A_1071 = vector.shape_cast %get3A_1070 : vector<1x16xf32> to vector<16xf32>
      %lt3A_1072 = arith.constant 0 : i32
      %lt3A_1073 = vector.broadcast %lt3A_1072 : i32 to vector<16xi32>
      %lt3A_1074 = arith.cmpi slt, %and3A_290, %lt3A_1073 : vector<16xi32>
      %add3A_1075 = arith.constant 16 : i32
      %add3A_1076 = vector.broadcast %add3A_1075 : i32 to vector<16xi32>
      %add3A_1077 = arith.addi %and3A_290, %add3A_1076 : vector<16xi32>
      %select_n3A_1078 = arith.select %lt3A_1074, %add3A_1077, %and3A_290 : vector<16xi1>, vector<16xi32>
      %broadcast_in_dim3A_1079 = vector.shape_cast %select_n3A_1078 : vector<16xi32> to vector<16x1xi32>
      %gather3A_1080 = vector.shape_cast %broadcast_in_dim3A_1079 : vector<16x1xi32> to vector<16xi32>
      %gather3A_1081 = tpu.dynamic_gather %get3A_1062[%gather3A_1080] in [0] : vector<16xf32>, vector<16xi32> -> vector<16xf32>
      %lt3A_1082 = arith.constant 0 : i32
      %lt3A_1083 = vector.broadcast %lt3A_1082 : i32 to vector<16xi32>
      %lt3A_1084 = arith.cmpi slt, %and3A_290, %lt3A_1083 : vector<16xi32>
      %add3A_1085 = arith.constant 16 : i32
      %add3A_1086 = vector.broadcast %add3A_1085 : i32 to vector<16xi32>
      %add3A_1087 = arith.addi %and3A_290, %add3A_1086 : vector<16xi32>
      %select_n3A_1088 = arith.select %lt3A_1084, %add3A_1087, %and3A_290 : vector<16xi1>, vector<16xi32>
      %broadcast_in_dim3A_1089 = vector.shape_cast %select_n3A_1088 : vector<16xi32> to vector<16x1xi32>
      %gather3A_1090 = vector.shape_cast %broadcast_in_dim3A_1089 : vector<16x1xi32> to vector<16xi32>
      %gather3A_1091 = tpu.dynamic_gather %get3A_1071[%gather3A_1090] in [0] : vector<16xf32>, vector<16xi32> -> vector<16xf32>
      %select_n3A_1092 = arith.select %ge3A_293, %gather3A_1091, %gather3A_1081 : vector<16xi1>, vector<16xf32>
      %add3A_1093 = arith.constant 64 : i32
      %add3A_1094 = arith.addi %add3A_1093, %scan3A_707 : i32
      %swap3A_1095 = arith.index_cast %add3A_1094 : i32 to index
      %swap3A_1096 = arith.constant 128 : index
      %swap3A_1097 = tpu.vector_load %arg5[%swap3A_1095, %swap3A_1096] {strides = array<i32>} : memref<192x256xf32, #tpu.memory_space<vmem>>, vector<1x16xf32>,
      %swap3A_1098 = vector.shape_cast %swap3A_1097 : vector<1x16xf32> to vector<16xf32>
      %swap3A_1099 = vector.shape_cast %select_n3A_1092 : vector<16xf32> to vector<1x16xf32>
      tpu.vector_store %arg5[%swap3A_1095, %swap3A_1096], %swap3A_1099 {strides = array<i32>} : memref<192x256xf32, #tpu.memory_space<vmem>>, vector<1x16xf32>,
      %add3A_1100 = arith.constant 144 : i32
      %add3A_1101 = arith.addi %sub3A_285, %add3A_1100 : i32
      %multiple_of3A_1102 = tpu.assume_multiple %add3A_1101, 16 : i32
      %get3A_1103 = arith.index_cast %scan3A_707 : i32 to index
      %get3A_1104 = arith.index_cast %multiple_of3A_1102 : i32 to index
      %get3A_1105 = tpu.vector_load %arg4[%get3A_1103, %get3A_1104] {strides = array<i32>} : memref<64x640xf32, #tpu.memory_space<vmem>>, vector<1x16xf32>,
      %get3A_1106 = vector.shape_cast %get3A_1105 : vector<1x16xf32> to vector<16xf32>
      %add3A_1107 = arith.constant 144 : i32
      %add3A_1108 = arith.addi %sub3A_285, %add3A_1107 : i32
      %add3A_1109 = arith.constant 16 : i32
      %add3A_1110 = arith.addi %add3A_1108, %add3A_1109 : i32
      %multiple_of3A_1111 = tpu.assume_multiple %add3A_1110, 16 : i32
      %get3A_1112 = arith.index_cast %scan3A_707 : i32 to index
      %get3A_1113 = arith.index_cast %multiple_of3A_1111 : i32 to index
      %get3A_1114 = tpu.vector_load %arg4[%get3A_1112, %get3A_1113] {strides = array<i32>} : memref<64x640xf32, #tpu.memory_space<vmem>>, vector<1x16xf32>,
      %get3A_1115 = vector.shape_cast %get3A_1114 : vector<1x16xf32> to vector<16xf32>
      %lt3A_1116 = arith.constant 0 : i32
      %lt3A_1117 = vector.broadcast %lt3A_1116 : i32 to vector<16xi32>
      %lt3A_1118 = arith.cmpi slt, %and3A_290, %lt3A_1117 : vector<16xi32>
      %add3A_1119 = arith.constant 16 : i32
      %add3A_1120 = vector.broadcast %add3A_1119 : i32 to vector<16xi32>
      %add3A_1121 = arith.addi %and3A_290, %add3A_1120 : vector<16xi32>
      %select_n3A_1122 = arith.select %lt3A_1118, %add3A_1121, %and3A_290 : vector<16xi1>, vector<16xi32>
      %broadcast_in_dim3A_1123 = vector.shape_cast %select_n3A_1122 : vector<16xi32> to vector<16x1xi32>
      %gather3A_1124 = vector.shape_cast %broadcast_in_dim3A_1123 : vector<16x1xi32> to vector<16xi32>
      %gather3A_1125 = tpu.dynamic_gather %get3A_1106[%gather3A_1124] in [0] : vector<16xf32>, vector<16xi32> -> vector<16xf32>
      %lt3A_1126 = arith.constant 0 : i32
      %lt3A_1127 = vector.broadcast %lt3A_1126 : i32 to vector<16xi32>
      %lt3A_1128 = arith.cmpi slt, %and3A_290, %lt3A_1127 : vector<16xi32>
      %add3A_1129 = arith.constant 16 : i32
      %add3A_1130 = vector.broadcast %add3A_1129 : i32 to vector<16xi32>
      %add3A_1131 = arith.addi %and3A_290, %add3A_1130 : vector<16xi32>
      %select_n3A_1132 = arith.select %lt3A_1128, %add3A_1131, %and3A_290 : vector<16xi1>, vector<16xi32>
      %broadcast_in_dim3A_1133 = vector.shape_cast %select_n3A_1132 : vector<16xi32> to vector<16x1xi32>
      %gather3A_1134 = vector.shape_cast %broadcast_in_dim3A_1133 : vector<16x1xi32> to vector<16xi32>
      %gather3A_1135 = tpu.dynamic_gather %get3A_1115[%gather3A_1134] in [0] : vector<16xf32>, vector<16xi32> -> vector<16xf32>
      %select_n3A_1136 = arith.select %ge3A_293, %gather3A_1135, %gather3A_1125 : vector<16xi1>, vector<16xf32>
      %add3A_1137 = arith.constant 64 : i32
      %add3A_1138 = arith.addi %add3A_1137, %scan3A_707 : i32
      %swap3A_1139 = arith.index_cast %add3A_1138 : i32 to index
      %swap3A_1140 = arith.constant 144 : index
      %swap3A_1141 = tpu.vector_load %arg5[%swap3A_1139, %swap3A_1140] {strides = array<i32>} : memref<192x256xf32, #tpu.memory_space<vmem>>, vector<1x16xf32>,
      %swap3A_1142 = vector.shape_cast %swap3A_1141 : vector<1x16xf32> to vector<16xf32>
      %swap3A_1143 = vector.shape_cast %select_n3A_1136 : vector<16xf32> to vector<1x16xf32>
      tpu.vector_store %arg5[%swap3A_1139, %swap3A_1140], %swap3A_1143 {strides = array<i32>} : memref<192x256xf32, #tpu.memory_space<vmem>>, vector<1x16xf32>,
      %add3A_1144 = arith.constant 160 : i32
      %add3A_1145 = arith.addi %sub3A_285, %add3A_1144 : i32
      %multiple_of3A_1146 = tpu.assume_multiple %add3A_1145, 16 : i32
      %get3A_1147 = arith.index_cast %scan3A_707 : i32 to index
      %get3A_1148 = arith.index_cast %multiple_of3A_1146 : i32 to index
      %get3A_1149 = tpu.vector_load %arg4[%get3A_1147, %get3A_1148] {strides = array<i32>} : memref<64x640xf32, #tpu.memory_space<vmem>>, vector<1x16xf32>,
      %get3A_1150 = vector.shape_cast %get3A_1149 : vector<1x16xf32> to vector<16xf32>
      %add3A_1151 = arith.constant 160 : i32
      %add3A_1152 = arith.addi %sub3A_285, %add3A_1151 : i32
      %add3A_1153 = arith.constant 16 : i32
      %add3A_1154 = arith.addi %add3A_1152, %add3A_1153 : i32
      %multiple_of3A_1155 = tpu.assume_multiple %add3A_1154, 16 : i32
      %get3A_1156 = arith.index_cast %scan3A_707 : i32 to index
      %get3A_1157 = arith.index_cast %multiple_of3A_1155 : i32 to index
      %get3A_1158 = tpu.vector_load %arg4[%get3A_1156, %get3A_1157] {strides = array<i32>} : memref<64x640xf32, #tpu.memory_space<vmem>>, vector<1x16xf32>,
      %get3A_1159 = vector.shape_cast %get3A_1158 : vector<1x16xf32> to vector<16xf32>
      %lt3A_1160 = arith.constant 0 : i32
      %lt3A_1161 = vector.broadcast %lt3A_1160 : i32 to vector<16xi32>
      %lt3A_1162 = arith.cmpi slt, %and3A_290, %lt3A_1161 : vector<16xi32>
      %add3A_1163 = arith.constant 16 : i32
      %add3A_1164 = vector.broadcast %add3A_1163 : i32 to vector<16xi32>
      %add3A_1165 = arith.addi %and3A_290, %add3A_1164 : vector<16xi32>
      %select_n3A_1166 = arith.select %lt3A_1162, %add3A_1165, %and3A_290 : vector<16xi1>, vector<16xi32>
      %broadcast_in_dim3A_1167 = vector.shape_cast %select_n3A_1166 : vector<16xi32> to vector<16x1xi32>
      %gather3A_1168 = vector.shape_cast %broadcast_in_dim3A_1167 : vector<16x1xi32> to vector<16xi32>
      %gather3A_1169 = tpu.dynamic_gather %get3A_1150[%gather3A_1168] in [0] : vector<16xf32>, vector<16xi32> -> vector<16xf32>
      %lt3A_1170 = arith.constant 0 : i32
      %lt3A_1171 = vector.broadcast %lt3A_1170 : i32 to vector<16xi32>
      %lt3A_1172 = arith.cmpi slt, %and3A_290, %lt3A_1171 : vector<16xi32>
      %add3A_1173 = arith.constant 16 : i32
      %add3A_1174 = vector.broadcast %add3A_1173 : i32 to vector<16xi32>
      %add3A_1175 = arith.addi %and3A_290, %add3A_1174 : vector<16xi32>
      %select_n3A_1176 = arith.select %lt3A_1172, %add3A_1175, %and3A_290 : vector<16xi1>, vector<16xi32>
      %broadcast_in_dim3A_1177 = vector.shape_cast %select_n3A_1176 : vector<16xi32> to vector<16x1xi32>
      %gather3A_1178 = vector.shape_cast %broadcast_in_dim3A_1177 : vector<16x1xi32> to vector<16xi32>
      %gather3A_1179 = tpu.dynamic_gather %get3A_1159[%gather3A_1178] in [0] : vector<16xf32>, vector<16xi32> -> vector<16xf32>
      %select_n3A_1180 = arith.select %ge3A_293, %gather3A_1179, %gather3A_1169 : vector<16xi1>, vector<16xf32>
      %add3A_1181 = arith.constant 64 : i32
      %add3A_1182 = arith.addi %add3A_1181, %scan3A_707 : i32
      %swap3A_1183 = arith.index_cast %add3A_1182 : i32 to index
      %swap3A_1184 = arith.constant 160 : index
      %swap3A_1185 = tpu.vector_load %arg5[%swap3A_1183, %swap3A_1184] {strides = array<i32>} : memref<192x256xf32, #tpu.memory_space<vmem>>, vector<1x16xf32>,
      %swap3A_1186 = vector.shape_cast %swap3A_1185 : vector<1x16xf32> to vector<16xf32>
      %swap3A_1187 = vector.shape_cast %select_n3A_1180 : vector<16xf32> to vector<1x16xf32>
      tpu.vector_store %arg5[%swap3A_1183, %swap3A_1184], %swap3A_1187 {strides = array<i32>} : memref<192x256xf32, #tpu.memory_space<vmem>>, vector<1x16xf32>,
      %add3A_1188 = arith.constant 176 : i32
      %add3A_1189 = arith.addi %sub3A_285, %add3A_1188 : i32
      %multiple_of3A_1190 = tpu.assume_multiple %add3A_1189, 16 : i32
      %get3A_1191 = arith.index_cast %scan3A_707 : i32 to index
      %get3A_1192 = arith.index_cast %multiple_of3A_1190 : i32 to index
      %get3A_1193 = tpu.vector_load %arg4[%get3A_1191, %get3A_1192] {strides = array<i32>} : memref<64x640xf32, #tpu.memory_space<vmem>>, vector<1x16xf32>,
      %get3A_1194 = vector.shape_cast %get3A_1193 : vector<1x16xf32> to vector<16xf32>
      %add3A_1195 = arith.constant 176 : i32
      %add3A_1196 = arith.addi %sub3A_285, %add3A_1195 : i32
      %add3A_1197 = arith.constant 16 : i32
      %add3A_1198 = arith.addi %add3A_1196, %add3A_1197 : i32
      %multiple_of3A_1199 = tpu.assume_multiple %add3A_1198, 16 : i32
      %get3A_1200 = arith.index_cast %scan3A_707 : i32 to index
      %get3A_1201 = arith.index_cast %multiple_of3A_1199 : i32 to index
      %get3A_1202 = tpu.vector_load %arg4[%get3A_1200, %get3A_1201] {strides = array<i32>} : memref<64x640xf32, #tpu.memory_space<vmem>>, vector<1x16xf32>,
      %get3A_1203 = vector.shape_cast %get3A_1202 : vector<1x16xf32> to vector<16xf32>
      %lt3A_1204 = arith.constant 0 : i32
      %lt3A_1205 = vector.broadcast %lt3A_1204 : i32 to vector<16xi32>
      %lt3A_1206 = arith.cmpi slt, %and3A_290, %lt3A_1205 : vector<16xi32>
      %add3A_1207 = arith.constant 16 : i32
      %add3A_1208 = vector.broadcast %add3A_1207 : i32 to vector<16xi32>
      %add3A_1209 = arith.addi %and3A_290, %add3A_1208 : vector<16xi32>
      %select_n3A_1210 = arith.select %lt3A_1206, %add3A_1209, %and3A_290 : vector<16xi1>, vector<16xi32>
      %broadcast_in_dim3A_1211 = vector.shape_cast %select_n3A_1210 : vector<16xi32> to vector<16x1xi32>
      %gather3A_1212 = vector.shape_cast %broadcast_in_dim3A_1211 : vector<16x1xi32> to vector<16xi32>
      %gather3A_1213 = tpu.dynamic_gather %get3A_1194[%gather3A_1212] in [0] : vector<16xf32>, vector<16xi32> -> vector<16xf32>
      %lt3A_1214 = arith.constant 0 : i32
      %lt3A_1215 = vector.broadcast %lt3A_1214 : i32 to vector<16xi32>
      %lt3A_1216 = arith.cmpi slt, %and3A_290, %lt3A_1215 : vector<16xi32>
      %add3A_1217 = arith.constant 16 : i32
      %add3A_1218 = vector.broadcast %add3A_1217 : i32 to vector<16xi32>
      %add3A_1219 = arith.addi %and3A_290, %add3A_1218 : vector<16xi32>
      %select_n3A_1220 = arith.select %lt3A_1216, %add3A_1219, %and3A_290 : vector<16xi1>, vector<16xi32>
      %broadcast_in_dim3A_1221 = vector.shape_cast %select_n3A_1220 : vector<16xi32> to vector<16x1xi32>
      %gather3A_1222 = vector.shape_cast %broadcast_in_dim3A_1221 : vector<16x1xi32> to vector<16xi32>
      %gather3A_1223 = tpu.dynamic_gather %get3A_1203[%gather3A_1222] in [0] : vector<16xf32>, vector<16xi32> -> vector<16xf32>
      %select_n3A_1224 = arith.select %ge3A_293, %gather3A_1223, %gather3A_1213 : vector<16xi1>, vector<16xf32>
      %add3A_1225 = arith.constant 64 : i32
      %add3A_1226 = arith.addi %add3A_1225, %scan3A_707 : i32
      %swap3A_1227 = arith.index_cast %add3A_1226 : i32 to index
      %swap3A_1228 = arith.constant 176 : index
      %swap3A_1229 = tpu.vector_load %arg5[%swap3A_1227, %swap3A_1228] {strides = array<i32>} : memref<192x256xf32, #tpu.memory_space<vmem>>, vector<1x16xf32>,
      %swap3A_1230 = vector.shape_cast %swap3A_1229 : vector<1x16xf32> to vector<16xf32>
      %swap3A_1231 = vector.shape_cast %select_n3A_1224 : vector<16xf32> to vector<1x16xf32>
      tpu.vector_store %arg5[%swap3A_1227, %swap3A_1228], %swap3A_1231 {strides = array<i32>} : memref<192x256xf32, #tpu.memory_space<vmem>>, vector<1x16xf32>,
      %add3A_1232 = arith.constant 192 : i32
      %add3A_1233 = arith.addi %sub3A_285, %add3A_1232 : i32
      %multiple_of3A_1234 = tpu.assume_multiple %add3A_1233, 16 : i32
      %get3A_1235 = arith.index_cast %scan3A_707 : i32 to index
      %get3A_1236 = arith.index_cast %multiple_of3A_1234 : i32 to index
      %get3A_1237 = tpu.vector_load %arg4[%get3A_1235, %get3A_1236] {strides = array<i32>} : memref<64x640xf32, #tpu.memory_space<vmem>>, vector<1x16xf32>,
      %get3A_1238 = vector.shape_cast %get3A_1237 : vector<1x16xf32> to vector<16xf32>
      %add3A_1239 = arith.constant 192 : i32
      %add3A_1240 = arith.addi %sub3A_285, %add3A_1239 : i32
      %add3A_1241 = arith.constant 16 : i32
      %add3A_1242 = arith.addi %add3A_1240, %add3A_1241 : i32
      %multiple_of3A_1243 = tpu.assume_multiple %add3A_1242, 16 : i32
      %get3A_1244 = arith.index_cast %scan3A_707 : i32 to index
      %get3A_1245 = arith.index_cast %multiple_of3A_1243 : i32 to index
      %get3A_1246 = tpu.vector_load %arg4[%get3A_1244, %get3A_1245] {strides = array<i32>} : memref<64x640xf32, #tpu.memory_space<vmem>>, vector<1x16xf32>,
      %get3A_1247 = vector.shape_cast %get3A_1246 : vector<1x16xf32> to vector<16xf32>
      %lt3A_1248 = arith.constant 0 : i32
      %lt3A_1249 = vector.broadcast %lt3A_1248 : i32 to vector<16xi32>
      %lt3A_1250 = arith.cmpi slt, %and3A_290, %lt3A_1249 : vector<16xi32>
      %add3A_1251 = arith.constant 16 : i32
      %add3A_1252 = vector.broadcast %add3A_1251 : i32 to vector<16xi32>
      %add3A_1253 = arith.addi %and3A_290, %add3A_1252 : vector<16xi32>
      %select_n3A_1254 = arith.select %lt3A_1250, %add3A_1253, %and3A_290 : vector<16xi1>, vector<16xi32>
      %broadcast_in_dim3A_1255 = vector.shape_cast %select_n3A_1254 : vector<16xi32> to vector<16x1xi32>
      %gather3A_1256 = vector.shape_cast %broadcast_in_dim3A_1255 : vector<16x1xi32> to vector<16xi32>
      %gather3A_1257 = tpu.dynamic_gather %get3A_1238[%gather3A_1256] in [0] : vector<16xf32>, vector<16xi32> -> vector<16xf32>
      %lt3A_1258 = arith.constant 0 : i32
      %lt3A_1259 = vector.broadcast %lt3A_1258 : i32 to vector<16xi32>
      %lt3A_1260 = arith.cmpi slt, %and3A_290, %lt3A_1259 : vector<16xi32>
      %add3A_1261 = arith.constant 16 : i32
      %add3A_1262 = vector.broadcast %add3A_1261 : i32 to vector<16xi32>
      %add3A_1263 = arith.addi %and3A_290, %add3A_1262 : vector<16xi32>
      %select_n3A_1264 = arith.select %lt3A_1260, %add3A_1263, %and3A_290 : vector<16xi1>, vector<16xi32>
      %broadcast_in_dim3A_1265 = vector.shape_cast %select_n3A_1264 : vector<16xi32> to vector<16x1xi32>
      %gather3A_1266 = vector.shape_cast %broadcast_in_dim3A_1265 : vector<16x1xi32> to vector<16xi32>
      %gather3A_1267 = tpu.dynamic_gather %get3A_1247[%gather3A_1266] in [0] : vector<16xf32>, vector<16xi32> -> vector<16xf32>
      %select_n3A_1268 = arith.select %ge3A_293, %gather3A_1267, %gather3A_1257 : vector<16xi1>, vector<16xf32>
      %add3A_1269 = arith.constant 64 : i32
      %add3A_1270 = arith.addi %add3A_1269, %scan3A_707 : i32
      %swap3A_1271 = arith.index_cast %add3A_1270 : i32 to index
      %swap3A_1272 = arith.constant 192 : index
      %swap3A_1273 = tpu.vector_load %arg5[%swap3A_1271, %swap3A_1272] {strides = array<i32>} : memref<192x256xf32, #tpu.memory_space<vmem>>, vector<1x16xf32>,
      %swap3A_1274 = vector.shape_cast %swap3A_1273 : vector<1x16xf32> to vector<16xf32>
      %swap3A_1275 = vector.shape_cast %select_n3A_1268 : vector<16xf32> to vector<1x16xf32>
      tpu.vector_store %arg5[%swap3A_1271, %swap3A_1272], %swap3A_1275 {strides = array<i32>} : memref<192x256xf32, #tpu.memory_space<vmem>>, vector<1x16xf32>,
      %add3A_1276 = arith.constant 208 : i32
      %add3A_1277 = arith.addi %sub3A_285, %add3A_1276 : i32
      %multiple_of3A_1278 = tpu.assume_multiple %add3A_1277, 16 : i32
      %get3A_1279 = arith.index_cast %scan3A_707 : i32 to index
      %get3A_1280 = arith.index_cast %multiple_of3A_1278 : i32 to index
      %get3A_1281 = tpu.vector_load %arg4[%get3A_1279, %get3A_1280] {strides = array<i32>} : memref<64x640xf32, #tpu.memory_space<vmem>>, vector<1x16xf32>,
      %get3A_1282 = vector.shape_cast %get3A_1281 : vector<1x16xf32> to vector<16xf32>
      %add3A_1283 = arith.constant 208 : i32
      %add3A_1284 = arith.addi %sub3A_285, %add3A_1283 : i32
      %add3A_1285 = arith.constant 16 : i32
      %add3A_1286 = arith.addi %add3A_1284, %add3A_1285 : i32
      %multiple_of3A_1287 = tpu.assume_multiple %add3A_1286, 16 : i32
      %get3A_1288 = arith.index_cast %scan3A_707 : i32 to index
      %get3A_1289 = arith.index_cast %multiple_of3A_1287 : i32 to index
      %get3A_1290 = tpu.vector_load %arg4[%get3A_1288, %get3A_1289] {strides = array<i32>} : memref<64x640xf32, #tpu.memory_space<vmem>>, vector<1x16xf32>,
      %get3A_1291 = vector.shape_cast %get3A_1290 : vector<1x16xf32> to vector<16xf32>
      %lt3A_1292 = arith.constant 0 : i32
      %lt3A_1293 = vector.broadcast %lt3A_1292 : i32 to vector<16xi32>
      %lt3A_1294 = arith.cmpi slt, %and3A_290, %lt3A_1293 : vector<16xi32>
      %add3A_1295 = arith.constant 16 : i32
      %add3A_1296 = vector.broadcast %add3A_1295 : i32 to vector<16xi32>
      %add3A_1297 = arith.addi %and3A_290, %add3A_1296 : vector<16xi32>
      %select_n3A_1298 = arith.select %lt3A_1294, %add3A_1297, %and3A_290 : vector<16xi1>, vector<16xi32>
      %broadcast_in_dim3A_1299 = vector.shape_cast %select_n3A_1298 : vector<16xi32> to vector<16x1xi32>
      %gather3A_1300 = vector.shape_cast %broadcast_in_dim3A_1299 : vector<16x1xi32> to vector<16xi32>
      %gather3A_1301 = tpu.dynamic_gather %get3A_1282[%gather3A_1300] in [0] : vector<16xf32>, vector<16xi32> -> vector<16xf32>
      %lt3A_1302 = arith.constant 0 : i32
      %lt3A_1303 = vector.broadcast %lt3A_1302 : i32 to vector<16xi32>
      %lt3A_1304 = arith.cmpi slt, %and3A_290, %lt3A_1303 : vector<16xi32>
      %add3A_1305 = arith.constant 16 : i32
      %add3A_1306 = vector.broadcast %add3A_1305 : i32 to vector<16xi32>
      %add3A_1307 = arith.addi %and3A_290, %add3A_1306 : vector<16xi32>
      %select_n3A_1308 = arith.select %lt3A_1304, %add3A_1307, %and3A_290 : vector<16xi1>, vector<16xi32>
      %broadcast_in_dim3A_1309 = vector.shape_cast %select_n3A_1308 : vector<16xi32> to vector<16x1xi32>
      %gather3A_1310 = vector.shape_cast %broadcast_in_dim3A_1309 : vector<16x1xi32> to vector<16xi32>
      %gather3A_1311 = tpu.dynamic_gather %get3A_1291[%gather3A_1310] in [0] : vector<16xf32>, vector<16xi32> -> vector<16xf32>
      %select_n3A_1312 = arith.select %ge3A_293, %gather3A_1311, %gather3A_1301 : vector<16xi1>, vector<16xf32>
      %add3A_1313 = arith.constant 64 : i32
      %add3A_1314 = arith.addi %add3A_1313, %scan3A_707 : i32
      %swap3A_1315 = arith.index_cast %add3A_1314 : i32 to index
      %swap3A_1316 = arith.constant 208 : index
      %swap3A_1317 = tpu.vector_load %arg5[%swap3A_1315, %swap3A_1316] {strides = array<i32>} : memref<192x256xf32, #tpu.memory_space<vmem>>, vector<1x16xf32>,
      %swap3A_1318 = vector.shape_cast %swap3A_1317 : vector<1x16xf32> to vector<16xf32>
      %swap3A_1319 = vector.shape_cast %select_n3A_1312 : vector<16xf32> to vector<1x16xf32>
      tpu.vector_store %arg5[%swap3A_1315, %swap3A_1316], %swap3A_1319 {strides = array<i32>} : memref<192x256xf32, #tpu.memory_space<vmem>>, vector<1x16xf32>,
      %add3A_1320 = arith.constant 224 : i32
      %add3A_1321 = arith.addi %sub3A_285, %add3A_1320 : i32
      %multiple_of3A_1322 = tpu.assume_multiple %add3A_1321, 16 : i32
      %get3A_1323 = arith.index_cast %scan3A_707 : i32 to index
      %get3A_1324 = arith.index_cast %multiple_of3A_1322 : i32 to index
      %get3A_1325 = tpu.vector_load %arg4[%get3A_1323, %get3A_1324] {strides = array<i32>} : memref<64x640xf32, #tpu.memory_space<vmem>>, vector<1x16xf32>,
      %get3A_1326 = vector.shape_cast %get3A_1325 : vector<1x16xf32> to vector<16xf32>
      %add3A_1327 = arith.constant 224 : i32
      %add3A_1328 = arith.addi %sub3A_285, %add3A_1327 : i32
      %add3A_1329 = arith.constant 16 : i32
      %add3A_1330 = arith.addi %add3A_1328, %add3A_1329 : i32
      %multiple_of3A_1331 = tpu.assume_multiple %add3A_1330, 16 : i32
      %get3A_1332 = arith.index_cast %scan3A_707 : i32 to index
      %get3A_1333 = arith.index_cast %multiple_of3A_1331 : i32 to index
      %get3A_1334 = tpu.vector_load %arg4[%get3A_1332, %get3A_1333] {strides = array<i32>} : memref<64x640xf32, #tpu.memory_space<vmem>>, vector<1x16xf32>,
      %get3A_1335 = vector.shape_cast %get3A_1334 : vector<1x16xf32> to vector<16xf32>
      %lt3A_1336 = arith.constant 0 : i32
      %lt3A_1337 = vector.broadcast %lt3A_1336 : i32 to vector<16xi32>
      %lt3A_1338 = arith.cmpi slt, %and3A_290, %lt3A_1337 : vector<16xi32>
      %add3A_1339 = arith.constant 16 : i32
      %add3A_1340 = vector.broadcast %add3A_1339 : i32 to vector<16xi32>
      %add3A_1341 = arith.addi %and3A_290, %add3A_1340 : vector<16xi32>
      %select_n3A_1342 = arith.select %lt3A_1338, %add3A_1341, %and3A_290 : vector<16xi1>, vector<16xi32>
      %broadcast_in_dim3A_1343 = vector.shape_cast %select_n3A_1342 : vector<16xi32> to vector<16x1xi32>
      %gather3A_1344 = vector.shape_cast %broadcast_in_dim3A_1343 : vector<16x1xi32> to vector<16xi32>
      %gather3A_1345 = tpu.dynamic_gather %get3A_1326[%gather3A_1344] in [0] : vector<16xf32>, vector<16xi32> -> vector<16xf32>
      %lt3A_1346 = arith.constant 0 : i32
      %lt3A_1347 = vector.broadcast %lt3A_1346 : i32 to vector<16xi32>
      %lt3A_1348 = arith.cmpi slt, %and3A_290, %lt3A_1347 : vector<16xi32>
      %add3A_1349 = arith.constant 16 : i32
      %add3A_1350 = vector.broadcast %add3A_1349 : i32 to vector<16xi32>
      %add3A_1351 = arith.addi %and3A_290, %add3A_1350 : vector<16xi32>
      %select_n3A_1352 = arith.select %lt3A_1348, %add3A_1351, %and3A_290 : vector<16xi1>, vector<16xi32>
      %broadcast_in_dim3A_1353 = vector.shape_cast %select_n3A_1352 : vector<16xi32> to vector<16x1xi32>
      %gather3A_1354 = vector.shape_cast %broadcast_in_dim3A_1353 : vector<16x1xi32> to vector<16xi32>
      %gather3A_1355 = tpu.dynamic_gather %get3A_1335[%gather3A_1354] in [0] : vector<16xf32>, vector<16xi32> -> vector<16xf32>
      %select_n3A_1356 = arith.select %ge3A_293, %gather3A_1355, %gather3A_1345 : vector<16xi1>, vector<16xf32>
      %add3A_1357 = arith.constant 64 : i32
      %add3A_1358 = arith.addi %add3A_1357, %scan3A_707 : i32
      %swap3A_1359 = arith.index_cast %add3A_1358 : i32 to index
      %swap3A_1360 = arith.constant 224 : index
      %swap3A_1361 = tpu.vector_load %arg5[%swap3A_1359, %swap3A_1360] {strides = array<i32>} : memref<192x256xf32, #tpu.memory_space<vmem>>, vector<1x16xf32>,
      %swap3A_1362 = vector.shape_cast %swap3A_1361 : vector<1x16xf32> to vector<16xf32>
      %swap3A_1363 = vector.shape_cast %select_n3A_1356 : vector<16xf32> to vector<1x16xf32>
      tpu.vector_store %arg5[%swap3A_1359, %swap3A_1360], %swap3A_1363 {strides = array<i32>} : memref<192x256xf32, #tpu.memory_space<vmem>>, vector<1x16xf32>,
      %add3A_1364 = arith.constant 240 : i32
      %add3A_1365 = arith.addi %sub3A_285, %add3A_1364 : i32
      %multiple_of3A_1366 = tpu.assume_multiple %add3A_1365, 16 : i32
      %get3A_1367 = arith.index_cast %scan3A_707 : i32 to index
      %get3A_1368 = arith.index_cast %multiple_of3A_1366 : i32 to index
      %get3A_1369 = tpu.vector_load %arg4[%get3A_1367, %get3A_1368] {strides = array<i32>} : memref<64x640xf32, #tpu.memory_space<vmem>>, vector<1x16xf32>,
      %get3A_1370 = vector.shape_cast %get3A_1369 : vector<1x16xf32> to vector<16xf32>
      %add3A_1371 = arith.constant 240 : i32
      %add3A_1372 = arith.addi %sub3A_285, %add3A_1371 : i32
      %add3A_1373 = arith.constant 16 : i32
      %add3A_1374 = arith.addi %add3A_1372, %add3A_1373 : i32
      %multiple_of3A_1375 = tpu.assume_multiple %add3A_1374, 16 : i32
      %get3A_1376 = arith.index_cast %scan3A_707 : i32 to index
      %get3A_1377 = arith.index_cast %multiple_of3A_1375 : i32 to index
      %get3A_1378 = tpu.vector_load %arg4[%get3A_1376, %get3A_1377] {strides = array<i32>} : memref<64x640xf32, #tpu.memory_space<vmem>>, vector<1x16xf32>,
      %get3A_1379 = vector.shape_cast %get3A_1378 : vector<1x16xf32> to vector<16xf32>
      %lt3A_1380 = arith.constant 0 : i32
      %lt3A_1381 = vector.broadcast %lt3A_1380 : i32 to vector<16xi32>
      %lt3A_1382 = arith.cmpi slt, %and3A_290, %lt3A_1381 : vector<16xi32>
      %add3A_1383 = arith.constant 16 : i32
      %add3A_1384 = vector.broadcast %add3A_1383 : i32 to vector<16xi32>
      %add3A_1385 = arith.addi %and3A_290, %add3A_1384 : vector<16xi32>
      %select_n3A_1386 = arith.select %lt3A_1382, %add3A_1385, %and3A_290 : vector<16xi1>, vector<16xi32>
      %broadcast_in_dim3A_1387 = vector.shape_cast %select_n3A_1386 : vector<16xi32> to vector<16x1xi32>
      %gather3A_1388 = vector.shape_cast %broadcast_in_dim3A_1387 : vector<16x1xi32> to vector<16xi32>
      %gather3A_1389 = tpu.dynamic_gather %get3A_1370[%gather3A_1388] in [0] : vector<16xf32>, vector<16xi32> -> vector<16xf32>
      %lt3A_1390 = arith.constant 0 : i32
      %lt3A_1391 = vector.broadcast %lt3A_1390 : i32 to vector<16xi32>
      %lt3A_1392 = arith.cmpi slt, %and3A_290, %lt3A_1391 : vector<16xi32>
      %add3A_1393 = arith.constant 16 : i32
      %add3A_1394 = vector.broadcast %add3A_1393 : i32 to vector<16xi32>
      %add3A_1395 = arith.addi %and3A_290, %add3A_1394 : vector<16xi32>
      %select_n3A_1396 = arith.select %lt3A_1392, %add3A_1395, %and3A_290 : vector<16xi1>, vector<16xi32>
      %broadcast_in_dim3A_1397 = vector.shape_cast %select_n3A_1396 : vector<16xi32> to vector<16x1xi32>
      %gather3A_1398 = vector.shape_cast %broadcast_in_dim3A_1397 : vector<16x1xi32> to vector<16xi32>
      %gather3A_1399 = tpu.dynamic_gather %get3A_1379[%gather3A_1398] in [0] : vector<16xf32>, vector<16xi32> -> vector<16xf32>
      %select_n3A_1400 = arith.select %ge3A_293, %gather3A_1399, %gather3A_1389 : vector<16xi1>, vector<16xf32>
      %add3A_1401 = arith.constant 64 : i32
      %add3A_1402 = arith.addi %add3A_1401, %scan3A_707 : i32
      %swap3A_1403 = arith.index_cast %add3A_1402 : i32 to index
      %swap3A_1404 = arith.constant 240 : index
      %swap3A_1405 = tpu.vector_load %arg5[%swap3A_1403, %swap3A_1404] {strides = array<i32>} : memref<192x256xf32, #tpu.memory_space<vmem>>, vector<1x16xf32>,
      %swap3A_1406 = vector.shape_cast %swap3A_1405 : vector<1x16xf32> to vector<16xf32>
      %swap3A_1407 = vector.shape_cast %select_n3A_1400 : vector<16xf32> to vector<1x16xf32>
      tpu.vector_store %arg5[%swap3A_1403, %swap3A_1404], %swap3A_1407 {strides = array<i32>} : memref<192x256xf32, #tpu.memory_space<vmem>>, vector<1x16xf32>,
    }
    %scan3A_299 = arith.constant 64 : i32
    %add3A_300 = arith.constant 1 : i32
    %add3A_301 = arith.addi %mul3A_20, %add3A_300 : i32
    %add3A_302 = arith.constant 1 : i32
    %add3A_303 = arith.addi %mul3A_20, %add3A_302 : i32
    %sub3A_304 = arith.constant 32 : i32
    %sub3A_305 = arith.subi %add3A_303, %sub3A_304 : i32
    %jit3A_306 = arith.constant 128 : i32
    %div3A_307 = arith.divsi %sub3A_305, %jit3A_306 : i32
    %sign3A_308 = arith.constant 0 : i32
    %sign3A_309 = arith.cmpi sgt, %sub3A_305, %sign3A_308 : i32
    %sign3A_310 = arith.extui %sign3A_309 : i1 to i32
    %sign3A_311 = arith.constant 0 : i32
    %sign3A_312 = arith.cmpi slt, %sub3A_305, %sign3A_311 : i32
    %sign3A_313 = arith.extui %sign3A_312 : i1 to i32
    %sign3A_314 = arith.subi %sign3A_310, %sign3A_313 : i32
    %sign3A_315 = arith.constant 0 : i32
    %sign3A_316 = arith.cmpi sgt, %jit3A_306, %sign3A_315 : i32
    %sign3A_317 = arith.extui %sign3A_316 : i1 to i32
    %sign3A_318 = arith.constant 0 : i32
    %sign3A_319 = arith.cmpi slt, %jit3A_306, %sign3A_318 : i32
    %sign3A_320 = arith.extui %sign3A_319 : i1 to i32
    %sign3A_321 = arith.subi %sign3A_317, %sign3A_320 : i32
    %ne3A_322 = arith.cmpi ne, %sign3A_314, %sign3A_321 : i32
    %rem3A_323 = arith.remsi %sub3A_305, %jit3A_306 : i32
    %ne3A_324 = arith.constant 0 : i32
    %ne3A_325 = arith.cmpi ne, %rem3A_323, %ne3A_324 : i32
    %and3A_326 = arith.andi %ne3A_322, %ne3A_325 : i1
    %sub3A_327 = arith.constant 1 : i32
    %sub3A_328 = arith.subi %div3A_307, %sub3A_327 : i32
    %select_n3A_329 = arith.select %and3A_326, %sub3A_328, %div3A_307 : i32
    %mul3A_330 = arith.constant 128 : i32
    %mul3A_331 = arith.muli %select_n3A_329, %mul3A_330 : i32
    %jit3A_332 = arith.constant 0 : i32
    %jit3A_333 = arith.constant 1792 : i32
    %max3A_334 = arith.maxsi %jit3A_332, %mul3A_331 : i32
    %min3A_335 = arith.minsi %jit3A_333, %max3A_334 : i32
    %multiple_of3A_336 = tpu.assume_multiple %min3A_335, 128 : i32
    %add3A_337 = arith.constant 1 : i32
    %add3A_338 = arith.addi %mul3A_20, %add3A_337 : i32
    %multiple_of3A_339 = arith.constant 64 : i32
    %multiple_of3A_340 = tpu.assume_multiple %multiple_of3A_339, 8 : i32
    %add3A_341 = arith.constant 1 : i32
    %add3A_342 = arith.addi %mul3A_20, %add3A_341 : i32
    %sub3A_343 = arith.constant 32 : i32
    %sub3A_344 = arith.subi %add3A_342, %sub3A_343 : i32
    %jit3A_345 = arith.constant 128 : i32
    %div3A_346 = arith.divsi %sub3A_344, %jit3A_345 : i32
    %sign3A_347 = arith.constant 0 : i32
    %sign3A_348 = arith.cmpi sgt, %sub3A_344, %sign3A_347 : i32
    %sign3A_349 = arith.extui %sign3A_348 : i1 to i32
    %sign3A_350 = arith.constant 0 : i32
    %sign3A_351 = arith.cmpi slt, %sub3A_344, %sign3A_350 : i32
    %sign3A_352 = arith.extui %sign3A_351 : i1 to i32
    %sign3A_353 = arith.subi %sign3A_349, %sign3A_352 : i32
    %sign3A_354 = arith.constant 0 : i32
    %sign3A_355 = arith.cmpi sgt, %jit3A_345, %sign3A_354 : i32
    %sign3A_356 = arith.extui %sign3A_355 : i1 to i32
    %sign3A_357 = arith.constant 0 : i32
    %sign3A_358 = arith.cmpi slt, %jit3A_345, %sign3A_357 : i32
    %sign3A_359 = arith.extui %sign3A_358 : i1 to i32
    %sign3A_360 = arith.subi %sign3A_356, %sign3A_359 : i32
    %ne3A_361 = arith.cmpi ne, %sign3A_353, %sign3A_360 : i32
    %rem3A_362 = arith.remsi %sub3A_344, %jit3A_345 : i32
    %ne3A_363 = arith.constant 0 : i32
    %ne3A_364 = arith.cmpi ne, %rem3A_362, %ne3A_363 : i32
    %and3A_365 = arith.andi %ne3A_361, %ne3A_364 : i1
    %sub3A_366 = arith.constant 1 : i32
    %sub3A_367 = arith.subi %div3A_346, %sub3A_366 : i32
    %select_n3A_368 = arith.select %and3A_365, %sub3A_367, %div3A_346 : i32
    %mul3A_369 = arith.constant 128 : i32
    %mul3A_370 = arith.muli %select_n3A_368, %mul3A_369 : i32
    %jit3A_371 = arith.constant 0 : i32
    %jit3A_372 = arith.constant 1792 : i32
    %max3A_373 = arith.maxsi %jit3A_371, %mul3A_370 : i32
    %min3A_374 = arith.minsi %jit3A_372, %max3A_373 : i32
    %multiple_of3A_375 = tpu.assume_multiple %min3A_374, 128 : i32
    %dma_start3A_376 = arith.constant 0 : i32
    %dma_start3A_377 = tpu.memref_slice %arg5[%multiple_of3A_340, %dma_start3A_376] : memref<192x256xf32, #tpu.memory_space<vmem>> -> memref<64x256xf32, #tpu.memory_space<vmem>>
    %dma_start3A_378 = arith.constant 0 : i32
    %dma_start3A_379 = arith.constant 0 : i32
    %dma_start3A_380 = tpu.memref_slice %arg3[%add3A_338, %dma_start3A_378, %dma_start3A_379] : memref<2048x64x2048xf32, #tpu.memory_space<hbm>> -> memref<1x64x2048xf32, #tpu.memory_space<hbm>>
    %dma_start3A_381 = tpu.memref_squeeze %dma_start3A_380 : memref<1x64x2048xf32, #tpu.memory_space<hbm>> -> memref<64x2048xf32, #tpu.memory_space<hbm>>
    %dma_start3A_382 = arith.constant 0 : i32
    %dma_start3A_383 = tpu.memref_slice %dma_start3A_381[%dma_start3A_382, %multiple_of3A_375] : memref<64x2048xf32, #tpu.memory_space<hbm>> -> memref<64x256xf32, #tpu.memory_space<hbm>>
    %dma_start3A_384 = arith.constant 0 : i32
    %dma_start3A_385 = arith.constant 0 : i32
    %dma_start3A_386 = tpu.memref_slice %arg3[%add3A_338, %dma_start3A_384, %dma_start3A_385] : memref<2048x64x2048xf32, #tpu.memory_space<hbm>> -> memref<1x64x2048xf32, #tpu.memory_space<hbm>>
    %dma_start3A_387 = tpu.memref_squeeze %dma_start3A_386 : memref<1x64x2048xf32, #tpu.memory_space<hbm>> -> memref<64x2048xf32, #tpu.memory_space<hbm>>
    %dma_start3A_388 = arith.constant 0 : i32
    %dma_start3A_389 = tpu.memref_slice %dma_start3A_387[%dma_start3A_388, %multiple_of3A_375] : memref<64x2048xf32, #tpu.memory_space<hbm>> -> memref<64x256xf32, #tpu.memory_space<hbm>>
    %dma_start3A_390 = arith.constant 0 : i32
    %dma_start3A_391 = tpu.memref_slice %arg5[%multiple_of3A_340, %dma_start3A_390] : memref<192x256xf32, #tpu.memory_space<vmem>> -> memref<64x256xf32, #tpu.memory_space<vmem>>
    tpu.enqueue_dma source(%dma_start3A_391 : memref<64x256xf32, #tpu.memory_space<vmem>>) target(%dma_start3A_389 : memref<64x256xf32, #tpu.memory_space<hbm>>) target_semaphore(%arg8 : memref<!tpu.dma_semaphore, #tpu.memory_space<semaphore_mem>>)
    %add3A_392 = arith.constant 256 : i32
    %add3A_393 = arith.addi %multiple_of3A_336, %add3A_392 : i32
    %sub3A_394 = arith.constant 2048 : i32
    %sub3A_395 = arith.subi %sub3A_394, %add3A_393 : i32
    %and3A_396 = arith.constant -2048 : i32
    %and3A_397 = arith.andi %multiple_of3A_336, %and3A_396 : i32
    %and3A_398 = arith.constant -2048 : i32
    %and3A_399 = arith.andi %sub3A_395, %and3A_398 : i32
    %add3A_400 = arith.addi %add3A_393, %and3A_399 : i32
    %and3A_401 = arith.constant 1024 : i32
    %and3A_402 = arith.andi %multiple_of3A_336, %and3A_401 : i32
    %ne3A_403 = arith.constant 0 : i32
    %ne3A_404 = arith.cmpi ne, %and3A_402, %ne3A_403 : i32
    %convert_element_type3A_405 = arith.extui %ne3A_404 : i1 to i32
    %cond3A_406 = arith.constant 0 : i32
    %cond3A_407 = arith.cmpi ne, %convert_element_type3A_405, %cond3A_406 : i32
    scf.if %cond3A_407 {
      %multiple_of3A_707 = tpu.assume_multiple %and3A_397, 128 : i32
      %dma_start3A_708 = arith.constant 0 : i32
      %dma_start3A_709 = arith.constant 0 : i32
      %dma_start3A_710 = tpu.memref_slice %arg3[%add3A_301, %dma_start3A_708, %dma_start3A_709] : memref<2048x64x2048xf32, #tpu.memory_space<hbm>> -> memref<1x64x2048xf32, #tpu.memory_space<hbm>>
      %dma_start3A_711 = tpu.memref_squeeze %dma_start3A_710 : memref<1x64x2048xf32, #tpu.memory_space<hbm>> -> memref<64x2048xf32, #tpu.memory_space<hbm>>
      %dma_start3A_712 = arith.constant 0 : i32
      %dma_start3A_713 = tpu.memref_slice %dma_start3A_711[%dma_start3A_712, %multiple_of3A_707] : memref<64x2048xf32, #tpu.memory_space<hbm>> -> memref<64x1024xf32, #tpu.memory_space<hbm>>
      %dma_start3A_714 = arith.constant 0 : i32
      %dma_start3A_715 = arith.constant 0 : i32
      %dma_start3A_716 = tpu.memref_slice %arg6[%dma_start3A_714, %dma_start3A_715] : memref<64x2048xf32, #tpu.memory_space<vmem_shared>> -> memref<64x1024xf32, #tpu.memory_space<vmem_shared>>
      tpu.enqueue_dma source(%dma_start3A_716 : memref<64x1024xf32, #tpu.memory_space<vmem_shared>>) target(%dma_start3A_713 : memref<64x1024xf32, #tpu.memory_space<hbm>>) target_semaphore(%arg9 : memref<!tpu.dma_semaphore, #tpu.memory_space<semaphore_mem>>)
    } else {
    }
    %and3A_408 = arith.constant 1024 : i32
    %and3A_409 = arith.andi %sub3A_395, %and3A_408 : i32
    %ne3A_410 = arith.constant 0 : i32
    %ne3A_411 = arith.cmpi ne, %and3A_409, %ne3A_410 : i32
    %convert_element_type3A_412 = arith.extui %ne3A_411 : i1 to i32
    %cond3A_413 = arith.constant 0 : i32
    %cond3A_414 = arith.cmpi ne, %convert_element_type3A_412, %cond3A_413 : i32
    scf.if %cond3A_414 {
      %multiple_of3A_707 = tpu.assume_multiple %add3A_400, 128 : i32
      %dma_start3A_708 = arith.constant 0 : i32
      %dma_start3A_709 = arith.constant 0 : i32
      %dma_start3A_710 = tpu.memref_slice %arg3[%add3A_301, %dma_start3A_708, %dma_start3A_709] : memref<2048x64x2048xf32, #tpu.memory_space<hbm>> -> memref<1x64x2048xf32, #tpu.memory_space<hbm>>
      %dma_start3A_711 = tpu.memref_squeeze %dma_start3A_710 : memref<1x64x2048xf32, #tpu.memory_space<hbm>> -> memref<64x2048xf32, #tpu.memory_space<hbm>>
      %dma_start3A_712 = arith.constant 0 : i32
      %dma_start3A_713 = tpu.memref_slice %dma_start3A_711[%dma_start3A_712, %multiple_of3A_707] : memref<64x2048xf32, #tpu.memory_space<hbm>> -> memref<64x1024xf32, #tpu.memory_space<hbm>>
      %dma_start3A_714 = arith.constant 0 : i32
      %dma_start3A_715 = arith.constant 0 : i32
      %dma_start3A_716 = tpu.memref_slice %arg7[%dma_start3A_714, %dma_start3A_715] : memref<64x2048xf32, #tpu.memory_space<vmem_shared>> -> memref<64x1024xf32, #tpu.memory_space<vmem_shared>>
      tpu.enqueue_dma source(%dma_start3A_716 : memref<64x1024xf32, #tpu.memory_space<vmem_shared>>) target(%dma_start3A_713 : memref<64x1024xf32, #tpu.memory_space<hbm>>) target_semaphore(%arg9 : memref<!tpu.dma_semaphore, #tpu.memory_space<semaphore_mem>>)
    } else {
    }
    %and3A_415 = arith.constant -1024 : i32
    %and3A_416 = arith.andi %multiple_of3A_336, %and3A_415 : i32
    %and3A_417 = arith.constant -1024 : i32
    %and3A_418 = arith.andi %sub3A_395, %and3A_417 : i32
    %add3A_419 = arith.addi %add3A_393, %and3A_418 : i32
    %and3A_420 = arith.constant 512 : i32
    %and3A_421 = arith.andi %multiple_of3A_336, %and3A_420 : i32
    %ne3A_422 = arith.constant 0 : i32
    %ne3A_423 = arith.cmpi ne, %and3A_421, %ne3A_422 : i32
    %convert_element_type3A_424 = arith.extui %ne3A_423 : i1 to i32
    %cond3A_425 = arith.constant 0 : i32
    %cond3A_426 = arith.cmpi ne, %convert_element_type3A_424, %cond3A_425 : i32
    scf.if %cond3A_426 {
      %multiple_of3A_707 = tpu.assume_multiple %and3A_416, 128 : i32
      %dma_start3A_708 = arith.constant 0 : i32
      %dma_start3A_709 = arith.constant 0 : i32
      %dma_start3A_710 = tpu.memref_slice %arg3[%add3A_301, %dma_start3A_708, %dma_start3A_709] : memref<2048x64x2048xf32, #tpu.memory_space<hbm>> -> memref<1x64x2048xf32, #tpu.memory_space<hbm>>
      %dma_start3A_711 = tpu.memref_squeeze %dma_start3A_710 : memref<1x64x2048xf32, #tpu.memory_space<hbm>> -> memref<64x2048xf32, #tpu.memory_space<hbm>>
      %dma_start3A_712 = arith.constant 0 : i32
      %dma_start3A_713 = tpu.memref_slice %dma_start3A_711[%dma_start3A_712, %multiple_of3A_707] : memref<64x2048xf32, #tpu.memory_space<hbm>> -> memref<64x512xf32, #tpu.memory_space<hbm>>
      %dma_start3A_714 = arith.constant 0 : i32
      %dma_start3A_715 = arith.constant 0 : i32
      %dma_start3A_716 = tpu.memref_slice %arg6[%dma_start3A_714, %dma_start3A_715] : memref<64x2048xf32, #tpu.memory_space<vmem_shared>> -> memref<64x512xf32, #tpu.memory_space<vmem_shared>>
      tpu.enqueue_dma source(%dma_start3A_716 : memref<64x512xf32, #tpu.memory_space<vmem_shared>>) target(%dma_start3A_713 : memref<64x512xf32, #tpu.memory_space<hbm>>) target_semaphore(%arg9 : memref<!tpu.dma_semaphore, #tpu.memory_space<semaphore_mem>>)
    } else {
    }
    %and3A_427 = arith.constant 512 : i32
    %and3A_428 = arith.andi %sub3A_395, %and3A_427 : i32
    %ne3A_429 = arith.constant 0 : i32
    %ne3A_430 = arith.cmpi ne, %and3A_428, %ne3A_429 : i32
    %convert_element_type3A_431 = arith.extui %ne3A_430 : i1 to i32
    %cond3A_432 = arith.constant 0 : i32
    %cond3A_433 = arith.cmpi ne, %convert_element_type3A_431, %cond3A_432 : i32
    scf.if %cond3A_433 {
      %multiple_of3A_707 = tpu.assume_multiple %add3A_419, 128 : i32
      %dma_start3A_708 = arith.constant 0 : i32
      %dma_start3A_709 = arith.constant 0 : i32
      %dma_start3A_710 = tpu.memref_slice %arg3[%add3A_301, %dma_start3A_708, %dma_start3A_709] : memref<2048x64x2048xf32, #tpu.memory_space<hbm>> -> memref<1x64x2048xf32, #tpu.memory_space<hbm>>
      %dma_start3A_711 = tpu.memref_squeeze %dma_start3A_710 : memref<1x64x2048xf32, #tpu.memory_space<hbm>> -> memref<64x2048xf32, #tpu.memory_space<hbm>>
      %dma_start3A_712 = arith.constant 0 : i32
      %dma_start3A_713 = tpu.memref_slice %dma_start3A_711[%dma_start3A_712, %multiple_of3A_707] : memref<64x2048xf32, #tpu.memory_space<hbm>> -> memref<64x512xf32, #tpu.memory_space<hbm>>
      %dma_start3A_714 = arith.constant 0 : i32
      %dma_start3A_715 = arith.constant 0 : i32
      %dma_start3A_716 = tpu.memref_slice %arg7[%dma_start3A_714, %dma_start3A_715] : memref<64x2048xf32, #tpu.memory_space<vmem_shared>> -> memref<64x512xf32, #tpu.memory_space<vmem_shared>>
      tpu.enqueue_dma source(%dma_start3A_716 : memref<64x512xf32, #tpu.memory_space<vmem_shared>>) target(%dma_start3A_713 : memref<64x512xf32, #tpu.memory_space<hbm>>) target_semaphore(%arg9 : memref<!tpu.dma_semaphore, #tpu.memory_space<semaphore_mem>>)
    } else {
    }
    %and3A_434 = arith.constant -512 : i32
    %and3A_435 = arith.andi %multiple_of3A_336, %and3A_434 : i32
    %and3A_436 = arith.constant -512 : i32
    %and3A_437 = arith.andi %sub3A_395, %and3A_436 : i32
    %add3A_438 = arith.addi %add3A_393, %and3A_437 : i32
    %and3A_439 = arith.constant 256 : i32
    %and3A_440 = arith.andi %multiple_of3A_336, %and3A_439 : i32
    %ne3A_441 = arith.constant 0 : i32
    %ne3A_442 = arith.cmpi ne, %and3A_440, %ne3A_441 : i32
    %convert_element_type3A_443 = arith.extui %ne3A_442 : i1 to i32
    %cond3A_444 = arith.constant 0 : i32
    %cond3A_445 = arith.cmpi ne, %convert_element_type3A_443, %cond3A_444 : i32
    scf.if %cond3A_445 {
      %multiple_of3A_707 = tpu.assume_multiple %and3A_435, 128 : i32
      %dma_start3A_708 = arith.constant 0 : i32
      %dma_start3A_709 = arith.constant 0 : i32
      %dma_start3A_710 = tpu.memref_slice %arg3[%add3A_301, %dma_start3A_708, %dma_start3A_709] : memref<2048x64x2048xf32, #tpu.memory_space<hbm>> -> memref<1x64x2048xf32, #tpu.memory_space<hbm>>
      %dma_start3A_711 = tpu.memref_squeeze %dma_start3A_710 : memref<1x64x2048xf32, #tpu.memory_space<hbm>> -> memref<64x2048xf32, #tpu.memory_space<hbm>>
      %dma_start3A_712 = arith.constant 0 : i32
      %dma_start3A_713 = tpu.memref_slice %dma_start3A_711[%dma_start3A_712, %multiple_of3A_707] : memref<64x2048xf32, #tpu.memory_space<hbm>> -> memref<64x256xf32, #tpu.memory_space<hbm>>
      %dma_start3A_714 = arith.constant 0 : i32
      %dma_start3A_715 = arith.constant 0 : i32
      %dma_start3A_716 = tpu.memref_slice %arg6[%dma_start3A_714, %dma_start3A_715] : memref<64x2048xf32, #tpu.memory_space<vmem_shared>> -> memref<64x256xf32, #tpu.memory_space<vmem_shared>>
      tpu.enqueue_dma source(%dma_start3A_716 : memref<64x256xf32, #tpu.memory_space<vmem_shared>>) target(%dma_start3A_713 : memref<64x256xf32, #tpu.memory_space<hbm>>) target_semaphore(%arg9 : memref<!tpu.dma_semaphore, #tpu.memory_space<semaphore_mem>>)
    } else {
    }
    %and3A_446 = arith.constant 256 : i32
    %and3A_447 = arith.andi %sub3A_395, %and3A_446 : i32
    %ne3A_448 = arith.constant 0 : i32
    %ne3A_449 = arith.cmpi ne, %and3A_447, %ne3A_448 : i32
    %convert_element_type3A_450 = arith.extui %ne3A_449 : i1 to i32
    %cond3A_451 = arith.constant 0 : i32
    %cond3A_452 = arith.cmpi ne, %convert_element_type3A_450, %cond3A_451 : i32
    scf.if %cond3A_452 {
      %multiple_of3A_707 = tpu.assume_multiple %add3A_438, 128 : i32
      %dma_start3A_708 = arith.constant 0 : i32
      %dma_start3A_709 = arith.constant 0 : i32
      %dma_start3A_710 = tpu.memref_slice %arg3[%add3A_301, %dma_start3A_708, %dma_start3A_709] : memref<2048x64x2048xf32, #tpu.memory_space<hbm>> -> memref<1x64x2048xf32, #tpu.memory_space<hbm>>
      %dma_start3A_711 = tpu.memref_squeeze %dma_start3A_710 : memref<1x64x2048xf32, #tpu.memory_space<hbm>> -> memref<64x2048xf32, #tpu.memory_space<hbm>>
      %dma_start3A_712 = arith.constant 0 : i32
      %dma_start3A_713 = tpu.memref_slice %dma_start3A_711[%dma_start3A_712, %multiple_of3A_707] : memref<64x2048xf32, #tpu.memory_space<hbm>> -> memref<64x256xf32, #tpu.memory_space<hbm>>
      %dma_start3A_714 = arith.constant 0 : i32
      %dma_start3A_715 = arith.constant 0 : i32
      %dma_start3A_716 = tpu.memref_slice %arg7[%dma_start3A_714, %dma_start3A_715] : memref<64x2048xf32, #tpu.memory_space<vmem_shared>> -> memref<64x256xf32, #tpu.memory_space<vmem_shared>>
      tpu.enqueue_dma source(%dma_start3A_716 : memref<64x256xf32, #tpu.memory_space<vmem_shared>>) target(%dma_start3A_713 : memref<64x256xf32, #tpu.memory_space<hbm>>) target_semaphore(%arg9 : memref<!tpu.dma_semaphore, #tpu.memory_space<semaphore_mem>>)
    } else {
    }
    %and3A_453 = arith.constant -256 : i32
    %and3A_454 = arith.andi %multiple_of3A_336, %and3A_453 : i32
    %and3A_455 = arith.constant -256 : i32
    %and3A_456 = arith.andi %sub3A_395, %and3A_455 : i32
    %add3A_457 = arith.addi %add3A_393, %and3A_456 : i32
    %and3A_458 = arith.constant 128 : i32
    %and3A_459 = arith.andi %multiple_of3A_336, %and3A_458 : i32
    %ne3A_460 = arith.constant 0 : i32
    %ne3A_461 = arith.cmpi ne, %and3A_459, %ne3A_460 : i32
    %convert_element_type3A_462 = arith.extui %ne3A_461 : i1 to i32
    %cond3A_463 = arith.constant 0 : i32
    %cond3A_464 = arith.cmpi ne, %convert_element_type3A_462, %cond3A_463 : i32
    scf.if %cond3A_464 {
      %multiple_of3A_707 = tpu.assume_multiple %and3A_454, 128 : i32
      %dma_start3A_708 = arith.constant 0 : i32
      %dma_start3A_709 = arith.constant 0 : i32
      %dma_start3A_710 = tpu.memref_slice %arg3[%add3A_301, %dma_start3A_708, %dma_start3A_709] : memref<2048x64x2048xf32, #tpu.memory_space<hbm>> -> memref<1x64x2048xf32, #tpu.memory_space<hbm>>
      %dma_start3A_711 = tpu.memref_squeeze %dma_start3A_710 : memref<1x64x2048xf32, #tpu.memory_space<hbm>> -> memref<64x2048xf32, #tpu.memory_space<hbm>>
      %dma_start3A_712 = arith.constant 0 : i32
      %dma_start3A_713 = tpu.memref_slice %dma_start3A_711[%dma_start3A_712, %multiple_of3A_707] : memref<64x2048xf32, #tpu.memory_space<hbm>> -> memref<64x128xf32, #tpu.memory_space<hbm>>
      %dma_start3A_714 = arith.constant 0 : i32
      %dma_start3A_715 = arith.constant 0 : i32
      %dma_start3A_716 = tpu.memref_slice %arg6[%dma_start3A_714, %dma_start3A_715] : memref<64x2048xf32, #tpu.memory_space<vmem_shared>> -> memref<64x128xf32, #tpu.memory_space<vmem_shared>>
      tpu.enqueue_dma source(%dma_start3A_716 : memref<64x128xf32, #tpu.memory_space<vmem_shared>>) target(%dma_start3A_713 : memref<64x128xf32, #tpu.memory_space<hbm>>) target_semaphore(%arg9 : memref<!tpu.dma_semaphore, #tpu.memory_space<semaphore_mem>>)
    } else {
    }
    %and3A_465 = arith.constant 128 : i32
    %and3A_466 = arith.andi %sub3A_395, %and3A_465 : i32
    %ne3A_467 = arith.constant 0 : i32
    %ne3A_468 = arith.cmpi ne, %and3A_466, %ne3A_467 : i32
    %convert_element_type3A_469 = arith.extui %ne3A_468 : i1 to i32
    %cond3A_470 = arith.constant 0 : i32
    %cond3A_471 = arith.cmpi ne, %convert_element_type3A_469, %cond3A_470 : i32
    scf.if %cond3A_471 {
      %multiple_of3A_707 = tpu.assume_multiple %add3A_457, 128 : i32
      %dma_start3A_708 = arith.constant 0 : i32
      %dma_start3A_709 = arith.constant 0 : i32
      %dma_start3A_710 = tpu.memref_slice %arg3[%add3A_301, %dma_start3A_708, %dma_start3A_709] : memref<2048x64x2048xf32, #tpu.memory_space<hbm>> -> memref<1x64x2048xf32, #tpu.memory_space<hbm>>
      %dma_start3A_711 = tpu.memref_squeeze %dma_start3A_710 : memref<1x64x2048xf32, #tpu.memory_space<hbm>> -> memref<64x2048xf32, #tpu.memory_space<hbm>>
      %dma_start3A_712 = arith.constant 0 : i32
      %dma_start3A_713 = tpu.memref_slice %dma_start3A_711[%dma_start3A_712, %multiple_of3A_707] : memref<64x2048xf32, #tpu.memory_space<hbm>> -> memref<64x128xf32, #tpu.memory_space<hbm>>
      %dma_start3A_714 = arith.constant 0 : i32
      %dma_start3A_715 = arith.constant 0 : i32
      %dma_start3A_716 = tpu.memref_slice %arg7[%dma_start3A_714, %dma_start3A_715] : memref<64x2048xf32, #tpu.memory_space<vmem_shared>> -> memref<64x128xf32, #tpu.memory_space<vmem_shared>>
      tpu.enqueue_dma source(%dma_start3A_716 : memref<64x128xf32, #tpu.memory_space<vmem_shared>>) target(%dma_start3A_713 : memref<64x128xf32, #tpu.memory_space<hbm>>) target_semaphore(%arg9 : memref<!tpu.dma_semaphore, #tpu.memory_space<semaphore_mem>>)
    } else {
    }
    %add3A_472 = arith.constant 2 : i32
    %add3A_473 = arith.addi %mul3A_20, %add3A_472 : i32
    %sub3A_474 = arith.constant 288 : i32
    %sub3A_475 = arith.subi %sub3A_474, %add3A_473 : i32
    %add3A_476 = arith.constant 2 : i32
    %add3A_477 = arith.addi %mul3A_20, %add3A_476 : i32
    %sub3A_478 = arith.constant 32 : i32
    %sub3A_479 = arith.subi %add3A_477, %sub3A_478 : i32
    %jit3A_480 = arith.constant 128 : i32
    %div3A_481 = arith.divsi %sub3A_479, %jit3A_480 : i32
    %sign3A_482 = arith.constant 0 : i32
    %sign3A_483 = arith.cmpi sgt, %sub3A_479, %sign3A_482 : i32
    %sign3A_484 = arith.extui %sign3A_483 : i1 to i32
    %sign3A_485 = arith.constant 0 : i32
    %sign3A_486 = arith.cmpi slt, %sub3A_479, %sign3A_485 : i32
    %sign3A_487 = arith.extui %sign3A_486 : i1 to i32
    %sign3A_488 = arith.subi %sign3A_484, %sign3A_487 : i32
    %sign3A_489 = arith.constant 0 : i32
    %sign3A_490 = arith.cmpi sgt, %jit3A_480, %sign3A_489 : i32
    %sign3A_491 = arith.extui %sign3A_490 : i1 to i32
    %sign3A_492 = arith.constant 0 : i32
    %sign3A_493 = arith.cmpi slt, %jit3A_480, %sign3A_492 : i32
    %sign3A_494 = arith.extui %sign3A_493 : i1 to i32
    %sign3A_495 = arith.subi %sign3A_491, %sign3A_494 : i32
    %ne3A_496 = arith.cmpi ne, %sign3A_488, %sign3A_495 : i32
    %rem3A_497 = arith.remsi %sub3A_479, %jit3A_480 : i32
    %ne3A_498 = arith.constant 0 : i32
    %ne3A_499 = arith.cmpi ne, %rem3A_497, %ne3A_498 : i32
    %and3A_500 = arith.andi %ne3A_496, %ne3A_499 : i1
    %sub3A_501 = arith.constant 1 : i32
    %sub3A_502 = arith.subi %div3A_481, %sub3A_501 : i32
    %select_n3A_503 = arith.select %and3A_500, %sub3A_502, %div3A_481 : i32
    %mul3A_504 = arith.constant 128 : i32
    %mul3A_505 = arith.muli %select_n3A_503, %mul3A_504 : i32
    %jit3A_506 = arith.constant 0 : i32
    %jit3A_507 = arith.constant 1792 : i32
    %max3A_508 = arith.maxsi %jit3A_506, %mul3A_505 : i32
    %min3A_509 = arith.minsi %jit3A_507, %max3A_508 : i32
    %multiple_of3A_510 = tpu.assume_multiple %min3A_509, 128 : i32
    %add3A_511 = arith.addi %sub3A_475, %multiple_of3A_510 : i32
    %and3A_512 = arith.constant 15 : i32
    %and3A_513 = arith.andi %add3A_511, %and3A_512 : i32
    %sub3A_514 = arith.subi %add3A_511, %and3A_513 : i32
    %add3A_515 = vector.broadcast %and3A_513 : i32 to vector<16xi32>
    %add3A_516 = arith.addi %iota3A, %add3A_515 : vector<16xi32>
    %and3A_517 = arith.constant 15 : i32
    %and3A_518 = vector.broadcast %and3A_517 : i32 to vector<16xi32>
    %and3A_519 = arith.andi %add3A_516, %and3A_518 : vector<16xi32>
    %ge3A_520 = arith.constant 16 : i32
    %ge3A_521 = vector.broadcast %ge3A_520 : i32 to vector<16xi32>
    %ge3A_522 = arith.cmpi sge, %add3A_516, %ge3A_521 : vector<16xi32>
    %scan3A_523 = arith.constant 0 : i32
    %scan3A_524 = arith.constant 0 : i32
    %scan3A_525 = arith.constant 64 : i32
    %scan3A_526 = arith.addi %scan3A_524, %scan3A_525 : i32
    %scan3A_527 = arith.constant 1 : i32
    scf.for %scan3A_707 = %scan3A_524 to %scan3A_526 step %scan3A_527  : i32 {
      %add3A_708 = arith.constant 0 : i32
      %add3A_709 = arith.addi %sub3A_514, %add3A_708 : i32
      %multiple_of3A_710 = tpu.assume_multiple %add3A_709, 16 : i32
      %get3A = arith.index_cast %scan3A_707 : i32 to index
      %get3A_711 = arith.index_cast %multiple_of3A_710 : i32 to index
      %get3A_712 = tpu.vector_load %arg4[%get3A, %get3A_711] {strides = array<i32>} : memref<64x640xf32, #tpu.memory_space<vmem>>, vector<1x16xf32>,
      %get3A_713 = vector.shape_cast %get3A_712 : vector<1x16xf32> to vector<16xf32>
      %add3A_714 = arith.constant 0 : i32
      %add3A_715 = arith.addi %sub3A_514, %add3A_714 : i32
      %add3A_716 = arith.constant 16 : i32
      %add3A_717 = arith.addi %add3A_715, %add3A_716 : i32
      %multiple_of3A_718 = tpu.assume_multiple %add3A_717, 16 : i32
      %get3A_719 = arith.index_cast %scan3A_707 : i32 to index
      %get3A_720 = arith.index_cast %multiple_of3A_718 : i32 to index
      %get3A_721 = tpu.vector_load %arg4[%get3A_719, %get3A_720] {strides = array<i32>} : memref<64x640xf32, #tpu.memory_space<vmem>>, vector<1x16xf32>,
      %get3A_722 = vector.shape_cast %get3A_721 : vector<1x16xf32> to vector<16xf32>
      %lt3A_723 = arith.constant 0 : i32
      %lt3A_724 = vector.broadcast %lt3A_723 : i32 to vector<16xi32>
      %lt3A_725 = arith.cmpi slt, %and3A_519, %lt3A_724 : vector<16xi32>
      %add3A_726 = arith.constant 16 : i32
      %add3A_727 = vector.broadcast %add3A_726 : i32 to vector<16xi32>
      %add3A_728 = arith.addi %and3A_519, %add3A_727 : vector<16xi32>
      %select_n3A_729 = arith.select %lt3A_725, %add3A_728, %and3A_519 : vector<16xi1>, vector<16xi32>
      %broadcast_in_dim3A = vector.shape_cast %select_n3A_729 : vector<16xi32> to vector<16x1xi32>
      %gather3A = vector.shape_cast %broadcast_in_dim3A : vector<16x1xi32> to vector<16xi32>
      %gather3A_730 = tpu.dynamic_gather %get3A_713[%gather3A] in [0] : vector<16xf32>, vector<16xi32> -> vector<16xf32>
      %lt3A_731 = arith.constant 0 : i32
      %lt3A_732 = vector.broadcast %lt3A_731 : i32 to vector<16xi32>
      %lt3A_733 = arith.cmpi slt, %and3A_519, %lt3A_732 : vector<16xi32>
      %add3A_734 = arith.constant 16 : i32
      %add3A_735 = vector.broadcast %add3A_734 : i32 to vector<16xi32>
      %add3A_736 = arith.addi %and3A_519, %add3A_735 : vector<16xi32>
      %select_n3A_737 = arith.select %lt3A_733, %add3A_736, %and3A_519 : vector<16xi1>, vector<16xi32>
      %broadcast_in_dim3A_738 = vector.shape_cast %select_n3A_737 : vector<16xi32> to vector<16x1xi32>
      %gather3A_739 = vector.shape_cast %broadcast_in_dim3A_738 : vector<16x1xi32> to vector<16xi32>
      %gather3A_740 = tpu.dynamic_gather %get3A_722[%gather3A_739] in [0] : vector<16xf32>, vector<16xi32> -> vector<16xf32>
      %select_n3A_741 = arith.select %ge3A_522, %gather3A_740, %gather3A_730 : vector<16xi1>, vector<16xf32>
      %add3A_742 = arith.constant 128 : i32
      %add3A_743 = arith.addi %add3A_742, %scan3A_707 : i32
      %swap3A = arith.index_cast %add3A_743 : i32 to index
      %swap3A_744 = arith.constant 0 : index
      %swap3A_745 = tpu.vector_load %arg5[%swap3A, %swap3A_744] {strides = array<i32>} : memref<192x256xf32, #tpu.memory_space<vmem>>, vector<1x16xf32>,
      %swap3A_746 = vector.shape_cast %swap3A_745 : vector<1x16xf32> to vector<16xf32>
      %swap3A_747 = vector.shape_cast %select_n3A_741 : vector<16xf32> to vector<1x16xf32>
      tpu.vector_store %arg5[%swap3A, %swap3A_744], %swap3A_747 {strides = array<i32>} : memref<192x256xf32, #tpu.memory_space<vmem>>, vector<1x16xf32>,
      %add3A_748 = arith.constant 16 : i32
      %add3A_749 = arith.addi %sub3A_514, %add3A_748 : i32
      %multiple_of3A_750 = tpu.assume_multiple %add3A_749, 16 : i32
      %get3A_751 = arith.index_cast %scan3A_707 : i32 to index
      %get3A_752 = arith.index_cast %multiple_of3A_750 : i32 to index
      %get3A_753 = tpu.vector_load %arg4[%get3A_751, %get3A_752] {strides = array<i32>} : memref<64x640xf32, #tpu.memory_space<vmem>>, vector<1x16xf32>,
      %get3A_754 = vector.shape_cast %get3A_753 : vector<1x16xf32> to vector<16xf32>
      %add3A_755 = arith.constant 16 : i32
      %add3A_756 = arith.addi %sub3A_514, %add3A_755 : i32
      %add3A_757 = arith.constant 16 : i32
      %add3A_758 = arith.addi %add3A_756, %add3A_757 : i32
      %multiple_of3A_759 = tpu.assume_multiple %add3A_758, 16 : i32
      %get3A_760 = arith.index_cast %scan3A_707 : i32 to index
      %get3A_761 = arith.index_cast %multiple_of3A_759 : i32 to index
      %get3A_762 = tpu.vector_load %arg4[%get3A_760, %get3A_761] {strides = array<i32>} : memref<64x640xf32, #tpu.memory_space<vmem>>, vector<1x16xf32>,
      %get3A_763 = vector.shape_cast %get3A_762 : vector<1x16xf32> to vector<16xf32>
      %lt3A_764 = arith.constant 0 : i32
      %lt3A_765 = vector.broadcast %lt3A_764 : i32 to vector<16xi32>
      %lt3A_766 = arith.cmpi slt, %and3A_519, %lt3A_765 : vector<16xi32>
      %add3A_767 = arith.constant 16 : i32
      %add3A_768 = vector.broadcast %add3A_767 : i32 to vector<16xi32>
      %add3A_769 = arith.addi %and3A_519, %add3A_768 : vector<16xi32>
      %select_n3A_770 = arith.select %lt3A_766, %add3A_769, %and3A_519 : vector<16xi1>, vector<16xi32>
      %broadcast_in_dim3A_771 = vector.shape_cast %select_n3A_770 : vector<16xi32> to vector<16x1xi32>
      %gather3A_772 = vector.shape_cast %broadcast_in_dim3A_771 : vector<16x1xi32> to vector<16xi32>
      %gather3A_773 = tpu.dynamic_gather %get3A_754[%gather3A_772] in [0] : vector<16xf32>, vector<16xi32> -> vector<16xf32>
      %lt3A_774 = arith.constant 0 : i32
      %lt3A_775 = vector.broadcast %lt3A_774 : i32 to vector<16xi32>
      %lt3A_776 = arith.cmpi slt, %and3A_519, %lt3A_775 : vector<16xi32>
      %add3A_777 = arith.constant 16 : i32
      %add3A_778 = vector.broadcast %add3A_777 : i32 to vector<16xi32>
      %add3A_779 = arith.addi %and3A_519, %add3A_778 : vector<16xi32>
      %select_n3A_780 = arith.select %lt3A_776, %add3A_779, %and3A_519 : vector<16xi1>, vector<16xi32>
      %broadcast_in_dim3A_781 = vector.shape_cast %select_n3A_780 : vector<16xi32> to vector<16x1xi32>
      %gather3A_782 = vector.shape_cast %broadcast_in_dim3A_781 : vector<16x1xi32> to vector<16xi32>
      %gather3A_783 = tpu.dynamic_gather %get3A_763[%gather3A_782] in [0] : vector<16xf32>, vector<16xi32> -> vector<16xf32>
      %select_n3A_784 = arith.select %ge3A_522, %gather3A_783, %gather3A_773 : vector<16xi1>, vector<16xf32>
      %add3A_785 = arith.constant 128 : i32
      %add3A_786 = arith.addi %add3A_785, %scan3A_707 : i32
      %swap3A_787 = arith.index_cast %add3A_786 : i32 to index
      %swap3A_788 = arith.constant 16 : index
      %swap3A_789 = tpu.vector_load %arg5[%swap3A_787, %swap3A_788] {strides = array<i32>} : memref<192x256xf32, #tpu.memory_space<vmem>>, vector<1x16xf32>,
      %swap3A_790 = vector.shape_cast %swap3A_789 : vector<1x16xf32> to vector<16xf32>
      %swap3A_791 = vector.shape_cast %select_n3A_784 : vector<16xf32> to vector<1x16xf32>
      tpu.vector_store %arg5[%swap3A_787, %swap3A_788], %swap3A_791 {strides = array<i32>} : memref<192x256xf32, #tpu.memory_space<vmem>>, vector<1x16xf32>,
      %add3A_792 = arith.constant 32 : i32
      %add3A_793 = arith.addi %sub3A_514, %add3A_792 : i32
      %multiple_of3A_794 = tpu.assume_multiple %add3A_793, 16 : i32
      %get3A_795 = arith.index_cast %scan3A_707 : i32 to index
      %get3A_796 = arith.index_cast %multiple_of3A_794 : i32 to index
      %get3A_797 = tpu.vector_load %arg4[%get3A_795, %get3A_796] {strides = array<i32>} : memref<64x640xf32, #tpu.memory_space<vmem>>, vector<1x16xf32>,
      %get3A_798 = vector.shape_cast %get3A_797 : vector<1x16xf32> to vector<16xf32>
      %add3A_799 = arith.constant 32 : i32
      %add3A_800 = arith.addi %sub3A_514, %add3A_799 : i32
      %add3A_801 = arith.constant 16 : i32
      %add3A_802 = arith.addi %add3A_800, %add3A_801 : i32
      %multiple_of3A_803 = tpu.assume_multiple %add3A_802, 16 : i32
      %get3A_804 = arith.index_cast %scan3A_707 : i32 to index
      %get3A_805 = arith.index_cast %multiple_of3A_803 : i32 to index
      %get3A_806 = tpu.vector_load %arg4[%get3A_804, %get3A_805] {strides = array<i32>} : memref<64x640xf32, #tpu.memory_space<vmem>>, vector<1x16xf32>,
      %get3A_807 = vector.shape_cast %get3A_806 : vector<1x16xf32> to vector<16xf32>
      %lt3A_808 = arith.constant 0 : i32
      %lt3A_809 = vector.broadcast %lt3A_808 : i32 to vector<16xi32>
      %lt3A_810 = arith.cmpi slt, %and3A_519, %lt3A_809 : vector<16xi32>
      %add3A_811 = arith.constant 16 : i32
      %add3A_812 = vector.broadcast %add3A_811 : i32 to vector<16xi32>
      %add3A_813 = arith.addi %and3A_519, %add3A_812 : vector<16xi32>
      %select_n3A_814 = arith.select %lt3A_810, %add3A_813, %and3A_519 : vector<16xi1>, vector<16xi32>
      %broadcast_in_dim3A_815 = vector.shape_cast %select_n3A_814 : vector<16xi32> to vector<16x1xi32>
      %gather3A_816 = vector.shape_cast %broadcast_in_dim3A_815 : vector<16x1xi32> to vector<16xi32>
      %gather3A_817 = tpu.dynamic_gather %get3A_798[%gather3A_816] in [0] : vector<16xf32>, vector<16xi32> -> vector<16xf32>
      %lt3A_818 = arith.constant 0 : i32
      %lt3A_819 = vector.broadcast %lt3A_818 : i32 to vector<16xi32>
      %lt3A_820 = arith.cmpi slt, %and3A_519, %lt3A_819 : vector<16xi32>
      %add3A_821 = arith.constant 16 : i32
      %add3A_822 = vector.broadcast %add3A_821 : i32 to vector<16xi32>
      %add3A_823 = arith.addi %and3A_519, %add3A_822 : vector<16xi32>
      %select_n3A_824 = arith.select %lt3A_820, %add3A_823, %and3A_519 : vector<16xi1>, vector<16xi32>
      %broadcast_in_dim3A_825 = vector.shape_cast %select_n3A_824 : vector<16xi32> to vector<16x1xi32>
      %gather3A_826 = vector.shape_cast %broadcast_in_dim3A_825 : vector<16x1xi32> to vector<16xi32>
      %gather3A_827 = tpu.dynamic_gather %get3A_807[%gather3A_826] in [0] : vector<16xf32>, vector<16xi32> -> vector<16xf32>
      %select_n3A_828 = arith.select %ge3A_522, %gather3A_827, %gather3A_817 : vector<16xi1>, vector<16xf32>
      %add3A_829 = arith.constant 128 : i32
      %add3A_830 = arith.addi %add3A_829, %scan3A_707 : i32
      %swap3A_831 = arith.index_cast %add3A_830 : i32 to index
      %swap3A_832 = arith.constant 32 : index
      %swap3A_833 = tpu.vector_load %arg5[%swap3A_831, %swap3A_832] {strides = array<i32>} : memref<192x256xf32, #tpu.memory_space<vmem>>, vector<1x16xf32>,
      %swap3A_834 = vector.shape_cast %swap3A_833 : vector<1x16xf32> to vector<16xf32>
      %swap3A_835 = vector.shape_cast %select_n3A_828 : vector<16xf32> to vector<1x16xf32>
      tpu.vector_store %arg5[%swap3A_831, %swap3A_832], %swap3A_835 {strides = array<i32>} : memref<192x256xf32, #tpu.memory_space<vmem>>, vector<1x16xf32>,
      %add3A_836 = arith.constant 48 : i32
      %add3A_837 = arith.addi %sub3A_514, %add3A_836 : i32
      %multiple_of3A_838 = tpu.assume_multiple %add3A_837, 16 : i32
      %get3A_839 = arith.index_cast %scan3A_707 : i32 to index
      %get3A_840 = arith.index_cast %multiple_of3A_838 : i32 to index
      %get3A_841 = tpu.vector_load %arg4[%get3A_839, %get3A_840] {strides = array<i32>} : memref<64x640xf32, #tpu.memory_space<vmem>>, vector<1x16xf32>,
      %get3A_842 = vector.shape_cast %get3A_841 : vector<1x16xf32> to vector<16xf32>
      %add3A_843 = arith.constant 48 : i32
      %add3A_844 = arith.addi %sub3A_514, %add3A_843 : i32
      %add3A_845 = arith.constant 16 : i32
      %add3A_846 = arith.addi %add3A_844, %add3A_845 : i32
      %multiple_of3A_847 = tpu.assume_multiple %add3A_846, 16 : i32
      %get3A_848 = arith.index_cast %scan3A_707 : i32 to index
      %get3A_849 = arith.index_cast %multiple_of3A_847 : i32 to index
      %get3A_850 = tpu.vector_load %arg4[%get3A_848, %get3A_849] {strides = array<i32>} : memref<64x640xf32, #tpu.memory_space<vmem>>, vector<1x16xf32>,
      %get3A_851 = vector.shape_cast %get3A_850 : vector<1x16xf32> to vector<16xf32>
      %lt3A_852 = arith.constant 0 : i32
      %lt3A_853 = vector.broadcast %lt3A_852 : i32 to vector<16xi32>
      %lt3A_854 = arith.cmpi slt, %and3A_519, %lt3A_853 : vector<16xi32>
      %add3A_855 = arith.constant 16 : i32
      %add3A_856 = vector.broadcast %add3A_855 : i32 to vector<16xi32>
      %add3A_857 = arith.addi %and3A_519, %add3A_856 : vector<16xi32>
      %select_n3A_858 = arith.select %lt3A_854, %add3A_857, %and3A_519 : vector<16xi1>, vector<16xi32>
      %broadcast_in_dim3A_859 = vector.shape_cast %select_n3A_858 : vector<16xi32> to vector<16x1xi32>
      %gather3A_860 = vector.shape_cast %broadcast_in_dim3A_859 : vector<16x1xi32> to vector<16xi32>
      %gather3A_861 = tpu.dynamic_gather %get3A_842[%gather3A_860] in [0] : vector<16xf32>, vector<16xi32> -> vector<16xf32>
      %lt3A_862 = arith.constant 0 : i32
      %lt3A_863 = vector.broadcast %lt3A_862 : i32 to vector<16xi32>
      %lt3A_864 = arith.cmpi slt, %and3A_519, %lt3A_863 : vector<16xi32>
      %add3A_865 = arith.constant 16 : i32
      %add3A_866 = vector.broadcast %add3A_865 : i32 to vector<16xi32>
      %add3A_867 = arith.addi %and3A_519, %add3A_866 : vector<16xi32>
      %select_n3A_868 = arith.select %lt3A_864, %add3A_867, %and3A_519 : vector<16xi1>, vector<16xi32>
      %broadcast_in_dim3A_869 = vector.shape_cast %select_n3A_868 : vector<16xi32> to vector<16x1xi32>
      %gather3A_870 = vector.shape_cast %broadcast_in_dim3A_869 : vector<16x1xi32> to vector<16xi32>
      %gather3A_871 = tpu.dynamic_gather %get3A_851[%gather3A_870] in [0] : vector<16xf32>, vector<16xi32> -> vector<16xf32>
      %select_n3A_872 = arith.select %ge3A_522, %gather3A_871, %gather3A_861 : vector<16xi1>, vector<16xf32>
      %add3A_873 = arith.constant 128 : i32
      %add3A_874 = arith.addi %add3A_873, %scan3A_707 : i32
      %swap3A_875 = arith.index_cast %add3A_874 : i32 to index
      %swap3A_876 = arith.constant 48 : index
      %swap3A_877 = tpu.vector_load %arg5[%swap3A_875, %swap3A_876] {strides = array<i32>} : memref<192x256xf32, #tpu.memory_space<vmem>>, vector<1x16xf32>,
      %swap3A_878 = vector.shape_cast %swap3A_877 : vector<1x16xf32> to vector<16xf32>
      %swap3A_879 = vector.shape_cast %select_n3A_872 : vector<16xf32> to vector<1x16xf32>
      tpu.vector_store %arg5[%swap3A_875, %swap3A_876], %swap3A_879 {strides = array<i32>} : memref<192x256xf32, #tpu.memory_space<vmem>>, vector<1x16xf32>,
      %add3A_880 = arith.constant 64 : i32
      %add3A_881 = arith.addi %sub3A_514, %add3A_880 : i32
      %multiple_of3A_882 = tpu.assume_multiple %add3A_881, 16 : i32
      %get3A_883 = arith.index_cast %scan3A_707 : i32 to index
      %get3A_884 = arith.index_cast %multiple_of3A_882 : i32 to index
      %get3A_885 = tpu.vector_load %arg4[%get3A_883, %get3A_884] {strides = array<i32>} : memref<64x640xf32, #tpu.memory_space<vmem>>, vector<1x16xf32>,
      %get3A_886 = vector.shape_cast %get3A_885 : vector<1x16xf32> to vector<16xf32>
      %add3A_887 = arith.constant 64 : i32
      %add3A_888 = arith.addi %sub3A_514, %add3A_887 : i32
      %add3A_889 = arith.constant 16 : i32
      %add3A_890 = arith.addi %add3A_888, %add3A_889 : i32
      %multiple_of3A_891 = tpu.assume_multiple %add3A_890, 16 : i32
      %get3A_892 = arith.index_cast %scan3A_707 : i32 to index
      %get3A_893 = arith.index_cast %multiple_of3A_891 : i32 to index
      %get3A_894 = tpu.vector_load %arg4[%get3A_892, %get3A_893] {strides = array<i32>} : memref<64x640xf32, #tpu.memory_space<vmem>>, vector<1x16xf32>,
      %get3A_895 = vector.shape_cast %get3A_894 : vector<1x16xf32> to vector<16xf32>
      %lt3A_896 = arith.constant 0 : i32
      %lt3A_897 = vector.broadcast %lt3A_896 : i32 to vector<16xi32>
      %lt3A_898 = arith.cmpi slt, %and3A_519, %lt3A_897 : vector<16xi32>
      %add3A_899 = arith.constant 16 : i32
      %add3A_900 = vector.broadcast %add3A_899 : i32 to vector<16xi32>
      %add3A_901 = arith.addi %and3A_519, %add3A_900 : vector<16xi32>
      %select_n3A_902 = arith.select %lt3A_898, %add3A_901, %and3A_519 : vector<16xi1>, vector<16xi32>
      %broadcast_in_dim3A_903 = vector.shape_cast %select_n3A_902 : vector<16xi32> to vector<16x1xi32>
      %gather3A_904 = vector.shape_cast %broadcast_in_dim3A_903 : vector<16x1xi32> to vector<16xi32>
      %gather3A_905 = tpu.dynamic_gather %get3A_886[%gather3A_904] in [0] : vector<16xf32>, vector<16xi32> -> vector<16xf32>
      %lt3A_906 = arith.constant 0 : i32
      %lt3A_907 = vector.broadcast %lt3A_906 : i32 to vector<16xi32>
      %lt3A_908 = arith.cmpi slt, %and3A_519, %lt3A_907 : vector<16xi32>
      %add3A_909 = arith.constant 16 : i32
      %add3A_910 = vector.broadcast %add3A_909 : i32 to vector<16xi32>
      %add3A_911 = arith.addi %and3A_519, %add3A_910 : vector<16xi32>
      %select_n3A_912 = arith.select %lt3A_908, %add3A_911, %and3A_519 : vector<16xi1>, vector<16xi32>
      %broadcast_in_dim3A_913 = vector.shape_cast %select_n3A_912 : vector<16xi32> to vector<16x1xi32>
      %gather3A_914 = vector.shape_cast %broadcast_in_dim3A_913 : vector<16x1xi32> to vector<16xi32>
      %gather3A_915 = tpu.dynamic_gather %get3A_895[%gather3A_914] in [0] : vector<16xf32>, vector<16xi32> -> vector<16xf32>
      %select_n3A_916 = arith.select %ge3A_522, %gather3A_915, %gather3A_905 : vector<16xi1>, vector<16xf32>
      %add3A_917 = arith.constant 128 : i32
      %add3A_918 = arith.addi %add3A_917, %scan3A_707 : i32
      %swap3A_919 = arith.index_cast %add3A_918 : i32 to index
      %swap3A_920 = arith.constant 64 : index
      %swap3A_921 = tpu.vector_load %arg5[%swap3A_919, %swap3A_920] {strides = array<i32>} : memref<192x256xf32, #tpu.memory_space<vmem>>, vector<1x16xf32>,
      %swap3A_922 = vector.shape_cast %swap3A_921 : vector<1x16xf32> to vector<16xf32>
      %swap3A_923 = vector.shape_cast %select_n3A_916 : vector<16xf32> to vector<1x16xf32>
      tpu.vector_store %arg5[%swap3A_919, %swap3A_920], %swap3A_923 {strides = array<i32>} : memref<192x256xf32, #tpu.memory_space<vmem>>, vector<1x16xf32>,
      %add3A_924 = arith.constant 80 : i32
      %add3A_925 = arith.addi %sub3A_514, %add3A_924 : i32
      %multiple_of3A_926 = tpu.assume_multiple %add3A_925, 16 : i32
      %get3A_927 = arith.index_cast %scan3A_707 : i32 to index
      %get3A_928 = arith.index_cast %multiple_of3A_926 : i32 to index
      %get3A_929 = tpu.vector_load %arg4[%get3A_927, %get3A_928] {strides = array<i32>} : memref<64x640xf32, #tpu.memory_space<vmem>>, vector<1x16xf32>,
      %get3A_930 = vector.shape_cast %get3A_929 : vector<1x16xf32> to vector<16xf32>
      %add3A_931 = arith.constant 80 : i32
      %add3A_932 = arith.addi %sub3A_514, %add3A_931 : i32
      %add3A_933 = arith.constant 16 : i32
      %add3A_934 = arith.addi %add3A_932, %add3A_933 : i32
      %multiple_of3A_935 = tpu.assume_multiple %add3A_934, 16 : i32
      %get3A_936 = arith.index_cast %scan3A_707 : i32 to index
      %get3A_937 = arith.index_cast %multiple_of3A_935 : i32 to index
      %get3A_938 = tpu.vector_load %arg4[%get3A_936, %get3A_937] {strides = array<i32>} : memref<64x640xf32, #tpu.memory_space<vmem>>, vector<1x16xf32>,
      %get3A_939 = vector.shape_cast %get3A_938 : vector<1x16xf32> to vector<16xf32>
      %lt3A_940 = arith.constant 0 : i32
      %lt3A_941 = vector.broadcast %lt3A_940 : i32 to vector<16xi32>
      %lt3A_942 = arith.cmpi slt, %and3A_519, %lt3A_941 : vector<16xi32>
      %add3A_943 = arith.constant 16 : i32
      %add3A_944 = vector.broadcast %add3A_943 : i32 to vector<16xi32>
      %add3A_945 = arith.addi %and3A_519, %add3A_944 : vector<16xi32>
      %select_n3A_946 = arith.select %lt3A_942, %add3A_945, %and3A_519 : vector<16xi1>, vector<16xi32>
      %broadcast_in_dim3A_947 = vector.shape_cast %select_n3A_946 : vector<16xi32> to vector<16x1xi32>
      %gather3A_948 = vector.shape_cast %broadcast_in_dim3A_947 : vector<16x1xi32> to vector<16xi32>
      %gather3A_949 = tpu.dynamic_gather %get3A_930[%gather3A_948] in [0] : vector<16xf32>, vector<16xi32> -> vector<16xf32>
      %lt3A_950 = arith.constant 0 : i32
      %lt3A_951 = vector.broadcast %lt3A_950 : i32 to vector<16xi32>
      %lt3A_952 = arith.cmpi slt, %and3A_519, %lt3A_951 : vector<16xi32>
      %add3A_953 = arith.constant 16 : i32
      %add3A_954 = vector.broadcast %add3A_953 : i32 to vector<16xi32>
      %add3A_955 = arith.addi %and3A_519, %add3A_954 : vector<16xi32>
      %select_n3A_956 = arith.select %lt3A_952, %add3A_955, %and3A_519 : vector<16xi1>, vector<16xi32>
      %broadcast_in_dim3A_957 = vector.shape_cast %select_n3A_956 : vector<16xi32> to vector<16x1xi32>
      %gather3A_958 = vector.shape_cast %broadcast_in_dim3A_957 : vector<16x1xi32> to vector<16xi32>
      %gather3A_959 = tpu.dynamic_gather %get3A_939[%gather3A_958] in [0] : vector<16xf32>, vector<16xi32> -> vector<16xf32>
      %select_n3A_960 = arith.select %ge3A_522, %gather3A_959, %gather3A_949 : vector<16xi1>, vector<16xf32>
      %add3A_961 = arith.constant 128 : i32
      %add3A_962 = arith.addi %add3A_961, %scan3A_707 : i32
      %swap3A_963 = arith.index_cast %add3A_962 : i32 to index
      %swap3A_964 = arith.constant 80 : index
      %swap3A_965 = tpu.vector_load %arg5[%swap3A_963, %swap3A_964] {strides = array<i32>} : memref<192x256xf32, #tpu.memory_space<vmem>>, vector<1x16xf32>,
      %swap3A_966 = vector.shape_cast %swap3A_965 : vector<1x16xf32> to vector<16xf32>
      %swap3A_967 = vector.shape_cast %select_n3A_960 : vector<16xf32> to vector<1x16xf32>
      tpu.vector_store %arg5[%swap3A_963, %swap3A_964], %swap3A_967 {strides = array<i32>} : memref<192x256xf32, #tpu.memory_space<vmem>>, vector<1x16xf32>,
      %add3A_968 = arith.constant 96 : i32
      %add3A_969 = arith.addi %sub3A_514, %add3A_968 : i32
      %multiple_of3A_970 = tpu.assume_multiple %add3A_969, 16 : i32
      %get3A_971 = arith.index_cast %scan3A_707 : i32 to index
      %get3A_972 = arith.index_cast %multiple_of3A_970 : i32 to index
      %get3A_973 = tpu.vector_load %arg4[%get3A_971, %get3A_972] {strides = array<i32>} : memref<64x640xf32, #tpu.memory_space<vmem>>, vector<1x16xf32>,
      %get3A_974 = vector.shape_cast %get3A_973 : vector<1x16xf32> to vector<16xf32>
      %add3A_975 = arith.constant 96 : i32
      %add3A_976 = arith.addi %sub3A_514, %add3A_975 : i32
      %add3A_977 = arith.constant 16 : i32
      %add3A_978 = arith.addi %add3A_976, %add3A_977 : i32
      %multiple_of3A_979 = tpu.assume_multiple %add3A_978, 16 : i32
      %get3A_980 = arith.index_cast %scan3A_707 : i32 to index
      %get3A_981 = arith.index_cast %multiple_of3A_979 : i32 to index
      %get3A_982 = tpu.vector_load %arg4[%get3A_980, %get3A_981] {strides = array<i32>} : memref<64x640xf32, #tpu.memory_space<vmem>>, vector<1x16xf32>,
      %get3A_983 = vector.shape_cast %get3A_982 : vector<1x16xf32> to vector<16xf32>
      %lt3A_984 = arith.constant 0 : i32
      %lt3A_985 = vector.broadcast %lt3A_984 : i32 to vector<16xi32>
      %lt3A_986 = arith.cmpi slt, %and3A_519, %lt3A_985 : vector<16xi32>
      %add3A_987 = arith.constant 16 : i32
      %add3A_988 = vector.broadcast %add3A_987 : i32 to vector<16xi32>
      %add3A_989 = arith.addi %and3A_519, %add3A_988 : vector<16xi32>
      %select_n3A_990 = arith.select %lt3A_986, %add3A_989, %and3A_519 : vector<16xi1>, vector<16xi32>
      %broadcast_in_dim3A_991 = vector.shape_cast %select_n3A_990 : vector<16xi32> to vector<16x1xi32>
      %gather3A_992 = vector.shape_cast %broadcast_in_dim3A_991 : vector<16x1xi32> to vector<16xi32>
      %gather3A_993 = tpu.dynamic_gather %get3A_974[%gather3A_992] in [0] : vector<16xf32>, vector<16xi32> -> vector<16xf32>
      %lt3A_994 = arith.constant 0 : i32
      %lt3A_995 = vector.broadcast %lt3A_994 : i32 to vector<16xi32>
      %lt3A_996 = arith.cmpi slt, %and3A_519, %lt3A_995 : vector<16xi32>
      %add3A_997 = arith.constant 16 : i32
      %add3A_998 = vector.broadcast %add3A_997 : i32 to vector<16xi32>
      %add3A_999 = arith.addi %and3A_519, %add3A_998 : vector<16xi32>
      %select_n3A_1000 = arith.select %lt3A_996, %add3A_999, %and3A_519 : vector<16xi1>, vector<16xi32>
      %broadcast_in_dim3A_1001 = vector.shape_cast %select_n3A_1000 : vector<16xi32> to vector<16x1xi32>
      %gather3A_1002 = vector.shape_cast %broadcast_in_dim3A_1001 : vector<16x1xi32> to vector<16xi32>
      %gather3A_1003 = tpu.dynamic_gather %get3A_983[%gather3A_1002] in [0] : vector<16xf32>, vector<16xi32> -> vector<16xf32>
      %select_n3A_1004 = arith.select %ge3A_522, %gather3A_1003, %gather3A_993 : vector<16xi1>, vector<16xf32>
      %add3A_1005 = arith.constant 128 : i32
      %add3A_1006 = arith.addi %add3A_1005, %scan3A_707 : i32
      %swap3A_1007 = arith.index_cast %add3A_1006 : i32 to index
      %swap3A_1008 = arith.constant 96 : index
      %swap3A_1009 = tpu.vector_load %arg5[%swap3A_1007, %swap3A_1008] {strides = array<i32>} : memref<192x256xf32, #tpu.memory_space<vmem>>, vector<1x16xf32>,
      %swap3A_1010 = vector.shape_cast %swap3A_1009 : vector<1x16xf32> to vector<16xf32>
      %swap3A_1011 = vector.shape_cast %select_n3A_1004 : vector<16xf32> to vector<1x16xf32>
      tpu.vector_store %arg5[%swap3A_1007, %swap3A_1008], %swap3A_1011 {strides = array<i32>} : memref<192x256xf32, #tpu.memory_space<vmem>>, vector<1x16xf32>,
      %add3A_1012 = arith.constant 112 : i32
      %add3A_1013 = arith.addi %sub3A_514, %add3A_1012 : i32
      %multiple_of3A_1014 = tpu.assume_multiple %add3A_1013, 16 : i32
      %get3A_1015 = arith.index_cast %scan3A_707 : i32 to index
      %get3A_1016 = arith.index_cast %multiple_of3A_1014 : i32 to index
      %get3A_1017 = tpu.vector_load %arg4[%get3A_1015, %get3A_1016] {strides = array<i32>} : memref<64x640xf32, #tpu.memory_space<vmem>>, vector<1x16xf32>,
      %get3A_1018 = vector.shape_cast %get3A_1017 : vector<1x16xf32> to vector<16xf32>
      %add3A_1019 = arith.constant 112 : i32
      %add3A_1020 = arith.addi %sub3A_514, %add3A_1019 : i32
      %add3A_1021 = arith.constant 16 : i32
      %add3A_1022 = arith.addi %add3A_1020, %add3A_1021 : i32
      %multiple_of3A_1023 = tpu.assume_multiple %add3A_1022, 16 : i32
      %get3A_1024 = arith.index_cast %scan3A_707 : i32 to index
      %get3A_1025 = arith.index_cast %multiple_of3A_1023 : i32 to index
      %get3A_1026 = tpu.vector_load %arg4[%get3A_1024, %get3A_1025] {strides = array<i32>} : memref<64x640xf32, #tpu.memory_space<vmem>>, vector<1x16xf32>,
      %get3A_1027 = vector.shape_cast %get3A_1026 : vector<1x16xf32> to vector<16xf32>
      %lt3A_1028 = arith.constant 0 : i32
      %lt3A_1029 = vector.broadcast %lt3A_1028 : i32 to vector<16xi32>
      %lt3A_1030 = arith.cmpi slt, %and3A_519, %lt3A_1029 : vector<16xi32>
      %add3A_1031 = arith.constant 16 : i32
      %add3A_1032 = vector.broadcast %add3A_1031 : i32 to vector<16xi32>
      %add3A_1033 = arith.addi %and3A_519, %add3A_1032 : vector<16xi32>
      %select_n3A_1034 = arith.select %lt3A_1030, %add3A_1033, %and3A_519 : vector<16xi1>, vector<16xi32>
      %broadcast_in_dim3A_1035 = vector.shape_cast %select_n3A_1034 : vector<16xi32> to vector<16x1xi32>
      %gather3A_1036 = vector.shape_cast %broadcast_in_dim3A_1035 : vector<16x1xi32> to vector<16xi32>
      %gather3A_1037 = tpu.dynamic_gather %get3A_1018[%gather3A_1036] in [0] : vector<16xf32>, vector<16xi32> -> vector<16xf32>
      %lt3A_1038 = arith.constant 0 : i32
      %lt3A_1039 = vector.broadcast %lt3A_1038 : i32 to vector<16xi32>
      %lt3A_1040 = arith.cmpi slt, %and3A_519, %lt3A_1039 : vector<16xi32>
      %add3A_1041 = arith.constant 16 : i32
      %add3A_1042 = vector.broadcast %add3A_1041 : i32 to vector<16xi32>
      %add3A_1043 = arith.addi %and3A_519, %add3A_1042 : vector<16xi32>
      %select_n3A_1044 = arith.select %lt3A_1040, %add3A_1043, %and3A_519 : vector<16xi1>, vector<16xi32>
      %broadcast_in_dim3A_1045 = vector.shape_cast %select_n3A_1044 : vector<16xi32> to vector<16x1xi32>
      %gather3A_1046 = vector.shape_cast %broadcast_in_dim3A_1045 : vector<16x1xi32> to vector<16xi32>
      %gather3A_1047 = tpu.dynamic_gather %get3A_1027[%gather3A_1046] in [0] : vector<16xf32>, vector<16xi32> -> vector<16xf32>
      %select_n3A_1048 = arith.select %ge3A_522, %gather3A_1047, %gather3A_1037 : vector<16xi1>, vector<16xf32>
      %add3A_1049 = arith.constant 128 : i32
      %add3A_1050 = arith.addi %add3A_1049, %scan3A_707 : i32
      %swap3A_1051 = arith.index_cast %add3A_1050 : i32 to index
      %swap3A_1052 = arith.constant 112 : index
      %swap3A_1053 = tpu.vector_load %arg5[%swap3A_1051, %swap3A_1052] {strides = array<i32>} : memref<192x256xf32, #tpu.memory_space<vmem>>, vector<1x16xf32>,
      %swap3A_1054 = vector.shape_cast %swap3A_1053 : vector<1x16xf32> to vector<16xf32>
      %swap3A_1055 = vector.shape_cast %select_n3A_1048 : vector<16xf32> to vector<1x16xf32>
      tpu.vector_store %arg5[%swap3A_1051, %swap3A_1052], %swap3A_1055 {strides = array<i32>} : memref<192x256xf32, #tpu.memory_space<vmem>>, vector<1x16xf32>,
      %add3A_1056 = arith.constant 128 : i32
      %add3A_1057 = arith.addi %sub3A_514, %add3A_1056 : i32
      %multiple_of3A_1058 = tpu.assume_multiple %add3A_1057, 16 : i32
      %get3A_1059 = arith.index_cast %scan3A_707 : i32 to index
      %get3A_1060 = arith.index_cast %multiple_of3A_1058 : i32 to index
      %get3A_1061 = tpu.vector_load %arg4[%get3A_1059, %get3A_1060] {strides = array<i32>} : memref<64x640xf32, #tpu.memory_space<vmem>>, vector<1x16xf32>,
      %get3A_1062 = vector.shape_cast %get3A_1061 : vector<1x16xf32> to vector<16xf32>
      %add3A_1063 = arith.constant 128 : i32
      %add3A_1064 = arith.addi %sub3A_514, %add3A_1063 : i32
      %add3A_1065 = arith.constant 16 : i32
      %add3A_1066 = arith.addi %add3A_1064, %add3A_1065 : i32
      %multiple_of3A_1067 = tpu.assume_multiple %add3A_1066, 16 : i32
      %get3A_1068 = arith.index_cast %scan3A_707 : i32 to index
      %get3A_1069 = arith.index_cast %multiple_of3A_1067 : i32 to index
      %get3A_1070 = tpu.vector_load %arg4[%get3A_1068, %get3A_1069] {strides = array<i32>} : memref<64x640xf32, #tpu.memory_space<vmem>>, vector<1x16xf32>,
      %get3A_1071 = vector.shape_cast %get3A_1070 : vector<1x16xf32> to vector<16xf32>
      %lt3A_1072 = arith.constant 0 : i32
      %lt3A_1073 = vector.broadcast %lt3A_1072 : i32 to vector<16xi32>
      %lt3A_1074 = arith.cmpi slt, %and3A_519, %lt3A_1073 : vector<16xi32>
      %add3A_1075 = arith.constant 16 : i32
      %add3A_1076 = vector.broadcast %add3A_1075 : i32 to vector<16xi32>
      %add3A_1077 = arith.addi %and3A_519, %add3A_1076 : vector<16xi32>
      %select_n3A_1078 = arith.select %lt3A_1074, %add3A_1077, %and3A_519 : vector<16xi1>, vector<16xi32>
      %broadcast_in_dim3A_1079 = vector.shape_cast %select_n3A_1078 : vector<16xi32> to vector<16x1xi32>
      %gather3A_1080 = vector.shape_cast %broadcast_in_dim3A_1079 : vector<16x1xi32> to vector<16xi32>
      %gather3A_1081 = tpu.dynamic_gather %get3A_1062[%gather3A_1080] in [0] : vector<16xf32>, vector<16xi32> -> vector<16xf32>
      %lt3A_1082 = arith.constant 0 : i32
      %lt3A_1083 = vector.broadcast %lt3A_1082 : i32 to vector<16xi32>
      %lt3A_1084 = arith.cmpi slt, %and3A_519, %lt3A_1083 : vector<16xi32>
      %add3A_1085 = arith.constant 16 : i32
      %add3A_1086 = vector.broadcast %add3A_1085 : i32 to vector<16xi32>
      %add3A_1087 = arith.addi %and3A_519, %add3A_1086 : vector<16xi32>
      %select_n3A_1088 = arith.select %lt3A_1084, %add3A_1087, %and3A_519 : vector<16xi1>, vector<16xi32>
      %broadcast_in_dim3A_1089 = vector.shape_cast %select_n3A_1088 : vector<16xi32> to vector<16x1xi32>
      %gather3A_1090 = vector.shape_cast %broadcast_in_dim3A_1089 : vector<16x1xi32> to vector<16xi32>
      %gather3A_1091 = tpu.dynamic_gather %get3A_1071[%gather3A_1090] in [0] : vector<16xf32>, vector<16xi32> -> vector<16xf32>
      %select_n3A_1092 = arith.select %ge3A_522, %gather3A_1091, %gather3A_1081 : vector<16xi1>, vector<16xf32>
      %add3A_1093 = arith.constant 128 : i32
      %add3A_1094 = arith.addi %add3A_1093, %scan3A_707 : i32
      %swap3A_1095 = arith.index_cast %add3A_1094 : i32 to index
      %swap3A_1096 = arith.constant 128 : index
      %swap3A_1097 = tpu.vector_load %arg5[%swap3A_1095, %swap3A_1096] {strides = array<i32>} : memref<192x256xf32, #tpu.memory_space<vmem>>, vector<1x16xf32>,
      %swap3A_1098 = vector.shape_cast %swap3A_1097 : vector<1x16xf32> to vector<16xf32>
      %swap3A_1099 = vector.shape_cast %select_n3A_1092 : vector<16xf32> to vector<1x16xf32>
      tpu.vector_store %arg5[%swap3A_1095, %swap3A_1096], %swap3A_1099 {strides = array<i32>} : memref<192x256xf32, #tpu.memory_space<vmem>>, vector<1x16xf32>,
      %add3A_1100 = arith.constant 144 : i32
      %add3A_1101 = arith.addi %sub3A_514, %add3A_1100 : i32
      %multiple_of3A_1102 = tpu.assume_multiple %add3A_1101, 16 : i32
      %get3A_1103 = arith.index_cast %scan3A_707 : i32 to index
      %get3A_1104 = arith.index_cast %multiple_of3A_1102 : i32 to index
      %get3A_1105 = tpu.vector_load %arg4[%get3A_1103, %get3A_1104] {strides = array<i32>} : memref<64x640xf32, #tpu.memory_space<vmem>>, vector<1x16xf32>,
      %get3A_1106 = vector.shape_cast %get3A_1105 : vector<1x16xf32> to vector<16xf32>
      %add3A_1107 = arith.constant 144 : i32
      %add3A_1108 = arith.addi %sub3A_514, %add3A_1107 : i32
      %add3A_1109 = arith.constant 16 : i32
      %add3A_1110 = arith.addi %add3A_1108, %add3A_1109 : i32
      %multiple_of3A_1111 = tpu.assume_multiple %add3A_1110, 16 : i32
      %get3A_1112 = arith.index_cast %scan3A_707 : i32 to index
      %get3A_1113 = arith.index_cast %multiple_of3A_1111 : i32 to index
      %get3A_1114 = tpu.vector_load %arg4[%get3A_1112, %get3A_1113] {strides = array<i32>} : memref<64x640xf32, #tpu.memory_space<vmem>>, vector<1x16xf32>,
      %get3A_1115 = vector.shape_cast %get3A_1114 : vector<1x16xf32> to vector<16xf32>
      %lt3A_1116 = arith.constant 0 : i32
      %lt3A_1117 = vector.broadcast %lt3A_1116 : i32 to vector<16xi32>
      %lt3A_1118 = arith.cmpi slt, %and3A_519, %lt3A_1117 : vector<16xi32>
      %add3A_1119 = arith.constant 16 : i32
      %add3A_1120 = vector.broadcast %add3A_1119 : i32 to vector<16xi32>
      %add3A_1121 = arith.addi %and3A_519, %add3A_1120 : vector<16xi32>
      %select_n3A_1122 = arith.select %lt3A_1118, %add3A_1121, %and3A_519 : vector<16xi1>, vector<16xi32>
      %broadcast_in_dim3A_1123 = vector.shape_cast %select_n3A_1122 : vector<16xi32> to vector<16x1xi32>
      %gather3A_1124 = vector.shape_cast %broadcast_in_dim3A_1123 : vector<16x1xi32> to vector<16xi32>
      %gather3A_1125 = tpu.dynamic_gather %get3A_1106[%gather3A_1124] in [0] : vector<16xf32>, vector<16xi32> -> vector<16xf32>
      %lt3A_1126 = arith.constant 0 : i32
      %lt3A_1127 = vector.broadcast %lt3A_1126 : i32 to vector<16xi32>
      %lt3A_1128 = arith.cmpi slt, %and3A_519, %lt3A_1127 : vector<16xi32>
      %add3A_1129 = arith.constant 16 : i32
      %add3A_1130 = vector.broadcast %add3A_1129 : i32 to vector<16xi32>
      %add3A_1131 = arith.addi %and3A_519, %add3A_1130 : vector<16xi32>
      %select_n3A_1132 = arith.select %lt3A_1128, %add3A_1131, %and3A_519 : vector<16xi1>, vector<16xi32>
      %broadcast_in_dim3A_1133 = vector.shape_cast %select_n3A_1132 : vector<16xi32> to vector<16x1xi32>
      %gather3A_1134 = vector.shape_cast %broadcast_in_dim3A_1133 : vector<16x1xi32> to vector<16xi32>
      %gather3A_1135 = tpu.dynamic_gather %get3A_1115[%gather3A_1134] in [0] : vector<16xf32>, vector<16xi32> -> vector<16xf32>
      %select_n3A_1136 = arith.select %ge3A_522, %gather3A_1135, %gather3A_1125 : vector<16xi1>, vector<16xf32>
      %add3A_1137 = arith.constant 128 : i32
      %add3A_1138 = arith.addi %add3A_1137, %scan3A_707 : i32
      %swap3A_1139 = arith.index_cast %add3A_1138 : i32 to index
      %swap3A_1140 = arith.constant 144 : index
      %swap3A_1141 = tpu.vector_load %arg5[%swap3A_1139, %swap3A_1140] {strides = array<i32>} : memref<192x256xf32, #tpu.memory_space<vmem>>, vector<1x16xf32>,
      %swap3A_1142 = vector.shape_cast %swap3A_1141 : vector<1x16xf32> to vector<16xf32>
      %swap3A_1143 = vector.shape_cast %select_n3A_1136 : vector<16xf32> to vector<1x16xf32>
      tpu.vector_store %arg5[%swap3A_1139, %swap3A_1140], %swap3A_1143 {strides = array<i32>} : memref<192x256xf32, #tpu.memory_space<vmem>>, vector<1x16xf32>,
      %add3A_1144 = arith.constant 160 : i32
      %add3A_1145 = arith.addi %sub3A_514, %add3A_1144 : i32
      %multiple_of3A_1146 = tpu.assume_multiple %add3A_1145, 16 : i32
      %get3A_1147 = arith.index_cast %scan3A_707 : i32 to index
      %get3A_1148 = arith.index_cast %multiple_of3A_1146 : i32 to index
      %get3A_1149 = tpu.vector_load %arg4[%get3A_1147, %get3A_1148] {strides = array<i32>} : memref<64x640xf32, #tpu.memory_space<vmem>>, vector<1x16xf32>,
      %get3A_1150 = vector.shape_cast %get3A_1149 : vector<1x16xf32> to vector<16xf32>
      %add3A_1151 = arith.constant 160 : i32
      %add3A_1152 = arith.addi %sub3A_514, %add3A_1151 : i32
      %add3A_1153 = arith.constant 16 : i32
      %add3A_1154 = arith.addi %add3A_1152, %add3A_1153 : i32
      %multiple_of3A_1155 = tpu.assume_multiple %add3A_1154, 16 : i32
      %get3A_1156 = arith.index_cast %scan3A_707 : i32 to index
      %get3A_1157 = arith.index_cast %multiple_of3A_1155 : i32 to index
      %get3A_1158 = tpu.vector_load %arg4[%get3A_1156, %get3A_1157] {strides = array<i32>} : memref<64x640xf32, #tpu.memory_space<vmem>>, vector<1x16xf32>,
      %get3A_1159 = vector.shape_cast %get3A_1158 : vector<1x16xf32> to vector<16xf32>
      %lt3A_1160 = arith.constant 0 : i32
      %lt3A_1161 = vector.broadcast %lt3A_1160 : i32 to vector<16xi32>
      %lt3A_1162 = arith.cmpi slt, %and3A_519, %lt3A_1161 : vector<16xi32>
      %add3A_1163 = arith.constant 16 : i32
      %add3A_1164 = vector.broadcast %add3A_1163 : i32 to vector<16xi32>
      %add3A_1165 = arith.addi %and3A_519, %add3A_1164 : vector<16xi32>
      %select_n3A_1166 = arith.select %lt3A_1162, %add3A_1165, %and3A_519 : vector<16xi1>, vector<16xi32>
      %broadcast_in_dim3A_1167 = vector.shape_cast %select_n3A_1166 : vector<16xi32> to vector<16x1xi32>
      %gather3A_1168 = vector.shape_cast %broadcast_in_dim3A_1167 : vector<16x1xi32> to vector<16xi32>
      %gather3A_1169 = tpu.dynamic_gather %get3A_1150[%gather3A_1168] in [0] : vector<16xf32>, vector<16xi32> -> vector<16xf32>
      %lt3A_1170 = arith.constant 0 : i32
      %lt3A_1171 = vector.broadcast %lt3A_1170 : i32 to vector<16xi32>
      %lt3A_1172 = arith.cmpi slt, %and3A_519, %lt3A_1171 : vector<16xi32>
      %add3A_1173 = arith.constant 16 : i32
      %add3A_1174 = vector.broadcast %add3A_1173 : i32 to vector<16xi32>
      %add3A_1175 = arith.addi %and3A_519, %add3A_1174 : vector<16xi32>
      %select_n3A_1176 = arith.select %lt3A_1172, %add3A_1175, %and3A_519 : vector<16xi1>, vector<16xi32>
      %broadcast_in_dim3A_1177 = vector.shape_cast %select_n3A_1176 : vector<16xi32> to vector<16x1xi32>
      %gather3A_1178 = vector.shape_cast %broadcast_in_dim3A_1177 : vector<16x1xi32> to vector<16xi32>
      %gather3A_1179 = tpu.dynamic_gather %get3A_1159[%gather3A_1178] in [0] : vector<16xf32>, vector<16xi32> -> vector<16xf32>
      %select_n3A_1180 = arith.select %ge3A_522, %gather3A_1179, %gather3A_1169 : vector<16xi1>, vector<16xf32>
      %add3A_1181 = arith.constant 128 : i32
      %add3A_1182 = arith.addi %add3A_1181, %scan3A_707 : i32
      %swap3A_1183 = arith.index_cast %add3A_1182 : i32 to index
      %swap3A_1184 = arith.constant 160 : index
      %swap3A_1185 = tpu.vector_load %arg5[%swap3A_1183, %swap3A_1184] {strides = array<i32>} : memref<192x256xf32, #tpu.memory_space<vmem>>, vector<1x16xf32>,
      %swap3A_1186 = vector.shape_cast %swap3A_1185 : vector<1x16xf32> to vector<16xf32>
      %swap3A_1187 = vector.shape_cast %select_n3A_1180 : vector<16xf32> to vector<1x16xf32>
      tpu.vector_store %arg5[%swap3A_1183, %swap3A_1184], %swap3A_1187 {strides = array<i32>} : memref<192x256xf32, #tpu.memory_space<vmem>>, vector<1x16xf32>,
      %add3A_1188 = arith.constant 176 : i32
      %add3A_1189 = arith.addi %sub3A_514, %add3A_1188 : i32
      %multiple_of3A_1190 = tpu.assume_multiple %add3A_1189, 16 : i32
      %get3A_1191 = arith.index_cast %scan3A_707 : i32 to index
      %get3A_1192 = arith.index_cast %multiple_of3A_1190 : i32 to index
      %get3A_1193 = tpu.vector_load %arg4[%get3A_1191, %get3A_1192] {strides = array<i32>} : memref<64x640xf32, #tpu.memory_space<vmem>>, vector<1x16xf32>,
      %get3A_1194 = vector.shape_cast %get3A_1193 : vector<1x16xf32> to vector<16xf32>
      %add3A_1195 = arith.constant 176 : i32
      %add3A_1196 = arith.addi %sub3A_514, %add3A_1195 : i32
      %add3A_1197 = arith.constant 16 : i32
      %add3A_1198 = arith.addi %add3A_1196, %add3A_1197 : i32
      %multiple_of3A_1199 = tpu.assume_multiple %add3A_1198, 16 : i32
      %get3A_1200 = arith.index_cast %scan3A_707 : i32 to index
      %get3A_1201 = arith.index_cast %multiple_of3A_1199 : i32 to index
      %get3A_1202 = tpu.vector_load %arg4[%get3A_1200, %get3A_1201] {strides = array<i32>} : memref<64x640xf32, #tpu.memory_space<vmem>>, vector<1x16xf32>,
      %get3A_1203 = vector.shape_cast %get3A_1202 : vector<1x16xf32> to vector<16xf32>
      %lt3A_1204 = arith.constant 0 : i32
      %lt3A_1205 = vector.broadcast %lt3A_1204 : i32 to vector<16xi32>
      %lt3A_1206 = arith.cmpi slt, %and3A_519, %lt3A_1205 : vector<16xi32>
      %add3A_1207 = arith.constant 16 : i32
      %add3A_1208 = vector.broadcast %add3A_1207 : i32 to vector<16xi32>
      %add3A_1209 = arith.addi %and3A_519, %add3A_1208 : vector<16xi32>
      %select_n3A_1210 = arith.select %lt3A_1206, %add3A_1209, %and3A_519 : vector<16xi1>, vector<16xi32>
      %broadcast_in_dim3A_1211 = vector.shape_cast %select_n3A_1210 : vector<16xi32> to vector<16x1xi32>
      %gather3A_1212 = vector.shape_cast %broadcast_in_dim3A_1211 : vector<16x1xi32> to vector<16xi32>
      %gather3A_1213 = tpu.dynamic_gather %get3A_1194[%gather3A_1212] in [0] : vector<16xf32>, vector<16xi32> -> vector<16xf32>
      %lt3A_1214 = arith.constant 0 : i32
      %lt3A_1215 = vector.broadcast %lt3A_1214 : i32 to vector<16xi32>
      %lt3A_1216 = arith.cmpi slt, %and3A_519, %lt3A_1215 : vector<16xi32>
      %add3A_1217 = arith.constant 16 : i32
      %add3A_1218 = vector.broadcast %add3A_1217 : i32 to vector<16xi32>
      %add3A_1219 = arith.addi %and3A_519, %add3A_1218 : vector<16xi32>
      %select_n3A_1220 = arith.select %lt3A_1216, %add3A_1219, %and3A_519 : vector<16xi1>, vector<16xi32>
      %broadcast_in_dim3A_1221 = vector.shape_cast %select_n3A_1220 : vector<16xi32> to vector<16x1xi32>
      %gather3A_1222 = vector.shape_cast %broadcast_in_dim3A_1221 : vector<16x1xi32> to vector<16xi32>
      %gather3A_1223 = tpu.dynamic_gather %get3A_1203[%gather3A_1222] in [0] : vector<16xf32>, vector<16xi32> -> vector<16xf32>
      %select_n3A_1224 = arith.select %ge3A_522, %gather3A_1223, %gather3A_1213 : vector<16xi1>, vector<16xf32>
      %add3A_1225 = arith.constant 128 : i32
      %add3A_1226 = arith.addi %add3A_1225, %scan3A_707 : i32
      %swap3A_1227 = arith.index_cast %add3A_1226 : i32 to index
      %swap3A_1228 = arith.constant 176 : index
      %swap3A_1229 = tpu.vector_load %arg5[%swap3A_1227, %swap3A_1228] {strides = array<i32>} : memref<192x256xf32, #tpu.memory_space<vmem>>, vector<1x16xf32>,
      %swap3A_1230 = vector.shape_cast %swap3A_1229 : vector<1x16xf32> to vector<16xf32>
      %swap3A_1231 = vector.shape_cast %select_n3A_1224 : vector<16xf32> to vector<1x16xf32>
      tpu.vector_store %arg5[%swap3A_1227, %swap3A_1228], %swap3A_1231 {strides = array<i32>} : memref<192x256xf32, #tpu.memory_space<vmem>>, vector<1x16xf32>,
      %add3A_1232 = arith.constant 192 : i32
      %add3A_1233 = arith.addi %sub3A_514, %add3A_1232 : i32
      %multiple_of3A_1234 = tpu.assume_multiple %add3A_1233, 16 : i32
      %get3A_1235 = arith.index_cast %scan3A_707 : i32 to index
      %get3A_1236 = arith.index_cast %multiple_of3A_1234 : i32 to index
      %get3A_1237 = tpu.vector_load %arg4[%get3A_1235, %get3A_1236] {strides = array<i32>} : memref<64x640xf32, #tpu.memory_space<vmem>>, vector<1x16xf32>,
      %get3A_1238 = vector.shape_cast %get3A_1237 : vector<1x16xf32> to vector<16xf32>
      %add3A_1239 = arith.constant 192 : i32
      %add3A_1240 = arith.addi %sub3A_514, %add3A_1239 : i32
      %add3A_1241 = arith.constant 16 : i32
      %add3A_1242 = arith.addi %add3A_1240, %add3A_1241 : i32
      %multiple_of3A_1243 = tpu.assume_multiple %add3A_1242, 16 : i32
      %get3A_1244 = arith.index_cast %scan3A_707 : i32 to index
      %get3A_1245 = arith.index_cast %multiple_of3A_1243 : i32 to index
      %get3A_1246 = tpu.vector_load %arg4[%get3A_1244, %get3A_1245] {strides = array<i32>} : memref<64x640xf32, #tpu.memory_space<vmem>>, vector<1x16xf32>,
      %get3A_1247 = vector.shape_cast %get3A_1246 : vector<1x16xf32> to vector<16xf32>
      %lt3A_1248 = arith.constant 0 : i32
      %lt3A_1249 = vector.broadcast %lt3A_1248 : i32 to vector<16xi32>
      %lt3A_1250 = arith.cmpi slt, %and3A_519, %lt3A_1249 : vector<16xi32>
      %add3A_1251 = arith.constant 16 : i32
      %add3A_1252 = vector.broadcast %add3A_1251 : i32 to vector<16xi32>
      %add3A_1253 = arith.addi %and3A_519, %add3A_1252 : vector<16xi32>
      %select_n3A_1254 = arith.select %lt3A_1250, %add3A_1253, %and3A_519 : vector<16xi1>, vector<16xi32>
      %broadcast_in_dim3A_1255 = vector.shape_cast %select_n3A_1254 : vector<16xi32> to vector<16x1xi32>
      %gather3A_1256 = vector.shape_cast %broadcast_in_dim3A_1255 : vector<16x1xi32> to vector<16xi32>
      %gather3A_1257 = tpu.dynamic_gather %get3A_1238[%gather3A_1256] in [0] : vector<16xf32>, vector<16xi32> -> vector<16xf32>
      %lt3A_1258 = arith.constant 0 : i32
      %lt3A_1259 = vector.broadcast %lt3A_1258 : i32 to vector<16xi32>
      %lt3A_1260 = arith.cmpi slt, %and3A_519, %lt3A_1259 : vector<16xi32>
      %add3A_1261 = arith.constant 16 : i32
      %add3A_1262 = vector.broadcast %add3A_1261 : i32 to vector<16xi32>
      %add3A_1263 = arith.addi %and3A_519, %add3A_1262 : vector<16xi32>
      %select_n3A_1264 = arith.select %lt3A_1260, %add3A_1263, %and3A_519 : vector<16xi1>, vector<16xi32>
      %broadcast_in_dim3A_1265 = vector.shape_cast %select_n3A_1264 : vector<16xi32> to vector<16x1xi32>
      %gather3A_1266 = vector.shape_cast %broadcast_in_dim3A_1265 : vector<16x1xi32> to vector<16xi32>
      %gather3A_1267 = tpu.dynamic_gather %get3A_1247[%gather3A_1266] in [0] : vector<16xf32>, vector<16xi32> -> vector<16xf32>
      %select_n3A_1268 = arith.select %ge3A_522, %gather3A_1267, %gather3A_1257 : vector<16xi1>, vector<16xf32>
      %add3A_1269 = arith.constant 128 : i32
      %add3A_1270 = arith.addi %add3A_1269, %scan3A_707 : i32
      %swap3A_1271 = arith.index_cast %add3A_1270 : i32 to index
      %swap3A_1272 = arith.constant 192 : index
      %swap3A_1273 = tpu.vector_load %arg5[%swap3A_1271, %swap3A_1272] {strides = array<i32>} : memref<192x256xf32, #tpu.memory_space<vmem>>, vector<1x16xf32>,
      %swap3A_1274 = vector.shape_cast %swap3A_1273 : vector<1x16xf32> to vector<16xf32>
      %swap3A_1275 = vector.shape_cast %select_n3A_1268 : vector<16xf32> to vector<1x16xf32>
      tpu.vector_store %arg5[%swap3A_1271, %swap3A_1272], %swap3A_1275 {strides = array<i32>} : memref<192x256xf32, #tpu.memory_space<vmem>>, vector<1x16xf32>,
      %add3A_1276 = arith.constant 208 : i32
      %add3A_1277 = arith.addi %sub3A_514, %add3A_1276 : i32
      %multiple_of3A_1278 = tpu.assume_multiple %add3A_1277, 16 : i32
      %get3A_1279 = arith.index_cast %scan3A_707 : i32 to index
      %get3A_1280 = arith.index_cast %multiple_of3A_1278 : i32 to index
      %get3A_1281 = tpu.vector_load %arg4[%get3A_1279, %get3A_1280] {strides = array<i32>} : memref<64x640xf32, #tpu.memory_space<vmem>>, vector<1x16xf32>,
      %get3A_1282 = vector.shape_cast %get3A_1281 : vector<1x16xf32> to vector<16xf32>
      %add3A_1283 = arith.constant 208 : i32
      %add3A_1284 = arith.addi %sub3A_514, %add3A_1283 : i32
      %add3A_1285 = arith.constant 16 : i32
      %add3A_1286 = arith.addi %add3A_1284, %add3A_1285 : i32
      %multiple_of3A_1287 = tpu.assume_multiple %add3A_1286, 16 : i32
      %get3A_1288 = arith.index_cast %scan3A_707 : i32 to index
      %get3A_1289 = arith.index_cast %multiple_of3A_1287 : i32 to index
      %get3A_1290 = tpu.vector_load %arg4[%get3A_1288, %get3A_1289] {strides = array<i32>} : memref<64x640xf32, #tpu.memory_space<vmem>>, vector<1x16xf32>,
      %get3A_1291 = vector.shape_cast %get3A_1290 : vector<1x16xf32> to vector<16xf32>
      %lt3A_1292 = arith.constant 0 : i32
      %lt3A_1293 = vector.broadcast %lt3A_1292 : i32 to vector<16xi32>
      %lt3A_1294 = arith.cmpi slt, %and3A_519, %lt3A_1293 : vector<16xi32>
      %add3A_1295 = arith.constant 16 : i32
      %add3A_1296 = vector.broadcast %add3A_1295 : i32 to vector<16xi32>
      %add3A_1297 = arith.addi %and3A_519, %add3A_1296 : vector<16xi32>
      %select_n3A_1298 = arith.select %lt3A_1294, %add3A_1297, %and3A_519 : vector<16xi1>, vector<16xi32>
      %broadcast_in_dim3A_1299 = vector.shape_cast %select_n3A_1298 : vector<16xi32> to vector<16x1xi32>
      %gather3A_1300 = vector.shape_cast %broadcast_in_dim3A_1299 : vector<16x1xi32> to vector<16xi32>
      %gather3A_1301 = tpu.dynamic_gather %get3A_1282[%gather3A_1300] in [0] : vector<16xf32>, vector<16xi32> -> vector<16xf32>
      %lt3A_1302 = arith.constant 0 : i32
      %lt3A_1303 = vector.broadcast %lt3A_1302 : i32 to vector<16xi32>
      %lt3A_1304 = arith.cmpi slt, %and3A_519, %lt3A_1303 : vector<16xi32>
      %add3A_1305 = arith.constant 16 : i32
      %add3A_1306 = vector.broadcast %add3A_1305 : i32 to vector<16xi32>
      %add3A_1307 = arith.addi %and3A_519, %add3A_1306 : vector<16xi32>
      %select_n3A_1308 = arith.select %lt3A_1304, %add3A_1307, %and3A_519 : vector<16xi1>, vector<16xi32>
      %broadcast_in_dim3A_1309 = vector.shape_cast %select_n3A_1308 : vector<16xi32> to vector<16x1xi32>
      %gather3A_1310 = vector.shape_cast %broadcast_in_dim3A_1309 : vector<16x1xi32> to vector<16xi32>
      %gather3A_1311 = tpu.dynamic_gather %get3A_1291[%gather3A_1310] in [0] : vector<16xf32>, vector<16xi32> -> vector<16xf32>
      %select_n3A_1312 = arith.select %ge3A_522, %gather3A_1311, %gather3A_1301 : vector<16xi1>, vector<16xf32>
      %add3A_1313 = arith.constant 128 : i32
      %add3A_1314 = arith.addi %add3A_1313, %scan3A_707 : i32
      %swap3A_1315 = arith.index_cast %add3A_1314 : i32 to index
      %swap3A_1316 = arith.constant 208 : index
      %swap3A_1317 = tpu.vector_load %arg5[%swap3A_1315, %swap3A_1316] {strides = array<i32>} : memref<192x256xf32, #tpu.memory_space<vmem>>, vector<1x16xf32>,
      %swap3A_1318 = vector.shape_cast %swap3A_1317 : vector<1x16xf32> to vector<16xf32>
      %swap3A_1319 = vector.shape_cast %select_n3A_1312 : vector<16xf32> to vector<1x16xf32>
      tpu.vector_store %arg5[%swap3A_1315, %swap3A_1316], %swap3A_1319 {strides = array<i32>} : memref<192x256xf32, #tpu.memory_space<vmem>>, vector<1x16xf32>,
      %add3A_1320 = arith.constant 224 : i32
      %add3A_1321 = arith.addi %sub3A_514, %add3A_1320 : i32
      %multiple_of3A_1322 = tpu.assume_multiple %add3A_1321, 16 : i32
      %get3A_1323 = arith.index_cast %scan3A_707 : i32 to index
      %get3A_1324 = arith.index_cast %multiple_of3A_1322 : i32 to index
      %get3A_1325 = tpu.vector_load %arg4[%get3A_1323, %get3A_1324] {strides = array<i32>} : memref<64x640xf32, #tpu.memory_space<vmem>>, vector<1x16xf32>,
      %get3A_1326 = vector.shape_cast %get3A_1325 : vector<1x16xf32> to vector<16xf32>
      %add3A_1327 = arith.constant 224 : i32
      %add3A_1328 = arith.addi %sub3A_514, %add3A_1327 : i32
      %add3A_1329 = arith.constant 16 : i32
      %add3A_1330 = arith.addi %add3A_1328, %add3A_1329 : i32
      %multiple_of3A_1331 = tpu.assume_multiple %add3A_1330, 16 : i32
      %get3A_1332 = arith.index_cast %scan3A_707 : i32 to index
      %get3A_1333 = arith.index_cast %multiple_of3A_1331 : i32 to index
      %get3A_1334 = tpu.vector_load %arg4[%get3A_1332, %get3A_1333] {strides = array<i32>} : memref<64x640xf32, #tpu.memory_space<vmem>>, vector<1x16xf32>,
      %get3A_1335 = vector.shape_cast %get3A_1334 : vector<1x16xf32> to vector<16xf32>
      %lt3A_1336 = arith.constant 0 : i32
      %lt3A_1337 = vector.broadcast %lt3A_1336 : i32 to vector<16xi32>
      %lt3A_1338 = arith.cmpi slt, %and3A_519, %lt3A_1337 : vector<16xi32>
      %add3A_1339 = arith.constant 16 : i32
      %add3A_1340 = vector.broadcast %add3A_1339 : i32 to vector<16xi32>
      %add3A_1341 = arith.addi %and3A_519, %add3A_1340 : vector<16xi32>
      %select_n3A_1342 = arith.select %lt3A_1338, %add3A_1341, %and3A_519 : vector<16xi1>, vector<16xi32>
      %broadcast_in_dim3A_1343 = vector.shape_cast %select_n3A_1342 : vector<16xi32> to vector<16x1xi32>
      %gather3A_1344 = vector.shape_cast %broadcast_in_dim3A_1343 : vector<16x1xi32> to vector<16xi32>
      %gather3A_1345 = tpu.dynamic_gather %get3A_1326[%gather3A_1344] in [0] : vector<16xf32>, vector<16xi32> -> vector<16xf32>
      %lt3A_1346 = arith.constant 0 : i32
      %lt3A_1347 = vector.broadcast %lt3A_1346 : i32 to vector<16xi32>
      %lt3A_1348 = arith.cmpi slt, %and3A_519, %lt3A_1347 : vector<16xi32>
      %add3A_1349 = arith.constant 16 : i32
      %add3A_1350 = vector.broadcast %add3A_1349 : i32 to vector<16xi32>
      %add3A_1351 = arith.addi %and3A_519, %add3A_1350 : vector<16xi32>
      %select_n3A_1352 = arith.select %lt3A_1348, %add3A_1351, %and3A_519 : vector<16xi1>, vector<16xi32>
      %broadcast_in_dim3A_1353 = vector.shape_cast %select_n3A_1352 : vector<16xi32> to vector<16x1xi32>
      %gather3A_1354 = vector.shape_cast %broadcast_in_dim3A_1353 : vector<16x1xi32> to vector<16xi32>
      %gather3A_1355 = tpu.dynamic_gather %get3A_1335[%gather3A_1354] in [0] : vector<16xf32>, vector<16xi32> -> vector<16xf32>
      %select_n3A_1356 = arith.select %ge3A_522, %gather3A_1355, %gather3A_1345 : vector<16xi1>, vector<16xf32>
      %add3A_1357 = arith.constant 128 : i32
      %add3A_1358 = arith.addi %add3A_1357, %scan3A_707 : i32
      %swap3A_1359 = arith.index_cast %add3A_1358 : i32 to index
      %swap3A_1360 = arith.constant 224 : index
      %swap3A_1361 = tpu.vector_load %arg5[%swap3A_1359, %swap3A_1360] {strides = array<i32>} : memref<192x256xf32, #tpu.memory_space<vmem>>, vector<1x16xf32>,
      %swap3A_1362 = vector.shape_cast %swap3A_1361 : vector<1x16xf32> to vector<16xf32>
      %swap3A_1363 = vector.shape_cast %select_n3A_1356 : vector<16xf32> to vector<1x16xf32>
      tpu.vector_store %arg5[%swap3A_1359, %swap3A_1360], %swap3A_1363 {strides = array<i32>} : memref<192x256xf32, #tpu.memory_space<vmem>>, vector<1x16xf32>,
      %add3A_1364 = arith.constant 240 : i32
      %add3A_1365 = arith.addi %sub3A_514, %add3A_1364 : i32
      %multiple_of3A_1366 = tpu.assume_multiple %add3A_1365, 16 : i32
      %get3A_1367 = arith.index_cast %scan3A_707 : i32 to index
      %get3A_1368 = arith.index_cast %multiple_of3A_1366 : i32 to index
      %get3A_1369 = tpu.vector_load %arg4[%get3A_1367, %get3A_1368] {strides = array<i32>} : memref<64x640xf32, #tpu.memory_space<vmem>>, vector<1x16xf32>,
      %get3A_1370 = vector.shape_cast %get3A_1369 : vector<1x16xf32> to vector<16xf32>
      %add3A_1371 = arith.constant 240 : i32
      %add3A_1372 = arith.addi %sub3A_514, %add3A_1371 : i32
      %add3A_1373 = arith.constant 16 : i32
      %add3A_1374 = arith.addi %add3A_1372, %add3A_1373 : i32
      %multiple_of3A_1375 = tpu.assume_multiple %add3A_1374, 16 : i32
      %get3A_1376 = arith.index_cast %scan3A_707 : i32 to index
      %get3A_1377 = arith.index_cast %multiple_of3A_1375 : i32 to index
      %get3A_1378 = tpu.vector_load %arg4[%get3A_1376, %get3A_1377] {strides = array<i32>} : memref<64x640xf32, #tpu.memory_space<vmem>>, vector<1x16xf32>,
      %get3A_1379 = vector.shape_cast %get3A_1378 : vector<1x16xf32> to vector<16xf32>
      %lt3A_1380 = arith.constant 0 : i32
      %lt3A_1381 = vector.broadcast %lt3A_1380 : i32 to vector<16xi32>
      %lt3A_1382 = arith.cmpi slt, %and3A_519, %lt3A_1381 : vector<16xi32>
      %add3A_1383 = arith.constant 16 : i32
      %add3A_1384 = vector.broadcast %add3A_1383 : i32 to vector<16xi32>
      %add3A_1385 = arith.addi %and3A_519, %add3A_1384 : vector<16xi32>
      %select_n3A_1386 = arith.select %lt3A_1382, %add3A_1385, %and3A_519 : vector<16xi1>, vector<16xi32>
      %broadcast_in_dim3A_1387 = vector.shape_cast %select_n3A_1386 : vector<16xi32> to vector<16x1xi32>
      %gather3A_1388 = vector.shape_cast %broadcast_in_dim3A_1387 : vector<16x1xi32> to vector<16xi32>
      %gather3A_1389 = tpu.dynamic_gather %get3A_1370[%gather3A_1388] in [0] : vector<16xf32>, vector<16xi32> -> vector<16xf32>
      %lt3A_1390 = arith.constant 0 : i32
      %lt3A_1391 = vector.broadcast %lt3A_1390 : i32 to vector<16xi32>
      %lt3A_1392 = arith.cmpi slt, %and3A_519, %lt3A_1391 : vector<16xi32>
      %add3A_1393 = arith.constant 16 : i32
      %add3A_1394 = vector.broadcast %add3A_1393 : i32 to vector<16xi32>
      %add3A_1395 = arith.addi %and3A_519, %add3A_1394 : vector<16xi32>
      %select_n3A_1396 = arith.select %lt3A_1392, %add3A_1395, %and3A_519 : vector<16xi1>, vector<16xi32>
      %broadcast_in_dim3A_1397 = vector.shape_cast %select_n3A_1396 : vector<16xi32> to vector<16x1xi32>
      %gather3A_1398 = vector.shape_cast %broadcast_in_dim3A_1397 : vector<16x1xi32> to vector<16xi32>
      %gather3A_1399 = tpu.dynamic_gather %get3A_1379[%gather3A_1398] in [0] : vector<16xf32>, vector<16xi32> -> vector<16xf32>
      %select_n3A_1400 = arith.select %ge3A_522, %gather3A_1399, %gather3A_1389 : vector<16xi1>, vector<16xf32>
      %add3A_1401 = arith.constant 128 : i32
      %add3A_1402 = arith.addi %add3A_1401, %scan3A_707 : i32
      %swap3A_1403 = arith.index_cast %add3A_1402 : i32 to index
      %swap3A_1404 = arith.constant 240 : index
      %swap3A_1405 = tpu.vector_load %arg5[%swap3A_1403, %swap3A_1404] {strides = array<i32>} : memref<192x256xf32, #tpu.memory_space<vmem>>, vector<1x16xf32>,
      %swap3A_1406 = vector.shape_cast %swap3A_1405 : vector<1x16xf32> to vector<16xf32>
      %swap3A_1407 = vector.shape_cast %select_n3A_1400 : vector<16xf32> to vector<1x16xf32>
      tpu.vector_store %arg5[%swap3A_1403, %swap3A_1404], %swap3A_1407 {strides = array<i32>} : memref<192x256xf32, #tpu.memory_space<vmem>>, vector<1x16xf32>,
    }
    %scan3A_528 = arith.constant 64 : i32
    %add3A_529 = arith.constant 2 : i32
    %add3A_530 = arith.addi %mul3A_20, %add3A_529 : i32
    %add3A_531 = arith.constant 2 : i32
    %add3A_532 = arith.addi %mul3A_20, %add3A_531 : i32
    %sub3A_533 = arith.constant 32 : i32
    %sub3A_534 = arith.subi %add3A_532, %sub3A_533 : i32
    %jit3A_535 = arith.constant 128 : i32
    %div3A_536 = arith.divsi %sub3A_534, %jit3A_535 : i32
    %sign3A_537 = arith.constant 0 : i32
    %sign3A_538 = arith.cmpi sgt, %sub3A_534, %sign3A_537 : i32
    %sign3A_539 = arith.extui %sign3A_538 : i1 to i32
    %sign3A_540 = arith.constant 0 : i32
    %sign3A_541 = arith.cmpi slt, %sub3A_534, %sign3A_540 : i32
    %sign3A_542 = arith.extui %sign3A_541 : i1 to i32
    %sign3A_543 = arith.subi %sign3A_539, %sign3A_542 : i32
    %sign3A_544 = arith.constant 0 : i32
    %sign3A_545 = arith.cmpi sgt, %jit3A_535, %sign3A_544 : i32
    %sign3A_546 = arith.extui %sign3A_545 : i1 to i32
    %sign3A_547 = arith.constant 0 : i32
    %sign3A_548 = arith.cmpi slt, %jit3A_535, %sign3A_547 : i32
    %sign3A_549 = arith.extui %sign3A_548 : i1 to i32
    %sign3A_550 = arith.subi %sign3A_546, %sign3A_549 : i32
    %ne3A_551 = arith.cmpi ne, %sign3A_543, %sign3A_550 : i32
    %rem3A_552 = arith.remsi %sub3A_534, %jit3A_535 : i32
    %ne3A_553 = arith.constant 0 : i32
    %ne3A_554 = arith.cmpi ne, %rem3A_552, %ne3A_553 : i32
    %and3A_555 = arith.andi %ne3A_551, %ne3A_554 : i1
    %sub3A_556 = arith.constant 1 : i32
    %sub3A_557 = arith.subi %div3A_536, %sub3A_556 : i32
    %select_n3A_558 = arith.select %and3A_555, %sub3A_557, %div3A_536 : i32
    %mul3A_559 = arith.constant 128 : i32
    %mul3A_560 = arith.muli %select_n3A_558, %mul3A_559 : i32
    %jit3A_561 = arith.constant 0 : i32
    %jit3A_562 = arith.constant 1792 : i32
    %max3A_563 = arith.maxsi %jit3A_561, %mul3A_560 : i32
    %min3A_564 = arith.minsi %jit3A_562, %max3A_563 : i32
    %multiple_of3A_565 = tpu.assume_multiple %min3A_564, 128 : i32
    %add3A_566 = arith.constant 2 : i32
    %add3A_567 = arith.addi %mul3A_20, %add3A_566 : i32
    %multiple_of3A_568 = arith.constant 128 : i32
    %multiple_of3A_569 = tpu.assume_multiple %multiple_of3A_568, 8 : i32
    %add3A_570 = arith.constant 2 : i32
    %add3A_571 = arith.addi %mul3A_20, %add3A_570 : i32
    %sub3A_572 = arith.constant 32 : i32
    %sub3A_573 = arith.subi %add3A_571, %sub3A_572 : i32
    %jit3A_574 = arith.constant 128 : i32
    %div3A_575 = arith.divsi %sub3A_573, %jit3A_574 : i32
    %sign3A_576 = arith.constant 0 : i32
    %sign3A_577 = arith.cmpi sgt, %sub3A_573, %sign3A_576 : i32
    %sign3A_578 = arith.extui %sign3A_577 : i1 to i32
    %sign3A_579 = arith.constant 0 : i32
    %sign3A_580 = arith.cmpi slt, %sub3A_573, %sign3A_579 : i32
    %sign3A_581 = arith.extui %sign3A_580 : i1 to i32
    %sign3A_582 = arith.subi %sign3A_578, %sign3A_581 : i32
    %sign3A_583 = arith.constant 0 : i32
    %sign3A_584 = arith.cmpi sgt, %jit3A_574, %sign3A_583 : i32
    %sign3A_585 = arith.extui %sign3A_584 : i1 to i32
    %sign3A_586 = arith.constant 0 : i32
    %sign3A_587 = arith.cmpi slt, %jit3A_574, %sign3A_586 : i32
    %sign3A_588 = arith.extui %sign3A_587 : i1 to i32
    %sign3A_589 = arith.subi %sign3A_585, %sign3A_588 : i32
    %ne3A_590 = arith.cmpi ne, %sign3A_582, %sign3A_589 : i32
    %rem3A_591 = arith.remsi %sub3A_573, %jit3A_574 : i32
    %ne3A_592 = arith.constant 0 : i32
    %ne3A_593 = arith.cmpi ne, %rem3A_591, %ne3A_592 : i32
    %and3A_594 = arith.andi %ne3A_590, %ne3A_593 : i1
    %sub3A_595 = arith.constant 1 : i32
    %sub3A_596 = arith.subi %div3A_575, %sub3A_595 : i32
    %select_n3A_597 = arith.select %and3A_594, %sub3A_596, %div3A_575 : i32
    %mul3A_598 = arith.constant 128 : i32
    %mul3A_599 = arith.muli %select_n3A_597, %mul3A_598 : i32
    %jit3A_600 = arith.constant 0 : i32
    %jit3A_601 = arith.constant 1792 : i32
    %max3A_602 = arith.maxsi %jit3A_600, %mul3A_599 : i32
    %min3A_603 = arith.minsi %jit3A_601, %max3A_602 : i32
    %multiple_of3A_604 = tpu.assume_multiple %min3A_603, 128 : i32
    %dma_start3A_605 = arith.constant 0 : i32
    %dma_start3A_606 = tpu.memref_slice %arg5[%multiple_of3A_569, %dma_start3A_605] : memref<192x256xf32, #tpu.memory_space<vmem>> -> memref<64x256xf32, #tpu.memory_space<vmem>>
    %dma_start3A_607 = arith.constant 0 : i32
    %dma_start3A_608 = arith.constant 0 : i32
    %dma_start3A_609 = tpu.memref_slice %arg3[%add3A_567, %dma_start3A_607, %dma_start3A_608] : memref<2048x64x2048xf32, #tpu.memory_space<hbm>> -> memref<1x64x2048xf32, #tpu.memory_space<hbm>>
    %dma_start3A_610 = tpu.memref_squeeze %dma_start3A_609 : memref<1x64x2048xf32, #tpu.memory_space<hbm>> -> memref<64x2048xf32, #tpu.memory_space<hbm>>
    %dma_start3A_611 = arith.constant 0 : i32
    %dma_start3A_612 = tpu.memref_slice %dma_start3A_610[%dma_start3A_611, %multiple_of3A_604] : memref<64x2048xf32, #tpu.memory_space<hbm>> -> memref<64x256xf32, #tpu.memory_space<hbm>>
    %dma_start3A_613 = arith.constant 0 : i32
    %dma_start3A_614 = arith.constant 0 : i32
    %dma_start3A_615 = tpu.memref_slice %arg3[%add3A_567, %dma_start3A_613, %dma_start3A_614] : memref<2048x64x2048xf32, #tpu.memory_space<hbm>> -> memref<1x64x2048xf32, #tpu.memory_space<hbm>>
    %dma_start3A_616 = tpu.memref_squeeze %dma_start3A_615 : memref<1x64x2048xf32, #tpu.memory_space<hbm>> -> memref<64x2048xf32, #tpu.memory_space<hbm>>
    %dma_start3A_617 = arith.constant 0 : i32
    %dma_start3A_618 = tpu.memref_slice %dma_start3A_616[%dma_start3A_617, %multiple_of3A_604] : memref<64x2048xf32, #tpu.memory_space<hbm>> -> memref<64x256xf32, #tpu.memory_space<hbm>>
    %dma_start3A_619 = arith.constant 0 : i32
    %dma_start3A_620 = tpu.memref_slice %arg5[%multiple_of3A_569, %dma_start3A_619] : memref<192x256xf32, #tpu.memory_space<vmem>> -> memref<64x256xf32, #tpu.memory_space<vmem>>
    tpu.enqueue_dma source(%dma_start3A_620 : memref<64x256xf32, #tpu.memory_space<vmem>>) target(%dma_start3A_618 : memref<64x256xf32, #tpu.memory_space<hbm>>) target_semaphore(%arg8 : memref<!tpu.dma_semaphore, #tpu.memory_space<semaphore_mem>>)
    %add3A_621 = arith.constant 256 : i32
    %add3A_622 = arith.addi %multiple_of3A_565, %add3A_621 : i32
    %sub3A_623 = arith.constant 2048 : i32
    %sub3A_624 = arith.subi %sub3A_623, %add3A_622 : i32
    %and3A_625 = arith.constant -2048 : i32
    %and3A_626 = arith.andi %multiple_of3A_565, %and3A_625 : i32
    %and3A_627 = arith.constant -2048 : i32
    %and3A_628 = arith.andi %sub3A_624, %and3A_627 : i32
    %add3A_629 = arith.addi %add3A_622, %and3A_628 : i32
    %and3A_630 = arith.constant 1024 : i32
    %and3A_631 = arith.andi %multiple_of3A_565, %and3A_630 : i32
    %ne3A_632 = arith.constant 0 : i32
    %ne3A_633 = arith.cmpi ne, %and3A_631, %ne3A_632 : i32
    %convert_element_type3A_634 = arith.extui %ne3A_633 : i1 to i32
    %cond3A_635 = arith.constant 0 : i32
    %cond3A_636 = arith.cmpi ne, %convert_element_type3A_634, %cond3A_635 : i32
    scf.if %cond3A_636 {
      %multiple_of3A_707 = tpu.assume_multiple %and3A_626, 128 : i32
      %dma_start3A_708 = arith.constant 0 : i32
      %dma_start3A_709 = arith.constant 0 : i32
      %dma_start3A_710 = tpu.memref_slice %arg3[%add3A_530, %dma_start3A_708, %dma_start3A_709] : memref<2048x64x2048xf32, #tpu.memory_space<hbm>> -> memref<1x64x2048xf32, #tpu.memory_space<hbm>>
      %dma_start3A_711 = tpu.memref_squeeze %dma_start3A_710 : memref<1x64x2048xf32, #tpu.memory_space<hbm>> -> memref<64x2048xf32, #tpu.memory_space<hbm>>
      %dma_start3A_712 = arith.constant 0 : i32
      %dma_start3A_713 = tpu.memref_slice %dma_start3A_711[%dma_start3A_712, %multiple_of3A_707] : memref<64x2048xf32, #tpu.memory_space<hbm>> -> memref<64x1024xf32, #tpu.memory_space<hbm>>
      %dma_start3A_714 = arith.constant 0 : i32
      %dma_start3A_715 = arith.constant 0 : i32
      %dma_start3A_716 = tpu.memref_slice %arg6[%dma_start3A_714, %dma_start3A_715] : memref<64x2048xf32, #tpu.memory_space<vmem_shared>> -> memref<64x1024xf32, #tpu.memory_space<vmem_shared>>
      tpu.enqueue_dma source(%dma_start3A_716 : memref<64x1024xf32, #tpu.memory_space<vmem_shared>>) target(%dma_start3A_713 : memref<64x1024xf32, #tpu.memory_space<hbm>>) target_semaphore(%arg9 : memref<!tpu.dma_semaphore, #tpu.memory_space<semaphore_mem>>)
    } else {
    }
    %and3A_637 = arith.constant 1024 : i32
    %and3A_638 = arith.andi %sub3A_624, %and3A_637 : i32
    %ne3A_639 = arith.constant 0 : i32
    %ne3A_640 = arith.cmpi ne, %and3A_638, %ne3A_639 : i32
    %convert_element_type3A_641 = arith.extui %ne3A_640 : i1 to i32
    %cond3A_642 = arith.constant 0 : i32
    %cond3A_643 = arith.cmpi ne, %convert_element_type3A_641, %cond3A_642 : i32
    scf.if %cond3A_643 {
      %multiple_of3A_707 = tpu.assume_multiple %add3A_629, 128 : i32
      %dma_start3A_708 = arith.constant 0 : i32
      %dma_start3A_709 = arith.constant 0 : i32
      %dma_start3A_710 = tpu.memref_slice %arg3[%add3A_530, %dma_start3A_708, %dma_start3A_709] : memref<2048x64x2048xf32, #tpu.memory_space<hbm>> -> memref<1x64x2048xf32, #tpu.memory_space<hbm>>
      %dma_start3A_711 = tpu.memref_squeeze %dma_start3A_710 : memref<1x64x2048xf32, #tpu.memory_space<hbm>> -> memref<64x2048xf32, #tpu.memory_space<hbm>>
      %dma_start3A_712 = arith.constant 0 : i32
      %dma_start3A_713 = tpu.memref_slice %dma_start3A_711[%dma_start3A_712, %multiple_of3A_707] : memref<64x2048xf32, #tpu.memory_space<hbm>> -> memref<64x1024xf32, #tpu.memory_space<hbm>>
      %dma_start3A_714 = arith.constant 0 : i32
      %dma_start3A_715 = arith.constant 0 : i32
      %dma_start3A_716 = tpu.memref_slice %arg7[%dma_start3A_714, %dma_start3A_715] : memref<64x2048xf32, #tpu.memory_space<vmem_shared>> -> memref<64x1024xf32, #tpu.memory_space<vmem_shared>>
      tpu.enqueue_dma source(%dma_start3A_716 : memref<64x1024xf32, #tpu.memory_space<vmem_shared>>) target(%dma_start3A_713 : memref<64x1024xf32, #tpu.memory_space<hbm>>) target_semaphore(%arg9 : memref<!tpu.dma_semaphore, #tpu.memory_space<semaphore_mem>>)
    } else {
    }
    %and3A_644 = arith.constant -1024 : i32
    %and3A_645 = arith.andi %multiple_of3A_565, %and3A_644 : i32
    %and3A_646 = arith.constant -1024 : i32
    %and3A_647 = arith.andi %sub3A_624, %and3A_646 : i32
    %add3A_648 = arith.addi %add3A_622, %and3A_647 : i32
    %and3A_649 = arith.constant 512 : i32
    %and3A_650 = arith.andi %multiple_of3A_565, %and3A_649 : i32
    %ne3A_651 = arith.constant 0 : i32
    %ne3A_652 = arith.cmpi ne, %and3A_650, %ne3A_651 : i32
    %convert_element_type3A_653 = arith.extui %ne3A_652 : i1 to i32
    %cond3A_654 = arith.constant 0 : i32
    %cond3A_655 = arith.cmpi ne, %convert_element_type3A_653, %cond3A_654 : i32
    scf.if %cond3A_655 {
      %multiple_of3A_707 = tpu.assume_multiple %and3A_645, 128 : i32
      %dma_start3A_708 = arith.constant 0 : i32
      %dma_start3A_709 = arith.constant 0 : i32
      %dma_start3A_710 = tpu.memref_slice %arg3[%add3A_530, %dma_start3A_708, %dma_start3A_709] : memref<2048x64x2048xf32, #tpu.memory_space<hbm>> -> memref<1x64x2048xf32, #tpu.memory_space<hbm>>
      %dma_start3A_711 = tpu.memref_squeeze %dma_start3A_710 : memref<1x64x2048xf32, #tpu.memory_space<hbm>> -> memref<64x2048xf32, #tpu.memory_space<hbm>>
      %dma_start3A_712 = arith.constant 0 : i32
      %dma_start3A_713 = tpu.memref_slice %dma_start3A_711[%dma_start3A_712, %multiple_of3A_707] : memref<64x2048xf32, #tpu.memory_space<hbm>> -> memref<64x512xf32, #tpu.memory_space<hbm>>
      %dma_start3A_714 = arith.constant 0 : i32
      %dma_start3A_715 = arith.constant 0 : i32
      %dma_start3A_716 = tpu.memref_slice %arg6[%dma_start3A_714, %dma_start3A_715] : memref<64x2048xf32, #tpu.memory_space<vmem_shared>> -> memref<64x512xf32, #tpu.memory_space<vmem_shared>>
      tpu.enqueue_dma source(%dma_start3A_716 : memref<64x512xf32, #tpu.memory_space<vmem_shared>>) target(%dma_start3A_713 : memref<64x512xf32, #tpu.memory_space<hbm>>) target_semaphore(%arg9 : memref<!tpu.dma_semaphore, #tpu.memory_space<semaphore_mem>>)
    } else {
    }
    %and3A_656 = arith.constant 512 : i32
    %and3A_657 = arith.andi %sub3A_624, %and3A_656 : i32
    %ne3A_658 = arith.constant 0 : i32
    %ne3A_659 = arith.cmpi ne, %and3A_657, %ne3A_658 : i32
    %convert_element_type3A_660 = arith.extui %ne3A_659 : i1 to i32
    %cond3A_661 = arith.constant 0 : i32
    %cond3A_662 = arith.cmpi ne, %convert_element_type3A_660, %cond3A_661 : i32
    scf.if %cond3A_662 {
      %multiple_of3A_707 = tpu.assume_multiple %add3A_648, 128 : i32
      %dma_start3A_708 = arith.constant 0 : i32
      %dma_start3A_709 = arith.constant 0 : i32
      %dma_start3A_710 = tpu.memref_slice %arg3[%add3A_530, %dma_start3A_708, %dma_start3A_709] : memref<2048x64x2048xf32, #tpu.memory_space<hbm>> -> memref<1x64x2048xf32, #tpu.memory_space<hbm>>
      %dma_start3A_711 = tpu.memref_squeeze %dma_start3A_710 : memref<1x64x2048xf32, #tpu.memory_space<hbm>> -> memref<64x2048xf32, #tpu.memory_space<hbm>>
      %dma_start3A_712 = arith.constant 0 : i32
      %dma_start3A_713 = tpu.memref_slice %dma_start3A_711[%dma_start3A_712, %multiple_of3A_707] : memref<64x2048xf32, #tpu.memory_space<hbm>> -> memref<64x512xf32, #tpu.memory_space<hbm>>
      %dma_start3A_714 = arith.constant 0 : i32
      %dma_start3A_715 = arith.constant 0 : i32
      %dma_start3A_716 = tpu.memref_slice %arg7[%dma_start3A_714, %dma_start3A_715] : memref<64x2048xf32, #tpu.memory_space<vmem_shared>> -> memref<64x512xf32, #tpu.memory_space<vmem_shared>>
      tpu.enqueue_dma source(%dma_start3A_716 : memref<64x512xf32, #tpu.memory_space<vmem_shared>>) target(%dma_start3A_713 : memref<64x512xf32, #tpu.memory_space<hbm>>) target_semaphore(%arg9 : memref<!tpu.dma_semaphore, #tpu.memory_space<semaphore_mem>>)
    } else {
    }
    %and3A_663 = arith.constant -512 : i32
    %and3A_664 = arith.andi %multiple_of3A_565, %and3A_663 : i32
    %and3A_665 = arith.constant -512 : i32
    %and3A_666 = arith.andi %sub3A_624, %and3A_665 : i32
    %add3A_667 = arith.addi %add3A_622, %and3A_666 : i32
    %and3A_668 = arith.constant 256 : i32
    %and3A_669 = arith.andi %multiple_of3A_565, %and3A_668 : i32
    %ne3A_670 = arith.constant 0 : i32
    %ne3A_671 = arith.cmpi ne, %and3A_669, %ne3A_670 : i32
    %convert_element_type3A_672 = arith.extui %ne3A_671 : i1 to i32
    %cond3A_673 = arith.constant 0 : i32
    %cond3A_674 = arith.cmpi ne, %convert_element_type3A_672, %cond3A_673 : i32
    scf.if %cond3A_674 {
      %multiple_of3A_707 = tpu.assume_multiple %and3A_664, 128 : i32
      %dma_start3A_708 = arith.constant 0 : i32
      %dma_start3A_709 = arith.constant 0 : i32
      %dma_start3A_710 = tpu.memref_slice %arg3[%add3A_530, %dma_start3A_708, %dma_start3A_709] : memref<2048x64x2048xf32, #tpu.memory_space<hbm>> -> memref<1x64x2048xf32, #tpu.memory_space<hbm>>
      %dma_start3A_711 = tpu.memref_squeeze %dma_start3A_710 : memref<1x64x2048xf32, #tpu.memory_space<hbm>> -> memref<64x2048xf32, #tpu.memory_space<hbm>>
      %dma_start3A_712 = arith.constant 0 : i32
      %dma_start3A_713 = tpu.memref_slice %dma_start3A_711[%dma_start3A_712, %multiple_of3A_707] : memref<64x2048xf32, #tpu.memory_space<hbm>> -> memref<64x256xf32, #tpu.memory_space<hbm>>
      %dma_start3A_714 = arith.constant 0 : i32
      %dma_start3A_715 = arith.constant 0 : i32
      %dma_start3A_716 = tpu.memref_slice %arg6[%dma_start3A_714, %dma_start3A_715] : memref<64x2048xf32, #tpu.memory_space<vmem_shared>> -> memref<64x256xf32, #tpu.memory_space<vmem_shared>>
      tpu.enqueue_dma source(%dma_start3A_716 : memref<64x256xf32, #tpu.memory_space<vmem_shared>>) target(%dma_start3A_713 : memref<64x256xf32, #tpu.memory_space<hbm>>) target_semaphore(%arg9 : memref<!tpu.dma_semaphore, #tpu.memory_space<semaphore_mem>>)
    } else {
    }
    %and3A_675 = arith.constant 256 : i32
    %and3A_676 = arith.andi %sub3A_624, %and3A_675 : i32
    %ne3A_677 = arith.constant 0 : i32
    %ne3A_678 = arith.cmpi ne, %and3A_676, %ne3A_677 : i32
    %convert_element_type3A_679 = arith.extui %ne3A_678 : i1 to i32
    %cond3A_680 = arith.constant 0 : i32
    %cond3A_681 = arith.cmpi ne, %convert_element_type3A_679, %cond3A_680 : i32
    scf.if %cond3A_681 {
      %multiple_of3A_707 = tpu.assume_multiple %add3A_667, 128 : i32
      %dma_start3A_708 = arith.constant 0 : i32
      %dma_start3A_709 = arith.constant 0 : i32
      %dma_start3A_710 = tpu.memref_slice %arg3[%add3A_530, %dma_start3A_708, %dma_start3A_709] : memref<2048x64x2048xf32, #tpu.memory_space<hbm>> -> memref<1x64x2048xf32, #tpu.memory_space<hbm>>
      %dma_start3A_711 = tpu.memref_squeeze %dma_start3A_710 : memref<1x64x2048xf32, #tpu.memory_space<hbm>> -> memref<64x2048xf32, #tpu.memory_space<hbm>>
      %dma_start3A_712 = arith.constant 0 : i32
      %dma_start3A_713 = tpu.memref_slice %dma_start3A_711[%dma_start3A_712, %multiple_of3A_707] : memref<64x2048xf32, #tpu.memory_space<hbm>> -> memref<64x256xf32, #tpu.memory_space<hbm>>
      %dma_start3A_714 = arith.constant 0 : i32
      %dma_start3A_715 = arith.constant 0 : i32
      %dma_start3A_716 = tpu.memref_slice %arg7[%dma_start3A_714, %dma_start3A_715] : memref<64x2048xf32, #tpu.memory_space<vmem_shared>> -> memref<64x256xf32, #tpu.memory_space<vmem_shared>>
      tpu.enqueue_dma source(%dma_start3A_716 : memref<64x256xf32, #tpu.memory_space<vmem_shared>>) target(%dma_start3A_713 : memref<64x256xf32, #tpu.memory_space<hbm>>) target_semaphore(%arg9 : memref<!tpu.dma_semaphore, #tpu.memory_space<semaphore_mem>>)
    } else {
    }
    %and3A_682 = arith.constant -256 : i32
    %and3A_683 = arith.andi %multiple_of3A_565, %and3A_682 : i32
    %and3A_684 = arith.constant -256 : i32
    %and3A_685 = arith.andi %sub3A_624, %and3A_684 : i32
    %add3A_686 = arith.addi %add3A_622, %and3A_685 : i32
    %and3A_687 = arith.constant 128 : i32
    %and3A_688 = arith.andi %multiple_of3A_565, %and3A_687 : i32
    %ne3A_689 = arith.constant 0 : i32
    %ne3A_690 = arith.cmpi ne, %and3A_688, %ne3A_689 : i32
    %convert_element_type3A_691 = arith.extui %ne3A_690 : i1 to i32
    %cond3A_692 = arith.constant 0 : i32
    %cond3A_693 = arith.cmpi ne, %convert_element_type3A_691, %cond3A_692 : i32
    scf.if %cond3A_693 {
      %multiple_of3A_707 = tpu.assume_multiple %and3A_683, 128 : i32
      %dma_start3A_708 = arith.constant 0 : i32
      %dma_start3A_709 = arith.constant 0 : i32
      %dma_start3A_710 = tpu.memref_slice %arg3[%add3A_530, %dma_start3A_708, %dma_start3A_709] : memref<2048x64x2048xf32, #tpu.memory_space<hbm>> -> memref<1x64x2048xf32, #tpu.memory_space<hbm>>
      %dma_start3A_711 = tpu.memref_squeeze %dma_start3A_710 : memref<1x64x2048xf32, #tpu.memory_space<hbm>> -> memref<64x2048xf32, #tpu.memory_space<hbm>>
      %dma_start3A_712 = arith.constant 0 : i32
      %dma_start3A_713 = tpu.memref_slice %dma_start3A_711[%dma_start3A_712, %multiple_of3A_707] : memref<64x2048xf32, #tpu.memory_space<hbm>> -> memref<64x128xf32, #tpu.memory_space<hbm>>
      %dma_start3A_714 = arith.constant 0 : i32
      %dma_start3A_715 = arith.constant 0 : i32
      %dma_start3A_716 = tpu.memref_slice %arg6[%dma_start3A_714, %dma_start3A_715] : memref<64x2048xf32, #tpu.memory_space<vmem_shared>> -> memref<64x128xf32, #tpu.memory_space<vmem_shared>>
      tpu.enqueue_dma source(%dma_start3A_716 : memref<64x128xf32, #tpu.memory_space<vmem_shared>>) target(%dma_start3A_713 : memref<64x128xf32, #tpu.memory_space<hbm>>) target_semaphore(%arg9 : memref<!tpu.dma_semaphore, #tpu.memory_space<semaphore_mem>>)
    } else {
    }
    %and3A_694 = arith.constant 128 : i32
    %and3A_695 = arith.andi %sub3A_624, %and3A_694 : i32
    %ne3A_696 = arith.constant 0 : i32
    %ne3A_697 = arith.cmpi ne, %and3A_695, %ne3A_696 : i32
    %convert_element_type3A_698 = arith.extui %ne3A_697 : i1 to i32
    %cond3A_699 = arith.constant 0 : i32
    %cond3A_700 = arith.cmpi ne, %convert_element_type3A_698, %cond3A_699 : i32
    scf.if %cond3A_700 {
      %multiple_of3A_707 = tpu.assume_multiple %add3A_686, 128 : i32
      %dma_start3A_708 = arith.constant 0 : i32
      %dma_start3A_709 = arith.constant 0 : i32
      %dma_start3A_710 = tpu.memref_slice %arg3[%add3A_530, %dma_start3A_708, %dma_start3A_709] : memref<2048x64x2048xf32, #tpu.memory_space<hbm>> -> memref<1x64x2048xf32, #tpu.memory_space<hbm>>
      %dma_start3A_711 = tpu.memref_squeeze %dma_start3A_710 : memref<1x64x2048xf32, #tpu.memory_space<hbm>> -> memref<64x2048xf32, #tpu.memory_space<hbm>>
      %dma_start3A_712 = arith.constant 0 : i32
      %dma_start3A_713 = tpu.memref_slice %dma_start3A_711[%dma_start3A_712, %multiple_of3A_707] : memref<64x2048xf32, #tpu.memory_space<hbm>> -> memref<64x128xf32, #tpu.memory_space<hbm>>
      %dma_start3A_714 = arith.constant 0 : i32
      %dma_start3A_715 = arith.constant 0 : i32
      %dma_start3A_716 = tpu.memref_slice %arg7[%dma_start3A_714, %dma_start3A_715] : memref<64x2048xf32, #tpu.memory_space<vmem_shared>> -> memref<64x128xf32, #tpu.memory_space<vmem_shared>>
      tpu.enqueue_dma source(%dma_start3A_716 : memref<64x128xf32, #tpu.memory_space<vmem_shared>>) target(%dma_start3A_713 : memref<64x128xf32, #tpu.memory_space<hbm>>) target_semaphore(%arg9 : memref<!tpu.dma_semaphore, #tpu.memory_space<semaphore_mem>>)
    } else {
    }
    %scan3A_701 = arith.constant 0 : i32
    %scan3A_702 = arith.constant 0 : i32
    %scan3A_703 = arith.constant 64 : i32
    %scan3A_704 = arith.addi %scan3A_702, %scan3A_703 : i32
    %scan3A_705 = arith.constant 1 : i32
    scf.for %scan3A_707 = %scan3A_702 to %scan3A_704 step %scan3A_705  : i32 {
      %add3A_708 = arith.addi %mul3A_20, %scan3A_707 : i32
      %jit3A_709 = arith.constant 3 : i32
      %eq3A_710 = arith.constant 0 : i32
      %eq3A_711 = arith.cmpi eq, %jit3A_709, %eq3A_710 : i32
      %jit3A_712 = arith.constant 1 : i32
      %select_n3A_713 = arith.select %eq3A_711, %jit3A_712, %jit3A_709 : i32
      %rem3A_714 = arith.remsi %scan3A_707, %select_n3A_713 : i32
      %ne3A_715 = arith.constant 0 : i32
      %ne3A_716 = arith.cmpi ne, %rem3A_714, %ne3A_715 : i32
      %lt3A_717 = arith.constant 0 : i32
      %lt3A_718 = arith.cmpi slt, %rem3A_714, %lt3A_717 : i32
      %lt3A_719 = arith.constant 0 : i32
      %lt3A_720 = arith.cmpi slt, %select_n3A_713, %lt3A_719 : i32
      %ne3A_721 = arith.xori %lt3A_718, %lt3A_720 : i1
      %and3A_722 = arith.andi %ne3A_721, %ne3A_716 : i1
      %add3A_723 = arith.addi %rem3A_714, %select_n3A_713 : i32
      %select_n3A_724 = arith.select %and3A_722, %add3A_723, %rem3A_714 : i32
      %mul3A_725 = arith.constant 64 : i32
      %mul3A_726 = arith.muli %select_n3A_724, %mul3A_725 : i32
      %multiple_of3A_727 = tpu.assume_multiple %mul3A_726, 8 : i32
      %add3A_728 = arith.addi %mul3A_20, %scan3A_707 : i32
      %sub3A_729 = arith.constant 32 : i32
      %sub3A_730 = arith.subi %add3A_728, %sub3A_729 : i32
      %jit3A_731 = arith.constant 128 : i32
      %div3A_732 = arith.divsi %sub3A_730, %jit3A_731 : i32
      %sign3A_733 = arith.constant 0 : i32
      %sign3A_734 = arith.cmpi sgt, %sub3A_730, %sign3A_733 : i32
      %sign3A_735 = arith.extui %sign3A_734 : i1 to i32
      %sign3A_736 = arith.constant 0 : i32
      %sign3A_737 = arith.cmpi slt, %sub3A_730, %sign3A_736 : i32
      %sign3A_738 = arith.extui %sign3A_737 : i1 to i32
      %sign3A_739 = arith.subi %sign3A_735, %sign3A_738 : i32
      %sign3A_740 = arith.constant 0 : i32
      %sign3A_741 = arith.cmpi sgt, %jit3A_731, %sign3A_740 : i32
      %sign3A_742 = arith.extui %sign3A_741 : i1 to i32
      %sign3A_743 = arith.constant 0 : i32
      %sign3A_744 = arith.cmpi slt, %jit3A_731, %sign3A_743 : i32
      %sign3A_745 = arith.extui %sign3A_744 : i1 to i32
      %sign3A_746 = arith.subi %sign3A_742, %sign3A_745 : i32
      %ne3A_747 = arith.cmpi ne, %sign3A_739, %sign3A_746 : i32
      %rem3A_748 = arith.remsi %sub3A_730, %jit3A_731 : i32
      %ne3A_749 = arith.constant 0 : i32
      %ne3A_750 = arith.cmpi ne, %rem3A_748, %ne3A_749 : i32
      %and3A_751 = arith.andi %ne3A_747, %ne3A_750 : i1
      %sub3A_752 = arith.constant 1 : i32
      %sub3A_753 = arith.subi %div3A_732, %sub3A_752 : i32
      %select_n3A_754 = arith.select %and3A_751, %sub3A_753, %div3A_732 : i32
      %mul3A_755 = arith.constant 128 : i32
      %mul3A_756 = arith.muli %select_n3A_754, %mul3A_755 : i32
      %jit3A_757 = arith.constant 0 : i32
      %jit3A_758 = arith.constant 1792 : i32
      %max3A_759 = arith.maxsi %jit3A_757, %mul3A_756 : i32
      %min3A_760 = arith.minsi %jit3A_758, %max3A_759 : i32
      %multiple_of3A_761 = tpu.assume_multiple %min3A_760, 128 : i32
      %dma_wait3A = arith.constant 0 : i32
      %dma_wait3A_762 = tpu.memref_slice %arg5[%multiple_of3A_727, %dma_wait3A] : memref<192x256xf32, #tpu.memory_space<vmem>> -> memref<64x256xf32, #tpu.memory_space<vmem>>
      %dma_wait3A_763 = arith.constant 0 : i32
      %dma_wait3A_764 = arith.constant 0 : i32
      %dma_wait3A_765 = tpu.memref_slice %arg3[%add3A_708, %dma_wait3A_763, %dma_wait3A_764] : memref<2048x64x2048xf32, #tpu.memory_space<hbm>> -> memref<1x64x2048xf32, #tpu.memory_space<hbm>>
      %dma_wait3A_766 = tpu.memref_squeeze %dma_wait3A_765 : memref<1x64x2048xf32, #tpu.memory_space<hbm>> -> memref<64x2048xf32, #tpu.memory_space<hbm>>
      %dma_wait3A_767 = arith.constant 0 : i32
      %dma_wait3A_768 = tpu.memref_slice %dma_wait3A_766[%dma_wait3A_767, %multiple_of3A_761] : memref<64x2048xf32, #tpu.memory_space<hbm>> -> memref<64x256xf32, #tpu.memory_space<hbm>>
      %dma_wait3A_769 = arith.constant 0 : i32
      %dma_wait3A_770 = arith.constant 0 : i32
      %dma_wait3A_771 = tpu.memref_slice %arg3[%add3A_708, %dma_wait3A_769, %dma_wait3A_770] : memref<2048x64x2048xf32, #tpu.memory_space<hbm>> -> memref<1x64x2048xf32, #tpu.memory_space<hbm>>
      %dma_wait3A_772 = tpu.memref_squeeze %dma_wait3A_771 : memref<1x64x2048xf32, #tpu.memory_space<hbm>> -> memref<64x2048xf32, #tpu.memory_space<hbm>>
      %dma_wait3A_773 = arith.constant 0 : i32
      %dma_wait3A_774 = tpu.memref_slice %dma_wait3A_772[%dma_wait3A_773, %multiple_of3A_761] : memref<64x2048xf32, #tpu.memory_space<hbm>> -> memref<64x256xf32, #tpu.memory_space<hbm>>
      %dma_wait3A_775 = arith.constant 0 : i32
      %dma_wait3A_776 = tpu.memref_slice %arg5[%multiple_of3A_727, %dma_wait3A_775] : memref<192x256xf32, #tpu.memory_space<vmem>> -> memref<64x256xf32, #tpu.memory_space<vmem>>
      tpu.wait_dma2 semaphore(%arg8 : memref<!tpu.dma_semaphore, #tpu.memory_space<semaphore_mem>>) src(%dma_wait3A_776 : memref<64x256xf32, #tpu.memory_space<vmem>>) dst(%dma_wait3A_774 : memref<64x256xf32, #tpu.memory_space<hbm>>)
      %add3A_777 = arith.addi %mul3A_20, %scan3A_707 : i32
      %dma_wait3A_778 = arith.constant 0 : i32
      %dma_wait3A_779 = arith.constant 0 : i32
      %dma_wait3A_780 = tpu.memref_slice %arg3[%add3A_777, %dma_wait3A_778, %dma_wait3A_779] : memref<2048x64x2048xf32, #tpu.memory_space<hbm>> -> memref<1x64x2048xf32, #tpu.memory_space<hbm>>
      %dma_wait3A_781 = tpu.memref_squeeze %dma_wait3A_780 : memref<1x64x2048xf32, #tpu.memory_space<hbm>> -> memref<64x2048xf32, #tpu.memory_space<hbm>>
      %dma_wait3A_782 = arith.constant 0 : i32
      %dma_wait3A_783 = arith.constant 0 : i32
      %dma_wait3A_784 = tpu.memref_slice %dma_wait3A_781[%dma_wait3A_782, %dma_wait3A_783] : memref<64x2048xf32, #tpu.memory_space<hbm>> -> memref<64x1792xf32, #tpu.memory_space<hbm>>
      %dma_wait3A_785 = arith.constant 0 : i32
      %dma_wait3A_786 = arith.constant 0 : i32
      %dma_wait3A_787 = tpu.memref_slice %arg6[%dma_wait3A_785, %dma_wait3A_786] : memref<64x2048xf32, #tpu.memory_space<vmem_shared>> -> memref<64x1792xf32, #tpu.memory_space<vmem_shared>>
      tpu.wait_dma2 semaphore(%arg9 : memref<!tpu.dma_semaphore, #tpu.memory_space<semaphore_mem>>) src(%dma_wait3A_787 : memref<64x1792xf32, #tpu.memory_space<vmem_shared>>) dst(%dma_wait3A_784 : memref<64x1792xf32, #tpu.memory_space<hbm>>)
      %add3A_788 = arith.constant 3 : i32
      %add3A_789 = arith.addi %scan3A_707, %add3A_788 : i32
      %lt3A_790 = arith.constant 64 : i32
      %lt3A_791 = arith.cmpi slt, %add3A_789, %lt3A_790 : i32
      %convert_element_type3A_792 = arith.extui %lt3A_791 : i1 to i32
      %cond3A_793 = arith.constant 0 : i32
      %cond3A_794 = arith.cmpi ne, %convert_element_type3A_792, %cond3A_793 : i32
      scf.if %cond3A_794 {
        %add3A_795 = arith.constant 3 : i32
        %add3A_796 = arith.addi %scan3A_707, %add3A_795 : i32
        %add3A_797 = arith.addi %mul3A_20, %add3A_796 : i32
        %sub3A_798 = arith.constant 288 : i32
        %sub3A_799 = arith.subi %sub3A_798, %add3A_797 : i32
        %add3A_800 = arith.addi %mul3A_20, %add3A_796 : i32
        %sub3A_801 = arith.constant 32 : i32
        %sub3A_802 = arith.subi %add3A_800, %sub3A_801 : i32
        %jit3A_803 = arith.constant 128 : i32
        %div3A_804 = arith.divsi %sub3A_802, %jit3A_803 : i32
        %sign3A_805 = arith.constant 0 : i32
        %sign3A_806 = arith.cmpi sgt, %sub3A_802, %sign3A_805 : i32
        %sign3A_807 = arith.extui %sign3A_806 : i1 to i32
        %sign3A_808 = arith.constant 0 : i32
        %sign3A_809 = arith.cmpi slt, %sub3A_802, %sign3A_808 : i32
        %sign3A_810 = arith.extui %sign3A_809 : i1 to i32
        %sign3A_811 = arith.subi %sign3A_807, %sign3A_810 : i32
        %sign3A_812 = arith.constant 0 : i32
        %sign3A_813 = arith.cmpi sgt, %jit3A_803, %sign3A_812 : i32
        %sign3A_814 = arith.extui %sign3A_813 : i1 to i32
        %sign3A_815 = arith.constant 0 : i32
        %sign3A_816 = arith.cmpi slt, %jit3A_803, %sign3A_815 : i32
        %sign3A_817 = arith.extui %sign3A_816 : i1 to i32
        %sign3A_818 = arith.subi %sign3A_814, %sign3A_817 : i32
        %ne3A_819 = arith.cmpi ne, %sign3A_811, %sign3A_818 : i32
        %rem3A_820 = arith.remsi %sub3A_802, %jit3A_803 : i32
        %ne3A_821 = arith.constant 0 : i32
        %ne3A_822 = arith.cmpi ne, %rem3A_820, %ne3A_821 : i32
        %and3A_823 = arith.andi %ne3A_819, %ne3A_822 : i1
        %sub3A_824 = arith.constant 1 : i32
        %sub3A_825 = arith.subi %div3A_804, %sub3A_824 : i32
        %select_n3A_826 = arith.select %and3A_823, %sub3A_825, %div3A_804 : i32
        %mul3A_827 = arith.constant 128 : i32
        %mul3A_828 = arith.muli %select_n3A_826, %mul3A_827 : i32
        %jit3A_829 = arith.constant 0 : i32
        %jit3A_830 = arith.constant 1792 : i32
        %max3A_831 = arith.maxsi %jit3A_829, %mul3A_828 : i32
        %min3A_832 = arith.minsi %jit3A_830, %max3A_831 : i32
        %multiple_of3A_833 = tpu.assume_multiple %min3A_832, 128 : i32
        %add3A_834 = arith.addi %sub3A_799, %multiple_of3A_833 : i32
        %and3A_835 = arith.constant 15 : i32
        %and3A_836 = arith.andi %add3A_834, %and3A_835 : i32
        %sub3A_837 = arith.subi %add3A_834, %and3A_836 : i32
        %add3A_838 = vector.broadcast %and3A_836 : i32 to vector<16xi32>
        %add3A_839 = arith.addi %iota3A, %add3A_838 : vector<16xi32>
        %and3A_840 = arith.constant 15 : i32
        %and3A_841 = vector.broadcast %and3A_840 : i32 to vector<16xi32>
        %and3A_842 = arith.andi %add3A_839, %and3A_841 : vector<16xi32>
        %ge3A_843 = arith.constant 16 : i32
        %ge3A_844 = vector.broadcast %ge3A_843 : i32 to vector<16xi32>
        %ge3A_845 = arith.cmpi sge, %add3A_839, %ge3A_844 : vector<16xi32>
        %jit3A_846 = arith.constant 3 : i32
        %eq3A_847 = arith.constant 0 : i32
        %eq3A_848 = arith.cmpi eq, %jit3A_846, %eq3A_847 : i32
        %jit3A_849 = arith.constant 1 : i32
        %select_n3A_850 = arith.select %eq3A_848, %jit3A_849, %jit3A_846 : i32
        %rem3A_851 = arith.remsi %add3A_796, %select_n3A_850 : i32
        %ne3A_852 = arith.constant 0 : i32
        %ne3A_853 = arith.cmpi ne, %rem3A_851, %ne3A_852 : i32
        %lt3A_854 = arith.constant 0 : i32
        %lt3A_855 = arith.cmpi slt, %rem3A_851, %lt3A_854 : i32
        %lt3A_856 = arith.constant 0 : i32
        %lt3A_857 = arith.cmpi slt, %select_n3A_850, %lt3A_856 : i32
        %ne3A_858 = arith.xori %lt3A_855, %lt3A_857 : i1
        %and3A_859 = arith.andi %ne3A_858, %ne3A_853 : i1
        %add3A_860 = arith.addi %rem3A_851, %select_n3A_850 : i32
        %select_n3A_861 = arith.select %and3A_859, %add3A_860, %rem3A_851 : i32
        %scan3A_862 = arith.constant 0 : i32
        %scan3A_863 = arith.constant 0 : i32
        %scan3A_864 = arith.constant 64 : i32
        %scan3A_865 = arith.addi %scan3A_863, %scan3A_864 : i32
        %scan3A_866 = arith.constant 1 : i32
        scf.for %scan3A_1055 = %scan3A_863 to %scan3A_865 step %scan3A_866  : i32 {
          %add3A_1056 = arith.constant 0 : i32
          %add3A_1057 = arith.addi %sub3A_837, %add3A_1056 : i32
          %multiple_of3A_1058 = tpu.assume_multiple %add3A_1057, 16 : i32
          %get3A = arith.index_cast %scan3A_1055 : i32 to index
          %get3A_1059 = arith.index_cast %multiple_of3A_1058 : i32 to index
          %get3A_1060 = tpu.vector_load %arg4[%get3A, %get3A_1059] {strides = array<i32>} : memref<64x640xf32, #tpu.memory_space<vmem>>, vector<1x16xf32>,
          %get3A_1061 = vector.shape_cast %get3A_1060 : vector<1x16xf32> to vector<16xf32>
          %add3A_1062 = arith.constant 0 : i32
          %add3A_1063 = arith.addi %sub3A_837, %add3A_1062 : i32
          %add3A_1064 = arith.constant 16 : i32
          %add3A_1065 = arith.addi %add3A_1063, %add3A_1064 : i32
          %multiple_of3A_1066 = tpu.assume_multiple %add3A_1065, 16 : i32
          %get3A_1067 = arith.index_cast %scan3A_1055 : i32 to index
          %get3A_1068 = arith.index_cast %multiple_of3A_1066 : i32 to index
          %get3A_1069 = tpu.vector_load %arg4[%get3A_1067, %get3A_1068] {strides = array<i32>} : memref<64x640xf32, #tpu.memory_space<vmem>>, vector<1x16xf32>,
          %get3A_1070 = vector.shape_cast %get3A_1069 : vector<1x16xf32> to vector<16xf32>
          %lt3A_1071 = arith.constant 0 : i32
          %lt3A_1072 = vector.broadcast %lt3A_1071 : i32 to vector<16xi32>
          %lt3A_1073 = arith.cmpi slt, %and3A_842, %lt3A_1072 : vector<16xi32>
          %add3A_1074 = arith.constant 16 : i32
          %add3A_1075 = vector.broadcast %add3A_1074 : i32 to vector<16xi32>
          %add3A_1076 = arith.addi %and3A_842, %add3A_1075 : vector<16xi32>
          %select_n3A_1077 = arith.select %lt3A_1073, %add3A_1076, %and3A_842 : vector<16xi1>, vector<16xi32>
          %broadcast_in_dim3A = vector.shape_cast %select_n3A_1077 : vector<16xi32> to vector<16x1xi32>
          %gather3A = vector.shape_cast %broadcast_in_dim3A : vector<16x1xi32> to vector<16xi32>
          %gather3A_1078 = tpu.dynamic_gather %get3A_1061[%gather3A] in [0] : vector<16xf32>, vector<16xi32> -> vector<16xf32>
          %lt3A_1079 = arith.constant 0 : i32
          %lt3A_1080 = vector.broadcast %lt3A_1079 : i32 to vector<16xi32>
          %lt3A_1081 = arith.cmpi slt, %and3A_842, %lt3A_1080 : vector<16xi32>
          %add3A_1082 = arith.constant 16 : i32
          %add3A_1083 = vector.broadcast %add3A_1082 : i32 to vector<16xi32>
          %add3A_1084 = arith.addi %and3A_842, %add3A_1083 : vector<16xi32>
          %select_n3A_1085 = arith.select %lt3A_1081, %add3A_1084, %and3A_842 : vector<16xi1>, vector<16xi32>
          %broadcast_in_dim3A_1086 = vector.shape_cast %select_n3A_1085 : vector<16xi32> to vector<16x1xi32>
          %gather3A_1087 = vector.shape_cast %broadcast_in_dim3A_1086 : vector<16x1xi32> to vector<16xi32>
          %gather3A_1088 = tpu.dynamic_gather %get3A_1070[%gather3A_1087] in [0] : vector<16xf32>, vector<16xi32> -> vector<16xf32>
          %select_n3A_1089 = arith.select %ge3A_845, %gather3A_1088, %gather3A_1078 : vector<16xi1>, vector<16xf32>
          %mul3A_1090 = arith.constant 64 : i32
          %mul3A_1091 = arith.muli %select_n3A_861, %mul3A_1090 : i32
          %add3A_1092 = arith.addi %mul3A_1091, %scan3A_1055 : i32
          %swap3A = arith.index_cast %add3A_1092 : i32 to index
          %swap3A_1093 = arith.constant 0 : index
          %swap3A_1094 = tpu.vector_load %arg5[%swap3A, %swap3A_1093] {strides = array<i32>} : memref<192x256xf32, #tpu.memory_space<vmem>>, vector<1x16xf32>,
          %swap3A_1095 = vector.shape_cast %swap3A_1094 : vector<1x16xf32> to vector<16xf32>
          %swap3A_1096 = vector.shape_cast %select_n3A_1089 : vector<16xf32> to vector<1x16xf32>
          tpu.vector_store %arg5[%swap3A, %swap3A_1093], %swap3A_1096 {strides = array<i32>} : memref<192x256xf32, #tpu.memory_space<vmem>>, vector<1x16xf32>,
          %add3A_1097 = arith.constant 16 : i32
          %add3A_1098 = arith.addi %sub3A_837, %add3A_1097 : i32
          %multiple_of3A_1099 = tpu.assume_multiple %add3A_1098, 16 : i32
          %get3A_1100 = arith.index_cast %scan3A_1055 : i32 to index
          %get3A_1101 = arith.index_cast %multiple_of3A_1099 : i32 to index
          %get3A_1102 = tpu.vector_load %arg4[%get3A_1100, %get3A_1101] {strides = array<i32>} : memref<64x640xf32, #tpu.memory_space<vmem>>, vector<1x16xf32>,
          %get3A_1103 = vector.shape_cast %get3A_1102 : vector<1x16xf32> to vector<16xf32>
          %add3A_1104 = arith.constant 16 : i32
          %add3A_1105 = arith.addi %sub3A_837, %add3A_1104 : i32
          %add3A_1106 = arith.constant 16 : i32
          %add3A_1107 = arith.addi %add3A_1105, %add3A_1106 : i32
          %multiple_of3A_1108 = tpu.assume_multiple %add3A_1107, 16 : i32
          %get3A_1109 = arith.index_cast %scan3A_1055 : i32 to index
          %get3A_1110 = arith.index_cast %multiple_of3A_1108 : i32 to index
          %get3A_1111 = tpu.vector_load %arg4[%get3A_1109, %get3A_1110] {strides = array<i32>} : memref<64x640xf32, #tpu.memory_space<vmem>>, vector<1x16xf32>,
          %get3A_1112 = vector.shape_cast %get3A_1111 : vector<1x16xf32> to vector<16xf32>
          %lt3A_1113 = arith.constant 0 : i32
          %lt3A_1114 = vector.broadcast %lt3A_1113 : i32 to vector<16xi32>
          %lt3A_1115 = arith.cmpi slt, %and3A_842, %lt3A_1114 : vector<16xi32>
          %add3A_1116 = arith.constant 16 : i32
          %add3A_1117 = vector.broadcast %add3A_1116 : i32 to vector<16xi32>
          %add3A_1118 = arith.addi %and3A_842, %add3A_1117 : vector<16xi32>
          %select_n3A_1119 = arith.select %lt3A_1115, %add3A_1118, %and3A_842 : vector<16xi1>, vector<16xi32>
          %broadcast_in_dim3A_1120 = vector.shape_cast %select_n3A_1119 : vector<16xi32> to vector<16x1xi32>
          %gather3A_1121 = vector.shape_cast %broadcast_in_dim3A_1120 : vector<16x1xi32> to vector<16xi32>
          %gather3A_1122 = tpu.dynamic_gather %get3A_1103[%gather3A_1121] in [0] : vector<16xf32>, vector<16xi32> -> vector<16xf32>
          %lt3A_1123 = arith.constant 0 : i32
          %lt3A_1124 = vector.broadcast %lt3A_1123 : i32 to vector<16xi32>
          %lt3A_1125 = arith.cmpi slt, %and3A_842, %lt3A_1124 : vector<16xi32>
          %add3A_1126 = arith.constant 16 : i32
          %add3A_1127 = vector.broadcast %add3A_1126 : i32 to vector<16xi32>
          %add3A_1128 = arith.addi %and3A_842, %add3A_1127 : vector<16xi32>
          %select_n3A_1129 = arith.select %lt3A_1125, %add3A_1128, %and3A_842 : vector<16xi1>, vector<16xi32>
          %broadcast_in_dim3A_1130 = vector.shape_cast %select_n3A_1129 : vector<16xi32> to vector<16x1xi32>
          %gather3A_1131 = vector.shape_cast %broadcast_in_dim3A_1130 : vector<16x1xi32> to vector<16xi32>
          %gather3A_1132 = tpu.dynamic_gather %get3A_1112[%gather3A_1131] in [0] : vector<16xf32>, vector<16xi32> -> vector<16xf32>
          %select_n3A_1133 = arith.select %ge3A_845, %gather3A_1132, %gather3A_1122 : vector<16xi1>, vector<16xf32>
          %mul3A_1134 = arith.constant 64 : i32
          %mul3A_1135 = arith.muli %select_n3A_861, %mul3A_1134 : i32
          %add3A_1136 = arith.addi %mul3A_1135, %scan3A_1055 : i32
          %swap3A_1137 = arith.index_cast %add3A_1136 : i32 to index
          %swap3A_1138 = arith.constant 16 : index
          %swap3A_1139 = tpu.vector_load %arg5[%swap3A_1137, %swap3A_1138] {strides = array<i32>} : memref<192x256xf32, #tpu.memory_space<vmem>>, vector<1x16xf32>,
          %swap3A_1140 = vector.shape_cast %swap3A_1139 : vector<1x16xf32> to vector<16xf32>
          %swap3A_1141 = vector.shape_cast %select_n3A_1133 : vector<16xf32> to vector<1x16xf32>
          tpu.vector_store %arg5[%swap3A_1137, %swap3A_1138], %swap3A_1141 {strides = array<i32>} : memref<192x256xf32, #tpu.memory_space<vmem>>, vector<1x16xf32>,
          %add3A_1142 = arith.constant 32 : i32
          %add3A_1143 = arith.addi %sub3A_837, %add3A_1142 : i32
          %multiple_of3A_1144 = tpu.assume_multiple %add3A_1143, 16 : i32
          %get3A_1145 = arith.index_cast %scan3A_1055 : i32 to index
          %get3A_1146 = arith.index_cast %multiple_of3A_1144 : i32 to index
          %get3A_1147 = tpu.vector_load %arg4[%get3A_1145, %get3A_1146] {strides = array<i32>} : memref<64x640xf32, #tpu.memory_space<vmem>>, vector<1x16xf32>,
          %get3A_1148 = vector.shape_cast %get3A_1147 : vector<1x16xf32> to vector<16xf32>
          %add3A_1149 = arith.constant 32 : i32
          %add3A_1150 = arith.addi %sub3A_837, %add3A_1149 : i32
          %add3A_1151 = arith.constant 16 : i32
          %add3A_1152 = arith.addi %add3A_1150, %add3A_1151 : i32
          %multiple_of3A_1153 = tpu.assume_multiple %add3A_1152, 16 : i32
          %get3A_1154 = arith.index_cast %scan3A_1055 : i32 to index
          %get3A_1155 = arith.index_cast %multiple_of3A_1153 : i32 to index
          %get3A_1156 = tpu.vector_load %arg4[%get3A_1154, %get3A_1155] {strides = array<i32>} : memref<64x640xf32, #tpu.memory_space<vmem>>, vector<1x16xf32>,
          %get3A_1157 = vector.shape_cast %get3A_1156 : vector<1x16xf32> to vector<16xf32>
          %lt3A_1158 = arith.constant 0 : i32
          %lt3A_1159 = vector.broadcast %lt3A_1158 : i32 to vector<16xi32>
          %lt3A_1160 = arith.cmpi slt, %and3A_842, %lt3A_1159 : vector<16xi32>
          %add3A_1161 = arith.constant 16 : i32
          %add3A_1162 = vector.broadcast %add3A_1161 : i32 to vector<16xi32>
          %add3A_1163 = arith.addi %and3A_842, %add3A_1162 : vector<16xi32>
          %select_n3A_1164 = arith.select %lt3A_1160, %add3A_1163, %and3A_842 : vector<16xi1>, vector<16xi32>
          %broadcast_in_dim3A_1165 = vector.shape_cast %select_n3A_1164 : vector<16xi32> to vector<16x1xi32>
          %gather3A_1166 = vector.shape_cast %broadcast_in_dim3A_1165 : vector<16x1xi32> to vector<16xi32>
          %gather3A_1167 = tpu.dynamic_gather %get3A_1148[%gather3A_1166] in [0] : vector<16xf32>, vector<16xi32> -> vector<16xf32>
          %lt3A_1168 = arith.constant 0 : i32
          %lt3A_1169 = vector.broadcast %lt3A_1168 : i32 to vector<16xi32>
          %lt3A_1170 = arith.cmpi slt, %and3A_842, %lt3A_1169 : vector<16xi32>
          %add3A_1171 = arith.constant 16 : i32
          %add3A_1172 = vector.broadcast %add3A_1171 : i32 to vector<16xi32>
          %add3A_1173 = arith.addi %and3A_842, %add3A_1172 : vector<16xi32>
          %select_n3A_1174 = arith.select %lt3A_1170, %add3A_1173, %and3A_842 : vector<16xi1>, vector<16xi32>
          %broadcast_in_dim3A_1175 = vector.shape_cast %select_n3A_1174 : vector<16xi32> to vector<16x1xi32>
          %gather3A_1176 = vector.shape_cast %broadcast_in_dim3A_1175 : vector<16x1xi32> to vector<16xi32>
          %gather3A_1177 = tpu.dynamic_gather %get3A_1157[%gather3A_1176] in [0] : vector<16xf32>, vector<16xi32> -> vector<16xf32>
          %select_n3A_1178 = arith.select %ge3A_845, %gather3A_1177, %gather3A_1167 : vector<16xi1>, vector<16xf32>
          %mul3A_1179 = arith.constant 64 : i32
          %mul3A_1180 = arith.muli %select_n3A_861, %mul3A_1179 : i32
          %add3A_1181 = arith.addi %mul3A_1180, %scan3A_1055 : i32
          %swap3A_1182 = arith.index_cast %add3A_1181 : i32 to index
          %swap3A_1183 = arith.constant 32 : index
          %swap3A_1184 = tpu.vector_load %arg5[%swap3A_1182, %swap3A_1183] {strides = array<i32>} : memref<192x256xf32, #tpu.memory_space<vmem>>, vector<1x16xf32>,
          %swap3A_1185 = vector.shape_cast %swap3A_1184 : vector<1x16xf32> to vector<16xf32>
          %swap3A_1186 = vector.shape_cast %select_n3A_1178 : vector<16xf32> to vector<1x16xf32>
          tpu.vector_store %arg5[%swap3A_1182, %swap3A_1183], %swap3A_1186 {strides = array<i32>} : memref<192x256xf32, #tpu.memory_space<vmem>>, vector<1x16xf32>,
          %add3A_1187 = arith.constant 48 : i32
          %add3A_1188 = arith.addi %sub3A_837, %add3A_1187 : i32
          %multiple_of3A_1189 = tpu.assume_multiple %add3A_1188, 16 : i32
          %get3A_1190 = arith.index_cast %scan3A_1055 : i32 to index
          %get3A_1191 = arith.index_cast %multiple_of3A_1189 : i32 to index
          %get3A_1192 = tpu.vector_load %arg4[%get3A_1190, %get3A_1191] {strides = array<i32>} : memref<64x640xf32, #tpu.memory_space<vmem>>, vector<1x16xf32>,
          %get3A_1193 = vector.shape_cast %get3A_1192 : vector<1x16xf32> to vector<16xf32>
          %add3A_1194 = arith.constant 48 : i32
          %add3A_1195 = arith.addi %sub3A_837, %add3A_1194 : i32
          %add3A_1196 = arith.constant 16 : i32
          %add3A_1197 = arith.addi %add3A_1195, %add3A_1196 : i32
          %multiple_of3A_1198 = tpu.assume_multiple %add3A_1197, 16 : i32
          %get3A_1199 = arith.index_cast %scan3A_1055 : i32 to index
          %get3A_1200 = arith.index_cast %multiple_of3A_1198 : i32 to index
          %get3A_1201 = tpu.vector_load %arg4[%get3A_1199, %get3A_1200] {strides = array<i32>} : memref<64x640xf32, #tpu.memory_space<vmem>>, vector<1x16xf32>,
          %get3A_1202 = vector.shape_cast %get3A_1201 : vector<1x16xf32> to vector<16xf32>
          %lt3A_1203 = arith.constant 0 : i32
          %lt3A_1204 = vector.broadcast %lt3A_1203 : i32 to vector<16xi32>
          %lt3A_1205 = arith.cmpi slt, %and3A_842, %lt3A_1204 : vector<16xi32>
          %add3A_1206 = arith.constant 16 : i32
          %add3A_1207 = vector.broadcast %add3A_1206 : i32 to vector<16xi32>
          %add3A_1208 = arith.addi %and3A_842, %add3A_1207 : vector<16xi32>
          %select_n3A_1209 = arith.select %lt3A_1205, %add3A_1208, %and3A_842 : vector<16xi1>, vector<16xi32>
          %broadcast_in_dim3A_1210 = vector.shape_cast %select_n3A_1209 : vector<16xi32> to vector<16x1xi32>
          %gather3A_1211 = vector.shape_cast %broadcast_in_dim3A_1210 : vector<16x1xi32> to vector<16xi32>
          %gather3A_1212 = tpu.dynamic_gather %get3A_1193[%gather3A_1211] in [0] : vector<16xf32>, vector<16xi32> -> vector<16xf32>
          %lt3A_1213 = arith.constant 0 : i32
          %lt3A_1214 = vector.broadcast %lt3A_1213 : i32 to vector<16xi32>
          %lt3A_1215 = arith.cmpi slt, %and3A_842, %lt3A_1214 : vector<16xi32>
          %add3A_1216 = arith.constant 16 : i32
          %add3A_1217 = vector.broadcast %add3A_1216 : i32 to vector<16xi32>
          %add3A_1218 = arith.addi %and3A_842, %add3A_1217 : vector<16xi32>
          %select_n3A_1219 = arith.select %lt3A_1215, %add3A_1218, %and3A_842 : vector<16xi1>, vector<16xi32>
          %broadcast_in_dim3A_1220 = vector.shape_cast %select_n3A_1219 : vector<16xi32> to vector<16x1xi32>
          %gather3A_1221 = vector.shape_cast %broadcast_in_dim3A_1220 : vector<16x1xi32> to vector<16xi32>
          %gather3A_1222 = tpu.dynamic_gather %get3A_1202[%gather3A_1221] in [0] : vector<16xf32>, vector<16xi32> -> vector<16xf32>
          %select_n3A_1223 = arith.select %ge3A_845, %gather3A_1222, %gather3A_1212 : vector<16xi1>, vector<16xf32>
          %mul3A_1224 = arith.constant 64 : i32
          %mul3A_1225 = arith.muli %select_n3A_861, %mul3A_1224 : i32
          %add3A_1226 = arith.addi %mul3A_1225, %scan3A_1055 : i32
          %swap3A_1227 = arith.index_cast %add3A_1226 : i32 to index
          %swap3A_1228 = arith.constant 48 : index
          %swap3A_1229 = tpu.vector_load %arg5[%swap3A_1227, %swap3A_1228] {strides = array<i32>} : memref<192x256xf32, #tpu.memory_space<vmem>>, vector<1x16xf32>,
          %swap3A_1230 = vector.shape_cast %swap3A_1229 : vector<1x16xf32> to vector<16xf32>
          %swap3A_1231 = vector.shape_cast %select_n3A_1223 : vector<16xf32> to vector<1x16xf32>
          tpu.vector_store %arg5[%swap3A_1227, %swap3A_1228], %swap3A_1231 {strides = array<i32>} : memref<192x256xf32, #tpu.memory_space<vmem>>, vector<1x16xf32>,
          %add3A_1232 = arith.constant 64 : i32
          %add3A_1233 = arith.addi %sub3A_837, %add3A_1232 : i32
          %multiple_of3A_1234 = tpu.assume_multiple %add3A_1233, 16 : i32
          %get3A_1235 = arith.index_cast %scan3A_1055 : i32 to index
          %get3A_1236 = arith.index_cast %multiple_of3A_1234 : i32 to index
          %get3A_1237 = tpu.vector_load %arg4[%get3A_1235, %get3A_1236] {strides = array<i32>} : memref<64x640xf32, #tpu.memory_space<vmem>>, vector<1x16xf32>,
          %get3A_1238 = vector.shape_cast %get3A_1237 : vector<1x16xf32> to vector<16xf32>
          %add3A_1239 = arith.constant 64 : i32
          %add3A_1240 = arith.addi %sub3A_837, %add3A_1239 : i32
          %add3A_1241 = arith.constant 16 : i32
          %add3A_1242 = arith.addi %add3A_1240, %add3A_1241 : i32
          %multiple_of3A_1243 = tpu.assume_multiple %add3A_1242, 16 : i32
          %get3A_1244 = arith.index_cast %scan3A_1055 : i32 to index
          %get3A_1245 = arith.index_cast %multiple_of3A_1243 : i32 to index
          %get3A_1246 = tpu.vector_load %arg4[%get3A_1244, %get3A_1245] {strides = array<i32>} : memref<64x640xf32, #tpu.memory_space<vmem>>, vector<1x16xf32>,
          %get3A_1247 = vector.shape_cast %get3A_1246 : vector<1x16xf32> to vector<16xf32>
          %lt3A_1248 = arith.constant 0 : i32
          %lt3A_1249 = vector.broadcast %lt3A_1248 : i32 to vector<16xi32>
          %lt3A_1250 = arith.cmpi slt, %and3A_842, %lt3A_1249 : vector<16xi32>
          %add3A_1251 = arith.constant 16 : i32
          %add3A_1252 = vector.broadcast %add3A_1251 : i32 to vector<16xi32>
          %add3A_1253 = arith.addi %and3A_842, %add3A_1252 : vector<16xi32>
          %select_n3A_1254 = arith.select %lt3A_1250, %add3A_1253, %and3A_842 : vector<16xi1>, vector<16xi32>
          %broadcast_in_dim3A_1255 = vector.shape_cast %select_n3A_1254 : vector<16xi32> to vector<16x1xi32>
          %gather3A_1256 = vector.shape_cast %broadcast_in_dim3A_1255 : vector<16x1xi32> to vector<16xi32>
          %gather3A_1257 = tpu.dynamic_gather %get3A_1238[%gather3A_1256] in [0] : vector<16xf32>, vector<16xi32> -> vector<16xf32>
          %lt3A_1258 = arith.constant 0 : i32
          %lt3A_1259 = vector.broadcast %lt3A_1258 : i32 to vector<16xi32>
          %lt3A_1260 = arith.cmpi slt, %and3A_842, %lt3A_1259 : vector<16xi32>
          %add3A_1261 = arith.constant 16 : i32
          %add3A_1262 = vector.broadcast %add3A_1261 : i32 to vector<16xi32>
          %add3A_1263 = arith.addi %and3A_842, %add3A_1262 : vector<16xi32>
          %select_n3A_1264 = arith.select %lt3A_1260, %add3A_1263, %and3A_842 : vector<16xi1>, vector<16xi32>
          %broadcast_in_dim3A_1265 = vector.shape_cast %select_n3A_1264 : vector<16xi32> to vector<16x1xi32>
          %gather3A_1266 = vector.shape_cast %broadcast_in_dim3A_1265 : vector<16x1xi32> to vector<16xi32>
          %gather3A_1267 = tpu.dynamic_gather %get3A_1247[%gather3A_1266] in [0] : vector<16xf32>, vector<16xi32> -> vector<16xf32>
          %select_n3A_1268 = arith.select %ge3A_845, %gather3A_1267, %gather3A_1257 : vector<16xi1>, vector<16xf32>
          %mul3A_1269 = arith.constant 64 : i32
          %mul3A_1270 = arith.muli %select_n3A_861, %mul3A_1269 : i32
          %add3A_1271 = arith.addi %mul3A_1270, %scan3A_1055 : i32
          %swap3A_1272 = arith.index_cast %add3A_1271 : i32 to index
          %swap3A_1273 = arith.constant 64 : index
          %swap3A_1274 = tpu.vector_load %arg5[%swap3A_1272, %swap3A_1273] {strides = array<i32>} : memref<192x256xf32, #tpu.memory_space<vmem>>, vector<1x16xf32>,
          %swap3A_1275 = vector.shape_cast %swap3A_1274 : vector<1x16xf32> to vector<16xf32>
          %swap3A_1276 = vector.shape_cast %select_n3A_1268 : vector<16xf32> to vector<1x16xf32>
          tpu.vector_store %arg5[%swap3A_1272, %swap3A_1273], %swap3A_1276 {strides = array<i32>} : memref<192x256xf32, #tpu.memory_space<vmem>>, vector<1x16xf32>,
          %add3A_1277 = arith.constant 80 : i32
          %add3A_1278 = arith.addi %sub3A_837, %add3A_1277 : i32
          %multiple_of3A_1279 = tpu.assume_multiple %add3A_1278, 16 : i32
          %get3A_1280 = arith.index_cast %scan3A_1055 : i32 to index
          %get3A_1281 = arith.index_cast %multiple_of3A_1279 : i32 to index
          %get3A_1282 = tpu.vector_load %arg4[%get3A_1280, %get3A_1281] {strides = array<i32>} : memref<64x640xf32, #tpu.memory_space<vmem>>, vector<1x16xf32>,
          %get3A_1283 = vector.shape_cast %get3A_1282 : vector<1x16xf32> to vector<16xf32>
          %add3A_1284 = arith.constant 80 : i32
          %add3A_1285 = arith.addi %sub3A_837, %add3A_1284 : i32
          %add3A_1286 = arith.constant 16 : i32
          %add3A_1287 = arith.addi %add3A_1285, %add3A_1286 : i32
          %multiple_of3A_1288 = tpu.assume_multiple %add3A_1287, 16 : i32
          %get3A_1289 = arith.index_cast %scan3A_1055 : i32 to index
          %get3A_1290 = arith.index_cast %multiple_of3A_1288 : i32 to index
          %get3A_1291 = tpu.vector_load %arg4[%get3A_1289, %get3A_1290] {strides = array<i32>} : memref<64x640xf32, #tpu.memory_space<vmem>>, vector<1x16xf32>,
          %get3A_1292 = vector.shape_cast %get3A_1291 : vector<1x16xf32> to vector<16xf32>
          %lt3A_1293 = arith.constant 0 : i32
          %lt3A_1294 = vector.broadcast %lt3A_1293 : i32 to vector<16xi32>
          %lt3A_1295 = arith.cmpi slt, %and3A_842, %lt3A_1294 : vector<16xi32>
          %add3A_1296 = arith.constant 16 : i32
          %add3A_1297 = vector.broadcast %add3A_1296 : i32 to vector<16xi32>
          %add3A_1298 = arith.addi %and3A_842, %add3A_1297 : vector<16xi32>
          %select_n3A_1299 = arith.select %lt3A_1295, %add3A_1298, %and3A_842 : vector<16xi1>, vector<16xi32>
          %broadcast_in_dim3A_1300 = vector.shape_cast %select_n3A_1299 : vector<16xi32> to vector<16x1xi32>
          %gather3A_1301 = vector.shape_cast %broadcast_in_dim3A_1300 : vector<16x1xi32> to vector<16xi32>
          %gather3A_1302 = tpu.dynamic_gather %get3A_1283[%gather3A_1301] in [0] : vector<16xf32>, vector<16xi32> -> vector<16xf32>
          %lt3A_1303 = arith.constant 0 : i32
          %lt3A_1304 = vector.broadcast %lt3A_1303 : i32 to vector<16xi32>
          %lt3A_1305 = arith.cmpi slt, %and3A_842, %lt3A_1304 : vector<16xi32>
          %add3A_1306 = arith.constant 16 : i32
          %add3A_1307 = vector.broadcast %add3A_1306 : i32 to vector<16xi32>
          %add3A_1308 = arith.addi %and3A_842, %add3A_1307 : vector<16xi32>
          %select_n3A_1309 = arith.select %lt3A_1305, %add3A_1308, %and3A_842 : vector<16xi1>, vector<16xi32>
          %broadcast_in_dim3A_1310 = vector.shape_cast %select_n3A_1309 : vector<16xi32> to vector<16x1xi32>
          %gather3A_1311 = vector.shape_cast %broadcast_in_dim3A_1310 : vector<16x1xi32> to vector<16xi32>
          %gather3A_1312 = tpu.dynamic_gather %get3A_1292[%gather3A_1311] in [0] : vector<16xf32>, vector<16xi32> -> vector<16xf32>
          %select_n3A_1313 = arith.select %ge3A_845, %gather3A_1312, %gather3A_1302 : vector<16xi1>, vector<16xf32>
          %mul3A_1314 = arith.constant 64 : i32
          %mul3A_1315 = arith.muli %select_n3A_861, %mul3A_1314 : i32
          %add3A_1316 = arith.addi %mul3A_1315, %scan3A_1055 : i32
          %swap3A_1317 = arith.index_cast %add3A_1316 : i32 to index
          %swap3A_1318 = arith.constant 80 : index
          %swap3A_1319 = tpu.vector_load %arg5[%swap3A_1317, %swap3A_1318] {strides = array<i32>} : memref<192x256xf32, #tpu.memory_space<vmem>>, vector<1x16xf32>,
          %swap3A_1320 = vector.shape_cast %swap3A_1319 : vector<1x16xf32> to vector<16xf32>
          %swap3A_1321 = vector.shape_cast %select_n3A_1313 : vector<16xf32> to vector<1x16xf32>
          tpu.vector_store %arg5[%swap3A_1317, %swap3A_1318], %swap3A_1321 {strides = array<i32>} : memref<192x256xf32, #tpu.memory_space<vmem>>, vector<1x16xf32>,
          %add3A_1322 = arith.constant 96 : i32
          %add3A_1323 = arith.addi %sub3A_837, %add3A_1322 : i32
          %multiple_of3A_1324 = tpu.assume_multiple %add3A_1323, 16 : i32
          %get3A_1325 = arith.index_cast %scan3A_1055 : i32 to index
          %get3A_1326 = arith.index_cast %multiple_of3A_1324 : i32 to index
          %get3A_1327 = tpu.vector_load %arg4[%get3A_1325, %get3A_1326] {strides = array<i32>} : memref<64x640xf32, #tpu.memory_space<vmem>>, vector<1x16xf32>,
          %get3A_1328 = vector.shape_cast %get3A_1327 : vector<1x16xf32> to vector<16xf32>
          %add3A_1329 = arith.constant 96 : i32
          %add3A_1330 = arith.addi %sub3A_837, %add3A_1329 : i32
          %add3A_1331 = arith.constant 16 : i32
          %add3A_1332 = arith.addi %add3A_1330, %add3A_1331 : i32
          %multiple_of3A_1333 = tpu.assume_multiple %add3A_1332, 16 : i32
          %get3A_1334 = arith.index_cast %scan3A_1055 : i32 to index
          %get3A_1335 = arith.index_cast %multiple_of3A_1333 : i32 to index
          %get3A_1336 = tpu.vector_load %arg4[%get3A_1334, %get3A_1335] {strides = array<i32>} : memref<64x640xf32, #tpu.memory_space<vmem>>, vector<1x16xf32>,
          %get3A_1337 = vector.shape_cast %get3A_1336 : vector<1x16xf32> to vector<16xf32>
          %lt3A_1338 = arith.constant 0 : i32
          %lt3A_1339 = vector.broadcast %lt3A_1338 : i32 to vector<16xi32>
          %lt3A_1340 = arith.cmpi slt, %and3A_842, %lt3A_1339 : vector<16xi32>
          %add3A_1341 = arith.constant 16 : i32
          %add3A_1342 = vector.broadcast %add3A_1341 : i32 to vector<16xi32>
          %add3A_1343 = arith.addi %and3A_842, %add3A_1342 : vector<16xi32>
          %select_n3A_1344 = arith.select %lt3A_1340, %add3A_1343, %and3A_842 : vector<16xi1>, vector<16xi32>
          %broadcast_in_dim3A_1345 = vector.shape_cast %select_n3A_1344 : vector<16xi32> to vector<16x1xi32>
          %gather3A_1346 = vector.shape_cast %broadcast_in_dim3A_1345 : vector<16x1xi32> to vector<16xi32>
          %gather3A_1347 = tpu.dynamic_gather %get3A_1328[%gather3A_1346] in [0] : vector<16xf32>, vector<16xi32> -> vector<16xf32>
          %lt3A_1348 = arith.constant 0 : i32
          %lt3A_1349 = vector.broadcast %lt3A_1348 : i32 to vector<16xi32>
          %lt3A_1350 = arith.cmpi slt, %and3A_842, %lt3A_1349 : vector<16xi32>
          %add3A_1351 = arith.constant 16 : i32
          %add3A_1352 = vector.broadcast %add3A_1351 : i32 to vector<16xi32>
          %add3A_1353 = arith.addi %and3A_842, %add3A_1352 : vector<16xi32>
          %select_n3A_1354 = arith.select %lt3A_1350, %add3A_1353, %and3A_842 : vector<16xi1>, vector<16xi32>
          %broadcast_in_dim3A_1355 = vector.shape_cast %select_n3A_1354 : vector<16xi32> to vector<16x1xi32>
          %gather3A_1356 = vector.shape_cast %broadcast_in_dim3A_1355 : vector<16x1xi32> to vector<16xi32>
          %gather3A_1357 = tpu.dynamic_gather %get3A_1337[%gather3A_1356] in [0] : vector<16xf32>, vector<16xi32> -> vector<16xf32>
          %select_n3A_1358 = arith.select %ge3A_845, %gather3A_1357, %gather3A_1347 : vector<16xi1>, vector<16xf32>
          %mul3A_1359 = arith.constant 64 : i32
          %mul3A_1360 = arith.muli %select_n3A_861, %mul3A_1359 : i32
          %add3A_1361 = arith.addi %mul3A_1360, %scan3A_1055 : i32
          %swap3A_1362 = arith.index_cast %add3A_1361 : i32 to index
          %swap3A_1363 = arith.constant 96 : index
          %swap3A_1364 = tpu.vector_load %arg5[%swap3A_1362, %swap3A_1363] {strides = array<i32>} : memref<192x256xf32, #tpu.memory_space<vmem>>, vector<1x16xf32>,
          %swap3A_1365 = vector.shape_cast %swap3A_1364 : vector<1x16xf32> to vector<16xf32>
          %swap3A_1366 = vector.shape_cast %select_n3A_1358 : vector<16xf32> to vector<1x16xf32>
          tpu.vector_store %arg5[%swap3A_1362, %swap3A_1363], %swap3A_1366 {strides = array<i32>} : memref<192x256xf32, #tpu.memory_space<vmem>>, vector<1x16xf32>,
          %add3A_1367 = arith.constant 112 : i32
          %add3A_1368 = arith.addi %sub3A_837, %add3A_1367 : i32
          %multiple_of3A_1369 = tpu.assume_multiple %add3A_1368, 16 : i32
          %get3A_1370 = arith.index_cast %scan3A_1055 : i32 to index
          %get3A_1371 = arith.index_cast %multiple_of3A_1369 : i32 to index
          %get3A_1372 = tpu.vector_load %arg4[%get3A_1370, %get3A_1371] {strides = array<i32>} : memref<64x640xf32, #tpu.memory_space<vmem>>, vector<1x16xf32>,
          %get3A_1373 = vector.shape_cast %get3A_1372 : vector<1x16xf32> to vector<16xf32>
          %add3A_1374 = arith.constant 112 : i32
          %add3A_1375 = arith.addi %sub3A_837, %add3A_1374 : i32
          %add3A_1376 = arith.constant 16 : i32
          %add3A_1377 = arith.addi %add3A_1375, %add3A_1376 : i32
          %multiple_of3A_1378 = tpu.assume_multiple %add3A_1377, 16 : i32
          %get3A_1379 = arith.index_cast %scan3A_1055 : i32 to index
          %get3A_1380 = arith.index_cast %multiple_of3A_1378 : i32 to index
          %get3A_1381 = tpu.vector_load %arg4[%get3A_1379, %get3A_1380] {strides = array<i32>} : memref<64x640xf32, #tpu.memory_space<vmem>>, vector<1x16xf32>,
          %get3A_1382 = vector.shape_cast %get3A_1381 : vector<1x16xf32> to vector<16xf32>
          %lt3A_1383 = arith.constant 0 : i32
          %lt3A_1384 = vector.broadcast %lt3A_1383 : i32 to vector<16xi32>
          %lt3A_1385 = arith.cmpi slt, %and3A_842, %lt3A_1384 : vector<16xi32>
          %add3A_1386 = arith.constant 16 : i32
          %add3A_1387 = vector.broadcast %add3A_1386 : i32 to vector<16xi32>
          %add3A_1388 = arith.addi %and3A_842, %add3A_1387 : vector<16xi32>
          %select_n3A_1389 = arith.select %lt3A_1385, %add3A_1388, %and3A_842 : vector<16xi1>, vector<16xi32>
          %broadcast_in_dim3A_1390 = vector.shape_cast %select_n3A_1389 : vector<16xi32> to vector<16x1xi32>
          %gather3A_1391 = vector.shape_cast %broadcast_in_dim3A_1390 : vector<16x1xi32> to vector<16xi32>
          %gather3A_1392 = tpu.dynamic_gather %get3A_1373[%gather3A_1391] in [0] : vector<16xf32>, vector<16xi32> -> vector<16xf32>
          %lt3A_1393 = arith.constant 0 : i32
          %lt3A_1394 = vector.broadcast %lt3A_1393 : i32 to vector<16xi32>
          %lt3A_1395 = arith.cmpi slt, %and3A_842, %lt3A_1394 : vector<16xi32>
          %add3A_1396 = arith.constant 16 : i32
          %add3A_1397 = vector.broadcast %add3A_1396 : i32 to vector<16xi32>
          %add3A_1398 = arith.addi %and3A_842, %add3A_1397 : vector<16xi32>
          %select_n3A_1399 = arith.select %lt3A_1395, %add3A_1398, %and3A_842 : vector<16xi1>, vector<16xi32>
          %broadcast_in_dim3A_1400 = vector.shape_cast %select_n3A_1399 : vector<16xi32> to vector<16x1xi32>
          %gather3A_1401 = vector.shape_cast %broadcast_in_dim3A_1400 : vector<16x1xi32> to vector<16xi32>
          %gather3A_1402 = tpu.dynamic_gather %get3A_1382[%gather3A_1401] in [0] : vector<16xf32>, vector<16xi32> -> vector<16xf32>
          %select_n3A_1403 = arith.select %ge3A_845, %gather3A_1402, %gather3A_1392 : vector<16xi1>, vector<16xf32>
          %mul3A_1404 = arith.constant 64 : i32
          %mul3A_1405 = arith.muli %select_n3A_861, %mul3A_1404 : i32
          %add3A_1406 = arith.addi %mul3A_1405, %scan3A_1055 : i32
          %swap3A_1407 = arith.index_cast %add3A_1406 : i32 to index
          %swap3A_1408 = arith.constant 112 : index
          %swap3A_1409 = tpu.vector_load %arg5[%swap3A_1407, %swap3A_1408] {strides = array<i32>} : memref<192x256xf32, #tpu.memory_space<vmem>>, vector<1x16xf32>,
          %swap3A_1410 = vector.shape_cast %swap3A_1409 : vector<1x16xf32> to vector<16xf32>
          %swap3A_1411 = vector.shape_cast %select_n3A_1403 : vector<16xf32> to vector<1x16xf32>
          tpu.vector_store %arg5[%swap3A_1407, %swap3A_1408], %swap3A_1411 {strides = array<i32>} : memref<192x256xf32, #tpu.memory_space<vmem>>, vector<1x16xf32>,
          %add3A_1412 = arith.constant 128 : i32
          %add3A_1413 = arith.addi %sub3A_837, %add3A_1412 : i32
          %multiple_of3A_1414 = tpu.assume_multiple %add3A_1413, 16 : i32
          %get3A_1415 = arith.index_cast %scan3A_1055 : i32 to index
          %get3A_1416 = arith.index_cast %multiple_of3A_1414 : i32 to index
          %get3A_1417 = tpu.vector_load %arg4[%get3A_1415, %get3A_1416] {strides = array<i32>} : memref<64x640xf32, #tpu.memory_space<vmem>>, vector<1x16xf32>,
          %get3A_1418 = vector.shape_cast %get3A_1417 : vector<1x16xf32> to vector<16xf32>
          %add3A_1419 = arith.constant 128 : i32
          %add3A_1420 = arith.addi %sub3A_837, %add3A_1419 : i32
          %add3A_1421 = arith.constant 16 : i32
          %add3A_1422 = arith.addi %add3A_1420, %add3A_1421 : i32
          %multiple_of3A_1423 = tpu.assume_multiple %add3A_1422, 16 : i32
          %get3A_1424 = arith.index_cast %scan3A_1055 : i32 to index
          %get3A_1425 = arith.index_cast %multiple_of3A_1423 : i32 to index
          %get3A_1426 = tpu.vector_load %arg4[%get3A_1424, %get3A_1425] {strides = array<i32>} : memref<64x640xf32, #tpu.memory_space<vmem>>, vector<1x16xf32>,
          %get3A_1427 = vector.shape_cast %get3A_1426 : vector<1x16xf32> to vector<16xf32>
          %lt3A_1428 = arith.constant 0 : i32
          %lt3A_1429 = vector.broadcast %lt3A_1428 : i32 to vector<16xi32>
          %lt3A_1430 = arith.cmpi slt, %and3A_842, %lt3A_1429 : vector<16xi32>
          %add3A_1431 = arith.constant 16 : i32
          %add3A_1432 = vector.broadcast %add3A_1431 : i32 to vector<16xi32>
          %add3A_1433 = arith.addi %and3A_842, %add3A_1432 : vector<16xi32>
          %select_n3A_1434 = arith.select %lt3A_1430, %add3A_1433, %and3A_842 : vector<16xi1>, vector<16xi32>
          %broadcast_in_dim3A_1435 = vector.shape_cast %select_n3A_1434 : vector<16xi32> to vector<16x1xi32>
          %gather3A_1436 = vector.shape_cast %broadcast_in_dim3A_1435 : vector<16x1xi32> to vector<16xi32>
          %gather3A_1437 = tpu.dynamic_gather %get3A_1418[%gather3A_1436] in [0] : vector<16xf32>, vector<16xi32> -> vector<16xf32>
          %lt3A_1438 = arith.constant 0 : i32
          %lt3A_1439 = vector.broadcast %lt3A_1438 : i32 to vector<16xi32>
          %lt3A_1440 = arith.cmpi slt, %and3A_842, %lt3A_1439 : vector<16xi32>
          %add3A_1441 = arith.constant 16 : i32
          %add3A_1442 = vector.broadcast %add3A_1441 : i32 to vector<16xi32>
          %add3A_1443 = arith.addi %and3A_842, %add3A_1442 : vector<16xi32>
          %select_n3A_1444 = arith.select %lt3A_1440, %add3A_1443, %and3A_842 : vector<16xi1>, vector<16xi32>
          %broadcast_in_dim3A_1445 = vector.shape_cast %select_n3A_1444 : vector<16xi32> to vector<16x1xi32>
          %gather3A_1446 = vector.shape_cast %broadcast_in_dim3A_1445 : vector<16x1xi32> to vector<16xi32>
          %gather3A_1447 = tpu.dynamic_gather %get3A_1427[%gather3A_1446] in [0] : vector<16xf32>, vector<16xi32> -> vector<16xf32>
          %select_n3A_1448 = arith.select %ge3A_845, %gather3A_1447, %gather3A_1437 : vector<16xi1>, vector<16xf32>
          %mul3A_1449 = arith.constant 64 : i32
          %mul3A_1450 = arith.muli %select_n3A_861, %mul3A_1449 : i32
          %add3A_1451 = arith.addi %mul3A_1450, %scan3A_1055 : i32
          %swap3A_1452 = arith.index_cast %add3A_1451 : i32 to index
          %swap3A_1453 = arith.constant 128 : index
          %swap3A_1454 = tpu.vector_load %arg5[%swap3A_1452, %swap3A_1453] {strides = array<i32>} : memref<192x256xf32, #tpu.memory_space<vmem>>, vector<1x16xf32>,
          %swap3A_1455 = vector.shape_cast %swap3A_1454 : vector<1x16xf32> to vector<16xf32>
          %swap3A_1456 = vector.shape_cast %select_n3A_1448 : vector<16xf32> to vector<1x16xf32>
          tpu.vector_store %arg5[%swap3A_1452, %swap3A_1453], %swap3A_1456 {strides = array<i32>} : memref<192x256xf32, #tpu.memory_space<vmem>>, vector<1x16xf32>,
          %add3A_1457 = arith.constant 144 : i32
          %add3A_1458 = arith.addi %sub3A_837, %add3A_1457 : i32
          %multiple_of3A_1459 = tpu.assume_multiple %add3A_1458, 16 : i32
          %get3A_1460 = arith.index_cast %scan3A_1055 : i32 to index
          %get3A_1461 = arith.index_cast %multiple_of3A_1459 : i32 to index
          %get3A_1462 = tpu.vector_load %arg4[%get3A_1460, %get3A_1461] {strides = array<i32>} : memref<64x640xf32, #tpu.memory_space<vmem>>, vector<1x16xf32>,
          %get3A_1463 = vector.shape_cast %get3A_1462 : vector<1x16xf32> to vector<16xf32>
          %add3A_1464 = arith.constant 144 : i32
          %add3A_1465 = arith.addi %sub3A_837, %add3A_1464 : i32
          %add3A_1466 = arith.constant 16 : i32
          %add3A_1467 = arith.addi %add3A_1465, %add3A_1466 : i32
          %multiple_of3A_1468 = tpu.assume_multiple %add3A_1467, 16 : i32
          %get3A_1469 = arith.index_cast %scan3A_1055 : i32 to index
          %get3A_1470 = arith.index_cast %multiple_of3A_1468 : i32 to index
          %get3A_1471 = tpu.vector_load %arg4[%get3A_1469, %get3A_1470] {strides = array<i32>} : memref<64x640xf32, #tpu.memory_space<vmem>>, vector<1x16xf32>,
          %get3A_1472 = vector.shape_cast %get3A_1471 : vector<1x16xf32> to vector<16xf32>
          %lt3A_1473 = arith.constant 0 : i32
          %lt3A_1474 = vector.broadcast %lt3A_1473 : i32 to vector<16xi32>
          %lt3A_1475 = arith.cmpi slt, %and3A_842, %lt3A_1474 : vector<16xi32>
          %add3A_1476 = arith.constant 16 : i32
          %add3A_1477 = vector.broadcast %add3A_1476 : i32 to vector<16xi32>
          %add3A_1478 = arith.addi %and3A_842, %add3A_1477 : vector<16xi32>
          %select_n3A_1479 = arith.select %lt3A_1475, %add3A_1478, %and3A_842 : vector<16xi1>, vector<16xi32>
          %broadcast_in_dim3A_1480 = vector.shape_cast %select_n3A_1479 : vector<16xi32> to vector<16x1xi32>
          %gather3A_1481 = vector.shape_cast %broadcast_in_dim3A_1480 : vector<16x1xi32> to vector<16xi32>
          %gather3A_1482 = tpu.dynamic_gather %get3A_1463[%gather3A_1481] in [0] : vector<16xf32>, vector<16xi32> -> vector<16xf32>
          %lt3A_1483 = arith.constant 0 : i32
          %lt3A_1484 = vector.broadcast %lt3A_1483 : i32 to vector<16xi32>
          %lt3A_1485 = arith.cmpi slt, %and3A_842, %lt3A_1484 : vector<16xi32>
          %add3A_1486 = arith.constant 16 : i32
          %add3A_1487 = vector.broadcast %add3A_1486 : i32 to vector<16xi32>
          %add3A_1488 = arith.addi %and3A_842, %add3A_1487 : vector<16xi32>
          %select_n3A_1489 = arith.select %lt3A_1485, %add3A_1488, %and3A_842 : vector<16xi1>, vector<16xi32>
          %broadcast_in_dim3A_1490 = vector.shape_cast %select_n3A_1489 : vector<16xi32> to vector<16x1xi32>
          %gather3A_1491 = vector.shape_cast %broadcast_in_dim3A_1490 : vector<16x1xi32> to vector<16xi32>
          %gather3A_1492 = tpu.dynamic_gather %get3A_1472[%gather3A_1491] in [0] : vector<16xf32>, vector<16xi32> -> vector<16xf32>
          %select_n3A_1493 = arith.select %ge3A_845, %gather3A_1492, %gather3A_1482 : vector<16xi1>, vector<16xf32>
          %mul3A_1494 = arith.constant 64 : i32
          %mul3A_1495 = arith.muli %select_n3A_861, %mul3A_1494 : i32
          %add3A_1496 = arith.addi %mul3A_1495, %scan3A_1055 : i32
          %swap3A_1497 = arith.index_cast %add3A_1496 : i32 to index
          %swap3A_1498 = arith.constant 144 : index
          %swap3A_1499 = tpu.vector_load %arg5[%swap3A_1497, %swap3A_1498] {strides = array<i32>} : memref<192x256xf32, #tpu.memory_space<vmem>>, vector<1x16xf32>,
          %swap3A_1500 = vector.shape_cast %swap3A_1499 : vector<1x16xf32> to vector<16xf32>
          %swap3A_1501 = vector.shape_cast %select_n3A_1493 : vector<16xf32> to vector<1x16xf32>
          tpu.vector_store %arg5[%swap3A_1497, %swap3A_1498], %swap3A_1501 {strides = array<i32>} : memref<192x256xf32, #tpu.memory_space<vmem>>, vector<1x16xf32>,
          %add3A_1502 = arith.constant 160 : i32
          %add3A_1503 = arith.addi %sub3A_837, %add3A_1502 : i32
          %multiple_of3A_1504 = tpu.assume_multiple %add3A_1503, 16 : i32
          %get3A_1505 = arith.index_cast %scan3A_1055 : i32 to index
          %get3A_1506 = arith.index_cast %multiple_of3A_1504 : i32 to index
          %get3A_1507 = tpu.vector_load %arg4[%get3A_1505, %get3A_1506] {strides = array<i32>} : memref<64x640xf32, #tpu.memory_space<vmem>>, vector<1x16xf32>,
          %get3A_1508 = vector.shape_cast %get3A_1507 : vector<1x16xf32> to vector<16xf32>
          %add3A_1509 = arith.constant 160 : i32
          %add3A_1510 = arith.addi %sub3A_837, %add3A_1509 : i32
          %add3A_1511 = arith.constant 16 : i32
          %add3A_1512 = arith.addi %add3A_1510, %add3A_1511 : i32
          %multiple_of3A_1513 = tpu.assume_multiple %add3A_1512, 16 : i32
          %get3A_1514 = arith.index_cast %scan3A_1055 : i32 to index
          %get3A_1515 = arith.index_cast %multiple_of3A_1513 : i32 to index
          %get3A_1516 = tpu.vector_load %arg4[%get3A_1514, %get3A_1515] {strides = array<i32>} : memref<64x640xf32, #tpu.memory_space<vmem>>, vector<1x16xf32>,
          %get3A_1517 = vector.shape_cast %get3A_1516 : vector<1x16xf32> to vector<16xf32>
          %lt3A_1518 = arith.constant 0 : i32
          %lt3A_1519 = vector.broadcast %lt3A_1518 : i32 to vector<16xi32>
          %lt3A_1520 = arith.cmpi slt, %and3A_842, %lt3A_1519 : vector<16xi32>
          %add3A_1521 = arith.constant 16 : i32
          %add3A_1522 = vector.broadcast %add3A_1521 : i32 to vector<16xi32>
          %add3A_1523 = arith.addi %and3A_842, %add3A_1522 : vector<16xi32>
          %select_n3A_1524 = arith.select %lt3A_1520, %add3A_1523, %and3A_842 : vector<16xi1>, vector<16xi32>
          %broadcast_in_dim3A_1525 = vector.shape_cast %select_n3A_1524 : vector<16xi32> to vector<16x1xi32>
          %gather3A_1526 = vector.shape_cast %broadcast_in_dim3A_1525 : vector<16x1xi32> to vector<16xi32>
          %gather3A_1527 = tpu.dynamic_gather %get3A_1508[%gather3A_1526] in [0] : vector<16xf32>, vector<16xi32> -> vector<16xf32>
          %lt3A_1528 = arith.constant 0 : i32
          %lt3A_1529 = vector.broadcast %lt3A_1528 : i32 to vector<16xi32>
          %lt3A_1530 = arith.cmpi slt, %and3A_842, %lt3A_1529 : vector<16xi32>
          %add3A_1531 = arith.constant 16 : i32
          %add3A_1532 = vector.broadcast %add3A_1531 : i32 to vector<16xi32>
          %add3A_1533 = arith.addi %and3A_842, %add3A_1532 : vector<16xi32>
          %select_n3A_1534 = arith.select %lt3A_1530, %add3A_1533, %and3A_842 : vector<16xi1>, vector<16xi32>
          %broadcast_in_dim3A_1535 = vector.shape_cast %select_n3A_1534 : vector<16xi32> to vector<16x1xi32>
          %gather3A_1536 = vector.shape_cast %broadcast_in_dim3A_1535 : vector<16x1xi32> to vector<16xi32>
          %gather3A_1537 = tpu.dynamic_gather %get3A_1517[%gather3A_1536] in [0] : vector<16xf32>, vector<16xi32> -> vector<16xf32>
          %select_n3A_1538 = arith.select %ge3A_845, %gather3A_1537, %gather3A_1527 : vector<16xi1>, vector<16xf32>
          %mul3A_1539 = arith.constant 64 : i32
          %mul3A_1540 = arith.muli %select_n3A_861, %mul3A_1539 : i32
          %add3A_1541 = arith.addi %mul3A_1540, %scan3A_1055 : i32
          %swap3A_1542 = arith.index_cast %add3A_1541 : i32 to index
          %swap3A_1543 = arith.constant 160 : index
          %swap3A_1544 = tpu.vector_load %arg5[%swap3A_1542, %swap3A_1543] {strides = array<i32>} : memref<192x256xf32, #tpu.memory_space<vmem>>, vector<1x16xf32>,
          %swap3A_1545 = vector.shape_cast %swap3A_1544 : vector<1x16xf32> to vector<16xf32>
          %swap3A_1546 = vector.shape_cast %select_n3A_1538 : vector<16xf32> to vector<1x16xf32>
          tpu.vector_store %arg5[%swap3A_1542, %swap3A_1543], %swap3A_1546 {strides = array<i32>} : memref<192x256xf32, #tpu.memory_space<vmem>>, vector<1x16xf32>,
          %add3A_1547 = arith.constant 176 : i32
          %add3A_1548 = arith.addi %sub3A_837, %add3A_1547 : i32
          %multiple_of3A_1549 = tpu.assume_multiple %add3A_1548, 16 : i32
          %get3A_1550 = arith.index_cast %scan3A_1055 : i32 to index
          %get3A_1551 = arith.index_cast %multiple_of3A_1549 : i32 to index
          %get3A_1552 = tpu.vector_load %arg4[%get3A_1550, %get3A_1551] {strides = array<i32>} : memref<64x640xf32, #tpu.memory_space<vmem>>, vector<1x16xf32>,
          %get3A_1553 = vector.shape_cast %get3A_1552 : vector<1x16xf32> to vector<16xf32>
          %add3A_1554 = arith.constant 176 : i32
          %add3A_1555 = arith.addi %sub3A_837, %add3A_1554 : i32
          %add3A_1556 = arith.constant 16 : i32
          %add3A_1557 = arith.addi %add3A_1555, %add3A_1556 : i32
          %multiple_of3A_1558 = tpu.assume_multiple %add3A_1557, 16 : i32
          %get3A_1559 = arith.index_cast %scan3A_1055 : i32 to index
          %get3A_1560 = arith.index_cast %multiple_of3A_1558 : i32 to index
          %get3A_1561 = tpu.vector_load %arg4[%get3A_1559, %get3A_1560] {strides = array<i32>} : memref<64x640xf32, #tpu.memory_space<vmem>>, vector<1x16xf32>,
          %get3A_1562 = vector.shape_cast %get3A_1561 : vector<1x16xf32> to vector<16xf32>
          %lt3A_1563 = arith.constant 0 : i32
          %lt3A_1564 = vector.broadcast %lt3A_1563 : i32 to vector<16xi32>
          %lt3A_1565 = arith.cmpi slt, %and3A_842, %lt3A_1564 : vector<16xi32>
          %add3A_1566 = arith.constant 16 : i32
          %add3A_1567 = vector.broadcast %add3A_1566 : i32 to vector<16xi32>
          %add3A_1568 = arith.addi %and3A_842, %add3A_1567 : vector<16xi32>
          %select_n3A_1569 = arith.select %lt3A_1565, %add3A_1568, %and3A_842 : vector<16xi1>, vector<16xi32>
          %broadcast_in_dim3A_1570 = vector.shape_cast %select_n3A_1569 : vector<16xi32> to vector<16x1xi32>
          %gather3A_1571 = vector.shape_cast %broadcast_in_dim3A_1570 : vector<16x1xi32> to vector<16xi32>
          %gather3A_1572 = tpu.dynamic_gather %get3A_1553[%gather3A_1571] in [0] : vector<16xf32>, vector<16xi32> -> vector<16xf32>
          %lt3A_1573 = arith.constant 0 : i32
          %lt3A_1574 = vector.broadcast %lt3A_1573 : i32 to vector<16xi32>
          %lt3A_1575 = arith.cmpi slt, %and3A_842, %lt3A_1574 : vector<16xi32>
          %add3A_1576 = arith.constant 16 : i32
          %add3A_1577 = vector.broadcast %add3A_1576 : i32 to vector<16xi32>
          %add3A_1578 = arith.addi %and3A_842, %add3A_1577 : vector<16xi32>
          %select_n3A_1579 = arith.select %lt3A_1575, %add3A_1578, %and3A_842 : vector<16xi1>, vector<16xi32>
          %broadcast_in_dim3A_1580 = vector.shape_cast %select_n3A_1579 : vector<16xi32> to vector<16x1xi32>
          %gather3A_1581 = vector.shape_cast %broadcast_in_dim3A_1580 : vector<16x1xi32> to vector<16xi32>
          %gather3A_1582 = tpu.dynamic_gather %get3A_1562[%gather3A_1581] in [0] : vector<16xf32>, vector<16xi32> -> vector<16xf32>
          %select_n3A_1583 = arith.select %ge3A_845, %gather3A_1582, %gather3A_1572 : vector<16xi1>, vector<16xf32>
          %mul3A_1584 = arith.constant 64 : i32
          %mul3A_1585 = arith.muli %select_n3A_861, %mul3A_1584 : i32
          %add3A_1586 = arith.addi %mul3A_1585, %scan3A_1055 : i32
          %swap3A_1587 = arith.index_cast %add3A_1586 : i32 to index
          %swap3A_1588 = arith.constant 176 : index
          %swap3A_1589 = tpu.vector_load %arg5[%swap3A_1587, %swap3A_1588] {strides = array<i32>} : memref<192x256xf32, #tpu.memory_space<vmem>>, vector<1x16xf32>,
          %swap3A_1590 = vector.shape_cast %swap3A_1589 : vector<1x16xf32> to vector<16xf32>
          %swap3A_1591 = vector.shape_cast %select_n3A_1583 : vector<16xf32> to vector<1x16xf32>
          tpu.vector_store %arg5[%swap3A_1587, %swap3A_1588], %swap3A_1591 {strides = array<i32>} : memref<192x256xf32, #tpu.memory_space<vmem>>, vector<1x16xf32>,
          %add3A_1592 = arith.constant 192 : i32
          %add3A_1593 = arith.addi %sub3A_837, %add3A_1592 : i32
          %multiple_of3A_1594 = tpu.assume_multiple %add3A_1593, 16 : i32
          %get3A_1595 = arith.index_cast %scan3A_1055 : i32 to index
          %get3A_1596 = arith.index_cast %multiple_of3A_1594 : i32 to index
          %get3A_1597 = tpu.vector_load %arg4[%get3A_1595, %get3A_1596] {strides = array<i32>} : memref<64x640xf32, #tpu.memory_space<vmem>>, vector<1x16xf32>,
          %get3A_1598 = vector.shape_cast %get3A_1597 : vector<1x16xf32> to vector<16xf32>
          %add3A_1599 = arith.constant 192 : i32
          %add3A_1600 = arith.addi %sub3A_837, %add3A_1599 : i32
          %add3A_1601 = arith.constant 16 : i32
          %add3A_1602 = arith.addi %add3A_1600, %add3A_1601 : i32
          %multiple_of3A_1603 = tpu.assume_multiple %add3A_1602, 16 : i32
          %get3A_1604 = arith.index_cast %scan3A_1055 : i32 to index
          %get3A_1605 = arith.index_cast %multiple_of3A_1603 : i32 to index
          %get3A_1606 = tpu.vector_load %arg4[%get3A_1604, %get3A_1605] {strides = array<i32>} : memref<64x640xf32, #tpu.memory_space<vmem>>, vector<1x16xf32>,
          %get3A_1607 = vector.shape_cast %get3A_1606 : vector<1x16xf32> to vector<16xf32>
          %lt3A_1608 = arith.constant 0 : i32
          %lt3A_1609 = vector.broadcast %lt3A_1608 : i32 to vector<16xi32>
          %lt3A_1610 = arith.cmpi slt, %and3A_842, %lt3A_1609 : vector<16xi32>
          %add3A_1611 = arith.constant 16 : i32
          %add3A_1612 = vector.broadcast %add3A_1611 : i32 to vector<16xi32>
          %add3A_1613 = arith.addi %and3A_842, %add3A_1612 : vector<16xi32>
          %select_n3A_1614 = arith.select %lt3A_1610, %add3A_1613, %and3A_842 : vector<16xi1>, vector<16xi32>
          %broadcast_in_dim3A_1615 = vector.shape_cast %select_n3A_1614 : vector<16xi32> to vector<16x1xi32>
          %gather3A_1616 = vector.shape_cast %broadcast_in_dim3A_1615 : vector<16x1xi32> to vector<16xi32>
          %gather3A_1617 = tpu.dynamic_gather %get3A_1598[%gather3A_1616] in [0] : vector<16xf32>, vector<16xi32> -> vector<16xf32>
          %lt3A_1618 = arith.constant 0 : i32
          %lt3A_1619 = vector.broadcast %lt3A_1618 : i32 to vector<16xi32>
          %lt3A_1620 = arith.cmpi slt, %and3A_842, %lt3A_1619 : vector<16xi32>
          %add3A_1621 = arith.constant 16 : i32
          %add3A_1622 = vector.broadcast %add3A_1621 : i32 to vector<16xi32>
          %add3A_1623 = arith.addi %and3A_842, %add3A_1622 : vector<16xi32>
          %select_n3A_1624 = arith.select %lt3A_1620, %add3A_1623, %and3A_842 : vector<16xi1>, vector<16xi32>
          %broadcast_in_dim3A_1625 = vector.shape_cast %select_n3A_1624 : vector<16xi32> to vector<16x1xi32>
          %gather3A_1626 = vector.shape_cast %broadcast_in_dim3A_1625 : vector<16x1xi32> to vector<16xi32>
          %gather3A_1627 = tpu.dynamic_gather %get3A_1607[%gather3A_1626] in [0] : vector<16xf32>, vector<16xi32> -> vector<16xf32>
          %select_n3A_1628 = arith.select %ge3A_845, %gather3A_1627, %gather3A_1617 : vector<16xi1>, vector<16xf32>
          %mul3A_1629 = arith.constant 64 : i32
          %mul3A_1630 = arith.muli %select_n3A_861, %mul3A_1629 : i32
          %add3A_1631 = arith.addi %mul3A_1630, %scan3A_1055 : i32
          %swap3A_1632 = arith.index_cast %add3A_1631 : i32 to index
          %swap3A_1633 = arith.constant 192 : index
          %swap3A_1634 = tpu.vector_load %arg5[%swap3A_1632, %swap3A_1633] {strides = array<i32>} : memref<192x256xf32, #tpu.memory_space<vmem>>, vector<1x16xf32>,
          %swap3A_1635 = vector.shape_cast %swap3A_1634 : vector<1x16xf32> to vector<16xf32>
          %swap3A_1636 = vector.shape_cast %select_n3A_1628 : vector<16xf32> to vector<1x16xf32>
          tpu.vector_store %arg5[%swap3A_1632, %swap3A_1633], %swap3A_1636 {strides = array<i32>} : memref<192x256xf32, #tpu.memory_space<vmem>>, vector<1x16xf32>,
          %add3A_1637 = arith.constant 208 : i32
          %add3A_1638 = arith.addi %sub3A_837, %add3A_1637 : i32
          %multiple_of3A_1639 = tpu.assume_multiple %add3A_1638, 16 : i32
          %get3A_1640 = arith.index_cast %scan3A_1055 : i32 to index
          %get3A_1641 = arith.index_cast %multiple_of3A_1639 : i32 to index
          %get3A_1642 = tpu.vector_load %arg4[%get3A_1640, %get3A_1641] {strides = array<i32>} : memref<64x640xf32, #tpu.memory_space<vmem>>, vector<1x16xf32>,
          %get3A_1643 = vector.shape_cast %get3A_1642 : vector<1x16xf32> to vector<16xf32>
          %add3A_1644 = arith.constant 208 : i32
          %add3A_1645 = arith.addi %sub3A_837, %add3A_1644 : i32
          %add3A_1646 = arith.constant 16 : i32
          %add3A_1647 = arith.addi %add3A_1645, %add3A_1646 : i32
          %multiple_of3A_1648 = tpu.assume_multiple %add3A_1647, 16 : i32
          %get3A_1649 = arith.index_cast %scan3A_1055 : i32 to index
          %get3A_1650 = arith.index_cast %multiple_of3A_1648 : i32 to index
          %get3A_1651 = tpu.vector_load %arg4[%get3A_1649, %get3A_1650] {strides = array<i32>} : memref<64x640xf32, #tpu.memory_space<vmem>>, vector<1x16xf32>,
          %get3A_1652 = vector.shape_cast %get3A_1651 : vector<1x16xf32> to vector<16xf32>
          %lt3A_1653 = arith.constant 0 : i32
          %lt3A_1654 = vector.broadcast %lt3A_1653 : i32 to vector<16xi32>
          %lt3A_1655 = arith.cmpi slt, %and3A_842, %lt3A_1654 : vector<16xi32>
          %add3A_1656 = arith.constant 16 : i32
          %add3A_1657 = vector.broadcast %add3A_1656 : i32 to vector<16xi32>
          %add3A_1658 = arith.addi %and3A_842, %add3A_1657 : vector<16xi32>
          %select_n3A_1659 = arith.select %lt3A_1655, %add3A_1658, %and3A_842 : vector<16xi1>, vector<16xi32>
          %broadcast_in_dim3A_1660 = vector.shape_cast %select_n3A_1659 : vector<16xi32> to vector<16x1xi32>
          %gather3A_1661 = vector.shape_cast %broadcast_in_dim3A_1660 : vector<16x1xi32> to vector<16xi32>
          %gather3A_1662 = tpu.dynamic_gather %get3A_1643[%gather3A_1661] in [0] : vector<16xf32>, vector<16xi32> -> vector<16xf32>
          %lt3A_1663 = arith.constant 0 : i32
          %lt3A_1664 = vector.broadcast %lt3A_1663 : i32 to vector<16xi32>
          %lt3A_1665 = arith.cmpi slt, %and3A_842, %lt3A_1664 : vector<16xi32>
          %add3A_1666 = arith.constant 16 : i32
          %add3A_1667 = vector.broadcast %add3A_1666 : i32 to vector<16xi32>
          %add3A_1668 = arith.addi %and3A_842, %add3A_1667 : vector<16xi32>
          %select_n3A_1669 = arith.select %lt3A_1665, %add3A_1668, %and3A_842 : vector<16xi1>, vector<16xi32>
          %broadcast_in_dim3A_1670 = vector.shape_cast %select_n3A_1669 : vector<16xi32> to vector<16x1xi32>
          %gather3A_1671 = vector.shape_cast %broadcast_in_dim3A_1670 : vector<16x1xi32> to vector<16xi32>
          %gather3A_1672 = tpu.dynamic_gather %get3A_1652[%gather3A_1671] in [0] : vector<16xf32>, vector<16xi32> -> vector<16xf32>
          %select_n3A_1673 = arith.select %ge3A_845, %gather3A_1672, %gather3A_1662 : vector<16xi1>, vector<16xf32>
          %mul3A_1674 = arith.constant 64 : i32
          %mul3A_1675 = arith.muli %select_n3A_861, %mul3A_1674 : i32
          %add3A_1676 = arith.addi %mul3A_1675, %scan3A_1055 : i32
          %swap3A_1677 = arith.index_cast %add3A_1676 : i32 to index
          %swap3A_1678 = arith.constant 208 : index
          %swap3A_1679 = tpu.vector_load %arg5[%swap3A_1677, %swap3A_1678] {strides = array<i32>} : memref<192x256xf32, #tpu.memory_space<vmem>>, vector<1x16xf32>,
          %swap3A_1680 = vector.shape_cast %swap3A_1679 : vector<1x16xf32> to vector<16xf32>
          %swap3A_1681 = vector.shape_cast %select_n3A_1673 : vector<16xf32> to vector<1x16xf32>
          tpu.vector_store %arg5[%swap3A_1677, %swap3A_1678], %swap3A_1681 {strides = array<i32>} : memref<192x256xf32, #tpu.memory_space<vmem>>, vector<1x16xf32>,
          %add3A_1682 = arith.constant 224 : i32
          %add3A_1683 = arith.addi %sub3A_837, %add3A_1682 : i32
          %multiple_of3A_1684 = tpu.assume_multiple %add3A_1683, 16 : i32
          %get3A_1685 = arith.index_cast %scan3A_1055 : i32 to index
          %get3A_1686 = arith.index_cast %multiple_of3A_1684 : i32 to index
          %get3A_1687 = tpu.vector_load %arg4[%get3A_1685, %get3A_1686] {strides = array<i32>} : memref<64x640xf32, #tpu.memory_space<vmem>>, vector<1x16xf32>,
          %get3A_1688 = vector.shape_cast %get3A_1687 : vector<1x16xf32> to vector<16xf32>
          %add3A_1689 = arith.constant 224 : i32
          %add3A_1690 = arith.addi %sub3A_837, %add3A_1689 : i32
          %add3A_1691 = arith.constant 16 : i32
          %add3A_1692 = arith.addi %add3A_1690, %add3A_1691 : i32
          %multiple_of3A_1693 = tpu.assume_multiple %add3A_1692, 16 : i32
          %get3A_1694 = arith.index_cast %scan3A_1055 : i32 to index
          %get3A_1695 = arith.index_cast %multiple_of3A_1693 : i32 to index
          %get3A_1696 = tpu.vector_load %arg4[%get3A_1694, %get3A_1695] {strides = array<i32>} : memref<64x640xf32, #tpu.memory_space<vmem>>, vector<1x16xf32>,
          %get3A_1697 = vector.shape_cast %get3A_1696 : vector<1x16xf32> to vector<16xf32>
          %lt3A_1698 = arith.constant 0 : i32
          %lt3A_1699 = vector.broadcast %lt3A_1698 : i32 to vector<16xi32>
          %lt3A_1700 = arith.cmpi slt, %and3A_842, %lt3A_1699 : vector<16xi32>
          %add3A_1701 = arith.constant 16 : i32
          %add3A_1702 = vector.broadcast %add3A_1701 : i32 to vector<16xi32>
          %add3A_1703 = arith.addi %and3A_842, %add3A_1702 : vector<16xi32>
          %select_n3A_1704 = arith.select %lt3A_1700, %add3A_1703, %and3A_842 : vector<16xi1>, vector<16xi32>
          %broadcast_in_dim3A_1705 = vector.shape_cast %select_n3A_1704 : vector<16xi32> to vector<16x1xi32>
          %gather3A_1706 = vector.shape_cast %broadcast_in_dim3A_1705 : vector<16x1xi32> to vector<16xi32>
          %gather3A_1707 = tpu.dynamic_gather %get3A_1688[%gather3A_1706] in [0] : vector<16xf32>, vector<16xi32> -> vector<16xf32>
          %lt3A_1708 = arith.constant 0 : i32
          %lt3A_1709 = vector.broadcast %lt3A_1708 : i32 to vector<16xi32>
          %lt3A_1710 = arith.cmpi slt, %and3A_842, %lt3A_1709 : vector<16xi32>
          %add3A_1711 = arith.constant 16 : i32
          %add3A_1712 = vector.broadcast %add3A_1711 : i32 to vector<16xi32>
          %add3A_1713 = arith.addi %and3A_842, %add3A_1712 : vector<16xi32>
          %select_n3A_1714 = arith.select %lt3A_1710, %add3A_1713, %and3A_842 : vector<16xi1>, vector<16xi32>
          %broadcast_in_dim3A_1715 = vector.shape_cast %select_n3A_1714 : vector<16xi32> to vector<16x1xi32>
          %gather3A_1716 = vector.shape_cast %broadcast_in_dim3A_1715 : vector<16x1xi32> to vector<16xi32>
          %gather3A_1717 = tpu.dynamic_gather %get3A_1697[%gather3A_1716] in [0] : vector<16xf32>, vector<16xi32> -> vector<16xf32>
          %select_n3A_1718 = arith.select %ge3A_845, %gather3A_1717, %gather3A_1707 : vector<16xi1>, vector<16xf32>
          %mul3A_1719 = arith.constant 64 : i32
          %mul3A_1720 = arith.muli %select_n3A_861, %mul3A_1719 : i32
          %add3A_1721 = arith.addi %mul3A_1720, %scan3A_1055 : i32
          %swap3A_1722 = arith.index_cast %add3A_1721 : i32 to index
          %swap3A_1723 = arith.constant 224 : index
          %swap3A_1724 = tpu.vector_load %arg5[%swap3A_1722, %swap3A_1723] {strides = array<i32>} : memref<192x256xf32, #tpu.memory_space<vmem>>, vector<1x16xf32>,
          %swap3A_1725 = vector.shape_cast %swap3A_1724 : vector<1x16xf32> to vector<16xf32>
          %swap3A_1726 = vector.shape_cast %select_n3A_1718 : vector<16xf32> to vector<1x16xf32>
          tpu.vector_store %arg5[%swap3A_1722, %swap3A_1723], %swap3A_1726 {strides = array<i32>} : memref<192x256xf32, #tpu.memory_space<vmem>>, vector<1x16xf32>,
          %add3A_1727 = arith.constant 240 : i32
          %add3A_1728 = arith.addi %sub3A_837, %add3A_1727 : i32
          %multiple_of3A_1729 = tpu.assume_multiple %add3A_1728, 16 : i32
          %get3A_1730 = arith.index_cast %scan3A_1055 : i32 to index
          %get3A_1731 = arith.index_cast %multiple_of3A_1729 : i32 to index
          %get3A_1732 = tpu.vector_load %arg4[%get3A_1730, %get3A_1731] {strides = array<i32>} : memref<64x640xf32, #tpu.memory_space<vmem>>, vector<1x16xf32>,
          %get3A_1733 = vector.shape_cast %get3A_1732 : vector<1x16xf32> to vector<16xf32>
          %add3A_1734 = arith.constant 240 : i32
          %add3A_1735 = arith.addi %sub3A_837, %add3A_1734 : i32
          %add3A_1736 = arith.constant 16 : i32
          %add3A_1737 = arith.addi %add3A_1735, %add3A_1736 : i32
          %multiple_of3A_1738 = tpu.assume_multiple %add3A_1737, 16 : i32
          %get3A_1739 = arith.index_cast %scan3A_1055 : i32 to index
          %get3A_1740 = arith.index_cast %multiple_of3A_1738 : i32 to index
          %get3A_1741 = tpu.vector_load %arg4[%get3A_1739, %get3A_1740] {strides = array<i32>} : memref<64x640xf32, #tpu.memory_space<vmem>>, vector<1x16xf32>,
          %get3A_1742 = vector.shape_cast %get3A_1741 : vector<1x16xf32> to vector<16xf32>
          %lt3A_1743 = arith.constant 0 : i32
          %lt3A_1744 = vector.broadcast %lt3A_1743 : i32 to vector<16xi32>
          %lt3A_1745 = arith.cmpi slt, %and3A_842, %lt3A_1744 : vector<16xi32>
          %add3A_1746 = arith.constant 16 : i32
          %add3A_1747 = vector.broadcast %add3A_1746 : i32 to vector<16xi32>
          %add3A_1748 = arith.addi %and3A_842, %add3A_1747 : vector<16xi32>
          %select_n3A_1749 = arith.select %lt3A_1745, %add3A_1748, %and3A_842 : vector<16xi1>, vector<16xi32>
          %broadcast_in_dim3A_1750 = vector.shape_cast %select_n3A_1749 : vector<16xi32> to vector<16x1xi32>
          %gather3A_1751 = vector.shape_cast %broadcast_in_dim3A_1750 : vector<16x1xi32> to vector<16xi32>
          %gather3A_1752 = tpu.dynamic_gather %get3A_1733[%gather3A_1751] in [0] : vector<16xf32>, vector<16xi32> -> vector<16xf32>
          %lt3A_1753 = arith.constant 0 : i32
          %lt3A_1754 = vector.broadcast %lt3A_1753 : i32 to vector<16xi32>
          %lt3A_1755 = arith.cmpi slt, %and3A_842, %lt3A_1754 : vector<16xi32>
          %add3A_1756 = arith.constant 16 : i32
          %add3A_1757 = vector.broadcast %add3A_1756 : i32 to vector<16xi32>
          %add3A_1758 = arith.addi %and3A_842, %add3A_1757 : vector<16xi32>
          %select_n3A_1759 = arith.select %lt3A_1755, %add3A_1758, %and3A_842 : vector<16xi1>, vector<16xi32>
          %broadcast_in_dim3A_1760 = vector.shape_cast %select_n3A_1759 : vector<16xi32> to vector<16x1xi32>
          %gather3A_1761 = vector.shape_cast %broadcast_in_dim3A_1760 : vector<16x1xi32> to vector<16xi32>
          %gather3A_1762 = tpu.dynamic_gather %get3A_1742[%gather3A_1761] in [0] : vector<16xf32>, vector<16xi32> -> vector<16xf32>
          %select_n3A_1763 = arith.select %ge3A_845, %gather3A_1762, %gather3A_1752 : vector<16xi1>, vector<16xf32>
          %mul3A_1764 = arith.constant 64 : i32
          %mul3A_1765 = arith.muli %select_n3A_861, %mul3A_1764 : i32
          %add3A_1766 = arith.addi %mul3A_1765, %scan3A_1055 : i32
          %swap3A_1767 = arith.index_cast %add3A_1766 : i32 to index
          %swap3A_1768 = arith.constant 240 : index
          %swap3A_1769 = tpu.vector_load %arg5[%swap3A_1767, %swap3A_1768] {strides = array<i32>} : memref<192x256xf32, #tpu.memory_space<vmem>>, vector<1x16xf32>,
          %swap3A_1770 = vector.shape_cast %swap3A_1769 : vector<1x16xf32> to vector<16xf32>
          %swap3A_1771 = vector.shape_cast %select_n3A_1763 : vector<16xf32> to vector<1x16xf32>
          tpu.vector_store %arg5[%swap3A_1767, %swap3A_1768], %swap3A_1771 {strides = array<i32>} : memref<192x256xf32, #tpu.memory_space<vmem>>, vector<1x16xf32>,
        }
        %scan3A_867 = arith.constant 64 : i32
        %add3A_868 = arith.constant 3 : i32
        %add3A_869 = arith.addi %scan3A_707, %add3A_868 : i32
        %add3A_870 = arith.addi %mul3A_20, %add3A_869 : i32
        %add3A_871 = arith.addi %mul3A_20, %add3A_869 : i32
        %sub3A_872 = arith.constant 32 : i32
        %sub3A_873 = arith.subi %add3A_871, %sub3A_872 : i32
        %jit3A_874 = arith.constant 128 : i32
        %div3A_875 = arith.divsi %sub3A_873, %jit3A_874 : i32
        %sign3A_876 = arith.constant 0 : i32
        %sign3A_877 = arith.cmpi sgt, %sub3A_873, %sign3A_876 : i32
        %sign3A_878 = arith.extui %sign3A_877 : i1 to i32
        %sign3A_879 = arith.constant 0 : i32
        %sign3A_880 = arith.cmpi slt, %sub3A_873, %sign3A_879 : i32
        %sign3A_881 = arith.extui %sign3A_880 : i1 to i32
        %sign3A_882 = arith.subi %sign3A_878, %sign3A_881 : i32
        %sign3A_883 = arith.constant 0 : i32
        %sign3A_884 = arith.cmpi sgt, %jit3A_874, %sign3A_883 : i32
        %sign3A_885 = arith.extui %sign3A_884 : i1 to i32
        %sign3A_886 = arith.constant 0 : i32
        %sign3A_887 = arith.cmpi slt, %jit3A_874, %sign3A_886 : i32
        %sign3A_888 = arith.extui %sign3A_887 : i1 to i32
        %sign3A_889 = arith.subi %sign3A_885, %sign3A_888 : i32
        %ne3A_890 = arith.cmpi ne, %sign3A_882, %sign3A_889 : i32
        %rem3A_891 = arith.remsi %sub3A_873, %jit3A_874 : i32
        %ne3A_892 = arith.constant 0 : i32
        %ne3A_893 = arith.cmpi ne, %rem3A_891, %ne3A_892 : i32
        %and3A_894 = arith.andi %ne3A_890, %ne3A_893 : i1
        %sub3A_895 = arith.constant 1 : i32
        %sub3A_896 = arith.subi %div3A_875, %sub3A_895 : i32
        %select_n3A_897 = arith.select %and3A_894, %sub3A_896, %div3A_875 : i32
        %mul3A_898 = arith.constant 128 : i32
        %mul3A_899 = arith.muli %select_n3A_897, %mul3A_898 : i32
        %jit3A_900 = arith.constant 0 : i32
        %jit3A_901 = arith.constant 1792 : i32
        %max3A_902 = arith.maxsi %jit3A_900, %mul3A_899 : i32
        %min3A_903 = arith.minsi %jit3A_901, %max3A_902 : i32
        %multiple_of3A_904 = tpu.assume_multiple %min3A_903, 128 : i32
        %add3A_905 = arith.addi %mul3A_20, %add3A_869 : i32
        %jit3A_906 = arith.constant 3 : i32
        %eq3A_907 = arith.constant 0 : i32
        %eq3A_908 = arith.cmpi eq, %jit3A_906, %eq3A_907 : i32
        %jit3A_909 = arith.constant 1 : i32
        %select_n3A_910 = arith.select %eq3A_908, %jit3A_909, %jit3A_906 : i32
        %rem3A_911 = arith.remsi %add3A_869, %select_n3A_910 : i32
        %ne3A_912 = arith.constant 0 : i32
        %ne3A_913 = arith.cmpi ne, %rem3A_911, %ne3A_912 : i32
        %lt3A_914 = arith.constant 0 : i32
        %lt3A_915 = arith.cmpi slt, %rem3A_911, %lt3A_914 : i32
        %lt3A_916 = arith.constant 0 : i32
        %lt3A_917 = arith.cmpi slt, %select_n3A_910, %lt3A_916 : i32
        %ne3A_918 = arith.xori %lt3A_915, %lt3A_917 : i1
        %and3A_919 = arith.andi %ne3A_918, %ne3A_913 : i1
        %add3A_920 = arith.addi %rem3A_911, %select_n3A_910 : i32
        %select_n3A_921 = arith.select %and3A_919, %add3A_920, %rem3A_911 : i32
        %mul3A_922 = arith.constant 64 : i32
        %mul3A_923 = arith.muli %select_n3A_921, %mul3A_922 : i32
        %multiple_of3A_924 = tpu.assume_multiple %mul3A_923, 8 : i32
        %add3A_925 = arith.addi %mul3A_20, %add3A_869 : i32
        %sub3A_926 = arith.constant 32 : i32
        %sub3A_927 = arith.subi %add3A_925, %sub3A_926 : i32
        %jit3A_928 = arith.constant 128 : i32
        %div3A_929 = arith.divsi %sub3A_927, %jit3A_928 : i32
        %sign3A_930 = arith.constant 0 : i32
        %sign3A_931 = arith.cmpi sgt, %sub3A_927, %sign3A_930 : i32
        %sign3A_932 = arith.extui %sign3A_931 : i1 to i32
        %sign3A_933 = arith.constant 0 : i32
        %sign3A_934 = arith.cmpi slt, %sub3A_927, %sign3A_933 : i32
        %sign3A_935 = arith.extui %sign3A_934 : i1 to i32
        %sign3A_936 = arith.subi %sign3A_932, %sign3A_935 : i32
        %sign3A_937 = arith.constant 0 : i32
        %sign3A_938 = arith.cmpi sgt, %jit3A_928, %sign3A_937 : i32
        %sign3A_939 = arith.extui %sign3A_938 : i1 to i32
        %sign3A_940 = arith.constant 0 : i32
        %sign3A_941 = arith.cmpi slt, %jit3A_928, %sign3A_940 : i32
        %sign3A_942 = arith.extui %sign3A_941 : i1 to i32
        %sign3A_943 = arith.subi %sign3A_939, %sign3A_942 : i32
        %ne3A_944 = arith.cmpi ne, %sign3A_936, %sign3A_943 : i32
        %rem3A_945 = arith.remsi %sub3A_927, %jit3A_928 : i32
        %ne3A_946 = arith.constant 0 : i32
        %ne3A_947 = arith.cmpi ne, %rem3A_945, %ne3A_946 : i32
        %and3A_948 = arith.andi %ne3A_944, %ne3A_947 : i1
        %sub3A_949 = arith.constant 1 : i32
        %sub3A_950 = arith.subi %div3A_929, %sub3A_949 : i32
        %select_n3A_951 = arith.select %and3A_948, %sub3A_950, %div3A_929 : i32
        %mul3A_952 = arith.constant 128 : i32
        %mul3A_953 = arith.muli %select_n3A_951, %mul3A_952 : i32
        %jit3A_954 = arith.constant 0 : i32
        %jit3A_955 = arith.constant 1792 : i32
        %max3A_956 = arith.maxsi %jit3A_954, %mul3A_953 : i32
        %min3A_957 = arith.minsi %jit3A_955, %max3A_956 : i32
        %multiple_of3A_958 = tpu.assume_multiple %min3A_957, 128 : i32
        %dma_start3A_959 = arith.constant 0 : i32
        %dma_start3A_960 = tpu.memref_slice %arg5[%multiple_of3A_924, %dma_start3A_959] : memref<192x256xf32, #tpu.memory_space<vmem>> -> memref<64x256xf32, #tpu.memory_space<vmem>>
        %dma_start3A_961 = arith.constant 0 : i32
        %dma_start3A_962 = arith.constant 0 : i32
        %dma_start3A_963 = tpu.memref_slice %arg3[%add3A_905, %dma_start3A_961, %dma_start3A_962] : memref<2048x64x2048xf32, #tpu.memory_space<hbm>> -> memref<1x64x2048xf32, #tpu.memory_space<hbm>>
        %dma_start3A_964 = tpu.memref_squeeze %dma_start3A_963 : memref<1x64x2048xf32, #tpu.memory_space<hbm>> -> memref<64x2048xf32, #tpu.memory_space<hbm>>
        %dma_start3A_965 = arith.constant 0 : i32
        %dma_start3A_966 = tpu.memref_slice %dma_start3A_964[%dma_start3A_965, %multiple_of3A_958] : memref<64x2048xf32, #tpu.memory_space<hbm>> -> memref<64x256xf32, #tpu.memory_space<hbm>>
        %dma_start3A_967 = arith.constant 0 : i32
        %dma_start3A_968 = arith.constant 0 : i32
        %dma_start3A_969 = tpu.memref_slice %arg3[%add3A_905, %dma_start3A_967, %dma_start3A_968] : memref<2048x64x2048xf32, #tpu.memory_space<hbm>> -> memref<1x64x2048xf32, #tpu.memory_space<hbm>>
        %dma_start3A_970 = tpu.memref_squeeze %dma_start3A_969 : memref<1x64x2048xf32, #tpu.memory_space<hbm>> -> memref<64x2048xf32, #tpu.memory_space<hbm>>
        %dma_start3A_971 = arith.constant 0 : i32
        %dma_start3A_972 = tpu.memref_slice %dma_start3A_970[%dma_start3A_971, %multiple_of3A_958] : memref<64x2048xf32, #tpu.memory_space<hbm>> -> memref<64x256xf32, #tpu.memory_space<hbm>>
        %dma_start3A_973 = arith.constant 0 : i32
        %dma_start3A_974 = tpu.memref_slice %arg5[%multiple_of3A_924, %dma_start3A_973] : memref<192x256xf32, #tpu.memory_space<vmem>> -> memref<64x256xf32, #tpu.memory_space<vmem>>
        tpu.enqueue_dma source(%dma_start3A_974 : memref<64x256xf32, #tpu.memory_space<vmem>>) target(%dma_start3A_972 : memref<64x256xf32, #tpu.memory_space<hbm>>) target_semaphore(%arg8 : memref<!tpu.dma_semaphore, #tpu.memory_space<semaphore_mem>>)
        %add3A_975 = arith.constant 256 : i32
        %add3A_976 = arith.addi %multiple_of3A_904, %add3A_975 : i32
        %sub3A_977 = arith.constant 2048 : i32
        %sub3A_978 = arith.subi %sub3A_977, %add3A_976 : i32
        %and3A_979 = arith.constant -2048 : i32
        %and3A_980 = arith.andi %multiple_of3A_904, %and3A_979 : i32
        %and3A_981 = arith.constant -2048 : i32
        %and3A_982 = arith.andi %sub3A_978, %and3A_981 : i32
        %add3A_983 = arith.addi %add3A_976, %and3A_982 : i32
        %and3A_984 = arith.constant 1024 : i32
        %and3A_985 = arith.andi %multiple_of3A_904, %and3A_984 : i32
        %ne3A_986 = arith.constant 0 : i32
        %ne3A_987 = arith.cmpi ne, %and3A_985, %ne3A_986 : i32
        %convert_element_type3A_988 = arith.extui %ne3A_987 : i1 to i32
        %cond3A_989 = arith.constant 0 : i32
        %cond3A_990 = arith.cmpi ne, %convert_element_type3A_988, %cond3A_989 : i32
        scf.if %cond3A_990 {
          %multiple_of3A_1055 = tpu.assume_multiple %and3A_980, 128 : i32
          %dma_start3A_1056 = arith.constant 0 : i32
          %dma_start3A_1057 = arith.constant 0 : i32
          %dma_start3A_1058 = tpu.memref_slice %arg3[%add3A_870, %dma_start3A_1056, %dma_start3A_1057] : memref<2048x64x2048xf32, #tpu.memory_space<hbm>> -> memref<1x64x2048xf32, #tpu.memory_space<hbm>>
          %dma_start3A_1059 = tpu.memref_squeeze %dma_start3A_1058 : memref<1x64x2048xf32, #tpu.memory_space<hbm>> -> memref<64x2048xf32, #tpu.memory_space<hbm>>
          %dma_start3A_1060 = arith.constant 0 : i32
          %dma_start3A_1061 = tpu.memref_slice %dma_start3A_1059[%dma_start3A_1060, %multiple_of3A_1055] : memref<64x2048xf32, #tpu.memory_space<hbm>> -> memref<64x1024xf32, #tpu.memory_space<hbm>>
          %dma_start3A_1062 = arith.constant 0 : i32
          %dma_start3A_1063 = arith.constant 0 : i32
          %dma_start3A_1064 = tpu.memref_slice %arg6[%dma_start3A_1062, %dma_start3A_1063] : memref<64x2048xf32, #tpu.memory_space<vmem_shared>> -> memref<64x1024xf32, #tpu.memory_space<vmem_shared>>
          tpu.enqueue_dma source(%dma_start3A_1064 : memref<64x1024xf32, #tpu.memory_space<vmem_shared>>) target(%dma_start3A_1061 : memref<64x1024xf32, #tpu.memory_space<hbm>>) target_semaphore(%arg9 : memref<!tpu.dma_semaphore, #tpu.memory_space<semaphore_mem>>)
        } else {
        }
        %and3A_991 = arith.constant 1024 : i32
        %and3A_992 = arith.andi %sub3A_978, %and3A_991 : i32
        %ne3A_993 = arith.constant 0 : i32
        %ne3A_994 = arith.cmpi ne, %and3A_992, %ne3A_993 : i32
        %convert_element_type3A_995 = arith.extui %ne3A_994 : i1 to i32
        %cond3A_996 = arith.constant 0 : i32
        %cond3A_997 = arith.cmpi ne, %convert_element_type3A_995, %cond3A_996 : i32
        scf.if %cond3A_997 {
          %multiple_of3A_1055 = tpu.assume_multiple %add3A_983, 128 : i32
          %dma_start3A_1056 = arith.constant 0 : i32
          %dma_start3A_1057 = arith.constant 0 : i32
          %dma_start3A_1058 = tpu.memref_slice %arg3[%add3A_870, %dma_start3A_1056, %dma_start3A_1057] : memref<2048x64x2048xf32, #tpu.memory_space<hbm>> -> memref<1x64x2048xf32, #tpu.memory_space<hbm>>
          %dma_start3A_1059 = tpu.memref_squeeze %dma_start3A_1058 : memref<1x64x2048xf32, #tpu.memory_space<hbm>> -> memref<64x2048xf32, #tpu.memory_space<hbm>>
          %dma_start3A_1060 = arith.constant 0 : i32
          %dma_start3A_1061 = tpu.memref_slice %dma_start3A_1059[%dma_start3A_1060, %multiple_of3A_1055] : memref<64x2048xf32, #tpu.memory_space<hbm>> -> memref<64x1024xf32, #tpu.memory_space<hbm>>
          %dma_start3A_1062 = arith.constant 0 : i32
          %dma_start3A_1063 = arith.constant 0 : i32
          %dma_start3A_1064 = tpu.memref_slice %arg7[%dma_start3A_1062, %dma_start3A_1063] : memref<64x2048xf32, #tpu.memory_space<vmem_shared>> -> memref<64x1024xf32, #tpu.memory_space<vmem_shared>>
          tpu.enqueue_dma source(%dma_start3A_1064 : memref<64x1024xf32, #tpu.memory_space<vmem_shared>>) target(%dma_start3A_1061 : memref<64x1024xf32, #tpu.memory_space<hbm>>) target_semaphore(%arg9 : memref<!tpu.dma_semaphore, #tpu.memory_space<semaphore_mem>>)
        } else {
        }
        %and3A_998 = arith.constant -1024 : i32
        %and3A_999 = arith.andi %multiple_of3A_904, %and3A_998 : i32
        %and3A_1000 = arith.constant -1024 : i32
        %and3A_1001 = arith.andi %sub3A_978, %and3A_1000 : i32
        %add3A_1002 = arith.addi %add3A_976, %and3A_1001 : i32
        %and3A_1003 = arith.constant 512 : i32
        %and3A_1004 = arith.andi %multiple_of3A_904, %and3A_1003 : i32
        %ne3A_1005 = arith.constant 0 : i32
        %ne3A_1006 = arith.cmpi ne, %and3A_1004, %ne3A_1005 : i32
        %convert_element_type3A_1007 = arith.extui %ne3A_1006 : i1 to i32
        %cond3A_1008 = arith.constant 0 : i32
        %cond3A_1009 = arith.cmpi ne, %convert_element_type3A_1007, %cond3A_1008 : i32
        scf.if %cond3A_1009 {
          %multiple_of3A_1055 = tpu.assume_multiple %and3A_999, 128 : i32
          %dma_start3A_1056 = arith.constant 0 : i32
          %dma_start3A_1057 = arith.constant 0 : i32
          %dma_start3A_1058 = tpu.memref_slice %arg3[%add3A_870, %dma_start3A_1056, %dma_start3A_1057] : memref<2048x64x2048xf32, #tpu.memory_space<hbm>> -> memref<1x64x2048xf32, #tpu.memory_space<hbm>>
          %dma_start3A_1059 = tpu.memref_squeeze %dma_start3A_1058 : memref<1x64x2048xf32, #tpu.memory_space<hbm>> -> memref<64x2048xf32, #tpu.memory_space<hbm>>
          %dma_start3A_1060 = arith.constant 0 : i32
          %dma_start3A_1061 = tpu.memref_slice %dma_start3A_1059[%dma_start3A_1060, %multiple_of3A_1055] : memref<64x2048xf32, #tpu.memory_space<hbm>> -> memref<64x512xf32, #tpu.memory_space<hbm>>
          %dma_start3A_1062 = arith.constant 0 : i32
          %dma_start3A_1063 = arith.constant 0 : i32
          %dma_start3A_1064 = tpu.memref_slice %arg6[%dma_start3A_1062, %dma_start3A_1063] : memref<64x2048xf32, #tpu.memory_space<vmem_shared>> -> memref<64x512xf32, #tpu.memory_space<vmem_shared>>
          tpu.enqueue_dma source(%dma_start3A_1064 : memref<64x512xf32, #tpu.memory_space<vmem_shared>>) target(%dma_start3A_1061 : memref<64x512xf32, #tpu.memory_space<hbm>>) target_semaphore(%arg9 : memref<!tpu.dma_semaphore, #tpu.memory_space<semaphore_mem>>)
        } else {
        }
        %and3A_1010 = arith.constant 512 : i32
        %and3A_1011 = arith.andi %sub3A_978, %and3A_1010 : i32
        %ne3A_1012 = arith.constant 0 : i32
        %ne3A_1013 = arith.cmpi ne, %and3A_1011, %ne3A_1012 : i32
        %convert_element_type3A_1014 = arith.extui %ne3A_1013 : i1 to i32
        %cond3A_1015 = arith.constant 0 : i32
        %cond3A_1016 = arith.cmpi ne, %convert_element_type3A_1014, %cond3A_1015 : i32
        scf.if %cond3A_1016 {
          %multiple_of3A_1055 = tpu.assume_multiple %add3A_1002, 128 : i32
          %dma_start3A_1056 = arith.constant 0 : i32
          %dma_start3A_1057 = arith.constant 0 : i32
          %dma_start3A_1058 = tpu.memref_slice %arg3[%add3A_870, %dma_start3A_1056, %dma_start3A_1057] : memref<2048x64x2048xf32, #tpu.memory_space<hbm>> -> memref<1x64x2048xf32, #tpu.memory_space<hbm>>
          %dma_start3A_1059 = tpu.memref_squeeze %dma_start3A_1058 : memref<1x64x2048xf32, #tpu.memory_space<hbm>> -> memref<64x2048xf32, #tpu.memory_space<hbm>>
          %dma_start3A_1060 = arith.constant 0 : i32
          %dma_start3A_1061 = tpu.memref_slice %dma_start3A_1059[%dma_start3A_1060, %multiple_of3A_1055] : memref<64x2048xf32, #tpu.memory_space<hbm>> -> memref<64x512xf32, #tpu.memory_space<hbm>>
          %dma_start3A_1062 = arith.constant 0 : i32
          %dma_start3A_1063 = arith.constant 0 : i32
          %dma_start3A_1064 = tpu.memref_slice %arg7[%dma_start3A_1062, %dma_start3A_1063] : memref<64x2048xf32, #tpu.memory_space<vmem_shared>> -> memref<64x512xf32, #tpu.memory_space<vmem_shared>>
          tpu.enqueue_dma source(%dma_start3A_1064 : memref<64x512xf32, #tpu.memory_space<vmem_shared>>) target(%dma_start3A_1061 : memref<64x512xf32, #tpu.memory_space<hbm>>) target_semaphore(%arg9 : memref<!tpu.dma_semaphore, #tpu.memory_space<semaphore_mem>>)
        } else {
        }
        %and3A_1017 = arith.constant -512 : i32
        %and3A_1018 = arith.andi %multiple_of3A_904, %and3A_1017 : i32
        %and3A_1019 = arith.constant -512 : i32
        %and3A_1020 = arith.andi %sub3A_978, %and3A_1019 : i32
        %add3A_1021 = arith.addi %add3A_976, %and3A_1020 : i32
        %and3A_1022 = arith.constant 256 : i32
        %and3A_1023 = arith.andi %multiple_of3A_904, %and3A_1022 : i32
        %ne3A_1024 = arith.constant 0 : i32
        %ne3A_1025 = arith.cmpi ne, %and3A_1023, %ne3A_1024 : i32
        %convert_element_type3A_1026 = arith.extui %ne3A_1025 : i1 to i32
        %cond3A_1027 = arith.constant 0 : i32
        %cond3A_1028 = arith.cmpi ne, %convert_element_type3A_1026, %cond3A_1027 : i32
        scf.if %cond3A_1028 {
          %multiple_of3A_1055 = tpu.assume_multiple %and3A_1018, 128 : i32
          %dma_start3A_1056 = arith.constant 0 : i32
          %dma_start3A_1057 = arith.constant 0 : i32
          %dma_start3A_1058 = tpu.memref_slice %arg3[%add3A_870, %dma_start3A_1056, %dma_start3A_1057] : memref<2048x64x2048xf32, #tpu.memory_space<hbm>> -> memref<1x64x2048xf32, #tpu.memory_space<hbm>>
          %dma_start3A_1059 = tpu.memref_squeeze %dma_start3A_1058 : memref<1x64x2048xf32, #tpu.memory_space<hbm>> -> memref<64x2048xf32, #tpu.memory_space<hbm>>
          %dma_start3A_1060 = arith.constant 0 : i32
          %dma_start3A_1061 = tpu.memref_slice %dma_start3A_1059[%dma_start3A_1060, %multiple_of3A_1055] : memref<64x2048xf32, #tpu.memory_space<hbm>> -> memref<64x256xf32, #tpu.memory_space<hbm>>
          %dma_start3A_1062 = arith.constant 0 : i32
          %dma_start3A_1063 = arith.constant 0 : i32
          %dma_start3A_1064 = tpu.memref_slice %arg6[%dma_start3A_1062, %dma_start3A_1063] : memref<64x2048xf32, #tpu.memory_space<vmem_shared>> -> memref<64x256xf32, #tpu.memory_space<vmem_shared>>
          tpu.enqueue_dma source(%dma_start3A_1064 : memref<64x256xf32, #tpu.memory_space<vmem_shared>>) target(%dma_start3A_1061 : memref<64x256xf32, #tpu.memory_space<hbm>>) target_semaphore(%arg9 : memref<!tpu.dma_semaphore, #tpu.memory_space<semaphore_mem>>)
        } else {
        }
        %and3A_1029 = arith.constant 256 : i32
        %and3A_1030 = arith.andi %sub3A_978, %and3A_1029 : i32
        %ne3A_1031 = arith.constant 0 : i32
        %ne3A_1032 = arith.cmpi ne, %and3A_1030, %ne3A_1031 : i32
        %convert_element_type3A_1033 = arith.extui %ne3A_1032 : i1 to i32
        %cond3A_1034 = arith.constant 0 : i32
        %cond3A_1035 = arith.cmpi ne, %convert_element_type3A_1033, %cond3A_1034 : i32
        scf.if %cond3A_1035 {
          %multiple_of3A_1055 = tpu.assume_multiple %add3A_1021, 128 : i32
          %dma_start3A_1056 = arith.constant 0 : i32
          %dma_start3A_1057 = arith.constant 0 : i32
          %dma_start3A_1058 = tpu.memref_slice %arg3[%add3A_870, %dma_start3A_1056, %dma_start3A_1057] : memref<2048x64x2048xf32, #tpu.memory_space<hbm>> -> memref<1x64x2048xf32, #tpu.memory_space<hbm>>
          %dma_start3A_1059 = tpu.memref_squeeze %dma_start3A_1058 : memref<1x64x2048xf32, #tpu.memory_space<hbm>> -> memref<64x2048xf32, #tpu.memory_space<hbm>>
          %dma_start3A_1060 = arith.constant 0 : i32
          %dma_start3A_1061 = tpu.memref_slice %dma_start3A_1059[%dma_start3A_1060, %multiple_of3A_1055] : memref<64x2048xf32, #tpu.memory_space<hbm>> -> memref<64x256xf32, #tpu.memory_space<hbm>>
          %dma_start3A_1062 = arith.constant 0 : i32
          %dma_start3A_1063 = arith.constant 0 : i32
          %dma_start3A_1064 = tpu.memref_slice %arg7[%dma_start3A_1062, %dma_start3A_1063] : memref<64x2048xf32, #tpu.memory_space<vmem_shared>> -> memref<64x256xf32, #tpu.memory_space<vmem_shared>>
          tpu.enqueue_dma source(%dma_start3A_1064 : memref<64x256xf32, #tpu.memory_space<vmem_shared>>) target(%dma_start3A_1061 : memref<64x256xf32, #tpu.memory_space<hbm>>) target_semaphore(%arg9 : memref<!tpu.dma_semaphore, #tpu.memory_space<semaphore_mem>>)
        } else {
        }
        %and3A_1036 = arith.constant -256 : i32
        %and3A_1037 = arith.andi %multiple_of3A_904, %and3A_1036 : i32
        %and3A_1038 = arith.constant -256 : i32
        %and3A_1039 = arith.andi %sub3A_978, %and3A_1038 : i32
        %add3A_1040 = arith.addi %add3A_976, %and3A_1039 : i32
        %and3A_1041 = arith.constant 128 : i32
        %and3A_1042 = arith.andi %multiple_of3A_904, %and3A_1041 : i32
        %ne3A_1043 = arith.constant 0 : i32
        %ne3A_1044 = arith.cmpi ne, %and3A_1042, %ne3A_1043 : i32
        %convert_element_type3A_1045 = arith.extui %ne3A_1044 : i1 to i32
        %cond3A_1046 = arith.constant 0 : i32
        %cond3A_1047 = arith.cmpi ne, %convert_element_type3A_1045, %cond3A_1046 : i32
        scf.if %cond3A_1047 {
          %multiple_of3A_1055 = tpu.assume_multiple %and3A_1037, 128 : i32
          %dma_start3A_1056 = arith.constant 0 : i32
          %dma_start3A_1057 = arith.constant 0 : i32
          %dma_start3A_1058 = tpu.memref_slice %arg3[%add3A_870, %dma_start3A_1056, %dma_start3A_1057] : memref<2048x64x2048xf32, #tpu.memory_space<hbm>> -> memref<1x64x2048xf32, #tpu.memory_space<hbm>>
          %dma_start3A_1059 = tpu.memref_squeeze %dma_start3A_1058 : memref<1x64x2048xf32, #tpu.memory_space<hbm>> -> memref<64x2048xf32, #tpu.memory_space<hbm>>
          %dma_start3A_1060 = arith.constant 0 : i32
          %dma_start3A_1061 = tpu.memref_slice %dma_start3A_1059[%dma_start3A_1060, %multiple_of3A_1055] : memref<64x2048xf32, #tpu.memory_space<hbm>> -> memref<64x128xf32, #tpu.memory_space<hbm>>
          %dma_start3A_1062 = arith.constant 0 : i32
          %dma_start3A_1063 = arith.constant 0 : i32
          %dma_start3A_1064 = tpu.memref_slice %arg6[%dma_start3A_1062, %dma_start3A_1063] : memref<64x2048xf32, #tpu.memory_space<vmem_shared>> -> memref<64x128xf32, #tpu.memory_space<vmem_shared>>
          tpu.enqueue_dma source(%dma_start3A_1064 : memref<64x128xf32, #tpu.memory_space<vmem_shared>>) target(%dma_start3A_1061 : memref<64x128xf32, #tpu.memory_space<hbm>>) target_semaphore(%arg9 : memref<!tpu.dma_semaphore, #tpu.memory_space<semaphore_mem>>)
        } else {
        }
        %and3A_1048 = arith.constant 128 : i32
        %and3A_1049 = arith.andi %sub3A_978, %and3A_1048 : i32
        %ne3A_1050 = arith.constant 0 : i32
        %ne3A_1051 = arith.cmpi ne, %and3A_1049, %ne3A_1050 : i32
        %convert_element_type3A_1052 = arith.extui %ne3A_1051 : i1 to i32
        %cond3A_1053 = arith.constant 0 : i32
        %cond3A_1054 = arith.cmpi ne, %convert_element_type3A_1052, %cond3A_1053 : i32
        scf.if %cond3A_1054 {
          %multiple_of3A_1055 = tpu.assume_multiple %add3A_1040, 128 : i32
          %dma_start3A_1056 = arith.constant 0 : i32
          %dma_start3A_1057 = arith.constant 0 : i32
          %dma_start3A_1058 = tpu.memref_slice %arg3[%add3A_870, %dma_start3A_1056, %dma_start3A_1057] : memref<2048x64x2048xf32, #tpu.memory_space<hbm>> -> memref<1x64x2048xf32, #tpu.memory_space<hbm>>
          %dma_start3A_1059 = tpu.memref_squeeze %dma_start3A_1058 : memref<1x64x2048xf32, #tpu.memory_space<hbm>> -> memref<64x2048xf32, #tpu.memory_space<hbm>>
          %dma_start3A_1060 = arith.constant 0 : i32
          %dma_start3A_1061 = tpu.memref_slice %dma_start3A_1059[%dma_start3A_1060, %multiple_of3A_1055] : memref<64x2048xf32, #tpu.memory_space<hbm>> -> memref<64x128xf32, #tpu.memory_space<hbm>>
          %dma_start3A_1062 = arith.constant 0 : i32
          %dma_start3A_1063 = arith.constant 0 : i32
          %dma_start3A_1064 = tpu.memref_slice %arg7[%dma_start3A_1062, %dma_start3A_1063] : memref<64x2048xf32, #tpu.memory_space<vmem_shared>> -> memref<64x128xf32, #tpu.memory_space<vmem_shared>>
          tpu.enqueue_dma source(%dma_start3A_1064 : memref<64x128xf32, #tpu.memory_space<vmem_shared>>) target(%dma_start3A_1061 : memref<64x128xf32, #tpu.memory_space<hbm>>) target_semaphore(%arg9 : memref<!tpu.dma_semaphore, #tpu.memory_space<semaphore_mem>>)
        } else {
        }
      } else {
      }
    }
    %scan3A_706 = arith.constant 64 : i32
    return
  }
}

</mosaic_0001>

<sc_bundles>
// kernel: kernel.3.cloned.1.call-start
scs
__scs_entry_jumppad:
0x0: {  	(pc) =	sbr.rel $0x88, $3  }
0x1: {  	(tag) =	ssettag $0x0;
	lr =	simm.s32 $0x1  }
0x2: {  	[smem:$0x3FA0] =	sst lr;
	_ =	strace $0xD0000000  }
0x3: {  	_ = 	snop  }
0x4: {  	_ = 	snop  }
0x5: {  	_ = 	snop  }
0x6: {  	_ = 	snop  }
0x7: {  	_ = 	snop  }
__scs_overlays_trampoline_lowered:
0x8: {  	[smem:$0x3FAF] =	sst s0  }
0x9: {  	[smem:$0x3FB0] =	sst s1  }
0xa: {  	[smem:$0x3FB1] =	sst s2  }
0xb: {  	[smem:$0x3FB2] =	sst s3  }
0xc: {  	[smem:$0x3FB3] =	sst s4  }
0xd: {  	[smem:$0x3FB4] =	sst s5  }
0xe: {  	[smem:$0x3FB5] =	sst s6  }
0xf: {  	[smem:$0x3FB6] =	sst s7  }
0x10: {  	[smem:$0x3FB7] =	sst s8  }
0x11: {  	[smem:$0x3FB8] =	sst s9;
	s0 =	simm.s32 @!p0 $0x0  }
0x12: {  	s1 =	sld [smem:$0x3F9E];
	s0 =	simm.s32 @p0 $0x1  }
0x13: {  	[smem:$0x3FB9] =	sst s0;
	s0 =	simm.s32 @!p1 $0x0  }
0x14: {  	s2 =	sld [smem:$0x3F9D];
	s0 =	simm.s32 @p1 $0x1  }
0x15: {  	[smem:$0x3FBA] =	sst s0;
	s0 =	simm.s32 @!p2 $0x0  }
0x16: {  	s3 =	sld [smem:$0x3FDB];
	s0 =	simm.s32 @p2 $0x1  }
0x17: {  	s4 =	simm.s32 $0x1BF5;
	[smem:$0x3FBC] =	sst s0  }
0x18: {  	s0 =	sld [smem:$0x3F9F];
	_ =	swait.ge [sflag:s4], $0x0  }
0x19: {  	s7 =	sld [smem:$0x3FA0]  }
0x1a: {  	s8 =	sadd.s32 $0xFFFFE003, lr  }
0x1b: {  	s9 =	sadd.s32 $0xFFFFFEF7, lr;
	s5 =	simm.s32 $0xFFFFFFFF;
	p2 =	slt.u32 s8, $0xFFFFF086  }
0x1c: {  	p1 =	slt.u32 s9, $0xF7A;
	s5 =	simm.s32 @!p2 $0x0  }
0x1d: {  	s5 =	simm.s32 @p1 $0x1;
	p0 =	seq.s32 s7, s2  }
0x1e: {  	s7 =	smul.u32 @!p0 $0xF7A, s2;
	p2 =	seq.s32 @!p0 s5, $0x0  }
0x1f: {  	s9 =	smul.u32 $0xF7A, s1;
	s8 =	simm.s32 @!p0 $0x1BF5;
	p2 =	por !p2, p0  }
0x20: {  	[sflag:s8] =	ssyncset.s32 @!p0 $0xFFFFF086;
	s6 =	sadd.s32 @!p0 s3, s7;
	s7 =	simm.s32 @!p0 $0x108  }
0x21: {  	s3 =	sadd.s32 s3, s9;
	s6 =	sadd.s32 @!p0 $0x88, s6;
	s7 =	simm.s32 @p2 $0x1082  }
0x22: {  	[simem:s7], [sflag:s8] =	dma.local @!p0 [hbm:s6], $0xF7A  }
0x23: {  	s9 =	sor.u32 $0xD0000000, s2;
	s6 =	simm.s32 $0x108;
	_ =	swait.ge @!p0 [sflag:s8], $0x0  }
0x24: {  	s3 =	sadd.s32 $0x88, s3;
	s6 =	simm.s32 @!p1 $0x1082;
	[sflag:s4] =	ssyncset.s32 $0xFFFFF086  }
0x25: {  	[simem:s6], [sflag:s4] =	dma.local [hbm:s3], $0xF7A  }
0x26: {  	[smem:$0x3FA0] =	sst s1;
	(tag) =	ssettag s2;
	_ =	strace s9  }
0x27: {  	s1 =	sld [smem:$0x3FB0]  }
0x28: {  	s2 =	sld [smem:$0x3FB1]  }
0x29: {  	s4 =	sld [smem:$0x3FB3]  }
0x2a: {  	p0 =	seq.s32 s5, $0x0;
	s5 =	sld [smem:$0x3FB4]  }
0x2b: {  	s6 =	sld [smem:$0x3FB5]  }
0x2c: {  	s7 =	sld [smem:$0x3FB6]  }
0x2d: {  	s3 =	simm.s32 $0x108;
	s8 =	sld [smem:$0x3FB7]  }
0x2e: {  	s3 =	simm.s32 @!p0 $0x1082;
	s9 =	sld [smem:$0x3FB8]  }
0x2f: {  	lr =	sadd.s32 s0, s3;
	s0 =	sld [smem:$0x3FAF]  }
0x30: {  	s3 =	sld [smem:$0x3FB2]  }
0x31: {  	[smem:$0x3FBB] =	sst s10  }
0x32: {  	s10 =	sld [smem:$0x3FB9];
	_ =	sdelay $0x3  }
0x33: {  	p0 =	seq.s32 s10, $0x1;
	s10 =	sld [smem:$0x3FBB];
	_ =	sdelay $0x3  }
0x34: {  	[smem:$0x3FBB] =	sst s10  }
0x35: {  	s10 =	sld [smem:$0x3FBA];
	_ =	sdelay $0x3  }
0x36: {  	p1 =	seq.s32 s10, $0x1;
	s10 =	sld [smem:$0x3FBB];
	_ =	sdelay $0x3  }
0x37: {  	[smem:$0x3FBB] =	sst s10  }
0x38: {  	s10 =	sld [smem:$0x3FBC]  }
0x39: {  	_ = 	snop;
	(pc) =	sbr.ind lr, $3  }
0x3a: {  	_ = 	snop  }
0x3b: {  	_ = 	snop  }
0x3c: {  	p2 =	seq.s32 s10, $0x1;
	s10 =	sld [smem:$0x3FBB]  }
0x3d: {  	_ =	shalt  }
0x3e: {  	_ =	shalt  }
0x3f: {  	_ =	shalt  }
0x40: {  	_ =	shalt  }
0x41: {  	_ =	shalt  }
0x42: {  	_ =	shalt  }
0x43: {  	_ =	shalt  }
0x44: {  	_ =	shalt  }
0x45: {  	_ =	shalt  }
0x46: {  	_ =	shalt  }
0x47: {  	_ =	shalt  }
0x48: {  	_ =	shalt  }
0x49: {  	_ =	shalt  }
0x4a: {  	_ =	shalt  }
0x4b: {  	_ =	shalt  }
0x4c: {  	_ =	shalt  }
0x4d: {  	_ =	shalt  }
0x4e: {  	_ =	shalt  }
0x4f: {  	_ =	shalt  }
0x50: {  	_ =	shalt  }
0x51: {  	_ =	shalt  }
0x52: {  	_ =	shalt  }
0x53: {  	_ =	shalt  }
0x54: {  	_ =	shalt  }
0x55: {  	_ =	shalt  }
0x56: {  	_ =	shalt  }
0x57: {  	_ =	shalt  }
0x58: {  	_ =	shalt  }
0x59: {  	_ =	shalt  }
0x5a: {  	_ =	shalt  }
0x5b: {  	_ =	shalt  }
0x5c: {  	_ =	shalt  }
0x5d: {  	_ =	shalt  }
0x5e: {  	_ =	shalt  }
0x5f: {  	_ =	shalt  }
0x60: {  	_ =	shalt  }
0x61: {  	_ =	shalt  }
0x62: {  	_ =	shalt  }
0x63: {  	_ =	shalt  }
0x64: {  	_ =	shalt  }
0x65: {  	_ =	shalt  }
0x66: {  	_ =	shalt  }
0x67: {  	_ =	shalt  }
0x68: {  	_ =	shalt  }
0x69: {  	_ =	shalt  }
0x6a: {  	_ =	shalt  }
0x6b: {  	_ =	shalt  }
0x6c: {  	_ =	shalt  }
0x6d: {  	_ =	shalt  }
0x6e: {  	_ =	shalt  }
0x6f: {  	_ =	shalt  }
0x70: {  	_ =	shalt  }
0x71: {  	_ =	shalt  }
0x72: {  	_ =	shalt  }
0x73: {  	_ =	shalt  }
0x74: {  	_ =	shalt  }
0x75: {  	_ =	shalt  }
0x76: {  	_ =	shalt  }
0x77: {  	_ =	shalt  }
0x78: {  	_ =	shalt  }
0x79: {  	_ =	shalt  }
0x7a: {  	_ =	shalt  }
0x7b: {  	_ =	shalt  }
0x7c: {  	_ =	shalt  }
0x7d: {  	_ =	shalt  }
0x7e: {  	_ =	shalt  }
0x7f: {  	_ =	shalt  }
0x80: {  	_ =	shalt  }
0x81: {  	_ =	shalt  }
0x82: {  	_ =	shalt  }
0x83: {  	_ =	shalt  }
0x84: {  	_ =	shalt  }
0x85: {  	_ =	shalt  }
0x86: {  	_ =	shalt  }
0x87: {  	_ =	shalt  }
.Lfunc_end0:
.L_simem_size_0:
called_computation_lowered:
.L_overlay_start_0:
0x88: {  	s2 =	sld [smem:$0x3FD9]  }
0x89: {  	s3 =	sld [smem:$0x3FFE];
	_ =	sdelay $0x1  }
0x8a: {  	s1 =	srdreg.scid  }
0x8b: {  	s0 =	sand.u32 $0x1, s1  }
0x8c: {  	s17 =	sshll.u32 s0, $0xA;
	s2 =	sadd.s32 s3, s2  }
0x8d: {  	s2 =	sadd.s32 s2, s17  }
0x8e: {  	[smem:$0x3FC7] =	sst s2  }
0x8f: {  	_ = 	snop  }
0x90: {  	s2 =	sld [smem:$0x3FD0];
	(tm) =	ssettm $0x1  }
0x91: {  	s18 =	sld [smem:$0x3FFB];
	_ =	sdelay $0x3  }
0x92: {  	_ =	strace s18  }
0x93: {  	s3 =	sld [smem:$0x3FFC];
	_ =	sdelay $0x3  }
0x94: {  	_ =	strace s3  }
0x95: {  	s3 =	sld [smem:$0x3FFD];
	_ =	sdelay $0x3  }
0x96: {  	_ =	strace s3  }
0x97: {  	_ =	strace $0x8FFFFFFF  }
0x98: {  	s19 =	sld [smem:$0x3FDB];
	_ =	sdelay $0x1  }
0x99: {  	s4 =	simm.s32 $_scs_section_size  }
0x9a: {  	s5 =	simm.s32 $_size__tile_overlayer_lowered;
	s6 =	simm.s32 $_tile_overlayer_lowered  }
0x9b: {  	s22 =	simm.s32 $0x1BFF;
	s21 =	sshll.u32 s6, $0x1;
	s3 =	sadd.s32 s4, s19  }
0x9c: {  	s7 =	simm.s32 $0x0;
	s20 =	sshll.u32 s5, $0x1;
	s5 =	sadd.s32 s21, s3  }
0x9d: {  	[timem:s7], [sflag:s22] =	dma.local [hbm:s5], s20  }
0x9e: {  	_ =	swait.ge [sflag:s22], s20  }
0x9f: {  	s4 =	ssub.s32 $0x0, s20;
	[sflag:s22] =	ssyncset.done $0x0  }
0xa0: {  	[sflag:s22] =	ssyncadd.s32 s4;
	_ =	sdelay $0x1  }
0xa1: {  	s23 =	simm.s32 $0x1B8B  }
0xa2: {  	_ =	swait.ge [sflag:s23], $0x1  }
0xa3: {  	[sflag:s23] =	ssyncset.done $0x0  }
0xa4: {  	s25 =	simm.s32 $0x1B8E;
	s24 =	sld [smem:$0x3FFE];
	[sflag:s23] =	ssyncadd.s32 $0xFFFFFFFF  }
0xa5: {  	s26 =	simm.s32 $execute0_lowered;
	[smem:$0x3FD2] =	sst s25  }
0xa6: {  	s5 =	sshll.u32 s26, $0x1;
	_ =	strace $0x80000046;
	[dreg:$0x1] =	wrdreg $0xFFFFFFFF  }
0xa7: {  	s28 =	simm.s32 $_size_execute0_lowered;
	s3 =	sadd.s32 s3, s5;
	[dreg:$0x0] =	wrdreg $0x0  }
0xa8: {  	s5 =	sshll.u32 s28, $0x1;
	[dreg:$0x2] =	wrdreg s3  }
0xa9: {  	[dreg:$0x3] =	wrdreg s5  }
0xaa: {  	[dreg:$0x4] =	wrdreg $0xC0  }
0xab: {  	_ =	task [dreg:s7], $0x5FFFF  }
0xac: {  	[dreg:$0x1] =	wrdreg $0xFFFFFFFF  }
0xad: {  	[dreg:$0x0] =	wrdreg $0x60  }
0xae: {  	[dreg:$0x2] =	wrdreg s24  }
0xaf: {  	[dreg:$0x3] =	wrdreg s2  }
0xb0: {  	[dreg:$0x4] =	wrdreg $0x160000  }
0xb1: {  	[dreg:$0x5] =	wrdreg $0x180000  }
0xb2: {  	[dreg:$0x6] =	wrdreg $0x9  }
0xb3: {  	_ =	task.clear_ibuf [dreg:s7], $0x7FFFF;
	_ =	strace $0x90000046  }
0xb4: {  	s29 =	simm.s32 $0x9;
	_ =	strace $0x80000048  }
0xb5: {  	_ =	swait.ge [sflag:s29], $0x1  }
0xb6: {  	[sflag:s29] =	ssyncadd.s32 $0xFFFFFFFF  }
0xb7: {  	_ =	strace $0x90000048  }
0xb8: {  	_ =	sfence  }
0xb9: {  	s30 =	sld [smem:$0x0];
	_ =	sdelay $0x2  }
0xba: {  	s31 =	sshll.u32 s1, $0xD;
	s1 =	sshrl.u32 s1, $0x2  }
0xbb: {  	s3 =	sand.u32 $0x4000, s31;
	s1 =	sadd.s32 s1, s30  }
0xbc: {  	s0 =	sor.u32 s3, s0;
	s1 =	sshll.u32 s1, $0x11  }
0xbd: {  	s0 =	sor.u32 s1, s0  }
0xbe: {  	s0 =	sadd.s32 $0x8F2B, s0  }
0xbf: {  	[sflag:s0] =	ssyncadd.remote.s32 $0x1  }
0xc0: {  	_ =	sfence.sel $0xFFFF  }
0xc1: {  	[dreg:$0x0] =	wrdreg $0xFFFFFFFF;
	(pc) =	sbr.abs _section_cstart, $3  }
0xc2: {  	[dreg:$0x1] =	wrdreg $0xFFFFFFFF  }
0xc3: {  	_ =	task.clear_ibuf [dreg:s7], $0x2FFFF;
	_ =	strace $0x9FFFFFFF  }
0xc4: {  	(tm) =	ssettm $0x7FFFFFFF  }
0xc5: {  	_ =	shalt  }
tec
execute0_lowered:
.L_overlay_start_1:
0x0: {  	(tag) =	ssettag $0x1  }
0x1: {  	s1 =	srdreg.scid  }
0x2: {  	s0 =	stileid.u32;
	s1 =	sand.u32 $0x1, s1  }
0x3: {  	s2 =	sshll.u32 s0, $0x7;
	s3 =	sshll.u32 s1, $0x6  }
0x4: {  	s12 =	sor.u32 s3, s2  }
0x5: {  	s2 =	sadd.s32 $0xFFFFFFE0, s12  }
0x6: {  	s8 =	rddreg [dreg:$0x1];
	s22 =	sshrl.u32 s2, $0x18  }
0x7: {  	s7 =	rddreg [dreg:$0x2];
	s3 =	sand.u32 $0x7F, s22  }
0x8: {  	s9 =	rddreg [dreg:$0x3];
	s3 =	sadd.s32 s3, s2  }
0x9: {  	s23 =	simm.s32 $0x0;
	s2 =	sshra.s32 s2, $0x1F;
	s3 =	sshra.s32 s3, $0x7  }
0xa: {  	[smem:$0x7FF] =	sst s23;
	s4 =	sadd.s32 s3, s2  }
0xb: {  	s5 =	sshll.u32 s0, $0xB;
	_ =	strace $0x80000047;
	s2 =	sshll.u32 s4, $0x7  }
0xc: {  	s24 =	ssub.s32 $0x2, s1;
	s26 =	sand.u32 $0x3800, s5;
	p0 =	sgt.s32 s2, $0x0  }
0xd: {  	s14 =	sadd.s32 s26, s9;
	[smem:$0x797] =	sst s12;
	s2 =	simm.s32 @!p0 $0x0  }
0xe: {  	s25 =	sshrl.u32 s24, $0x1;
	[smem:$0x7F3] =	sst s14;
	s13 =	smin.u32 s2, $0x700  }
0xf: {  	p3 =	slt.s32 s4, $0x8;
	s2 =	ssub.s32 s24, s25;
	s1 =	ssub.s32 s13, s12  }
0x10: {  	s2 =	smax.u32 s2, $0x1;
	[smem:$0x7C8] =	sst s13;
	s6 =	sadd.s32 $0x120, s1  }
0x11: {  	s30 =	sadd.s32 $0x130, s1;
	s9 =	sadd.s32 $0x140, s1;
	s15 =	sadd.s32 $0x150, s1  }
0x12: {  	s18 =	sadd.s32 $0x160, s1;
	s24 =	sand.u32 $0x40, s1;
	[smem:$0x7BD] =	sst s2  }
0x13: {  	s21 =	sadd.s32 $0x170, s1;
	s28 =	sand.u32 $0x60, s6;
	[dreg:$0x11] =	wrdreg s24  }
0x14: {  	s25 =	sshll.u32 s1, $0x3;
	s31 =	sand.u32 $0x70, s30;
	[dreg:$0x5] =	wrdreg s28  }
0x15: {  	s2 =	simm.s32 @!p3 $0x0;
	s10 =	sand.u32 $0x40, s9;
	[dreg:$0x7] =	wrdreg s31  }
0x16: {  	s6 =	sshll.u32 s6, $0x3;
	s16 =	sand.u32 $0x50, s15;
	[dreg:$0x9] =	wrdreg s10  }
0x17: {  	s19 =	sand.u32 $0x60, s18;
	s22 =	sand.u32 $0x70, s21;
	[dreg:$0xb] =	wrdreg s16  }
0x18: {  	s26 =	sand.u32 $0xFFFFFC00, s25;
	s24 =	sadd.s32 $0xFFFFFFE1, s12;
	[dreg:$0xd] =	wrdreg s19  }
0x19: {  	s2 =	simm.s32 @p3 $0x1;
	s29 =	sand.u32 $0xFFFFFC00, s6;
	[dreg:$0xf] =	wrdreg s22  }
0x1a: {  	s6 =	sshll.u32 s30, $0x3;
	s28 =	sadd.s32 $0x190, s1;
	[dreg:$0x12] =	wrdreg s26  }
0x1b: {  	s31 =	sadd.s32 $0x1A0, s1;
	s16 =	sadd.s32 $0x1C0, s1;
	s19 =	sadd.s32 $0x1D0, s1  }
0x1c: {  	s22 =	sadd.s32 $0x1E0, s1;
	s26 =	sshrl.u32 s24, $0x18;
	[smem:$0x7BE] =	sst s2  }
0x1d: {  	s2 =	sand.u32 $0x400, s13;
	[dreg:$0x6] =	wrdreg s29;
	s6 =	sand.u32 $0xFFFFFC00, s6  }
0x1e: {  	s29 =	sand.u32 $0x50, s28;
	s25 =	sshll.u32 s22, $0x3;
	[dreg:$0x8] =	wrdreg s6  }
0x1f: {  	s6 =	sshll.u32 s9, $0x3;
	[dreg:$0x13] =	wrdreg s29;
	s9 =	sadd.s32 $0x1B0, s1  }
0x20: {  	s3 =	sand.u32 $0xFFFFFC00, s25;
	s11 =	sand.u32 $0xFFFFFC00, s6;
	s6 =	sshll.u32 s15, $0x3  }
0x21: {  	s15 =	sadd.s32 s5, s7;
	s5 =	sshll.u32 s28, $0x3;
	[dreg:$0x1e] =	wrdreg s3  }
0x22: {  	s10 =	sand.u32 $0x70, s9;
	s28 =	sadd.s32 $0x1F0, s1;
	[dreg:$0xa] =	wrdreg s11  }
0x23: {  	s1 =	sadd.s32 $0x210, s1;
	s17 =	sand.u32 $0xFFFFFC00, s6;
	[dreg:$0x17] =	wrdreg s10  }
0x24: {  	s6 =	sshll.u32 s18, $0x3;
	s30 =	sand.u32 $0xFFFFFC00, s5;
	[smem:$0x7FB] =	sst s15  }
0x25: {  	s5 =	sshll.u32 s31, $0x3;
	s29 =	sand.u32 $0x70, s28;
	[dreg:$0xc] =	wrdreg s17  }
0x26: {  	s10 =	ssub.s32 $0x700, s13;
	s20 =	sand.u32 $0xFFFFFC00, s6;
	[dreg:$0x14] =	wrdreg s30  }
0x27: {  	s6 =	sshll.u32 s21, $0x3;
	s7 =	sand.u32 $0xFFFFFC00, s5;
	[dreg:$0x1f] =	wrdreg s29  }
0x28: {  	s5 =	sshll.u32 s9, $0x3;
	s17 =	sand.u32 $0x40, s16;
	[dreg:$0xe] =	wrdreg s20  }
0x29: {  	s23 =	sand.u32 $0xFFFFFC00, s6;
	s6 =	sand.u32 $0x60, s31;
	[dreg:$0x16] =	wrdreg s7  }
0x2a: {  	s11 =	sand.u32 $0xFFFFFC00, s5;
	s5 =	sshll.u32 s16, $0x3;
	[dreg:$0x19] =	wrdreg s17  }
0x2b: {  	s20 =	sand.u32 $0x50, s19;
	s7 =	sshll.u32 s28, $0x3;
	[dreg:$0x10] =	wrdreg s23  }
0x2c: {  	s31 =	sand.u32 $0x50, s1;
	s1 =	sshll.u32 s1, $0x3;
	[dreg:$0x15] =	wrdreg s6  }
0x2d: {  	[dreg:$0x18] =	wrdreg s11;
	s18 =	sand.u32 $0xFFFFFC00, s5;
	s5 =	sshll.u32 s19, $0x3  }
0x2e: {  	[dreg:$0x1b] =	wrdreg s20;
	s23 =	sand.u32 $0x60, s22;
	s6 =	sshra.s32 s24, $0x1F  }
0x2f: {  	[smem:$0x777] =	sst s31;
	s21 =	sand.u32 $0xFFFFFC00, s5;
	s5 =	sand.u32 $0x7F, s26  }
0x30: {  	s30 =	sand.u32 $0xFFFFFC00, s7;
	[dreg:$0x1a] =	wrdreg s18;
	s5 =	sadd.s32 s5, s24  }
0x31: {  	s1 =	sand.u32 $0xFFFFFC00, s1;
	[dreg:$0x1d] =	wrdreg s23;
	s5 =	sshra.s32 s5, $0x7  }
0x32: {  	s7 =	sand.u32 $0x400, s10;
	[smem:$0x776] =	sst s30;
	s9 =	sadd.s32 s5, s6  }
0x33: {  	[smem:$0x778] =	sst s1;
	s18 =	sadd.s32 $0x100, s13;
	s3 =	sshll.u32 s9, $0x7  }
0x34: {  	[dreg:$0x1c] =	wrdreg s21;
	s6 =	sshll.u32 s12, $0xE;
	p0 =	sgt.s32 s3, $0x0  }
0x35: {  	[smem:$0x7BA] =	sst s18;
	s17 =	sadd.s32 s8, s6;
	s3 =	simm.s32 @!p0 $0x0  }
0x36: {  	s7 =	sadd.s32 s18, s7;
	[smem:$0x7DD] =	sst s17;
	s16 =	smin.u32 s3, $0x700  }
0x37: {  	p1 =	slt.s32 s9, $0x8;
	s3 =	ssub.s32 s16, s12;
	[smem:$0x7D3] =	sst s16  }
0x38: {  	s8 =	sadd.s32 $0x110, s3;
	s20 =	sadd.s32 $0x120, s3;
	s23 =	sadd.s32 $0x130, s3  }
0x39: {  	s26 =	sadd.s32 $0x140, s3;
	s30 =	sadd.s32 $0x150, s3;
	s11 =	sand.u32 $0x50, s8  }
0x3a: {  	s5 =	sshll.u32 s8, $0x3;
	s21 =	sand.u32 $0x60, s20;
	[smem:$0x779] =	sst s11  }
0x3b: {  	s24 =	sand.u32 $0x70, s23;
	s28 =	sand.u32 $0x40, s26;
	[smem:$0x77B] =	sst s21  }
0x3c: {  	s31 =	sand.u32 $0x50, s30;
	s8 =	sadd.s32 $0x160, s3;
	[smem:$0x77D] =	sst s24  }
0x3d: {  	s19 =	sand.u32 $0xFFFFFC00, s5;
	s5 =	sshll.u32 s20, $0x3;
	[smem:$0x77F] =	sst s28  }
0x3e: {  	[smem:$0x781] =	sst s31;
	s11 =	sand.u32 $0x60, s8;
	s20 =	sadd.s32 $0x170, s3  }
0x3f: {  	s24 =	sshll.u32 s3, $0x3;
	[smem:$0x77A] =	sst s19;
	s22 =	sand.u32 $0xFFFFFC00, s5  }
0x40: {  	s5 =	sshll.u32 s23, $0x3;
	[smem:$0x783] =	sst s11;
	s21 =	sand.u32 $0x70, s20  }
0x41: {  	s23 =	sand.u32 $0x40, s3;
	s11 =	sadd.s32 $0x1B0, s3;
	[smem:$0x77C] =	sst s22  }
0x42: {  	s25 =	sand.u32 $0xFFFFFC00, s5;
	s5 =	sshll.u32 s26, $0x3;
	[smem:$0x785] =	sst s21  }
0x43: {  	[smem:$0x787] =	sst s23;
	s26 =	sadd.s32 $0x190, s3;
	s21 =	sadd.s32 $0x1C0, s3  }
0x44: {  	[smem:$0x77E] =	sst s25;
	s29 =	sand.u32 $0xFFFFFC00, s5;
	s5 =	sshll.u32 s30, $0x3  }
0x45: {  	s25 =	sand.u32 $0xFFFFFC00, s24;
	s28 =	sand.u32 $0x50, s26;
	[smem:$0x780] =	sst s29  }
0x46: {  	s30 =	sadd.s32 $0x1A0, s3;
	s24 =	sadd.s32 $0x1D0, s3;
	[smem:$0x788] =	sst s25  }
0x47: {  	s6 =	sand.u32 $0xFFFFFC00, s5;
	s5 =	sshll.u32 s8, $0x3;
	[smem:$0x789] =	sst s28  }
0x48: {  	s8 =	sand.u32 $0x200, s13;
	s31 =	sand.u32 $0x60, s30;
	[smem:$0x782] =	sst s6  }
0x49: {  	s25 =	sand.u32 $0x50, s24;
	s28 =	sshll.u32 s24, $0x3;
	[smem:$0x78B] =	sst s31  }
0x4a: {  	s19 =	sand.u32 $0xFFFFFC00, s5;
	s5 =	sshll.u32 s20, $0x3;
	[smem:$0x791] =	sst s25  }
0x4b: {  	s1 =	sand.u32 $0xFFFFFC00, s28;
	[smem:$0x784] =	sst s19;
	s22 =	sand.u32 $0xFFFFFC00, s5  }
0x4c: {  	s5 =	sshll.u32 s26, $0x3;
	s19 =	sand.u32 $0x70, s11;
	[smem:$0x792] =	sst s1  }
0x4d: {  	s26 =	sadd.s32 $0xFFFFFFE2, s12;
	[smem:$0x786] =	sst s22;
	s29 =	sand.u32 $0xFFFFFC00, s5  }
0x4e: {  	s5 =	sshll.u32 s30, $0x3;
	[smem:$0x78D] =	sst s19;
	s22 =	sand.u32 $0x40, s21  }
0x4f: {  	s19 =	sadd.s32 $0x1F0, s3;
	[smem:$0x78A] =	sst s29;
	s6 =	sand.u32 $0xFFFFFC00, s5  }
0x50: {  	s5 =	sshll.u32 s11, $0x3;
	[smem:$0x78F] =	sst s22;
	s29 =	sshrl.u32 s26, $0x18  }
0x51: {  	s11 =	sadd.s32 $0x1E0, s3;
	s1 =	sshll.u32 s19, $0x3;
	[smem:$0x78C] =	sst s6  }
0x52: {  	s20 =	sand.u32 $0xFFFFFC00, s5;
	s5 =	sshll.u32 s21, $0x3;
	s30 =	sand.u32 $0x60, s11  }
0x53: {  	s11 =	sshll.u32 s11, $0x3;
	s6 =	sshra.s32 s26, $0x1F;
	s1 =	sand.u32 $0xFFFFFC00, s1  }
0x54: {  	[smem:$0x78E] =	sst s20;
	s23 =	sand.u32 $0xFFFFFC00, s5;
	s5 =	sand.u32 $0x7F, s29  }
0x55: {  	s21 =	sadd.s32 $0x210, s3;
	[smem:$0x793] =	sst s30;
	s5 =	sadd.s32 s5, s26  }
0x56: {  	s31 =	sand.u32 $0xFFFFFC00, s11;
	[smem:$0x796] =	sst s1;
	s5 =	sshra.s32 s5, $0x7  }
0x57: {  	s20 =	sand.u32 $0x70, s19;
	[smem:$0x790] =	sst s23;
	s11 =	sadd.s32 s5, s6  }
0x58: {  	s3 =	sand.u32 $0x50, s21;
	[smem:$0x794] =	sst s31;
	s5 =	sshll.u32 s11, $0x7  }
0x59: {  	s22 =	sshll.u32 s21, $0x3;
	[smem:$0x795] =	sst s20;
	p0 =	sgt.s32 s5, $0x0  }
0x5a: {  	[smem:$0x798] =	sst s3;
	s23 =	sand.u32 $0xFFFFFC00, s22;
	s5 =	simm.s32 @!p0 $0x0  }
0x5b: {  	s3 =	sand.u32 $0x200, s10;
	p0 =	seq.s32 @p3 s4, $0x7;
	s19 =	smin.u32 s5, $0x700  }
0x5c: {  	[smem:$0x799] =	sst s23;
	s4 =	simm.s32 @!p0 $0x0;
	s1 =	ssub.s32 s19, s12  }
0x5d: {  	s4 =	simm.s32 @p0 $0x1;
	p0 =	seq.s32 s8, $0x0;
	[smem:$0x7E6] =	sst s19  }
0x5e: {  	s24 =	sadd.s32 $0x110, s1;
	s28 =	sadd.s32 $0x120, s1;
	s31 =	sadd.s32 $0x130, s1  }
0x5f: {  	s20 =	sadd.s32 $0x140, s1;
	[smem:$0x7BF] =	sst s4;
	s25 =	sand.u32 $0x50, s24  }
0x60: {  	s23 =	sadd.s32 $0x150, s1;
	s29 =	sand.u32 $0x60, s28;
	[smem:$0x79A] =	sst s25  }
0x61: {  	s5 =	sshll.u32 s24, $0x3;
	s6 =	sand.u32 $0x70, s31;
	[smem:$0x79C] =	sst s29  }
0x62: {  	s21 =	sand.u32 $0x40, s20;
	s24 =	sand.u32 $0x50, s23;
	[smem:$0x79E] =	sst s6  }
0x63: {  	s26 =	sand.u32 $0xFFFFFC00, s5;
	s5 =	sshll.u32 s28, $0x3;
	[smem:$0x7A0] =	sst s21  }
0x64: {  	[smem:$0x7A2] =	sst s24;
	s6 =	sand.u32 $0x40, s1;
	s21 =	sadd.s32 $0x190, s1  }
0x65: {  	s24 =	sadd.s32 $0x1A0, s1;
	[smem:$0x79B] =	sst s26;
	s30 =	sand.u32 $0xFFFFFC00, s5  }
0x66: {  	s5 =	sshll.u32 s31, $0x3;
	s26 =	sadd.s32 $0x160, s1;
	[smem:$0x7A8] =	sst s6  }
0x67: {  	s6 =	sshll.u32 s21, $0x3;
	[smem:$0x79D] =	sst s30;
	s12 =	sand.u32 $0xFFFFFC00, s5  }
0x68: {  	s5 =	sshll.u32 s20, $0x3;
	s28 =	sand.u32 $0x60, s26;
	s30 =	sadd.s32 $0x170, s1  }
0x69: {  	[smem:$0x79F] =	sst s12;
	s22 =	sand.u32 $0xFFFFFC00, s5;
	s5 =	sshll.u32 s23, $0x3  }
0x6a: {  	[smem:$0x7A4] =	sst s28;
	s31 =	sand.u32 $0x70, s30;
	s12 =	sshll.u32 s1, $0x3  }
0x6b: {  	s23 =	sand.u32 $0xFFFFFC00, s6;
	s6 =	sshll.u32 s24, $0x3;
	[smem:$0x7A1] =	sst s22  }
0x6c: {  	s28 =	sadd.s32 $0x1B0, s1;
	s25 =	sand.u32 $0xFFFFFC00, s5;
	[smem:$0x7A6] =	sst s31  }
0x6d: {  	s5 =	sshll.u32 s26, $0x3;
	s20 =	sand.u32 $0xFFFFFC00, s12;
	[smem:$0x7AB] =	sst s23  }
0x6e: {  	s22 =	sand.u32 $0x50, s21;
	s26 =	sand.u32 $0xFFFFFC00, s6;
	[smem:$0x7A3] =	sst s25  }
0x6f: {  	s6 =	sshll.u32 s28, $0x3;
	s31 =	sadd.s32 $0x1C0, s1;
	[smem:$0x7A9] =	sst s20  }
0x70: {  	s21 =	sadd.s32 $0x1D0, s1;
	s29 =	sand.u32 $0xFFFFFC00, s5;
	[smem:$0x7AA] =	sst s22  }
0x71: {  	s5 =	sshll.u32 s30, $0x3;
	s25 =	sand.u32 $0x60, s24;
	[smem:$0x7AD] =	sst s26  }
0x72: {  	s30 =	sand.u32 $0xFFFFFC00, s6;
	s12 =	sand.u32 $0x40, s31;
	[smem:$0x7A5] =	sst s29  }
0x73: {  	s6 =	sshll.u32 s31, $0x3;
	s22 =	sand.u32 $0x50, s21;
	[smem:$0x7AC] =	sst s25  }
0x74: {  	s24 =	sadd.s32 $0x1E0, s1;
	s31 =	sadd.s32 $0x210, s1;
	[smem:$0x7AF] =	sst s30  }
0x75: {  	s5 =	sand.u32 $0xFFFFFC00, s5;
	s29 =	sand.u32 $0x70, s28;
	[smem:$0x7B0] =	sst s12  }
0x76: {  	s20 =	sand.u32 $0xFFFFFC00, s6;
	s6 =	sshll.u32 s21, $0x3;
	[smem:$0x7B2] =	sst s22  }
0x77: {  	s25 =	sand.u32 $0x60, s24;
	s28 =	sadd.s32 $0x1F0, s1;
	[smem:$0x7A7] =	sst s5  }
0x78: {  	s12 =	sand.u32 $0x600, s10;
	s21 =	sshll.u32 s31, $0x3;
	[smem:$0x7AE] =	sst s29  }
0x79: {  	s22 =	sand.u32 $0x100, s13;
	[smem:$0x7B1] =	sst s20;
	s23 =	sand.u32 $0xFFFFFC00, s6  }
0x7a: {  	s6 =	sshll.u32 s24, $0x3;
	[smem:$0x7B4] =	sst s25;
	s29 =	sand.u32 $0x70, s28  }
0x7b: {  	s20 =	sand.u32 $0x50, s31;
	s1 =	sadd.s32 s18, s12;
	[smem:$0x7B3] =	sst s23  }
0x7c: {  	s5 =	sand.u32 $0xFFFFFC00, s21;
	s24 =	sand.u32 $0x100, s10;
	[smem:$0x7B6] =	sst s29  }
0x7d: {  	s25 =	sadd.s32 $0x100, s16;
	s31 =	sand.u32 $0x200, s16;
	[smem:$0x7B8] =	sst s20  }
0x7e: {  	s26 =	sand.u32 $0xFFFFFC00, s6;
	s6 =	sshll.u32 s28, $0x3;
	[smem:$0x7B9] =	sst s5  }
0x7f: {  	s23 =	sand.u32 $0x700, s10;
	s5 =	simm.s32 @!p0 $0x0;
	[smem:$0x7BB] =	sst s25  }
0x80: {  	s29 =	sand.u32 $0x80, s13;
	s20 =	sand.u32 $0x100, s16;
	[smem:$0x7B5] =	sst s26  }
0x81: {  	s30 =	sand.u32 $0xFFFFFC00, s6;
	s5 =	simm.s32 @p0 $0x1;
	p0 =	seq.s32 s3, $0x0  }
0x82: {  	s4 =	sadd.s32 s18, s23;
	s26 =	ssub.s32 $0x700, s16;
	s3 =	simm.s32 @!p0 $0x0  }
0x83: {  	s23 =	sand.u32 $0x80, s16;
	s3 =	simm.s32 @p0 $0x1;
	p0 =	seq.s32 s22, $0x0  }
0x84: {  	s18 =	sadd.s32 $0x100, s19;
	[smem:$0x7C0] =	sst s5;
	s5 =	simm.s32 @!p0 $0x0  }
0x85: {  	[smem:$0x7B7] =	sst s30;
	s5 =	simm.s32 @p0 $0x1;
	p0 =	seq.s32 s24, $0x0  }
0x86: {  	s28 =	sand.u32 $0x400, s26;
	s30 =	sand.u32 $0x80, s10;
	s6 =	simm.s32 @!p0 $0x0  }
0x87: {  	s10 =	sand.u32 $0x600, s26;
	s6 =	simm.s32 @p0 $0x1;
	p0 =	seq.s32 s29, $0x0  }
0x88: {  	s12 =	sand.u32 $0x200, s26;
	[smem:$0x7C6] =	sst s6;
	s6 =	simm.s32 @!p0 $0x0  }
0x89: {  	s21 =	sand.u32 $0x700, s26;
	s6 =	simm.s32 @p0 $0x1;
	p0 =	seq.s32 s30, $0x0  }
0x8a: {  	[smem:$0x7BC] =	sst s18;
	s22 =	sand.u32 $0x100, s26;
	s8 =	simm.s32 @!p0 $0x0  }
0x8b: {  	[smem:$0x7C2] =	sst s3;
	s8 =	simm.s32 @p0 $0x1;
	p0 =	seq.s32 @p1 s9, $0x7  }
0x8c: {  	s3 =	sand.u32 $0x80, s26;
	[smem:$0x7C4] =	sst s5;
	s9 =	simm.s32 @!p0 $0x0  }
0x8d: {  	[smem:$0x7C9] =	sst s6;
	s9 =	simm.s32 @p0 $0x1;
	p0 =	seq.s32 s31, $0x0  }
0x8e: {  	s24 =	ssub.s32 $0x700, s19;
	[smem:$0x7CB] =	sst s8;
	s6 =	simm.s32 @!p0 $0x0  }
0x8f: {  	[smem:$0x7CE] =	sst s9;
	s6 =	simm.s32 @p0 $0x1;
	p0 =	seq.s32 s12, $0x0  }
0x90: {  	s5 =	sadd.s32 s25, s28;
	[smem:$0x7CF] =	sst s6;
	s9 =	simm.s32 @!p0 $0x0  }
0x91: {  	s9 =	simm.s32 @p0 $0x1;
	p0 =	seq.s32 s20, $0x0;
	s20 =	sld [smem:$0x7BF]  }
0x92: {  	s8 =	sadd.s32 s25, s10;
	[smem:$0x7D1] =	sst s9;
	s6 =	simm.s32 @!p0 $0x0  }
0x93: {  	s9 =	sadd.s32 s25, s21;
	s25 =	sand.u32 $0x200, s19;
	s21 =	sld [smem:$0x7C0]  }
0x94: {  	s6 =	simm.s32 @p0 $0x1;
	p0 =	seq.s32 s22, $0x0;
	s22 =	sld [smem:$0x7C2]  }
0x95: {  	s26 =	sand.u32 $0x200, s24;
	p6 =	seq.s32 s25, $0x0;
	s25 =	sld [smem:$0x7C9]  }
0x96: {  	s29 =	sand.u32 $0x100, s24;
	s31 =	sand.u32 $0x80, s24;
	[smem:$0x7D4] =	sst s6  }
0x97: {  	s6 =	simm.s32 @!p0 $0x0;
	p4 =	seq.s32 s20, $0x1;
	s20 =	sadd.s32 $0x14000, s14  }
0x98: {  	s6 =	simm.s32 @p0 $0x1;
	p0 =	seq.s32 s23, $0x0;
	s23 =	sld [smem:$0x7C4]  }
0x99: {  	s12 =	sand.u32 $0x600, s24;
	p3 =	por p4, !p3;
	[smem:$0x7F1] =	sst s20  }
0x9a: {  	p4 =	seq.s32 s21, $0x1;
	s21 =	sadd.s32 $0x18000, s14;
	[smem:$0x7D6] =	sst s6  }
0x9b: {  	s6 =	simm.s32 @!p0 $0x0;
	s2 =	sadd.s32 @!p4 s2, s17;
	[smem:$0x7F2] =	sst s21  }
0x9c: {  	p4 =	seq.s32 s22, $0x1;
	s22 =	sadd.s32 $0x1C000, s14;
	[smem:$0x7C1] =	sst s2  }
0x9d: {  	s6 =	simm.s32 @p0 $0x1;
	p0 =	slt.s32 s11, $0x8;
	[smem:$0x7F4] =	sst s22  }
0x9e: {  	s2 =	sadd.s32 @!p4 s17, s7;
	s7 =	sadd.s32 $0x4000, s17;
	[smem:$0x7D8] =	sst s6  }
0x9f: {  	p2 =	seq.s32 @p0 s11, $0x7;
	s11 =	sand.u32 $0x400, s24;
	[smem:$0x7C3] =	sst s2  }
0xa0: {  	s6 =	sand.u32 $0x700, s24;
	s2 =	sand.u32 $0x600, s13;
	s24 =	sld [smem:$0x7C6]  }
0xa1: {  	p4 =	seq.s32 s23, $0x1;
	[smem:$0x7DB] =	sst s7;
	s23 =	sadd.s32 $0x4000, s15  }
0xa2: {  	s2 =	sadd.s32 @!p4 s2, s17;
	[smem:$0x7F5] =	sst s23  }
0xa3: {  	s10 =	simm.s32 @!p2 $0x0;
	[smem:$0x7C5] =	sst s2  }
0xa4: {  	s10 =	simm.s32 @p2 $0x1;
	p2 =	seq.s32 s26, $0x0;
	s26 =	sld [smem:$0x7CB]  }
0xa5: {  	s28 =	sand.u32 $0x100, s19;
	[smem:$0x7DF] =	sst s10  }
0xa6: {  	s10 =	simm.s32 @!p2 $0x0;
	p4 =	seq.s32 s24, $0x1;
	s24 =	sadd.s32 $0x8000, s15  }
0xa7: {  	s10 =	simm.s32 @p2 $0x1;
	p2 =	seq.s32 s28, $0x0;
	s28 =	sld [smem:$0x7CE]  }
0xa8: {  	[smem:$0x7F6] =	sst s24  }
0xa9: {  	p5 =	seq.s32 s3, $0x0;
	s1 =	sadd.s32 @!p4 s17, s1;
	[smem:$0x7E2] =	sst s10  }
0xaa: {  	p4 =	seq.s32 s25, $0x1;
	s25 =	sadd.s32 $0xC000, s15;
	[smem:$0x7C7] =	sst s1  }
0xab: {  	s3 =	simm.s32 @!p2 $0x0;
	s1 =	sand.u32 $0x700, s13;
	[smem:$0x7F7] =	sst s25  }
0xac: {  	s3 =	simm.s32 @p2 $0x1;
	p2 =	seq.s32 s29, $0x0;
	s29 =	sld [smem:$0x7CF]  }
0xad: {  	s1 =	sadd.s32 @!p4 s1, s17;
	[smem:$0x7E4] =	sst s3  }
0xae: {  	p4 =	seq.s32 s26, $0x1;
	[smem:$0x7CA] =	sst s1  }
0xaf: {  	s26 =	sadd.s32 $0x10000, s15;
	s2 =	sadd.s32 @!p4 s17, s4;
	s4 =	sld [smem:$0x7D6]  }
0xb0: {  	s30 =	sand.u32 $0x80, s19;
	s10 =	simm.s32 @!p2 $0x0;
	[smem:$0x7F8] =	sst s26  }
0xb1: {  	p4 =	seq.s32 s28, $0x1;
	s28 =	sadd.s32 $0x14000, s15;
	[smem:$0x7CC] =	sst s2  }
0xb2: {  	s10 =	simm.s32 @p2 $0x1;
	p2 =	seq.s32 s30, $0x0;
	s30 =	sld [smem:$0x7D1]  }
0xb3: {  	s2 =	simm.s32 @!p1 $0x0;
	[smem:$0x7F9] =	sst s28  }
0xb4: {  	p4 =	por p4, !p1;
	[smem:$0x7E7] =	sst s10;
	s2 =	simm.s32 @p1 $0x1  }
0xb5: {  	s3 =	simm.s32 @!p2 $0x0;
	s10 =	sadd.s32 s18, s12;
	[smem:$0x7CD] =	sst s2  }
0xb6: {  	s3 =	simm.s32 @p2 $0x1;
	p2 =	seq.s32 s31, $0x0;
	s31 =	sld [smem:$0x7D4]  }
0xb7: {  	p1 =	seq.s32 s29, $0x1;
	s29 =	sadd.s32 $0x18000, s15;
	s12 =	sld [smem:$0x7E7]  }
0xb8: {  	s1 =	sand.u32 $0x400, s16;
	[smem:$0x7FA] =	sst s29  }
0xb9: {  	s1 =	sadd.s32 @!p1 s1, s7;
	[smem:$0x7E9] =	sst s3  }
0xba: {  	[smem:$0x7D0] =	sst s1  }
0xbb: {  	s3 =	sadd.s32 s18, s11;
	p1 =	seq.s32 s30, $0x1;
	s11 =	sld [smem:$0x7E4]  }
0xbc: {  	s1 =	sadd.s32 @!p1 s7, s5;
	s5 =	sld [smem:$0x7D8]  }
0xbd: {  	s6 =	sadd.s32 s18, s6;
	s18 =	sadd.s32 $0xC000, s14;
	s13 =	sld [smem:$0x7E9]  }
0xbe: {  	s30 =	sadd.s32 $0x1C000, s15;
	[smem:$0x7EF] =	sst s18  }
0xbf: {  	s2 =	sand.u32 $0x700, s16;
	[smem:$0x7FC] =	sst s30  }
0xc0: {  	[smem:$0x7D2] =	sst s1;
	s1 =	sand.u32 $0x600, s16;
	s16 =	sadd.s32 $0x4000, s14  }
0xc1: {  	p1 =	seq.s32 s31, $0x1;
	s31 =	simm.s32 $0x0;
	[smem:$0x7ED] =	sst s16  }
0xc2: {  	s1 =	sadd.s32 @!p1 s1, s7;
	[smem:$0x7FD] =	sst s31  }
0xc3: {  	p1 =	seq.s32 s4, $0x1;
	[smem:$0x7D5] =	sst s1  }
0xc4: {  	s4 =	simm.s32 @!p0 $0x0;
	s1 =	sadd.s32 @!p1 s7, s8;
	s8 =	sld [smem:$0x7DF]  }
0xc5: {  	p1 =	seq.s32 s5, $0x1;
	s4 =	simm.s32 @p0 $0x1;
	[smem:$0x7D7] =	sst s1  }
0xc6: {  	s1 =	sadd.s32 @!p1 s2, s7;
	[smem:$0x7DE] =	sst s4  }
0xc7: {  	s2 =	sadd.s32 $0x8000, s17;
	[smem:$0x7D9] =	sst s1  }
0xc8: {  	s17 =	sadd.s32 $0x8000, s14;
	s1 =	simm.s32 @!p5 $0x0;
	[smem:$0x7EB] =	sst s2  }
0xc9: {  	[smem:$0x7EE] =	sst s17;
	s1 =	simm.s32 @p5 $0x1  }
0xca: {  	[smem:$0x7DA] =	sst s1  }
0xcb: {  	s4 =	simm.s32 @!p6 $0x0;
	s1 =	sadd.s32 @!p5 s7, s9;
	s9 =	sld [smem:$0x7E2]  }
0xcc: {  	s4 =	simm.s32 @p6 $0x1;
	[smem:$0x7DC] =	sst s1;
	s1 =	sand.u32 $0x400, s19  }
0xcd: {  	[smem:$0x7E0] =	sst s4;
	s1 =	sadd.s32 @!p6 s1, s2  }
0xce: {  	v0 =	vimm.s32 $0xEDCBA987;
	v1 =	vimm.s32 $0x6543210F;
	[smem:$0x7E1] =	sst s1;
	p1 =	seq.s32 s9, $0x1  }
0xcf: {  	v2 =	vimm.s32 $0xDCBA9876;
	v3 =	vimm.s32 $0x543210FE;
	v0 =	vunpack.c.l.s4.s8 v0;
	s1 =	sand.u32 $0x600, s19;
	s3 =	sadd.s32 @!p1 s2, s3;
	p1 =	seq.s32 s11, $0x1  }
0xd0: {  	v1 =	vunpack.c.l.s4.s8 v1;
	v2 =	vunpack.c.l.s4.s8 v2;
	v3 =	vunpack.c.l.s4.s8 v3;
	[smem:$0x7E3] =	sst s3;
	s1 =	sadd.s32 @!p1 s1, s2  }
0xd1: {  	v0 =	vunpack.c.0.s8.s32 v0;
	p1 =	seq.s32 s12, $0x1;
	[smem:$0x7E5] =	sst s1  }
.Ltmp0:
0xd2: {  	v1 =	vunpack.c.0.s8.s32 v1;
	v2 =	vunpack.c.0.s8.s32 v2;
	v3 =	vunpack.c.0.s8.s32 v3;
	s1 =	sand.u32 $0x700, s19;
	s3 =	sadd.s32 @!p1 s2, s10;
	(pc) =	sbr.rel .LBB2_1-.Ltmp0, $4  }
0xd3: {  	p1 =	seq.s32 s13, $0x1;
	s19 =	sadd.s32 $0x10000, s14;
	[smem:$0x7E8] =	sst s3  }
0xd4: {  	v1 =	vcombine.low v1, v0;
	v2 =	vcombine.low v3, v2;
	s1 =	sadd.s32 @!p1 s1, s2;
	[smem:$0x7F0] =	sst s19  }
0xd5: {  	vm0 =	vmmov $0x1;
	vm1 =	vmmov $0x3;
	p5 =	seq.s32 s8, $0x1;
	[smem:$0x7EA] =	sst s1;
	s1 =	sadd.s32 @!p2 s2, s6  }
0xd6: {  	v0 =	vlaneseq.u32;
	v1 =	vand.u32 $0xF, v1;
	v2 =	vand.u32 $0xF, v2;
	p0 =	por p5, !p0;
	p6 =	slt.u32 s0, $0x8;
	[smem:$0x7EC] =	sst s1  }
.LBB2_13:
0xd7: {  	s1 =	sld [smem:$0x7FD]  }
0xd8: {  	s0 =	sld [smem:$0x7BD];
	_ =	sdelay $0x1  }
0xd9: {  	s1 =	sadd.s32 $0x1, s1  }
0xda: {  	p1 =	sne.s32 s1, s0  }
.Ltmp1:
0xdb: {  	_ = 	snop;
	(pc) =	sbr.rel @!p1 .LBB2_14-.Ltmp1, $2  }
0xdc: {  	_ =	sdelay $0x2  }
0xdd: {  	[smem:$0x7FD] =	sst s1  }
.LBB2_1:
0xde: {  	s0 =	rddreg [dreg:$0x0];
	s4 =	simm.s32 $0x0;
	s2 =	simm.s32 $0x3  }
0xdf: {  	[tilespmem:s4], [sflag:$0x3] =	stream.linear.gather [hbm4b:s0+s4], $0xA000, $0x38;
	[tilespmem:$0x1A000] =	vst v63  }
0xe0: {  	_ =	swait.ge [sflag:s2], $0xA000  }
0xe1: {  	s0 =	sld [smem:$0x7FB]  }
0xe2: {  	[sflag:s2] =	ssyncset.done $0x0  }
0xe3: {  	s1 =	simm.s32 @p6 $0x0;
	[sflag:s2] =	ssyncadd.s32 $0xFFFF6000  }
0xe4: {  	[spmem:s0] =	stream.linear.scatter @p6 [tilespmem:s1], [sflag:$0x3], $0x800, $0x38;
	[tilespmem:$0x1A000] =	vst v63  }
0xe5: {  	s0 =	sld [smem:$0x7F5];
	_ =	sdelay $0x1  }
0xe6: {  	s1 =	simm.s32 @p6 $0x1400  }
0xe7: {  	[spmem:s0] =	stream.linear.scatter @p6 [tilespmem:s1], [sflag:$0x3], $0x800, $0x38;
	[tilespmem:$0x1A000] =	vst v63  }
0xe8: {  	s0 =	sld [smem:$0x7F6];
	_ =	sdelay $0x1  }
0xe9: {  	s1 =	simm.s32 @p6 $0x2800  }
0xea: {  	[spmem:s0] =	stream.linear.scatter @p6 [tilespmem:s1], [sflag:$0x3], $0x800, $0x38;
	[tilespmem:$0x1A000] =	vst v63  }
0xeb: {  	s0 =	sld [smem:$0x7F7];
	_ =	sdelay $0x1  }
0xec: {  	s1 =	simm.s32 @p6 $0x3C00  }
0xed: {  	[spmem:s0] =	stream.linear.scatter @p6 [tilespmem:s1], [sflag:$0x3], $0x800, $0x38;
	[tilespmem:$0x1A000] =	vst v63  }
0xee: {  	s0 =	sld [smem:$0x7F8];
	_ =	sdelay $0x1  }
0xef: {  	s1 =	simm.s32 @p6 $0x5000  }
0xf0: {  	[spmem:s0] =	stream.linear.scatter @p6 [tilespmem:s1], [sflag:$0x3], $0x800, $0x38;
	[tilespmem:$0x1A000] =	vst v63  }
0xf1: {  	s0 =	sld [smem:$0x7F9];
	_ =	sdelay $0x1  }
0xf2: {  	s1 =	simm.s32 @p6 $0x6400  }
0xf3: {  	[spmem:s0] =	stream.linear.scatter @p6 [tilespmem:s1], [sflag:$0x3], $0x800, $0x38;
	[tilespmem:$0x1A000] =	vst v63  }
0xf4: {  	s0 =	sld [smem:$0x7FA];
	_ =	sdelay $0x1  }
0xf5: {  	s1 =	simm.s32 @p6 $0x7800  }
0xf6: {  	[spmem:s0] =	stream.linear.scatter @p6 [tilespmem:s1], [sflag:$0x3], $0x800, $0x38;
	[tilespmem:$0x1A000] =	vst v63  }
0xf7: {  	s0 =	sld [smem:$0x7FC];
	_ =	sdelay $0x1  }
0xf8: {  	s1 =	simm.s32 @p6 $0x8C00  }
0xf9: {  	[spmem:s0] =	stream.linear.scatter @p6 [tilespmem:s1], [sflag:$0x3], $0x800, $0x38;
	[tilespmem:$0x1A000] =	vst v63  }
0xfa: {  	s0 =	sld [smem:$0x7F3];
	_ =	sdelay $0x1  }
0xfb: {  	s1 =	simm.s32 @!p6 $0xC00  }
0xfc: {  	[spmem:s0] =	stream.linear.scatter @!p6 [tilespmem:s1], [sflag:$0x3], $0x800, $0x38;
	[tilespmem:$0x1A000] =	vst v63  }
0xfd: {  	s0 =	sld [smem:$0x7ED];
	_ =	sdelay $0x1  }
0xfe: {  	s1 =	simm.s32 @!p6 $0x2000  }
0xff: {  	[spmem:s0] =	stream.linear.scatter @!p6 [tilespmem:s1], [sflag:$0x3], $0x800, $0x38;
	[tilespmem:$0x1A000] =	vst v63  }
0x100: {  	s0 =	sld [smem:$0x7EE];
	_ =	sdelay $0x1  }
0x101: {  	s1 =	simm.s32 @!p6 $0x3400  }
0x102: {  	[spmem:s0] =	stream.linear.scatter @!p6 [tilespmem:s1], [sflag:$0x3], $0x800, $0x38;
	[tilespmem:$0x1A000] =	vst v63  }
0x103: {  	s0 =	sld [smem:$0x7EF];
	_ =	sdelay $0x1  }
0x104: {  	s1 =	simm.s32 @!p6 $0x4800  }
0x105: {  	[spmem:s0] =	stream.linear.scatter @!p6 [tilespmem:s1], [sflag:$0x3], $0x800, $0x38;
	[tilespmem:$0x1A000] =	vst v63  }
0x106: {  	s0 =	sld [smem:$0x7F0];
	_ =	sdelay $0x1  }
0x107: {  	s1 =	simm.s32 @!p6 $0x5C00  }
0x108: {  	[spmem:s0] =	stream.linear.scatter @!p6 [tilespmem:s1], [sflag:$0x3], $0x800, $0x38;
	[tilespmem:$0x1A000] =	vst v63  }
0x109: {  	s0 =	sld [smem:$0x7F1];
	_ =	sdelay $0x1  }
0x10a: {  	s1 =	simm.s32 @!p6 $0x7000  }
0x10b: {  	[spmem:s0] =	stream.linear.scatter @!p6 [tilespmem:s1], [sflag:$0x3], $0x800, $0x38;
	[tilespmem:$0x1A000] =	vst v63  }
0x10c: {  	s0 =	sld [smem:$0x7F2];
	_ =	sdelay $0x1  }
0x10d: {  	s1 =	simm.s32 @!p6 $0x8400  }
0x10e: {  	[spmem:s0] =	stream.linear.scatter @!p6 [tilespmem:s1], [sflag:$0x3], $0x800, $0x38;
	[tilespmem:$0x1A000] =	vst v63  }
0x10f: {  	s0 =	sld [smem:$0x7F4];
	_ =	sdelay $0x1  }
0x110: {  	s1 =	simm.s32 @!p6 $0x9800  }
0x111: {  	[spmem:s0] =	stream.linear.scatter @!p6 [tilespmem:s1], [sflag:$0x3], $0x800, $0x38;
	[tilespmem:$0x1A000] =	vst v63  }
0x112: {  	_ =	swait.ge [sflag:s2], $0x4000  }
0x113: {  	s28 =	simm.s32 $0x0;
	[sflag:s2] =	ssyncset.done $0x0  }
0x114: {  	s1 =	smul.u32 $0x5000, s28;
	[sflag:s2] =	ssyncadd.s32 $0xFFFFC000  }
0x115: {  	[bflag:$0x0] =	sbarrier.arrive $0xFFFF  }
0x116: {  	s7 =	sshra.s32 s1, $0x2;
	s29 =	rddreg [dreg:$0x6]  }
0x117: {  	s3 =	rddreg [dreg:$0x5];
	s1 =	sadd.s32 s29, s7  }
0x118: {  	s8 =	sand.u32 $0x380, s4;
	s1 =	sadd.s32 s3, s1  }
0x119: {  	s1 =	sadd.s32 s8, s1  }
0x11a: {  	v3 =	vld [tilespmem:s1+$0x0];
	_ =	sdelay $0x3  }
0x11b: {  	s0 =	simm.s32 $0x0;
	s30 =	rddreg [dreg:$0x8]  }
0x11c: {  	s31 =	rddreg [dreg:$0x7];
	s3 =	sand.u32 $0x3FFFF800, s0;
	s1 =	sadd.s32 s30, s7;
	v3 =	vperm.xlane v3, v0  }
0x11d: {  	s2 =	sor.u32 s8, s3;
	s1 =	sadd.s32 s31, s1  }
0x11e: {  	s1 =	sadd.s32 s8, s1;
	[tilespmem:s2+$0xA000] =	vst v3  }
0x11f: {  	v3 =	vld [tilespmem:s1+$0x0];
	_ =	sdelay $0x3  }
0x120: {  	s3 =	rddreg [dreg:$0xa]  }
0x121: {  	s4 =	rddreg [dreg:$0x9];
	s1 =	sadd.s32 s3, s7;
	v3 =	vperm.xlane v3, v0  }
0x122: {  	s1 =	sadd.s32 s4, s1  }
0x123: {  	s1 =	sadd.s32 s8, s1;
	[tilespmem:s2+$0xA010] =	vst v3  }
0x124: {  	v3 =	vld [tilespmem:s1+$0x0];
	_ =	sdelay $0x3  }
0x125: {  	s5 =	rddreg [dreg:$0xc]  }
0x126: {  	s6 =	rddreg [dreg:$0xb];
	s1 =	sadd.s32 s5, s7;
	v3 =	vperm.xlane v3, v0  }
0x127: {  	s1 =	sadd.s32 s6, s1  }
0x128: {  	s1 =	sadd.s32 s8, s1;
	[tilespmem:s2+$0xA020] =	vst v3  }
0x129: {  	v3 =	vld [tilespmem:s1+$0x0];
	_ =	sdelay $0x3  }
0x12a: {  	s9 =	rddreg [dreg:$0xe]  }
0x12b: {  	s10 =	rddreg [dreg:$0xd];
	s1 =	sadd.s32 s9, s7;
	v3 =	vperm.xlane v3, v0  }
0x12c: {  	s1 =	sadd.s32 s10, s1  }
0x12d: {  	s1 =	sadd.s32 s8, s1;
	[tilespmem:s2+$0xA030] =	vst v3  }
0x12e: {  	v3 =	vld [tilespmem:s1+$0x0];
	_ =	sdelay $0x3  }
0x12f: {  	s11 =	rddreg [dreg:$0x10]  }
0x130: {  	s12 =	rddreg [dreg:$0xf];
	s1 =	sadd.s32 s11, s7;
	v3 =	vperm.xlane v3, v0  }
0x131: {  	s1 =	sadd.s32 s12, s1  }
0x132: {  	s1 =	sadd.s32 s8, s1;
	[tilespmem:s2+$0xA040] =	vst v3  }
0x133: {  	v3 =	vld [tilespmem:s1+$0x0];
	_ =	sdelay $0x3  }
0x134: {  	s13 =	rddreg [dreg:$0x12]  }
0x135: {  	s14 =	rddreg [dreg:$0x11];
	s1 =	sadd.s32 s13, s7;
	v3 =	vperm.xlane v3, v0  }
0x136: {  	s1 =	sadd.s32 s14, s1  }
0x137: {  	s1 =	sadd.s32 s8, s1;
	[tilespmem:s2+$0xA050] =	vst v3  }
0x138: {  	v3 =	vld [tilespmem:s1+$0xC00];
	_ =	sdelay $0x3  }
0x139: {  	s15 =	rddreg [dreg:$0x14]  }
0x13a: {  	s16 =	rddreg [dreg:$0x13];
	s3 =	sadd.s32 s15, s7;
	v3 =	vperm.xlane v3, v0  }
0x13b: {  	s3 =	sadd.s32 s16, s3  }
0x13c: {  	s3 =	sadd.s32 s8, s3;
	[tilespmem:s2+$0xA060] =	vst v3  }
0x13d: {  	v3 =	vld [tilespmem:s3+$0x0];
	_ =	sdelay $0x3  }
0x13e: {  	s17 =	rddreg [dreg:$0x16]  }
0x13f: {  	s18 =	rddreg [dreg:$0x15];
	s3 =	sadd.s32 s17, s7;
	v3 =	vperm.xlane v3, v0  }
0x140: {  	s3 =	sadd.s32 s18, s3  }
0x141: {  	s3 =	sadd.s32 s8, s3;
	[tilespmem:s2+$0xA070] =	vst v3  }
0x142: {  	v3 =	vld [tilespmem:s3+$0x0];
	_ =	sdelay $0x3  }
0x143: {  	s19 =	rddreg [dreg:$0x18]  }
0x144: {  	s20 =	rddreg [dreg:$0x17];
	s3 =	sadd.s32 s19, s7;
	v3 =	vperm.xlane v3, v0  }
0x145: {  	s3 =	sadd.s32 s20, s3  }
0x146: {  	s3 =	sadd.s32 s8, s3;
	[tilespmem:s2+$0xA400] =	vst v3  }
0x147: {  	v3 =	vld [tilespmem:s3+$0x0];
	_ =	sdelay $0x3  }
0x148: {  	s21 =	rddreg [dreg:$0x1a]  }
0x149: {  	s22 =	rddreg [dreg:$0x19];
	s3 =	sadd.s32 s21, s7;
	v3 =	vperm.xlane v3, v0  }
0x14a: {  	s3 =	sadd.s32 s22, s3  }
0x14b: {  	s3 =	sadd.s32 s8, s3;
	[tilespmem:s2+$0xA410] =	vst v3  }
0x14c: {  	v3 =	vld [tilespmem:s3+$0x0];
	_ =	sdelay $0x3  }
0x14d: {  	s23 =	rddreg [dreg:$0x1c]  }
0x14e: {  	s24 =	rddreg [dreg:$0x1b];
	s3 =	sadd.s32 s23, s7;
	v3 =	vperm.xlane v3, v0  }
0x14f: {  	s3 =	sadd.s32 s24, s3  }
0x150: {  	s3 =	sadd.s32 s8, s3;
	[tilespmem:s2+$0xA420] =	vst v3  }
0x151: {  	v3 =	vld [tilespmem:s3+$0x0];
	_ =	sdelay $0x3  }
0x152: {  	s25 =	rddreg [dreg:$0x1e]  }
0x153: {  	s26 =	rddreg [dreg:$0x1d];
	s3 =	sadd.s32 s25, s7;
	v3 =	vperm.xlane v3, v0  }
0x154: {  	s3 =	sadd.s32 s26, s3  }
0x155: {  	s3 =	sadd.s32 s8, s3;
	[tilespmem:s2+$0xA430] =	vst v3  }
0x156: {  	v3 =	vld [tilespmem:s3+$0x0];
	_ =	sdelay $0x1  }
0x157: {  	s28 =	sld [smem:$0x776];
	_ =	sdelay $0x2  }
0x158: {  	s29 =	rddreg [dreg:$0x1f];
	s3 =	sadd.s32 s28, s7;
	v3 =	vperm.xlane v3, v0  }
0x159: {  	s3 =	sadd.s32 s29, s3  }
0x15a: {  	s3 =	sadd.s32 s8, s3;
	[tilespmem:s2+$0xA440] =	vst v3  }
0x15b: {  	v3 =	vld [tilespmem:s3+$0x0];
	_ =	sdelay $0x4  }
0x15c: {  	v3 =	vperm.xlane v3, v0;
	_ =	sdelay $0x1  }
0x15d: {  	[tilespmem:s2+$0xA450] =	vst v3  }
0x15e: {  	v3 =	vld [tilespmem:s1+$0x1000];
	_ =	sdelay $0x1  }
0x15f: {  	s30 =	sld [smem:$0x778]  }
0x160: {  	s31 =	sld [smem:$0x777];
	_ =	sdelay $0x1  }
0x161: {  	s1 =	sadd.s32 s30, s7;
	v3 =	vperm.xlane v3, v0  }
0x162: {  	s1 =	sadd.s32 s31, s1  }
0x163: {  	s9 =	simm.s32 $0x0;
	s1 =	sadd.s32 s8, s1;
	[tilespmem:s2+$0xA460] =	vst v3  }
0x164: {  	s10 =	simm.s32 $0x2;
	s7 =	simm.s32 $0x1;
	v3 =	vld [tilespmem:s1+$0x0];
	s1 =	simm.s32 $0x0  }
.LBB2_2:
0x165: {  	_ = 	snop  }
0x166: {  	s1 =	smul.u32 $0x5000, s1;
	_ =	sdelay $0x1  }
0x167: {  	s3 =	rddreg [dreg:$0x6];
	s13 =	sshra.s32 s1, $0x2  }
0x168: {  	s4 =	rddreg [dreg:$0x5];
	s9 =	sadd.s32 $0x80, s9;
	s1 =	sadd.s32 s3, s13;
	v3 =	vperm.xlane v3, v0  }
0x169: {  	s15 =	sand.u32 $0x380, s9;
	s1 =	sadd.s32 s4, s1  }
0x16a: {  	s1 =	sadd.s32 s15, s1;
	[tilespmem:s2+$0xA470] =	vst v3  }
0x16b: {  	v3 =	vld [tilespmem:s1+$0x0];
	_ =	sdelay $0x3  }
0x16c: {  	s25 =	rddreg [dreg:$0x8];
	s28 =	sshll.u32 s7, $0x8  }
0x16d: {  	s26 =	rddreg [dreg:$0x7];
	s3 =	sand.u32 $0x3FFFF800, s28;
	s1 =	sadd.s32 s25, s13;
	v3 =	vperm.xlane v3, v0  }
0x16e: {  	s2 =	sor.u32 s15, s3;
	s1 =	sadd.s32 s26, s1  }
0x16f: {  	s1 =	sadd.s32 s15, s1;
	[tilespmem:s2+$0xA000] =	vst v3  }
0x170: {  	v3 =	vld [tilespmem:s1+$0x0];
	_ =	sdelay $0x3  }
0x171: {  	s29 =	rddreg [dreg:$0xa]  }
0x172: {  	s30 =	rddreg [dreg:$0x9];
	s1 =	sadd.s32 s29, s13;
	v3 =	vperm.xlane v3, v0  }
0x173: {  	s1 =	sadd.s32 s30, s1  }
0x174: {  	s1 =	sadd.s32 s15, s1;
	[tilespmem:s2+$0xA010] =	vst v3  }
0x175: {  	v3 =	vld [tilespmem:s1+$0x0];
	_ =	sdelay $0x3  }
0x176: {  	s31 =	rddreg [dreg:$0xc]  }
0x177: {  	s0 =	rddreg [dreg:$0xb];
	s1 =	sadd.s32 s31, s13;
	v3 =	vperm.xlane v3, v0  }
0x178: {  	s1 =	sadd.s32 s0, s1  }
0x179: {  	s1 =	sadd.s32 s15, s1;
	[tilespmem:s2+$0xA020] =	vst v3  }
0x17a: {  	v3 =	vld [tilespmem:s1+$0x0];
	_ =	sdelay $0x3  }
0x17b: {  	s4 =	rddreg [dreg:$0xe]  }
0x17c: {  	s5 =	rddreg [dreg:$0xd];
	s1 =	sadd.s32 s4, s13;
	v3 =	vperm.xlane v3, v0  }
0x17d: {  	s1 =	sadd.s32 s5, s1  }
0x17e: {  	s1 =	sadd.s32 s15, s1;
	[tilespmem:s2+$0xA030] =	vst v3  }
0x17f: {  	v3 =	vld [tilespmem:s1+$0x0];
	_ =	sdelay $0x3  }
0x180: {  	s6 =	rddreg [dreg:$0x10]  }
0x181: {  	s8 =	rddreg [dreg:$0xf];
	s1 =	sadd.s32 s6, s13;
	v3 =	vperm.xlane v3, v0  }
0x182: {  	s1 =	sadd.s32 s8, s1  }
0x183: {  	s1 =	sadd.s32 s15, s1;
	[tilespmem:s2+$0xA040] =	vst v3  }
0x184: {  	v3 =	vld [tilespmem:s1+$0x0];
	_ =	sdelay $0x3  }
0x185: {  	s11 =	rddreg [dreg:$0x12]  }
0x186: {  	s12 =	rddreg [dreg:$0x11];
	s1 =	sadd.s32 s11, s13;
	v3 =	vperm.xlane v3, v0  }
0x187: {  	s1 =	sadd.s32 s12, s1  }
0x188: {  	s8 =	sadd.s32 s15, s1;
	[tilespmem:s2+$0xA050] =	vst v3  }
0x189: {  	v3 =	vld [tilespmem:s8+$0xC00];
	_ =	sdelay $0x3  }
0x18a: {  	s14 =	rddreg [dreg:$0x14]  }
0x18b: {  	s16 =	rddreg [dreg:$0x13];
	s1 =	sadd.s32 s14, s13;
	v3 =	vperm.xlane v3, v0  }
0x18c: {  	s1 =	sadd.s32 s16, s1  }
0x18d: {  	s1 =	sadd.s32 s15, s1;
	[tilespmem:s2+$0xA060] =	vst v3  }
0x18e: {  	v3 =	vld [tilespmem:s1+$0x0];
	_ =	sdelay $0x3  }
0x18f: {  	s17 =	rddreg [dreg:$0x16]  }
0x190: {  	s18 =	rddreg [dreg:$0x15];
	s1 =	sadd.s32 s17, s13;
	v3 =	vperm.xlane v3, v0  }
0x191: {  	s1 =	sadd.s32 s18, s1  }
0x192: {  	s1 =	sadd.s32 s15, s1;
	[tilespmem:s2+$0xA070] =	vst v3  }
0x193: {  	v3 =	vld [tilespmem:s1+$0x0];
	_ =	sdelay $0x3  }
0x194: {  	s19 =	rddreg [dreg:$0x18]  }
0x195: {  	s20 =	rddreg [dreg:$0x17];
	s1 =	sadd.s32 s19, s13;
	v3 =	vperm.xlane v3, v0  }
0x196: {  	s1 =	sadd.s32 s20, s1  }
0x197: {  	s1 =	sadd.s32 s15, s1;
	[tilespmem:s2+$0xA400] =	vst v3  }
0x198: {  	v3 =	vld [tilespmem:s1+$0x0];
	_ =	sdelay $0x3  }
0x199: {  	s21 =	rddreg [dreg:$0x1a]  }
0x19a: {  	s22 =	rddreg [dreg:$0x19];
	s1 =	sadd.s32 s21, s13;
	v3 =	vperm.xlane v3, v0  }
0x19b: {  	s1 =	sadd.s32 s22, s1  }
0x19c: {  	s1 =	sadd.s32 s15, s1;
	[tilespmem:s2+$0xA410] =	vst v3  }
0x19d: {  	v3 =	vld [tilespmem:s1+$0x0];
	_ =	sdelay $0x3  }
0x19e: {  	s23 =	rddreg [dreg:$0x1c]  }
0x19f: {  	s24 =	rddreg [dreg:$0x1b];
	s1 =	sadd.s32 s23, s13;
	v3 =	vperm.xlane v3, v0  }
0x1a0: {  	s1 =	sadd.s32 s24, s1  }
0x1a1: {  	s1 =	sadd.s32 s15, s1;
	[tilespmem:s2+$0xA420] =	vst v3  }
0x1a2: {  	v3 =	vld [tilespmem:s1+$0x0];
	_ =	sdelay $0x3  }
0x1a3: {  	s25 =	rddreg [dreg:$0x1e]  }
0x1a4: {  	s26 =	rddreg [dreg:$0x1d];
	s1 =	sadd.s32 s25, s13;
	v3 =	vperm.xlane v3, v0  }
0x1a5: {  	s1 =	sadd.s32 s26, s1  }
0x1a6: {  	s1 =	sadd.s32 s15, s1;
	[tilespmem:s2+$0xA430] =	vst v3  }
0x1a7: {  	v3 =	vld [tilespmem:s1+$0x0];
	_ =	sdelay $0x1  }
0x1a8: {  	s28 =	sld [smem:$0x776];
	_ =	sdelay $0x2  }
0x1a9: {  	s29 =	rddreg [dreg:$0x1f];
	s1 =	sadd.s32 s28, s13;
	v3 =	vperm.xlane v3, v0  }
0x1aa: {  	s1 =	sadd.s32 s29, s1  }
0x1ab: {  	s1 =	sadd.s32 s15, s1;
	[tilespmem:s2+$0xA440] =	vst v3  }
0x1ac: {  	v3 =	vld [tilespmem:s1+$0x0];
	_ =	sdelay $0x4  }
0x1ad: {  	v3 =	vperm.xlane v3, v0;
	_ =	sdelay $0x1  }
0x1ae: {  	[tilespmem:s2+$0xA450] =	vst v3  }
0x1af: {  	v3 =	vld [tilespmem:s8+$0x1000];
	_ =	sdelay $0x1  }
0x1b0: {  	s30 =	sld [smem:$0x778]  }
0x1b1: {  	p5 =	sne.s32 s10, $0x3F;
	s31 =	sld [smem:$0x777]  }
.Ltmp2:
0x1b2: {  	_ = 	snop;
	(pc) =	sbr.rel @p5 .LBB2_2-.Ltmp2, $4  }
0x1b3: {  	s1 =	sadd.s32 s30, s13;
	v3 =	vperm.xlane v3, v0  }
0x1b4: {  	s1 =	sadd.s32 s31, s1  }
0x1b5: {  	s7 =	smov.u32 s10;
	s1 =	sadd.s32 s15, s1;
	[tilespmem:s2+$0xA460] =	vst v3  }
0x1b6: {  	s10 =	sadd.s32 $0x1, s10;
	v3 =	vld [tilespmem:s1+$0x0];
	s1 =	sshrl.u32 s7, $0x3  }
0x1b7: {  	_ = 	snop  }
0x1b8: {  	s1 =	smul.u32 $0x5000, s1;
	_ =	sdelay $0x1  }
0x1b9: {  	s3 =	rddreg [dreg:$0x6];
	s8 =	sshra.s32 s1, $0x2  }
0x1ba: {  	s4 =	rddreg [dreg:$0x5];
	s19 =	sadd.s32 $0x80, s9;
	s1 =	sadd.s32 s3, s8;
	v3 =	vperm.xlane v3, v0  }
0x1bb: {  	s9 =	sand.u32 $0x380, s19;
	s1 =	sadd.s32 s4, s1  }
0x1bc: {  	s1 =	sadd.s32 s9, s1;
	[tilespmem:s2+$0xA470] =	vst v3  }
0x1bd: {  	v3 =	vld [tilespmem:s1+$0x0];
	_ =	sdelay $0x3  }
0x1be: {  	s20 =	rddreg [dreg:$0x8];
	s22 =	sshll.u32 s7, $0x8  }
0x1bf: {  	s21 =	rddreg [dreg:$0x7];
	s3 =	sand.u32 $0x3FFFF800, s22;
	s1 =	sadd.s32 s20, s8;
	v3 =	vperm.xlane v3, v0  }
0x1c0: {  	s2 =	sor.u32 s9, s3;
	s1 =	sadd.s32 s21, s1  }
0x1c1: {  	s1 =	sadd.s32 s9, s1;
	[tilespmem:s2+$0xA000] =	vst v3  }
0x1c2: {  	v3 =	vld [tilespmem:s1+$0x0];
	_ =	sdelay $0x3  }
0x1c3: {  	s23 =	rddreg [dreg:$0xa]  }
0x1c4: {  	s24 =	rddreg [dreg:$0x9];
	s1 =	sadd.s32 s23, s8;
	v3 =	vperm.xlane v3, v0  }
0x1c5: {  	s1 =	sadd.s32 s24, s1  }
0x1c6: {  	s1 =	sadd.s32 s9, s1;
	[tilespmem:s2+$0xA010] =	vst v3  }
0x1c7: {  	v3 =	vld [tilespmem:s1+$0x0];
	_ =	sdelay $0x3  }
0x1c8: {  	s25 =	rddreg [dreg:$0xc]  }
0x1c9: {  	s26 =	rddreg [dreg:$0xb];
	s1 =	sadd.s32 s25, s8;
	v3 =	vperm.xlane v3, v0  }
0x1ca: {  	s1 =	sadd.s32 s26, s1  }
0x1cb: {  	s1 =	sadd.s32 s9, s1;
	[tilespmem:s2+$0xA020] =	vst v3  }
0x1cc: {  	v3 =	vld [tilespmem:s1+$0x0];
	_ =	sdelay $0x3  }
0x1cd: {  	s29 =	rddreg [dreg:$0xe]  }
0x1ce: {  	s30 =	rddreg [dreg:$0xd];
	s1 =	sadd.s32 s29, s8;
	v3 =	vperm.xlane v3, v0  }
0x1cf: {  	s1 =	sadd.s32 s30, s1  }
0x1d0: {  	s1 =	sadd.s32 s9, s1;
	[tilespmem:s2+$0xA030] =	vst v3  }
0x1d1: {  	v3 =	vld [tilespmem:s1+$0x0];
	_ =	sdelay $0x3  }
0x1d2: {  	s31 =	rddreg [dreg:$0x10]  }
0x1d3: {  	s0 =	rddreg [dreg:$0xf];
	s1 =	sadd.s32 s31, s8;
	v3 =	vperm.xlane v3, v0  }
0x1d4: {  	s1 =	sadd.s32 s0, s1  }
0x1d5: {  	s1 =	sadd.s32 s9, s1;
	[tilespmem:s2+$0xA040] =	vst v3  }
0x1d6: {  	v3 =	vld [tilespmem:s1+$0x0];
	_ =	sdelay $0x3  }
0x1d7: {  	s4 =	rddreg [dreg:$0x12]  }
0x1d8: {  	s5 =	rddreg [dreg:$0x11];
	s1 =	sadd.s32 s4, s8;
	v3 =	vperm.xlane v3, v0  }
0x1d9: {  	s1 =	sadd.s32 s5, s1  }
0x1da: {  	s1 =	sadd.s32 s9, s1;
	[tilespmem:s2+$0xA050] =	vst v3  }
0x1db: {  	v3 =	vld [tilespmem:s1+$0xC00];
	_ =	sdelay $0x3  }
0x1dc: {  	s6 =	rddreg [dreg:$0x14]  }
0x1dd: {  	s7 =	rddreg [dreg:$0x13];
	s3 =	sadd.s32 s6, s8;
	v3 =	vperm.xlane v3, v0  }
0x1de: {  	s3 =	sadd.s32 s7, s3  }
0x1df: {  	s3 =	sadd.s32 s9, s3;
	[tilespmem:s2+$0xA060] =	vst v3  }
0x1e0: {  	v3 =	vld [tilespmem:s3+$0x0];
	_ =	sdelay $0x3  }
0x1e1: {  	s10 =	rddreg [dreg:$0x16]  }
0x1e2: {  	s11 =	rddreg [dreg:$0x15];
	s3 =	sadd.s32 s10, s8;
	v3 =	vperm.xlane v3, v0  }
0x1e3: {  	s3 =	sadd.s32 s11, s3  }
0x1e4: {  	s3 =	sadd.s32 s9, s3;
	[tilespmem:s2+$0xA070] =	vst v3  }
0x1e5: {  	v3 =	vld [tilespmem:s3+$0x0];
	_ =	sdelay $0x3  }
0x1e6: {  	s12 =	rddreg [dreg:$0x18]  }
0x1e7: {  	s13 =	rddreg [dreg:$0x17];
	s3 =	sadd.s32 s12, s8;
	v3 =	vperm.xlane v3, v0  }
0x1e8: {  	s3 =	sadd.s32 s13, s3  }
0x1e9: {  	s3 =	sadd.s32 s9, s3;
	[tilespmem:s2+$0xA400] =	vst v3  }
0x1ea: {  	v3 =	vld [tilespmem:s3+$0x0];
	_ =	sdelay $0x3  }
0x1eb: {  	s14 =	rddreg [dreg:$0x1a]  }
0x1ec: {  	s15 =	rddreg [dreg:$0x19];
	s3 =	sadd.s32 s14, s8;
	v3 =	vperm.xlane v3, v0  }
0x1ed: {  	s3 =	sadd.s32 s15, s3  }
0x1ee: {  	s3 =	sadd.s32 s9, s3;
	[tilespmem:s2+$0xA410] =	vst v3  }
0x1ef: {  	v3 =	vld [tilespmem:s3+$0x0];
	_ =	sdelay $0x3  }
0x1f0: {  	s16 =	rddreg [dreg:$0x1c]  }
0x1f1: {  	s17 =	rddreg [dreg:$0x1b];
	s3 =	sadd.s32 s16, s8;
	v3 =	vperm.xlane v3, v0  }
0x1f2: {  	s3 =	sadd.s32 s17, s3  }
0x1f3: {  	s3 =	sadd.s32 s9, s3;
	[tilespmem:s2+$0xA420] =	vst v3  }
0x1f4: {  	v3 =	vld [tilespmem:s3+$0x0];
	_ =	sdelay $0x3  }
0x1f5: {  	s18 =	rddreg [dreg:$0x1e]  }
0x1f6: {  	s19 =	rddreg [dreg:$0x1d];
	s3 =	sadd.s32 s18, s8;
	v3 =	vperm.xlane v3, v0  }
0x1f7: {  	s3 =	sadd.s32 s19, s3  }
0x1f8: {  	s3 =	sadd.s32 s9, s3;
	[tilespmem:s2+$0xA430] =	vst v3  }
0x1f9: {  	v3 =	vld [tilespmem:s3+$0x0];
	_ =	sdelay $0x1  }
0x1fa: {  	s20 =	sld [smem:$0x776];
	_ =	sdelay $0x2  }
0x1fb: {  	s21 =	rddreg [dreg:$0x1f];
	s3 =	sadd.s32 s20, s8;
	v3 =	vperm.xlane v3, v0  }
0x1fc: {  	s3 =	sadd.s32 s21, s3  }
0x1fd: {  	s3 =	sadd.s32 s9, s3;
	[tilespmem:s2+$0xA440] =	vst v3  }
0x1fe: {  	v3 =	vld [tilespmem:s3+$0x0];
	_ =	sdelay $0x4  }
0x1ff: {  	v3 =	vperm.xlane v3, v0;
	_ =	sdelay $0x1  }
0x200: {  	[tilespmem:s2+$0xA450] =	vst v3  }
0x201: {  	v3 =	vld [tilespmem:s1+$0x1000];
	_ =	sdelay $0x1  }
0x202: {  	s22 =	sld [smem:$0x778]  }
0x203: {  	s23 =	sld [smem:$0x777];
	_ =	sdelay $0x1  }
0x204: {  	s1 =	sadd.s32 s22, s8;
	v3 =	vperm.xlane v3, v0  }
0x205: {  	s1 =	sadd.s32 s23, s1  }
0x206: {  	s1 =	sadd.s32 s9, s1;
	[tilespmem:s2+$0xA460] =	vst v3  }
0x207: {  	v3 =	vld [tilespmem:s1+$0x0];
	_ =	sdelay $0x2  }
0x208: {  	s7 =	sld [smem:$0x7DD]  }
0x209: {  	s0 =	sld [smem:$0x7C8]  }
0x20a: {  	s6 =	rddreg [dreg:$0x3];
	v3 =	vperm.xlane v3, v0  }
0x20b: {  	s25 =	simm.s32 $0x800;
	s26 =	simm.s32 $0x4000;
	s29 =	simm.s32 $0xA000  }
0x20c: {  	s24 =	sadd.s32 s0, s7;
	s0 =	stileid.u32;
	[tilespmem:s2+$0xA470] =	vst v3;
	s2 =	sld [smem:$0x7BA]  }
0x20d: {  	s4 =	simm.s32 @!p3 $0x40;
	s5 =	simm.s32 @!p3 $0x800;
	s1 =	sshll.u32 @!p3 s0, $0x6  }
0x20e: {  	[hbm4b:s24+s25] =	stream.strided.scatter [tilespmem:s29], [sflag:$0x1], $0x4000, s26, s25, $0x38;
	[tilespmem:$0x1A000] =	vst v63  }
0x20f: {  	s3 =	sshrl.u32 @!p3 s6, $0x3;
	s1 =	sor.u32 @!p3 $0x1C02, s1;
	s2 =	sadd.s32 @!p3 s2, s7  }
0x210: {  	[hbm:s2@s5], [sflag:s1] =	dma.strided @!p3 [spmem:s3@s5], $0x2000, s4, $0x10   }
0x211: {  	s1 =	sld [smem:$0x7BE];
	_ =	sdelay $0x2  }
0x212: {  	s5 =	rddreg [dreg:$0x2];
	p1 =	seq.s32 s1, $0x1  }
0x213: {  	s1 =	sshll.u32 @!p1 s0, $0x6;
	s2 =	sshrl.u32 @!p1 s5, $0x3  }
0x214: {  	s3 =	simm.s32 @!p1 $0x40;
	s4 =	simm.s32 @!p1 $0x800;
	s1 =	sor.u32 @!p1 $0x1C02, s1  }
0x215: {  	[hbm:s7@s4], [sflag:s1] =	dma.strided @!p1 [spmem:s2@s4], $0x2000, s3, $0x10   }
0x216: {  	s1 =	sld [smem:$0x7C0];
	_ =	sdelay $0x2  }
0x217: {  	s7 =	sld [smem:$0x7C1];
	p1 =	seq.s32 s1, $0x1  }
0x218: {  	s1 =	sshll.u32 @!p1 s0, $0x6;
	s2 =	sshrl.u32 @!p1 s5, $0x3  }
0x219: {  	s3 =	simm.s32 @!p1 $0x20;
	s4 =	simm.s32 @!p1 $0x800;
	s1 =	sor.u32 @!p1 $0x1C02, s1  }
0x21a: {  	[hbm:s7@s4], [sflag:s1] =	dma.strided @!p1 [spmem:s2@s4], $0x1000, s3, $0x10   }
0x21b: {  	s1 =	sld [smem:$0x7C2];
	_ =	sdelay $0x2  }
0x21c: {  	s7 =	sld [smem:$0x7C3];
	p1 =	seq.s32 s1, $0x1  }
0x21d: {  	s1 =	sshll.u32 @!p1 s0, $0x6;
	s2 =	sshrl.u32 @!p1 s6, $0x3  }
0x21e: {  	s3 =	simm.s32 @!p1 $0x20;
	s4 =	simm.s32 @!p1 $0x800;
	s1 =	sor.u32 @!p1 $0x1C02, s1  }
0x21f: {  	[hbm:s7@s4], [sflag:s1] =	dma.strided @!p1 [spmem:s2@s4], $0x1000, s3, $0x10   }
0x220: {  	s1 =	sld [smem:$0x7C4];
	_ =	sdelay $0x2  }
0x221: {  	s7 =	sld [smem:$0x7C5];
	p1 =	seq.s32 s1, $0x1  }
0x222: {  	s1 =	sshll.u32 @!p1 s0, $0x6;
	s2 =	sshrl.u32 @!p1 s5, $0x3  }
0x223: {  	s3 =	simm.s32 @!p1 $0x10;
	s4 =	simm.s32 @!p1 $0x800;
	s1 =	sor.u32 @!p1 $0x1C02, s1  }
0x224: {  	[hbm:s7@s4], [sflag:s1] =	dma.strided @!p1 [spmem:s2@s4], $0x800, s3, $0x10   }
0x225: {  	s1 =	sld [smem:$0x7C6];
	_ =	sdelay $0x2  }
0x226: {  	s7 =	sld [smem:$0x7C7];
	p1 =	seq.s32 s1, $0x1  }
0x227: {  	s1 =	sshll.u32 @!p1 s0, $0x6;
	s2 =	sshrl.u32 @!p1 s6, $0x3  }
0x228: {  	s3 =	simm.s32 @!p1 $0x10;
	s4 =	simm.s32 @!p1 $0x800;
	s1 =	sor.u32 @!p1 $0x1C02, s1  }
0x229: {  	[hbm:s7@s4], [sflag:s1] =	dma.strided @!p1 [spmem:s2@s4], $0x800, s3, $0x10   }
0x22a: {  	s1 =	sld [smem:$0x7C9];
	_ =	sdelay $0x2  }
0x22b: {  	p1 =	seq.s32 s1, $0x1  }
0x22c: {  	s2 =	sshrl.u32 @!p1 s5, $0x3;
	s5 =	sld [smem:$0x7CA]  }
0x22d: {  	s1 =	sshll.u32 @!p1 s0, $0x6  }
0x22e: {  	s3 =	simm.s32 @!p1 $0x8;
	s4 =	simm.s32 @!p1 $0x800;
	s1 =	sor.u32 @!p1 $0x1C02, s1  }
0x22f: {  	[hbm:s5@s4], [sflag:s1] =	dma.strided @!p1 [spmem:s2@s4], $0x400, s3, $0x10   }
0x230: {  	s1 =	sld [smem:$0x7CB];
	_ =	sdelay $0x2  }
0x231: {  	p1 =	seq.s32 s1, $0x1  }
0x232: {  	s1 =	sshll.u32 @!p1 s0, $0x6;
	s0 =	sld [smem:$0x7CC]  }
0x233: {  	s2 =	sshrl.u32 @!p1 s6, $0x3  }
0x234: {  	s3 =	simm.s32 @!p1 $0x8;
	s4 =	simm.s32 @!p1 $0x800;
	s1 =	sor.u32 @!p1 $0x1C02, s1  }
0x235: {  	[hbm:s0@s4], [sflag:s1] =	dma.strided @!p1 [spmem:s2@s4], $0x400, s3, $0x10   }
0x236: {  	s30 =	simm.s32 $0x0;
	s1 =	sld [smem:$0x779]  }
0x237: {  	s2 =	smul.u32 $0x5000, s30;
	s3 =	sld [smem:$0x77A]  }
0x238: {  	s4 =	sld [smem:$0x77C]  }
0x239: {  	s31 =	sld [smem:$0x77B];
	s8 =	sshra.s32 s2, $0x2  }
0x23a: {  	s23 =	simm.s32 $0x0;
	s2 =	sadd.s32 s3, s8  }
0x23b: {  	s7 =	sand.u32 $0x380, s23;
	s0 =	sadd.s32 s4, s8;
	s1 =	sadd.s32 s1, s2  }
0x23c: {  	s3 =	sadd.s32 s31, s0;
	s1 =	sadd.s32 s7, s1  }
0x23d: {  	s3 =	sadd.s32 s7, s3;
	v3 =	vld [tilespmem:s1+$0x0]  }
0x23e: {  	v4 =	vld [tilespmem:s3+$0x0];
	_ =	sdelay $0x3  }
0x23f: {  	s4 =	sld [smem:$0x77E]  }
0x240: {  	s5 =	sld [smem:$0x77D];
	v3 =	vperm.xlane v3, v1;
	v4 =	vperm.xlane v4, v1  }
0x241: {  	s6 =	sand.u32 $0x3800, s23  }
0x242: {  	s2 =	sor.u32 s7, s6;
	s1 =	sadd.s32 s4, s8;
	v3 =	vsel vm0, v3, v4  }
0x243: {  	s1 =	sadd.s32 s5, s1;
	[tilespmem:s2+$0xE000] =	vst v3  }
0x244: {  	s1 =	sadd.s32 s7, s1;
	v3 =	vld [tilespmem:s3+$0x0]  }
0x245: {  	v4 =	vld [tilespmem:s1+$0x0];
	_ =	sdelay $0x3  }
0x246: {  	s9 =	sld [smem:$0x780]  }
0x247: {  	s10 =	sld [smem:$0x77F];
	v3 =	vperm.xlane v3, v1;
	v4 =	vperm.xlane v4, v1;
	_ =	sdelay $0x1  }
0x248: {  	s3 =	sadd.s32 s9, s8;
	v3 =	vsel vm0, v3, v4  }
0x249: {  	s3 =	sadd.s32 s10, s3;
	[tilespmem:s2+$0xE010] =	vst v3  }
0x24a: {  	s3 =	sadd.s32 s7, s3;
	v3 =	vld [tilespmem:s1+$0x0]  }
0x24b: {  	v4 =	vld [tilespmem:s3+$0x0];
	_ =	sdelay $0x3  }
0x24c: {  	s11 =	sld [smem:$0x782]  }
0x24d: {  	s12 =	sld [smem:$0x781];
	v3 =	vperm.xlane v3, v1;
	v4 =	vperm.xlane v4, v1;
	_ =	sdelay $0x1  }
0x24e: {  	s1 =	sadd.s32 s11, s8;
	v3 =	vsel vm0, v3, v4  }
0x24f: {  	s1 =	sadd.s32 s12, s1;
	[tilespmem:s2+$0xE020] =	vst v3  }
0x250: {  	s1 =	sadd.s32 s7, s1;
	v3 =	vld [tilespmem:s3+$0x0]  }
0x251: {  	v4 =	vld [tilespmem:s1+$0x0];
	_ =	sdelay $0x3  }
0x252: {  	s13 =	sld [smem:$0x784]  }
0x253: {  	s14 =	sld [smem:$0x783];
	v3 =	vperm.xlane v3, v1;
	v4 =	vperm.xlane v4, v1;
	_ =	sdelay $0x1  }
0x254: {  	s3 =	sadd.s32 s13, s8;
	v3 =	vsel vm0, v3, v4  }
0x255: {  	s3 =	sadd.s32 s14, s3;
	[tilespmem:s2+$0xE030] =	vst v3  }
0x256: {  	s3 =	sadd.s32 s7, s3;
	v3 =	vld [tilespmem:s1+$0x0]  }
0x257: {  	v4 =	vld [tilespmem:s3+$0x0];
	_ =	sdelay $0x3  }
0x258: {  	s15 =	sld [smem:$0x786]  }
0x259: {  	s16 =	sld [smem:$0x785];
	v3 =	vperm.xlane v3, v1;
	v4 =	vperm.xlane v4, v1;
	_ =	sdelay $0x1  }
0x25a: {  	s1 =	sadd.s32 s15, s8;
	v3 =	vsel vm0, v3, v4  }
0x25b: {  	s1 =	sadd.s32 s16, s1;
	[tilespmem:s2+$0xE040] =	vst v3  }
0x25c: {  	s1 =	sadd.s32 s7, s1;
	v3 =	vld [tilespmem:s3+$0x0]  }
0x25d: {  	v4 =	vld [tilespmem:s1+$0x0];
	_ =	sdelay $0x3  }
0x25e: {  	s17 =	sld [smem:$0x788]  }
0x25f: {  	s18 =	sld [smem:$0x787];
	v3 =	vperm.xlane v3, v1;
	v4 =	vperm.xlane v4, v1;
	_ =	sdelay $0x1  }
0x260: {  	s3 =	sadd.s32 s17, s8;
	v3 =	vsel vm0, v3, v4  }
0x261: {  	s3 =	sadd.s32 s18, s3;
	[tilespmem:s2+$0xE050] =	vst v3  }
0x262: {  	s18 =	sadd.s32 s7, s3;
	v3 =	vld [tilespmem:s1+$0x0]  }
0x263: {  	v4 =	vld [tilespmem:s18+$0xC00];
	_ =	sdelay $0x3  }
0x264: {  	s19 =	sld [smem:$0x78A]  }
0x265: {  	s20 =	sld [smem:$0x789];
	v3 =	vperm.xlane v3, v1;
	v4 =	vperm.xlane v4, v1;
	_ =	sdelay $0x1  }
0x266: {  	s1 =	sadd.s32 s19, s8;
	v3 =	vsel vm0, v3, v4  }
0x267: {  	s1 =	sadd.s32 s20, s1;
	[tilespmem:s2+$0xE060] =	vst v3  }
0x268: {  	s1 =	sadd.s32 s7, s1;
	v3 =	vld [tilespmem:s18+$0xC00]  }
0x269: {  	v4 =	vld [tilespmem:s1+$0x0]  }
0x26a: {  	s21 =	sld [smem:$0x78B]  }
0x26b: {  	s22 =	sld [smem:$0x798]  }
0x26c: {  	s24 =	sld [smem:$0x799]  }
0x26d: {  	s25 =	sld [smem:$0x78C]  }
0x26e: {  	s26 =	sld [smem:$0x794];
	v3 =	vperm.xlane v3, v1;
	v4 =	vperm.xlane v4, v1  }
0x26f: {  	s29 =	sld [smem:$0x78E]  }
0x270: {  	s30 =	sld [smem:$0x78D];
	s6 =	sadd.s32 s25, s8;
	v3 =	vsel vm0, v3, v4  }
0x271: {  	s31 =	sld [smem:$0x795];
	s3 =	sadd.s32 s21, s6;
	[tilespmem:s2+$0xE070] =	vst v3  }
0x272: {  	s10 =	sld [smem:$0x792];
	s3 =	sadd.s32 s7, s3;
	v3 =	vld [tilespmem:s1+$0x0]  }
0x273: {  	s12 =	sld [smem:$0x791];
	v4 =	vld [tilespmem:s3+$0x0]  }
0x274: {  	s13 =	sld [smem:$0x790]  }
0x275: {  	s5 =	sadd.s32 s24, s8;
	s15 =	sld [smem:$0x793]  }
0x276: {  	s4 =	sadd.s32 s22, s5;
	s14 =	sld [smem:$0x78F]  }
0x277: {  	s9 =	sadd.s32 s26, s8;
	s26 =	simm.s32 $0x1;
	s11 =	sld [smem:$0x796]  }
0x278: {  	s10 =	sadd.s32 s10, s8;
	s13 =	sadd.s32 s13, s8;
	s9 =	sadd.s32 s15, s9;
	v3 =	vperm.xlane v3, v1;
	v4 =	vperm.xlane v4, v1  }
0x279: {  	s10 =	sadd.s32 s12, s10;
	s14 =	sadd.s32 s14, s13;
	s28 =	sadd.s32 s7, s9  }
0x27a: {  	s17 =	sadd.s32 s7, s4;
	s6 =	sadd.s32 s29, s8;
	s8 =	sadd.s32 s11, s8;
	v3 =	vsel vm0, v3, v4  }
0x27b: {  	s11 =	sadd.s32 s7, s14;
	s15 =	sadd.s32 s31, s8;
	s1 =	sadd.s32 s30, s6;
	[tilespmem:s2+$0xE400] =	vst v3  }
0x27c: {  	s8 =	sadd.s32 s7, s10;
	s12 =	sadd.s32 s7, s1;
	s1 =	simm.s32 $0x0;
	v3 =	vld [tilespmem:s3+$0x0]  }
.LBB2_4:
0x27d: {  	v4 =	vld [tilespmem:s12+$0x0];
	_ =	sdelay $0x4  }
0x27e: {  	v3 =	vperm.xlane v3, v1;
	v4 =	vperm.xlane v4, v1;
	_ =	sdelay $0x1  }
0x27f: {  	v3 =	vsel vm0, v3, v4  }
0x280: {  	[tilespmem:s2+$0xE410] =	vst v3  }
0x281: {  	v3 =	vld [tilespmem:s12+$0x0]  }
0x282: {  	v4 =	vld [tilespmem:s11+$0x0];
	_ =	sdelay $0x1  }
0x283: {  	[smem:$0x773] =	sst s18  }
0x284: {  	s0 =	sld [smem:$0x78B]  }
0x285: {  	s9 =	sadd.s32 $0x100, s23;
	s23 =	sld [smem:$0x798]  }
0x286: {  	s5 =	sld [smem:$0x799];
	v3 =	vperm.xlane v3, v1;
	v4 =	vperm.xlane v4, v1  }
0x287: {  	s4 =	sld [smem:$0x794]  }
0x288: {  	s24 =	sld [smem:$0x795];
	v3 =	vsel vm0, v3, v4  }
0x289: {  	s25 =	sld [smem:$0x796];
	[tilespmem:s2+$0xE420] =	vst v3  }
0x28a: {  	s19 =	sld [smem:$0x793];
	v3 =	vld [tilespmem:s8+$0x0]  }
0x28b: {  	s10 =	sld [smem:$0x78F];
	v4 =	vld [tilespmem:s11+$0x0]  }
0x28c: {  	s16 =	sld [smem:$0x78E]  }
0x28d: {  	s20 =	sld [smem:$0x78D]  }
0x28e: {  	s29 =	sld [smem:$0x779]  }
0x28f: {  	s22 =	sld [smem:$0x77A]  }
0x290: {  	s31 =	sld [smem:$0x77C];
	v3 =	vperm.xlane v3, v1;
	v4 =	vperm.xlane v4, v1  }
0x291: {  	s3 =	smov.u32 s26;
	s30 =	sld [smem:$0x77B]  }
0x292: {  	s13 =	sld [smem:$0x77E];
	s3 =	sshrl.u32 s3, $0x3;
	v3 =	vsel vm0, v4, v3  }
0x293: {  	s21 =	smul.u32 $0x5000, s3;
	s3 =	sadd.s32 s7, s15;
	s15 =	sld [smem:$0x77D];
	[tilespmem:s2+$0xE430] =	vst v3  }
0x294: {  	s1 =	sadd.s32 $0x80, s1;
	[smem:$0x770] =	sst s0;
	v3 =	vld [tilespmem:s8+$0x0]  }
0x295: {  	[smem:$0x775] =	sst s1;
	v4 =	vld [tilespmem:s28+$0x0]  }
0x296: {  	[smem:$0x772] =	sst s23  }
0x297: {  	[smem:$0x771] =	sst s24  }
0x298: {  	[smem:$0x76F] =	sst s25  }
0x299: {  	s24 =	sld [smem:$0x780]  }
0x29a: {  	s25 =	sld [smem:$0x77F];
	s21 =	sshra.s32 s21, $0x2;
	v3 =	vperm.xlane v3, v1;
	v4 =	vperm.xlane v4, v1  }
0x29b: {  	s23 =	sld [smem:$0x782];
	s31 =	sadd.s32 s31, s21  }
0x29c: {  	s0 =	sadd.s32 s30, s31;
	s30 =	sadd.s32 s13, s21;
	s12 =	sld [smem:$0x790];
	v3 =	vsel vm0, v3, v4  }
0x29d: {  	s22 =	sadd.s32 s22, s21;
	s15 =	sadd.s32 s15, s30;
	s30 =	sld [smem:$0x784];
	[tilespmem:s2+$0xE440] =	vst v3  }
0x29e: {  	s7 =	sand.u32 $0x380, s1;
	s18 =	sadd.s32 s29, s22;
	s29 =	sld [smem:$0x786];
	v3 =	vld [tilespmem:s28+$0x0]  }
0x29f: {  	s31 =	sadd.s32 s7, s0;
	s0 =	sadd.s32 s24, s21;
	s12 =	sadd.s32 s12, s21;
	v4 =	vld [tilespmem:s3+$0x0]  }
0x2a0: {  	s0 =	sadd.s32 s25, s0;
	s25 =	sadd.s32 s10, s12;
	s12 =	sadd.s32 s30, s21  }
0x2a1: {  	s30 =	sld [smem:$0x78C];
	s11 =	sadd.s32 s23, s21;
	s23 =	sadd.s32 s16, s21  }
0x2a2: {  	s1 =	sadd.s32 s5, s21;
	s5 =	sadd.s32 s20, s23;
	s20 =	sld [smem:$0x78A]  }
0x2a3: {  	s8 =	sadd.s32 s29, s21;
	s29 =	sld [smem:$0x76F]  }
0x2a4: {  	s10 =	sadd.s32 s4, s21;
	v3 =	vperm.xlane v3, v1;
	v4 =	vperm.xlane v4, v1  }
0x2a5: {  	s10 =	sadd.s32 s19, s10;
	s19 =	sadd.s32 s30, s21  }
0x2a6: {  	s30 =	sadd.s32 s29, s21;
	s29 =	sadd.s32 s20, s21;
	s20 =	sld [smem:$0x773];
	v3 =	vsel vm0, v3, v4  }
0x2a7: {  	[tilespmem:s2+$0xE450] =	vst v3  }
0x2a8: {  	v3 =	vld [tilespmem:s3+$0x0]  }
0x2a9: {  	v4 =	vld [tilespmem:s20+$0x1000];
	_ =	sdelay $0x4  }
0x2aa: {  	v3 =	vperm.xlane v3, v1;
	v4 =	vperm.xlane v4, v1;
	_ =	sdelay $0x1  }
0x2ab: {  	v3 =	vsel vm0, v3, v4  }
0x2ac: {  	[tilespmem:s2+$0xE460] =	vst v3  }
0x2ad: {  	s13 =	smov.u32 s17;
	v3 =	vld [tilespmem:s20+$0x1000]  }
0x2ae: {  	v4 =	vld [tilespmem:s13+$0x0];
	_ =	sdelay $0x4  }
0x2af: {  	v3 =	vperm.xlane v3, v1;
	v4 =	vperm.xlane v4, v1;
	_ =	sdelay $0x1  }
0x2b0: {  	v3 =	vsel vm0, v3, v4  }
0x2b1: {  	s18 =	sadd.s32 s7, s18;
	[tilespmem:s2+$0xE470] =	vst v3  }
0x2b2: {  	v3 =	vld [tilespmem:s18+$0x0]  }
0x2b3: {  	v4 =	vld [tilespmem:s31+$0x0];
	_ =	sdelay $0x4  }
0x2b4: {  	s23 =	sand.u32 $0x3800, s9;
	v3 =	vperm.xlane v3, v1;
	v4 =	vperm.xlane v4, v1  }
0x2b5: {  	[smem:$0x774] =	sst s5;
	s5 =	sor.u32 s7, s23  }
0x2b6: {  	s2 =	smov.u32 s5;
	v3 =	vsel vm0, v3, v4  }
0x2b7: {  	[tilespmem:s2+$0xE000] =	vst v3  }
0x2b8: {  	s4 =	sadd.s32 s7, s15;
	v3 =	vld [tilespmem:s31+$0x0]  }
0x2b9: {  	v4 =	vld [tilespmem:s4+$0x0]  }
0x2ba: {  	s14 =	sld [smem:$0x792]  }
0x2bb: {  	s6 =	sld [smem:$0x791];
	_ =	sdelay $0x1  }
0x2bc: {  	s14 =	sadd.s32 s14, s21  }
0x2bd: {  	s14 =	sadd.s32 s6, s14;
	s6 =	sld [smem:$0x785];
	v3 =	vperm.xlane v3, v1;
	v4 =	vperm.xlane v4, v1  }
0x2be: {  	s23 =	sld [smem:$0x789]  }
0x2bf: {  	v3 =	vsel vm0, v3, v4  }
0x2c0: {  	s6 =	sadd.s32 s6, s8;
	[tilespmem:s2+$0xE010] =	vst v3  }
0x2c1: {  	s8 =	sadd.s32 s23, s29;
	s23 =	smov.u32 s9;
	s9 =	sadd.s32 s7, s0;
	v3 =	vld [tilespmem:s4+$0x0]  }
0x2c2: {  	v4 =	vld [tilespmem:s9+$0x0];
	_ =	sdelay $0x4  }
0x2c3: {  	s22 =	sld [smem:$0x781];
	v3 =	vperm.xlane v3, v1;
	v4 =	vperm.xlane v4, v1;
	_ =	sdelay $0x1  }
0x2c4: {  	v3 =	vsel vm0, v3, v4  }
0x2c5: {  	s11 =	sadd.s32 s22, s11;
	[tilespmem:s2+$0xE020] =	vst v3  }
0x2c6: {  	s22 =	sadd.s32 s7, s11;
	v3 =	vld [tilespmem:s9+$0x0]  }
0x2c7: {  	v4 =	vld [tilespmem:s22+$0x0];
	_ =	sdelay $0x4  }
0x2c8: {  	s24 =	sld [smem:$0x783];
	v3 =	vperm.xlane v3, v1;
	v4 =	vperm.xlane v4, v1  }
0x2c9: {  	s17 =	sld [smem:$0x788]  }
0x2ca: {  	v3 =	vsel vm0, v3, v4  }
0x2cb: {  	s24 =	sadd.s32 s24, s12;
	[tilespmem:s2+$0xE030] =	vst v3  }
0x2cc: {  	s17 =	sadd.s32 s17, s21;
	s21 =	sadd.s32 s7, s24;
	v3 =	vld [tilespmem:s22+$0x0]  }
0x2cd: {  	v4 =	vld [tilespmem:s21+$0x0];
	_ =	sdelay $0x4  }
0x2ce: {  	v3 =	vperm.xlane v3, v1;
	v4 =	vperm.xlane v4, v1;
	_ =	sdelay $0x1  }
0x2cf: {  	v3 =	vsel vm0, v3, v4  }
0x2d0: {  	[tilespmem:s2+$0xE040] =	vst v3  }
0x2d1: {  	s29 =	sadd.s32 s7, s6;
	v3 =	vld [tilespmem:s21+$0x0]  }
0x2d2: {  	v4 =	vld [tilespmem:s29+$0x0];
	_ =	sdelay $0x4  }
0x2d3: {  	s16 =	sld [smem:$0x787];
	v3 =	vperm.xlane v3, v1;
	v4 =	vperm.xlane v4, v1;
	_ =	sdelay $0x1  }
0x2d4: {  	v3 =	vsel vm0, v3, v4  }
0x2d5: {  	s12 =	sadd.s32 s16, s17;
	[tilespmem:s2+$0xE050] =	vst v3  }
0x2d6: {  	s18 =	sadd.s32 s7, s12;
	v3 =	vld [tilespmem:s29+$0x0]  }
0x2d7: {  	v4 =	vld [tilespmem:s18+$0xC00];
	_ =	sdelay $0x4  }
0x2d8: {  	v3 =	vperm.xlane v3, v1;
	v4 =	vperm.xlane v4, v1;
	_ =	sdelay $0x1  }
0x2d9: {  	v3 =	vsel vm0, v3, v4  }
0x2da: {  	[tilespmem:s2+$0xE060] =	vst v3  }
0x2db: {  	s31 =	sadd.s32 s7, s8;
	v3 =	vld [tilespmem:s18+$0xC00]  }
0x2dc: {  	v4 =	vld [tilespmem:s31+$0x0];
	_ =	sdelay $0x2  }
0x2dd: {  	s17 =	sld [smem:$0x771];
	_ =	sdelay $0x1  }
0x2de: {  	s16 =	sld [smem:$0x770];
	v3 =	vperm.xlane v3, v1;
	v4 =	vperm.xlane v4, v1  }
0x2df: {  	s15 =	sadd.s32 s17, s30;
	s30 =	sld [smem:$0x772]  }
0x2e0: {  	v3 =	vsel vm0, v3, v4  }
0x2e1: {  	s16 =	sadd.s32 s16, s19;
	[tilespmem:s2+$0xE070] =	vst v3  }
0x2e2: {  	s1 =	sadd.s32 s30, s1;
	s30 =	sadd.s32 s7, s16;
	v3 =	vld [tilespmem:s31+$0x0]  }
0x2e3: {  	v4 =	vld [tilespmem:s30+$0x0];
	_ =	sdelay $0x3  }
0x2e4: {  	p5 =	sne.s32 s26, $0x3F  }
.Ltmp3:
0x2e5: {  	v3 =	vperm.xlane v3, v1;
	v4 =	vperm.xlane v4, v1;
	(pc) =	sbr.rel @p5 .LBB2_4-.Ltmp3, $4  }
0x2e6: {  	s24 =	sld [smem:$0x774]  }
0x2e7: {  	s26 =	sadd.s32 $0x1, s26;
	s1 =	sadd.s32 s7, s1;
	v3 =	vsel vm0, v3, v4  }
0x2e8: {  	s11 =	sadd.s32 s7, s25;
	s17 =	smov.u32 s1;
	s28 =	sadd.s32 s7, s10;
	[tilespmem:s2+$0xE400] =	vst v3  }
0x2e9: {  	s1 =	sld [smem:$0x775];
	s12 =	sadd.s32 s7, s24;
	s8 =	sadd.s32 s7, s14;
	v3 =	vld [tilespmem:s30+$0x0]  }
0x2ea: {  	v4 =	vld [tilespmem:s12+$0x0];
	_ =	sdelay $0x4  }
0x2eb: {  	v3 =	vperm.xlane v3, v1;
	v4 =	vperm.xlane v4, v1;
	_ =	sdelay $0x1  }
0x2ec: {  	v3 =	vsel vm0, v3, v4  }
0x2ed: {  	[tilespmem:s2+$0xE410] =	vst v3  }
0x2ee: {  	v3 =	vld [tilespmem:s12+$0x0]  }
0x2ef: {  	v4 =	vld [tilespmem:s11+$0x0];
	_ =	sdelay $0x4  }
0x2f0: {  	v3 =	vperm.xlane v3, v1;
	v4 =	vperm.xlane v4, v1;
	_ =	sdelay $0x1  }
0x2f1: {  	v3 =	vsel vm0, v3, v4  }
0x2f2: {  	[tilespmem:s2+$0xE420] =	vst v3  }
0x2f3: {  	v3 =	vld [tilespmem:s8+$0x0]  }
0x2f4: {  	v4 =	vld [tilespmem:s11+$0x0];
	_ =	sdelay $0x4  }
0x2f5: {  	v3 =	vperm.xlane v3, v1;
	v4 =	vperm.xlane v4, v1;
	_ =	sdelay $0x1  }
0x2f6: {  	v3 =	vsel vm0, v4, v3  }
0x2f7: {  	[tilespmem:s2+$0xE430] =	vst v3  }
0x2f8: {  	v3 =	vld [tilespmem:s8+$0x0]  }
0x2f9: {  	v4 =	vld [tilespmem:s28+$0x0];
	_ =	sdelay $0x4  }
0x2fa: {  	v3 =	vperm.xlane v3, v1;
	v4 =	vperm.xlane v4, v1;
	_ =	sdelay $0x1  }
0x2fb: {  	v3 =	vsel vm0, v3, v4  }
0x2fc: {  	[tilespmem:s2+$0xE440] =	vst v3  }
0x2fd: {  	s0 =	sadd.s32 s7, s15;
	v3 =	vld [tilespmem:s28+$0x0]  }
0x2fe: {  	v4 =	vld [tilespmem:s0+$0x0];
	_ =	sdelay $0x4  }
0x2ff: {  	v3 =	vperm.xlane v3, v1;
	v4 =	vperm.xlane v4, v1;
	_ =	sdelay $0x1  }
0x300: {  	v3 =	vsel vm0, v3, v4  }
0x301: {  	[tilespmem:s2+$0xE450] =	vst v3  }
0x302: {  	v3 =	vld [tilespmem:s0+$0x0]  }
0x303: {  	v4 =	vld [tilespmem:s18+$0x1000];
	_ =	sdelay $0x4  }
0x304: {  	v3 =	vperm.xlane v3, v1;
	v4 =	vperm.xlane v4, v1;
	_ =	sdelay $0x1  }
0x305: {  	v3 =	vsel vm0, v3, v4  }
0x306: {  	[tilespmem:s2+$0xE460] =	vst v3  }
0x307: {  	v3 =	vld [tilespmem:s18+$0x1000]  }
0x308: {  	v4 =	vld [tilespmem:s17+$0x0];
	_ =	sdelay $0x3  }
0x309: {  	s20 =	sld [smem:$0x7D3]  }
0x30a: {  	s7 =	sld [smem:$0x7DB];
	v3 =	vperm.xlane v3, v1;
	v4 =	vperm.xlane v4, v1;
	_ =	sdelay $0x1  }
0x30b: {  	s1 =	simm.s32 $0x800;
	v3 =	vsel vm0, v3, v4  }
0x30c: {  	s21 =	simm.s32 $0x4000;
	s3 =	simm.s32 $0xE000;
	s0 =	sadd.s32 s20, s7;
	[tilespmem:s2+$0xE470] =	vst v3  }
0x30d: {  	[hbm4b:s0+s1] =	stream.strided.scatter [tilespmem:s3], [sflag:$0x1], $0x4000, s21, s1, $0x38;
	[tilespmem:$0x1A000] =	vst v63  }
0x30e: {  	s1 =	sld [smem:$0x7BB]  }
0x30f: {  	s5 =	stileid.u32;
	s6 =	rddreg [dreg:$0x3]  }
0x310: {  	s4 =	simm.s32 @!p4 $0x800;
	s2 =	sshrl.u32 @!p4 s6, $0x3;
	s0 =	sshll.u32 @!p4 s5, $0x6  }
0x311: {  	s3 =	simm.s32 @!p4 $0x40;
	s0 =	sor.u32 @!p4 $0x1C02, s0;
	s1 =	sadd.s32 @!p4 s1, s7  }
0x312: {  	[hbm:s1@s4], [sflag:s0] =	dma.strided @!p4 [spmem:s2@s4], $0x2000, s3, $0x10   }
0x313: {  	s0 =	sld [smem:$0x7CD];
	_ =	sdelay $0x2  }
0x314: {  	s4 =	rddreg [dreg:$0x2];
	p1 =	seq.s32 s0, $0x1  }
0x315: {  	s0 =	sshll.u32 @!p1 s5, $0x6;
	s1 =	sshrl.u32 @!p1 s4, $0x3  }
0x316: {  	s2 =	simm.s32 @!p1 $0x40;
	s3 =	simm.s32 @!p1 $0x800;
	s0 =	sor.u32 @!p1 $0x1C02, s0  }
0x317: {  	[hbm:s7@s3], [sflag:s0] =	dma.strided @!p1 [spmem:s1@s3], $0x2000, s2, $0x10   }
0x318: {  	s0 =	sld [smem:$0x7CF];
	_ =	sdelay $0x2  }
0x319: {  	s7 =	sld [smem:$0x7D0];
	p1 =	seq.s32 s0, $0x1  }
0x31a: {  	s0 =	sshll.u32 @!p1 s5, $0x6;
	s1 =	sshrl.u32 @!p1 s4, $0x3  }
0x31b: {  	s2 =	simm.s32 @!p1 $0x20;
	s3 =	simm.s32 @!p1 $0x800;
	s0 =	sor.u32 @!p1 $0x1C02, s0  }
0x31c: {  	[hbm:s7@s3], [sflag:s0] =	dma.strided @!p1 [spmem:s1@s3], $0x1000, s2, $0x10   }
0x31d: {  	s0 =	sld [smem:$0x7D1];
	_ =	sdelay $0x2  }
0x31e: {  	s7 =	sld [smem:$0x7D2];
	p1 =	seq.s32 s0, $0x1  }
0x31f: {  	s0 =	sshll.u32 @!p1 s5, $0x6;
	s1 =	sshrl.u32 @!p1 s6, $0x3  }
0x320: {  	s2 =	simm.s32 @!p1 $0x20;
	s3 =	simm.s32 @!p1 $0x800;
	s0 =	sor.u32 @!p1 $0x1C02, s0  }
0x321: {  	[hbm:s7@s3], [sflag:s0] =	dma.strided @!p1 [spmem:s1@s3], $0x1000, s2, $0x10   }
0x322: {  	s0 =	sld [smem:$0x7D4];
	_ =	sdelay $0x2  }
0x323: {  	s7 =	sld [smem:$0x7D5];
	p1 =	seq.s32 s0, $0x1  }
0x324: {  	s0 =	sshll.u32 @!p1 s5, $0x6;
	s1 =	sshrl.u32 @!p1 s4, $0x3  }
0x325: {  	s2 =	simm.s32 @!p1 $0x10;
	s3 =	simm.s32 @!p1 $0x800;
	s0 =	sor.u32 @!p1 $0x1C02, s0  }
0x326: {  	[hbm:s7@s3], [sflag:s0] =	dma.strided @!p1 [spmem:s1@s3], $0x800, s2, $0x10   }
0x327: {  	s0 =	sld [smem:$0x7D6];
	_ =	sdelay $0x2  }
0x328: {  	s7 =	sld [smem:$0x7D7];
	p1 =	seq.s32 s0, $0x1  }
0x329: {  	s0 =	sshll.u32 @!p1 s5, $0x6;
	s1 =	sshrl.u32 @!p1 s6, $0x3  }
0x32a: {  	s2 =	simm.s32 @!p1 $0x10;
	s3 =	simm.s32 @!p1 $0x800;
	s0 =	sor.u32 @!p1 $0x1C02, s0  }
0x32b: {  	[hbm:s7@s3], [sflag:s0] =	dma.strided @!p1 [spmem:s1@s3], $0x800, s2, $0x10   }
0x32c: {  	s0 =	sld [smem:$0x7D8];
	_ =	sdelay $0x2  }
0x32d: {  	p1 =	seq.s32 s0, $0x1  }
0x32e: {  	s1 =	sshrl.u32 @!p1 s4, $0x3;
	s4 =	sld [smem:$0x7D9]  }
0x32f: {  	s0 =	sshll.u32 @!p1 s5, $0x6  }
0x330: {  	s2 =	simm.s32 @!p1 $0x8;
	s3 =	simm.s32 @!p1 $0x800;
	s0 =	sor.u32 @!p1 $0x1C02, s0  }
0x331: {  	[hbm:s4@s3], [sflag:s0] =	dma.strided @!p1 [spmem:s1@s3], $0x400, s2, $0x10   }
0x332: {  	s0 =	sld [smem:$0x7DA];
	_ =	sdelay $0x2  }
0x333: {  	s4 =	sld [smem:$0x7DC];
	p1 =	seq.s32 s0, $0x1  }
0x334: {  	s0 =	sshll.u32 @!p1 s5, $0x6;
	s1 =	sshrl.u32 @!p1 s6, $0x3  }
0x335: {  	s2 =	simm.s32 @!p1 $0x8;
	s3 =	simm.s32 @!p1 $0x800;
	s0 =	sor.u32 @!p1 $0x1C02, s0  }
0x336: {  	[hbm:s4@s3], [sflag:s0] =	dma.strided @!p1 [spmem:s1@s3], $0x400, s2, $0x10   }
0x337: {  	s22 =	simm.s32 $0x0;
	s1 =	sld [smem:$0x79B]  }
0x338: {  	s0 =	smul.u32 $0x5000, s22;
	s2 =	sld [smem:$0x79D]  }
0x339: {  	s3 =	sld [smem:$0x79C]  }
0x33a: {  	s4 =	sld [smem:$0x79A];
	s8 =	sshra.s32 s0, $0x2  }
0x33b: {  	s13 =	simm.s32 $0x0;
	s0 =	sadd.s32 s2, s8  }
0x33c: {  	s25 =	sand.u32 $0x380, s13;
	s1 =	sadd.s32 s1, s8;
	s0 =	sadd.s32 s3, s0  }
0x33d: {  	s1 =	sadd.s32 s4, s1;
	s0 =	sadd.s32 s25, s0  }
0x33e: {  	s1 =	sadd.s32 s25, s1;
	v3 =	vld [tilespmem:s0+$0x0]  }
0x33f: {  	v4 =	vld [tilespmem:s1+$0x0];
	_ =	sdelay $0x3  }
0x340: {  	s23 =	sld [smem:$0x79F]  }
0x341: {  	s24 =	sand.u32 $0x3800, s13;
	s26 =	sld [smem:$0x79E];
	v4 =	vperm.xlane v4, v2;
	v3 =	vperm.xlane v3, v2  }
0x342: {  	s2 =	sor.u32 s25, s24  }
0x343: {  	s2 =	sadd.s32 $0xA000, s2;
	s1 =	sadd.s32 s23, s8;
	v3 =	vsel vm1, v4, v3  }
0x344: {  	s1 =	sadd.s32 s26, s1;
	[tilespmem:s2+$0x8000] =	vst v3  }
0x345: {  	s1 =	sadd.s32 s25, s1;
	v3 =	vld [tilespmem:s0+$0x0]  }
0x346: {  	v4 =	vld [tilespmem:s1+$0x0];
	_ =	sdelay $0x3  }
0x347: {  	s28 =	sld [smem:$0x7A1]  }
0x348: {  	s29 =	sld [smem:$0x7A0];
	v3 =	vperm.xlane v3, v2;
	v4 =	vperm.xlane v4, v2;
	_ =	sdelay $0x1  }
0x349: {  	s0 =	sadd.s32 s28, s8;
	v3 =	vsel vm1, v3, v4  }
0x34a: {  	s0 =	sadd.s32 s29, s0;
	[tilespmem:s2+$0x8010] =	vst v3  }
0x34b: {  	s0 =	sadd.s32 s25, s0;
	v3 =	vld [tilespmem:s1+$0x0]  }
0x34c: {  	v4 =	vld [tilespmem:s0+$0x0];
	_ =	sdelay $0x3  }
0x34d: {  	s30 =	sld [smem:$0x7A3]  }
0x34e: {  	s31 =	sld [smem:$0x7A2];
	v3 =	vperm.xlane v3, v2;
	v4 =	vperm.xlane v4, v2;
	_ =	sdelay $0x1  }
0x34f: {  	s1 =	sadd.s32 s30, s8;
	v3 =	vsel vm1, v3, v4  }
0x350: {  	s1 =	sadd.s32 s31, s1;
	[tilespmem:s2+$0x8020] =	vst v3  }
0x351: {  	s4 =	sadd.s32 s25, s1;
	v3 =	vld [tilespmem:s0+$0x0]  }
0x352: {  	v4 =	vld [tilespmem:s4+$0x0];
	_ =	sdelay $0x3  }
0x353: {  	s5 =	sld [smem:$0x7A5]  }
0x354: {  	s6 =	sld [smem:$0x7A4];
	v3 =	vperm.xlane v3, v2;
	v4 =	vperm.xlane v4, v2;
	_ =	sdelay $0x1  }
0x355: {  	s1 =	sadd.s32 s5, s8;
	v3 =	vsel vm1, v3, v4  }
0x356: {  	s1 =	sadd.s32 s6, s1;
	[tilespmem:s2+$0x8030] =	vst v3  }
0x357: {  	s7 =	sadd.s32 s25, s1;
	v3 =	vld [tilespmem:s4+$0x0]  }
0x358: {  	v4 =	vld [tilespmem:s7+$0x0];
	_ =	sdelay $0x2  }
0x359: {  	s9 =	sld [smem:$0x7A7]  }
0x35a: {  	s10 =	sld [smem:$0x7A6]  }
0x35b: {  	v3 =	vperm.xlane v3, v2;
	v4 =	vperm.xlane v4, v2  }
0x35c: {  	s1 =	sadd.s32 s9, s8  }
0x35d: {  	s1 =	sadd.s32 s10, s1;
	v3 =	vsel vm1, v3, v4  }
0x35e: {  	s1 =	sadd.s32 s25, s1;
	[tilespmem:s2+$0x8040] =	vst v3  }
0x35f: {  	v3 =	vld [tilespmem:s1+$0x0]  }
0x360: {  	v4 =	vld [tilespmem:s7+$0x0];
	_ =	sdelay $0x3  }
0x361: {  	s11 =	sld [smem:$0x7A9]  }
0x362: {  	s12 =	sld [smem:$0x7A8];
	v4 =	vperm.xlane v4, v2;
	v3 =	vperm.xlane v3, v2;
	_ =	sdelay $0x1  }
0x363: {  	s0 =	sadd.s32 s11, s8;
	v3 =	vsel vm1, v4, v3  }
0x364: {  	s0 =	sadd.s32 s12, s0;
	[tilespmem:s2+$0x8050] =	vst v3  }
0x365: {  	s17 =	sadd.s32 s25, s0;
	v3 =	vld [tilespmem:s1+$0x0]  }
0x366: {  	v4 =	vld [tilespmem:s17+$0xC00];
	_ =	sdelay $0x3  }
0x367: {  	s14 =	sld [smem:$0x7AB]  }
0x368: {  	s15 =	sld [smem:$0x7AA];
	v3 =	vperm.xlane v3, v2;
	v4 =	vperm.xlane v4, v2;
	_ =	sdelay $0x1  }
0x369: {  	s0 =	sadd.s32 s14, s8;
	v3 =	vsel vm1, v3, v4  }
0x36a: {  	s0 =	sadd.s32 s15, s0;
	[tilespmem:s2+$0x8060] =	vst v3  }
0x36b: {  	s0 =	sadd.s32 s25, s0;
	v3 =	vld [tilespmem:s17+$0xC00]  }
0x36c: {  	v4 =	vld [tilespmem:s0+$0x0];
	_ =	sdelay $0x3  }
0x36d: {  	s16 =	sld [smem:$0x7AD]  }
0x36e: {  	s18 =	sld [smem:$0x7AC];
	v3 =	vperm.xlane v3, v2;
	v4 =	vperm.xlane v4, v2;
	_ =	sdelay $0x1  }
0x36f: {  	s1 =	sadd.s32 s16, s8;
	v3 =	vsel vm1, v3, v4  }
0x370: {  	s1 =	sadd.s32 s18, s1;
	[tilespmem:s2+$0x8070] =	vst v3  }
0x371: {  	s1 =	sadd.s32 s25, s1;
	v3 =	vld [tilespmem:s0+$0x0]  }
0x372: {  	v4 =	vld [tilespmem:s1+$0x0];
	_ =	sdelay $0x3  }
0x373: {  	s19 =	sld [smem:$0x7AF]  }
0x374: {  	s20 =	sld [smem:$0x7AE];
	v3 =	vperm.xlane v3, v2;
	v4 =	vperm.xlane v4, v2;
	_ =	sdelay $0x1  }
0x375: {  	s0 =	sadd.s32 s19, s8;
	v3 =	vsel vm1, v3, v4  }
0x376: {  	s0 =	sadd.s32 s20, s0;
	[tilespmem:s2+$0x8400] =	vst v3  }
0x377: {  	s0 =	sadd.s32 s25, s0;
	v3 =	vld [tilespmem:s1+$0x0]  }
0x378: {  	v4 =	vld [tilespmem:s0+$0x0];
	_ =	sdelay $0x3  }
0x379: {  	s21 =	sld [smem:$0x7B1]  }
0x37a: {  	s22 =	sld [smem:$0x7B0];
	v3 =	vperm.xlane v3, v2;
	v4 =	vperm.xlane v4, v2;
	_ =	sdelay $0x1  }
0x37b: {  	s1 =	sadd.s32 s21, s8;
	v3 =	vsel vm1, v3, v4  }
0x37c: {  	s1 =	sadd.s32 s22, s1;
	[tilespmem:s2+$0x8410] =	vst v3  }
0x37d: {  	s1 =	sadd.s32 s25, s1;
	v3 =	vld [tilespmem:s0+$0x0]  }
0x37e: {  	v4 =	vld [tilespmem:s1+$0x0];
	_ =	sdelay $0x2  }
0x37f: {  	s23 =	sld [smem:$0x7B3]  }
0x380: {  	s24 =	sld [smem:$0x7B2]  }
0x381: {  	v3 =	vperm.xlane v3, v2;
	v4 =	vperm.xlane v4, v2  }
0x382: {  	s0 =	sadd.s32 s23, s8  }
0x383: {  	s0 =	sadd.s32 s24, s0;
	v3 =	vsel vm1, v3, v4  }
0x384: {  	s0 =	sadd.s32 s25, s0;
	[tilespmem:s2+$0x8420] =	vst v3  }
0x385: {  	v3 =	vld [tilespmem:s0+$0x0]  }
0x386: {  	v4 =	vld [tilespmem:s1+$0x0];
	_ =	sdelay $0x1  }
0x387: {  	s26 =	sld [smem:$0x7B9]  }
0x388: {  	s28 =	sld [smem:$0x7B7]  }
0x389: {  	s29 =	sld [smem:$0x7B5]  }
0x38a: {  	s30 =	sld [smem:$0x7B4];
	v3 =	vperm.xlane v3, v2;
	v4 =	vperm.xlane v4, v2  }
0x38b: {  	s31 =	sld [smem:$0x7B8]  }
0x38c: {  	s10 =	sld [smem:$0x7B6];
	s4 =	sadd.s32 s29, s8;
	v3 =	vsel vm1, v4, v3  }
0x38d: {  	s3 =	sadd.s32 s28, s8;
	s4 =	sadd.s32 s30, s4;
	s1 =	sadd.s32 s26, s8;
	[tilespmem:s2+$0x8430] =	vst v3  }
0x38e: {  	s9 =	simm.s32 $0x1;
	s6 =	sadd.s32 s25, s4;
	s1 =	sadd.s32 s31, s1;
	v3 =	vld [tilespmem:s0+$0x0]  }
0x38f: {  	s10 =	sadd.s32 s10, s3;
	s14 =	simm.s32 $0x0;
	s16 =	sadd.s32 s25, s1;
	v4 =	vld [tilespmem:s6+$0x0]  }
.LBB2_6:
0x390: {  	_ =	sdelay $0x3  }
0x391: {  	v3 =	vperm.xlane v3, v2;
	v4 =	vperm.xlane v4, v2;
	_ =	sdelay $0x1  }
0x392: {  	v3 =	vsel vm1, v3, v4  }
0x393: {  	[tilespmem:s2+$0x8440] =	vst v3  }
0x394: {  	s18 =	sadd.s32 s25, s10;
	v3 =	vld [tilespmem:s6+$0x0]  }
0x395: {  	v4 =	vld [tilespmem:s18+$0x0];
	_ =	sdelay $0x4  }
0x396: {  	v3 =	vperm.xlane v3, v2;
	v4 =	vperm.xlane v4, v2;
	_ =	sdelay $0x1  }
0x397: {  	v3 =	vsel vm1, v3, v4  }
0x398: {  	[tilespmem:s2+$0x8450] =	vst v3  }
0x399: {  	v3 =	vld [tilespmem:s17+$0x1000]  }
0x39a: {  	v4 =	vld [tilespmem:s18+$0x0];
	_ =	sdelay $0x4  }
0x39b: {  	s5 =	sld [smem:$0x7AD];
	v3 =	vperm.xlane v3, v2;
	v4 =	vperm.xlane v4, v2  }
0x39c: {  	s1 =	sld [smem:$0x7B8]  }
0x39d: {  	s29 =	sld [smem:$0x7B6];
	v3 =	vsel vm1, v4, v3  }
0x39e: {  	s3 =	smov.u32 s16;
	s16 =	sld [smem:$0x7B9];
	[tilespmem:s2+$0x8460] =	vst v3  }
0x39f: {  	s30 =	sld [smem:$0x7B7];
	v3 =	vld [tilespmem:s17+$0x1000]  }
0x3a0: {  	s12 =	sld [smem:$0x7B4];
	v4 =	vld [tilespmem:s3+$0x0]  }
0x3a1: {  	s0 =	smov.u32 s9;
	s20 =	sld [smem:$0x79A]  }
0x3a2: {  	s24 =	sld [smem:$0x79B];
	s0 =	sshrl.u32 s0, $0x3  }
0x3a3: {  	s26 =	sld [smem:$0x79D];
	s0 =	smul.u32 $0x5000, s0  }
0x3a4: {  	s28 =	sld [smem:$0x79C]  }
0x3a5: {  	s14 =	sadd.s32 $0x80, s14;
	s4 =	sld [smem:$0x7B5];
	s19 =	sshra.s32 s0, $0x2;
	v3 =	vperm.xlane v3, v2;
	v4 =	vperm.xlane v4, v2  }
0x3a6: {  	[smem:$0x76E] =	sst s1;
	s31 =	sadd.s32 s24, s19;
	s1 =	sadd.s32 s26, s19  }
0x3a7: {  	s25 =	sand.u32 $0x380, s14;
	s24 =	sadd.s32 s28, s1;
	s18 =	sadd.s32 s20, s31;
	v3 =	vsel vm1, v3, v4  }
0x3a8: {  	s10 =	sld [smem:$0x7B3];
	s20 =	sadd.s32 s25, s18;
	s18 =	sadd.s32 s25, s24;
	[tilespmem:s2+$0x8470] =	vst v3  }
0x3a9: {  	s8 =	sld [smem:$0x7B0];
	v3 =	vld [tilespmem:s18+$0x0]  }
0x3aa: {  	s11 =	sld [smem:$0x7AE];
	v4 =	vld [tilespmem:s20+$0x0]  }
0x3ab: {  	s21 =	sld [smem:$0x7B1]  }
0x3ac: {  	s22 =	sld [smem:$0x7AF]  }
0x3ad: {  	s13 =	sadd.s32 $0x100, s13;
	s7 =	sld [smem:$0x79F]  }
0x3ae: {  	[smem:$0x76D] =	sst s29;
	s29 =	sand.u32 $0x3800, s13  }
0x3af: {  	s0 =	sld [smem:$0x79E];
	s29 =	sor.u32 s25, s29;
	v4 =	vperm.xlane v4, v2;
	v3 =	vperm.xlane v3, v2  }
0x3b0: {  	s23 =	sld [smem:$0x7A1];
	s29 =	sadd.s32 $0xA000, s29  }
0x3b1: {  	s15 =	sld [smem:$0x7A3];
	s26 =	sadd.s32 s7, s19;
	s2 =	smov.u32 s29;
	v3 =	vsel vm1, v4, v3  }
0x3b2: {  	[smem:$0x76C] =	sst s30;
	s0 =	sadd.s32 s0, s26;
	[tilespmem:s2+$0x8000] =	vst v3  }
0x3b3: {  	s28 =	sld [smem:$0x7A0];
	s0 =	sadd.s32 s25, s0;
	v3 =	vld [tilespmem:s18+$0x0]  }
0x3b4: {  	s31 =	sld [smem:$0x7A5];
	v4 =	vld [tilespmem:s0+$0x0]  }
0x3b5: {  	s23 =	sadd.s32 s23, s19;
	s21 =	sadd.s32 s21, s19;
	s4 =	sadd.s32 s4, s19  }
0x3b6: {  	s8 =	sadd.s32 s8, s21;
	s21 =	sadd.s32 s12, s4;
	s12 =	sld [smem:$0x76C]  }
0x3b7: {  	s23 =	sadd.s32 s28, s23;
	s28 =	sadd.s32 s31, s19;
	s31 =	sadd.s32 s22, s19  }
0x3b8: {  	s11 =	sadd.s32 s11, s31;
	s31 =	sld [smem:$0x7AB]  }
0x3b9: {  	s17 =	sld [smem:$0x7A7];
	v3 =	vperm.xlane v3, v2;
	v4 =	vperm.xlane v4, v2  }
0x3ba: {  	s3 =	sld [smem:$0x7A9]  }
0x3bb: {  	s16 =	sadd.s32 s16, s19;
	s10 =	sadd.s32 s10, s19;
	s1 =	sadd.s32 s5, s19;
	v3 =	vsel vm1, v3, v4  }
0x3bc: {  	s4 =	sadd.s32 s12, s19;
	s24 =	sadd.s32 s15, s19;
	s31 =	sadd.s32 s31, s19;
	[tilespmem:s2+$0x8010] =	vst v3  }
0x3bd: {  	s3 =	sadd.s32 s3, s19;
	s17 =	sadd.s32 s17, s19;
	s19 =	sadd.s32 s25, s23;
	v3 =	vld [tilespmem:s0+$0x0]  }
0x3be: {  	v4 =	vld [tilespmem:s19+$0x0];
	_ =	sdelay $0x4  }
0x3bf: {  	s30 =	sld [smem:$0x7A2];
	v3 =	vperm.xlane v3, v2;
	v4 =	vperm.xlane v4, v2;
	_ =	sdelay $0x1  }
0x3c0: {  	v3 =	vsel vm1, v3, v4  }
0x3c1: {  	s5 =	sadd.s32 s30, s24;
	[tilespmem:s2+$0x8020] =	vst v3  }
0x3c2: {  	s20 =	sadd.s32 s25, s5;
	v3 =	vld [tilespmem:s19+$0x0]  }
0x3c3: {  	v4 =	vld [tilespmem:s20+$0x0];
	_ =	sdelay $0x4  }
0x3c4: {  	s15 =	sld [smem:$0x7A4];
	v3 =	vperm.xlane v3, v2;
	v4 =	vperm.xlane v4, v2  }
0x3c5: {  	s22 =	sld [smem:$0x7A8]  }
0x3c6: {  	v3 =	vsel vm1, v3, v4  }
0x3c7: {  	s28 =	sadd.s32 s15, s28;
	[tilespmem:s2+$0x8030] =	vst v3  }
0x3c8: {  	s3 =	sadd.s32 s22, s3;
	s22 =	sadd.s32 s25, s28;
	v3 =	vld [tilespmem:s20+$0x0]  }
0x3c9: {  	v4 =	vld [tilespmem:s22+$0x0];
	_ =	sdelay $0x2  }
0x3ca: {  	s7 =	sld [smem:$0x7A6]  }
0x3cb: {  	s6 =	sld [smem:$0x7B2]  }
0x3cc: {  	v3 =	vperm.xlane v3, v2;
	v4 =	vperm.xlane v4, v2;
	_ =	sdelay $0x1  }
0x3cd: {  	s26 =	sadd.s32 s6, s10;
	s6 =	sadd.s32 s7, s17;
	v3 =	vsel vm1, v3, v4  }
0x3ce: {  	s23 =	sadd.s32 s25, s6;
	[tilespmem:s2+$0x8040] =	vst v3  }
0x3cf: {  	v3 =	vld [tilespmem:s23+$0x0]  }
0x3d0: {  	v4 =	vld [tilespmem:s22+$0x0];
	_ =	sdelay $0x4  }
0x3d1: {  	v4 =	vperm.xlane v4, v2;
	v3 =	vperm.xlane v3, v2  }
0x3d2: {  	s17 =	sld [smem:$0x76E]  }
0x3d3: {  	v3 =	vsel vm1, v4, v3  }
0x3d4: {  	[tilespmem:s2+$0x8050] =	vst v3  }
0x3d5: {  	s7 =	sadd.s32 s17, s16;
	s17 =	sadd.s32 s25, s3;
	v3 =	vld [tilespmem:s23+$0x0]  }
0x3d6: {  	v4 =	vld [tilespmem:s17+$0xC00];
	_ =	sdelay $0x4  }
0x3d7: {  	s12 =	sld [smem:$0x7AA];
	v3 =	vperm.xlane v3, v2;
	v4 =	vperm.xlane v4, v2  }
0x3d8: {  	s24 =	sld [smem:$0x76D]  }
0x3d9: {  	v3 =	vsel vm1, v3, v4  }
0x3da: {  	s12 =	sadd.s32 s12, s31;
	[tilespmem:s2+$0x8060] =	vst v3  }
0x3db: {  	s10 =	sadd.s32 s24, s4;
	s24 =	sadd.s32 s25, s12;
	v3 =	vld [tilespmem:s17+$0xC00]  }
0x3dc: {  	v4 =	vld [tilespmem:s24+$0x0];
	_ =	sdelay $0x4  }
0x3dd: {  	s30 =	sld [smem:$0x7AC];
	v3 =	vperm.xlane v3, v2;
	v4 =	vperm.xlane v4, v2;
	_ =	sdelay $0x1  }
0x3de: {  	v3 =	vsel vm1, v3, v4  }
0x3df: {  	s30 =	sadd.s32 s30, s1;
	[tilespmem:s2+$0x8070] =	vst v3  }
0x3e0: {  	s29 =	sadd.s32 s25, s30;
	v3 =	vld [tilespmem:s24+$0x0]  }
0x3e1: {  	v4 =	vld [tilespmem:s29+$0x0];
	_ =	sdelay $0x4  }
0x3e2: {  	v3 =	vperm.xlane v3, v2;
	v4 =	vperm.xlane v4, v2;
	_ =	sdelay $0x1  }
0x3e3: {  	v3 =	vsel vm1, v3, v4  }
0x3e4: {  	[tilespmem:s2+$0x8400] =	vst v3  }
0x3e5: {  	s28 =	sadd.s32 s25, s11;
	v3 =	vld [tilespmem:s29+$0x0]  }
0x3e6: {  	v4 =	vld [tilespmem:s28+$0x0];
	_ =	sdelay $0x4  }
0x3e7: {  	v3 =	vperm.xlane v3, v2;
	v4 =	vperm.xlane v4, v2;
	_ =	sdelay $0x1  }
0x3e8: {  	v3 =	vsel vm1, v3, v4  }
0x3e9: {  	[tilespmem:s2+$0x8410] =	vst v3  }
0x3ea: {  	s30 =	sadd.s32 s25, s8;
	v3 =	vld [tilespmem:s28+$0x0]  }
0x3eb: {  	v4 =	vld [tilespmem:s30+$0x0];
	_ =	sdelay $0x4  }
0x3ec: {  	v3 =	vperm.xlane v3, v2;
	v4 =	vperm.xlane v4, v2;
	_ =	sdelay $0x1  }
0x3ed: {  	v3 =	vsel vm1, v3, v4  }
0x3ee: {  	s31 =	sadd.s32 s25, s26;
	[tilespmem:s2+$0x8420] =	vst v3  }
0x3ef: {  	v3 =	vld [tilespmem:s31+$0x0]  }
0x3f0: {  	v4 =	vld [tilespmem:s30+$0x0];
	_ =	sdelay $0x4  }
0x3f1: {  	p5 =	sne.s32 s9, $0x3F;
	v3 =	vperm.xlane v3, v2;
	v4 =	vperm.xlane v4, v2  }
.Ltmp4:
0x3f2: {  	_ = 	snop;
	(pc) =	sbr.rel @p5 .LBB2_6-.Ltmp4, $4  }
0x3f3: {  	v3 =	vsel vm1, v4, v3  }
0x3f4: {  	[tilespmem:s2+$0x8430] =	vst v3  }
0x3f5: {  	s6 =	sadd.s32 s25, s21;
	v3 =	vld [tilespmem:s31+$0x0]  }
0x3f6: {  	s9 =	sadd.s32 $0x1, s9;
	s16 =	sadd.s32 s25, s7;
	v4 =	vld [tilespmem:s6+$0x0]  }
0x3f7: {  	_ =	sdelay $0x3  }
0x3f8: {  	v3 =	vperm.xlane v3, v2;
	v4 =	vperm.xlane v4, v2;
	_ =	sdelay $0x1  }
0x3f9: {  	v3 =	vsel vm1, v3, v4  }
0x3fa: {  	[tilespmem:s2+$0x8440] =	vst v3  }
0x3fb: {  	s0 =	sadd.s32 s25, s10;
	v3 =	vld [tilespmem:s6+$0x0]  }
0x3fc: {  	v61 =	vld [tilespmem:s0+$0x0];
	_ =	sdelay $0x4  }
0x3fd: {  	v3 =	vperm.xlane v3, v2;
	v4 =	vperm.xlane v61, v2;
	_ =	sdelay $0x1  }
0x3fe: {  	v3 =	vsel vm1, v3, v4  }
0x3ff: {  	[tilespmem:s2+$0x8450] =	vst v3  }
0x400: {  	v3 =	vld [tilespmem:s17+$0x1000]  }
0x401: {  	v62 =	vld [tilespmem:s0+$0x0];
	_ =	sdelay $0x4  }
0x402: {  	v3 =	vperm.xlane v3, v2;
	v4 =	vperm.xlane v62, v2;
	_ =	sdelay $0x1  }
0x403: {  	v3 =	vsel vm1, v4, v3  }
0x404: {  	[tilespmem:s2+$0x8460] =	vst v3  }
0x405: {  	v3 =	vld [tilespmem:s17+$0x1000]  }
0x406: {  	v63 =	vld [tilespmem:s16+$0x0];
	_ =	sdelay $0x3  }
0x407: {  	s30 =	sld [smem:$0x7E6]  }
0x408: {  	s5 =	sld [smem:$0x7EB];
	v3 =	vperm.xlane v3, v2;
	v4 =	vperm.xlane v63, v2;
	_ =	sdelay $0x1  }
0x409: {  	s1 =	simm.s32 $0x800;
	v3 =	vsel vm1, v3, v4  }
0x40a: {  	s31 =	simm.s32 $0x4000;
	s3 =	simm.s32 $0x12000;
	s0 =	sadd.s32 s30, s5;
	[tilespmem:s2+$0x8470] =	vst v3  }
0x40b: {  	[hbm4b:s0+s1] =	stream.strided.scatter [tilespmem:s3], [sflag:$0x1], $0x4000, s31, s1, $0x38;
	[tilespmem:$0x1A000] =	vst v63  }
0x40c: {  	s1 =	sld [smem:$0x7BC]  }
0x40d: {  	s7 =	rddreg [dreg:$0x3];
	s6 =	stileid.u32  }
0x40e: {  	s4 =	simm.s32 @!p0 $0x800;
	s2 =	sshrl.u32 @!p0 s7, $0x3;
	s0 =	sshll.u32 @!p0 s6, $0x6  }
0x40f: {  	s3 =	simm.s32 @!p0 $0x40;
	s0 =	sor.u32 @!p0 $0x1C02, s0;
	s1 =	sadd.s32 @!p0 s1, s5  }
0x410: {  	[hbm:s1@s4], [sflag:s0] =	dma.strided @!p0 [spmem:s2@s4], $0x2000, s3, $0x10   }
0x411: {  	s0 =	sld [smem:$0x7DE];
	_ =	sdelay $0x2  }
0x412: {  	s4 =	rddreg [dreg:$0x2];
	p1 =	seq.s32 s0, $0x1  }
0x413: {  	s0 =	sshll.u32 @!p1 s6, $0x6;
	s1 =	sshrl.u32 @!p1 s4, $0x3  }
0x414: {  	s2 =	simm.s32 @!p1 $0x40;
	s3 =	simm.s32 @!p1 $0x800;
	s0 =	sor.u32 @!p1 $0x1C02, s0  }
0x415: {  	[hbm:s5@s3], [sflag:s0] =	dma.strided @!p1 [spmem:s1@s3], $0x2000, s2, $0x10   }
0x416: {  	s0 =	sld [smem:$0x7E0];
	_ =	sdelay $0x2  }
0x417: {  	s5 =	sld [smem:$0x7E1];
	p1 =	seq.s32 s0, $0x1  }
0x418: {  	s0 =	sshll.u32 @!p1 s6, $0x6;
	s1 =	sshrl.u32 @!p1 s4, $0x3  }
0x419: {  	s2 =	simm.s32 @!p1 $0x20;
	s3 =	simm.s32 @!p1 $0x800;
	s0 =	sor.u32 @!p1 $0x1C02, s0  }
0x41a: {  	[hbm:s5@s3], [sflag:s0] =	dma.strided @!p1 [spmem:s1@s3], $0x1000, s2, $0x10   }
0x41b: {  	s0 =	sld [smem:$0x7E2];
	_ =	sdelay $0x2  }
0x41c: {  	s5 =	sld [smem:$0x7E3];
	p1 =	seq.s32 s0, $0x1  }
0x41d: {  	s0 =	sshll.u32 @!p1 s6, $0x6;
	s1 =	sshrl.u32 @!p1 s7, $0x3  }
0x41e: {  	s2 =	simm.s32 @!p1 $0x20;
	s3 =	simm.s32 @!p1 $0x800;
	s0 =	sor.u32 @!p1 $0x1C02, s0  }
0x41f: {  	[hbm:s5@s3], [sflag:s0] =	dma.strided @!p1 [spmem:s1@s3], $0x1000, s2, $0x10   }
0x420: {  	s0 =	sld [smem:$0x7E4];
	_ =	sdelay $0x2  }
0x421: {  	s5 =	sld [smem:$0x7E5];
	p1 =	seq.s32 s0, $0x1  }
0x422: {  	s0 =	sshll.u32 @!p1 s6, $0x6;
	s1 =	sshrl.u32 @!p1 s4, $0x3  }
0x423: {  	s2 =	simm.s32 @!p1 $0x10;
	s3 =	simm.s32 @!p1 $0x800;
	s0 =	sor.u32 @!p1 $0x1C02, s0  }
0x424: {  	[hbm:s5@s3], [sflag:s0] =	dma.strided @!p1 [spmem:s1@s3], $0x800, s2, $0x10   }
0x425: {  	s0 =	sld [smem:$0x7E7];
	_ =	sdelay $0x2  }
0x426: {  	s5 =	sld [smem:$0x7E8];
	p1 =	seq.s32 s0, $0x1  }
0x427: {  	s0 =	sshll.u32 @!p1 s6, $0x6;
	s1 =	sshrl.u32 @!p1 s7, $0x3  }
0x428: {  	s2 =	simm.s32 @!p1 $0x10;
	s3 =	simm.s32 @!p1 $0x800;
	s0 =	sor.u32 @!p1 $0x1C02, s0  }
0x429: {  	[hbm:s5@s3], [sflag:s0] =	dma.strided @!p1 [spmem:s1@s3], $0x800, s2, $0x10   }
0x42a: {  	s0 =	sld [smem:$0x7E9];
	_ =	sdelay $0x2  }
0x42b: {  	p1 =	seq.s32 s0, $0x1  }
0x42c: {  	s1 =	sshrl.u32 @!p1 s4, $0x3;
	s4 =	sld [smem:$0x7EA]  }
0x42d: {  	s0 =	sshll.u32 @!p1 s6, $0x6  }
0x42e: {  	s2 =	simm.s32 @!p1 $0x8;
	s3 =	simm.s32 @!p1 $0x800;
	s0 =	sor.u32 @!p1 $0x1C02, s0  }
0x42f: {  	[hbm:s4@s3], [sflag:s0] =	dma.strided @!p1 [spmem:s1@s3], $0x400, s2, $0x10   }
.Ltmp5:
0x430: {  	s4 =	sld [smem:$0x7EC];
	(pc) =	sbr.rel .LBB2_8-.Ltmp5, $4  }
0x431: {  	s0 =	sshll.u32 @!p2 s6, $0x6;
	s1 =	sshrl.u32 @!p2 s7, $0x3  }
0x432: {  	s2 =	simm.s32 @!p2 $0x8;
	s3 =	simm.s32 @!p2 $0x800;
	s0 =	sor.u32 @!p2 $0x1C02, s0  }
0x433: {  	[hbm:s4@s3], [sflag:s0] =	dma.strided @!p2 [spmem:s1@s3], $0x400, s2, $0x10   }
0x434: {  	s5 =	stileid.u32;
	s1 =	simm.s32 $0x0  }
.LBB2_12:
0x435: {  	s1 =	sadd.s32 $0x1, s1  }
0x436: {  	p1 =	sne.s32 s1, $0x40  }
.Ltmp6:
0x437: {  	_ = 	snop;
	(pc) =	sbr.rel @!p1 .LBB2_13-.Ltmp6, $1  }
0x438: {  	_ =	sdelay $0x3  }
.LBB2_8:
0x439: {  	s0 =	simm.s32 $0x1  }
0x43a: {  	p5 =	sgt.u32 s1, $0x3C;
	_ =	swait.ge [sflag:s0], $0x4000  }
.Ltmp7:
0x43b: {  	[sflag:s0] =	ssyncset.done $0x0;
	(pc) =	sbr.rel @p5 .LBB2_12-.Ltmp7, $4  }
0x43c: {  	s31 =	simm.s32 $0x2;
	[sflag:s0] =	ssyncadd.s32 $0xFFFFC000  }
0x43d: {  	_ =	swait.ge [sflag:s31], $0x3800  }
0x43e: {  	[sflag:s31] =	ssyncset.done $0x0  }
0x43f: {  	[sflag:s31] =	ssyncadd.s32 $0xFFFFC800  }
0x440: {  	s29 =	sld [smem:$0x797];
	_ =	sdelay $0x1  }
0x441: {  	s0 =	sadd.s32 $0x3, s1  }
0x442: {  	s4 =	sadd.s32 s29, s0  }
0x443: {  	[smem:$0x747] =	sst s1;
	s1 =	sadd.s32 $0xFFFFFFE0, s4  }
0x444: {  	s2 =	sand.u32 $0x7F, s1  }
0x445: {  	p5 =	slt.u32 s4, $0x21;
	s3 =	sshra.s32 s1, $0x1F;
	p1 =	sne.s32 s2, $0x0  }
0x446: {  	s31 =	sshrl.u32 s3, $0x19;
	p1 =	por !p5, !p1  }
0x447: {  	s2 =	simm.s32 $0x1;
	s1 =	sadd.s32 s31, s1;
	p1 =	por !p1, !p1  }
0x448: {  	s1 =	sshra.s32 s1, $0x7;
	s2 =	simm.s32 @!p1 $0x0  }
0x449: {  	s1 =	ssub.s32 s1, s2  }
0x44a: {  	[smem:$0x748] =	sst s1;
	s1 =	sshll.u32 s1, $0x7  }
0x44b: {  	p1 =	sgt.s32 s1, $0x0  }
0x44c: {  	s1 =	simm.s32 @!p1 $0x0  }
0x44d: {  	s1 =	smin.u32 s1, $0x700  }
0x44e: {  	[smem:$0x74A] =	sst s4;
	s4 =	ssub.s32 s1, s4  }
0x44f: {  	s10 =	sand.u32 $0xFFFFFFF0, s4  }
0x450: {  	s2 =	sadd.s32 $0x120, s10  }
0x451: {  	[smem:$0x749] =	sst s1;
	s5 =	sadd.s32 $0x130, s10;
	s3 =	sand.u32 $0x70, s2  }
0x452: {  	s1 =	sshll.u32 s2, $0x3;
	s6 =	sand.u32 $0x70, s5;
	[smem:$0x74B] =	sst s3  }
0x453: {  	s2 =	sshll.u32 s5, $0x3;
	s1 =	sand.u32 $0xFFFFFC00, s1;
	[smem:$0x74E] =	sst s6  }
0x454: {  	s7 =	sand.u32 $0xFFFFFC00, s2;
	[smem:$0x74C] =	sst s1  }
0x455: {  	[smem:$0x74D] =	sst s7  }
0x456: {  	s9 =	simm.s32 $0x0;
	s8 =	sld [smem:$0x74B]  }
0x457: {  	s2 =	smul.u32 $0x5000, s9;
	s11 =	sld [smem:$0x74C]  }
0x458: {  	s5 =	sld [smem:$0x74D]  }
0x459: {  	s6 =	sld [smem:$0x74E];
	s9 =	sshra.s32 s2, $0x2  }
0x45a: {  	s12 =	simm.s32 $0x0;
	s13 =	smul.u32 $0xAB, s0;
	s3 =	sadd.s32 s11, s9  }
0x45b: {  	s30 =	sand.u32 $0x380, s12;
	s5 =	sadd.s32 s5, s9;
	s1 =	sadd.s32 s8, s3  }
0x45c: {  	s2 =	sshrl.u32 s13, $0x9;
	s14 =	sadd.s32 s6, s5;
	s1 =	sadd.s32 s30, s1  }
0x45d: {  	s2 =	sand.u32 $0x7F, s2;
	s3 =	sadd.s32 s30, s14;
	v4 =	vld [tilespmem:s1+$0x0]  }
0x45e: {  	s16 =	sadd.s32 $0x140, s10;
	s15 =	smul.u32 $0x3, s2;
	v5 =	vld [tilespmem:s3+$0x0]  }
0x45f: {  	s17 =	sand.u32 $0xF, s4;
	s18 =	sand.u32 $0x70, s16;
	s2 =	sshll.u32 s16, $0x3  }
0x460: {  	[smem:$0x750] =	sst s18;
	s19 =	sand.u32 $0xFFFFFC00, s2;
	s0 =	ssub.s32 s0, s15  }
0x461: {  	v6 =	vadd.s32 s17, v0;
	[smem:$0x74F] =	sst s19;
	s0 =	sand.u32 $0xFF, s0  }
0x462: {  	v3 =	vand.u32 $0xF, v6;
	s0 =	sshll.u32 s0, $0xE;
	s1 =	sld [smem:$0x74F]  }
0x463: {  	s22 =	sand.u32 $0x3800, s12;
	s21 =	sld [smem:$0x750];
	s20 =	sadd.s32 $0xA000, s0;
	v4 =	vperm.xlane v4, v3;
	v5 =	vperm.xlane v5, v3  }
0x464: {  	vm2 =	vgt.u32 v6, $0xF;
	s2 =	sadd.s32 s22, s20  }
0x465: {  	s1 =	sadd.s32 s1, s9;
	s2 =	sadd.s32 s30, s2;
	v4 =	vsel vm2, v5, v4  }
0x466: {  	s0 =	sadd.s32 s21, s1;
	[tilespmem:s2+$0x0] =	vst v4  }
0x467: {  	s0 =	sadd.s32 s30, s0;
	v4 =	vld [tilespmem:s3+$0x0]  }
0x468: {  	s23 =	sadd.s32 $0x150, s10;
	v5 =	vld [tilespmem:s0+$0x0]  }
0x469: {  	s24 =	sand.u32 $0x70, s23;
	s1 =	sshll.u32 s23, $0x3  }
0x46a: {  	[smem:$0x753] =	sst s24;
	s1 =	sand.u32 $0xFFFFFC00, s1  }
0x46b: {  	[smem:$0x752] =	sst s1  }
0x46c: {  	s1 =	sld [smem:$0x752]  }
0x46d: {  	s3 =	sld [smem:$0x753];
	v4 =	vperm.xlane v4, v3;
	v5 =	vperm.xlane v5, v3;
	_ =	sdelay $0x1  }
0x46e: {  	s1 =	sadd.s32 s1, s9;
	v4 =	vsel vm2, v5, v4  }
0x46f: {  	s1 =	sadd.s32 s3, s1;
	[tilespmem:s2+$0x10] =	vst v4  }
0x470: {  	s25 =	sadd.s32 $0x160, s10;
	s1 =	sadd.s32 s30, s1;
	v4 =	vld [tilespmem:s0+$0x0]  }
0x471: {  	s26 =	sand.u32 $0x70, s25;
	s3 =	sshll.u32 s25, $0x3;
	v5 =	vld [tilespmem:s1+$0x0]  }
0x472: {  	[smem:$0x755] =	sst s26;
	s28 =	sand.u32 $0xFFFFFC00, s3  }
0x473: {  	[smem:$0x754] =	sst s28  }
0x474: {  	s0 =	sld [smem:$0x754]  }
0x475: {  	s29 =	sld [smem:$0x755]  }
0x476: {  	v4 =	vperm.xlane v4, v3;
	v5 =	vperm.xlane v5, v3  }
0x477: {  	s0 =	sadd.s32 s0, s9  }
0x478: {  	s0 =	sadd.s32 s29, s0;
	v4 =	vsel vm2, v5, v4  }
0x479: {  	s0 =	sadd.s32 s30, s0;
	[tilespmem:s2+$0x20] =	vst v4  }
0x47a: {  	v4 =	vld [tilespmem:s0+$0x0]  }
0x47b: {  	s31 =	sadd.s32 $0x170, s10;
	v5 =	vld [tilespmem:s1+$0x0]  }
0x47c: {  	s5 =	sand.u32 $0x70, s31;
	s3 =	sshll.u32 s31, $0x3  }
0x47d: {  	[smem:$0x757] =	sst s5;
	s6 =	sand.u32 $0xFFFFFC00, s3  }
0x47e: {  	[smem:$0x756] =	sst s6  }
0x47f: {  	s1 =	sld [smem:$0x756]  }
0x480: {  	s7 =	sld [smem:$0x757];
	v4 =	vperm.xlane v4, v3;
	v5 =	vperm.xlane v5, v3;
	_ =	sdelay $0x1  }
0x481: {  	s1 =	sadd.s32 s1, s9;
	v4 =	vsel vm2, v4, v5  }
0x482: {  	s1 =	sadd.s32 s7, s1;
	[tilespmem:s2+$0x30] =	vst v4  }
0x483: {  	s8 =	sadd.s32 s30, s1;
	v4 =	vld [tilespmem:s0+$0x0]  }
0x484: {  	v5 =	vld [tilespmem:s8+$0x0]  }
0x485: {  	s13 =	sshll.u32 s4, $0x3;
	s11 =	sand.u32 $0x70, s4  }
0x486: {  	[smem:$0x759] =	sst s11;
	s14 =	sand.u32 $0xFFFFFC00, s13  }
0x487: {  	[smem:$0x758] =	sst s14  }
0x488: {  	s1 =	sld [smem:$0x758]  }
0x489: {  	s15 =	sld [smem:$0x759];
	v4 =	vperm.xlane v4, v3;
	v5 =	vperm.xlane v5, v3;
	_ =	sdelay $0x1  }
0x48a: {  	s1 =	sadd.s32 s1, s9;
	v4 =	vsel vm2, v5, v4  }
0x48b: {  	s1 =	sadd.s32 s15, s1;
	[tilespmem:s2+$0x40] =	vst v4  }
0x48c: {  	s7 =	sadd.s32 s30, s1;
	v4 =	vld [tilespmem:s8+$0x0]  }
0x48d: {  	s16 =	sadd.s32 $0x190, s10;
	v5 =	vld [tilespmem:s7+$0xC00]  }
0x48e: {  	s17 =	sand.u32 $0x70, s16;
	s0 =	sshll.u32 s16, $0x3  }
0x48f: {  	[smem:$0x75B] =	sst s17;
	s0 =	sand.u32 $0xFFFFFC00, s0  }
0x490: {  	[smem:$0x75A] =	sst s0  }
0x491: {  	s0 =	sld [smem:$0x75A]  }
0x492: {  	s1 =	sld [smem:$0x75B];
	v4 =	vperm.xlane v4, v3;
	v5 =	vperm.xlane v5, v3;
	_ =	sdelay $0x1  }
0x493: {  	s0 =	sadd.s32 s0, s9;
	v4 =	vsel vm2, v5, v4  }
0x494: {  	s0 =	sadd.s32 s1, s0;
	[tilespmem:s2+$0x50] =	vst v4  }
0x495: {  	s0 =	sadd.s32 s30, s0;
	v4 =	vld [tilespmem:s7+$0xC00]  }
0x496: {  	s18 =	sadd.s32 $0x1A0, s10;
	v5 =	vld [tilespmem:s0+$0x0]  }
0x497: {  	s19 =	sand.u32 $0x70, s18;
	s1 =	sshll.u32 s18, $0x3  }
0x498: {  	[smem:$0x75D] =	sst s19;
	s1 =	sand.u32 $0xFFFFFC00, s1  }
0x499: {  	[smem:$0x75C] =	sst s1  }
0x49a: {  	s1 =	sld [smem:$0x75C]  }
0x49b: {  	s3 =	sld [smem:$0x75D];
	v4 =	vperm.xlane v4, v3;
	v5 =	vperm.xlane v5, v3;
	_ =	sdelay $0x1  }
0x49c: {  	s1 =	sadd.s32 s1, s9;
	v4 =	vsel vm2, v5, v4  }
0x49d: {  	s1 =	sadd.s32 s3, s1;
	[tilespmem:s2+$0x60] =	vst v4  }
0x49e: {  	s1 =	sadd.s32 s30, s1;
	v4 =	vld [tilespmem:s0+$0x0]  }
0x49f: {  	[smem:$0x751] =	sst s20;
	s20 =	sadd.s32 $0x1B0, s10;
	v5 =	vld [tilespmem:s1+$0x0]  }
0x4a0: {  	s21 =	sand.u32 $0x70, s20;
	s0 =	sshll.u32 s20, $0x3  }
0x4a1: {  	[smem:$0x75F] =	sst s21;
	s0 =	sand.u32 $0xFFFFFC00, s0  }
0x4a2: {  	[smem:$0x75E] =	sst s0  }
0x4a3: {  	s23 =	sld [smem:$0x75E]  }
0x4a4: {  	s22 =	sadd.s32 $0x1C0, s10;
	s25 =	sld [smem:$0x75F];
	v4 =	vperm.xlane v4, v3;
	v5 =	vperm.xlane v5, v3  }
0x4a5: {  	s26 =	sadd.s32 $0x1D0, s10;
	s24 =	sand.u32 $0x70, s22  }
0x4a6: {  	[smem:$0x761] =	sst s24;
	s31 =	sadd.s32 $0x1E0, s10;
	s3 =	sadd.s32 s23, s9;
	v4 =	vsel vm2, v5, v4  }
0x4a7: {  	s28 =	sand.u32 $0x70, s26;
	s5 =	sshll.u32 s31, $0x3;
	s3 =	sadd.s32 s25, s3;
	[tilespmem:s2+$0x70] =	vst v4  }
0x4a8: {  	[smem:$0x765] =	sst s28;
	s6 =	sand.u32 $0xFFFFFC00, s5;
	s3 =	sadd.s32 s30, s3;
	v4 =	vld [tilespmem:s1+$0x0]  }
0x4a9: {  	[smem:$0x767] =	sst s6;
	v5 =	vld [tilespmem:s3+$0x0]  }
0x4aa: {  	s24 =	sld [smem:$0x765];
	s0 =	sshll.u32 s22, $0x3  }
0x4ab: {  	s16 =	sld [smem:$0x761];
	s0 =	sand.u32 $0xFFFFFC00, s0  }
0x4ac: {  	s15 =	sadd.s32 $0x210, s10;
	[smem:$0x760] =	sst s0  }
0x4ad: {  	s17 =	sand.u32 $0x70, s15;
	s4 =	sshll.u32 s15, $0x3;
	s14 =	sld [smem:$0x760]  }
0x4ae: {  	[smem:$0x76B] =	sst s17;
	s18 =	sand.u32 $0xFFFFFC00, s4;
	v4 =	vperm.xlane v4, v3;
	v5 =	vperm.xlane v5, v3  }
0x4af: {  	[smem:$0x766] =	sst s18;
	s8 =	sadd.s32 $0x1F0, s10;
	s1 =	sand.u32 $0x70, s31  }
0x4b0: {  	s11 =	sand.u32 $0x70, s8;
	[smem:$0x768] =	sst s1;
	s1 =	sadd.s32 s14, s9;
	v4 =	vsel vm2, v5, v4  }
0x4b1: {  	s13 =	sshll.u32 s8, $0x3;
	s8 =	sld [smem:$0x767];
	s1 =	sadd.s32 s16, s1;
	[tilespmem:s2+$0x400] =	vst v4  }
0x4b2: {  	s19 =	sadd.s32 $0x220, s10;
	[smem:$0x76A] =	sst s11;
	s1 =	sadd.s32 s30, s1;
	v4 =	vld [tilespmem:s3+$0x0]  }
0x4b3: {  	s11 =	sld [smem:$0x76B];
	s20 =	sand.u32 $0x70, s19;
	v5 =	vld [tilespmem:s1+$0x0]  }
0x4b4: {  	s29 =	sshll.u32 s26, $0x3;
	[smem:$0x762] =	sst s20  }
0x4b5: {  	s21 =	sld [smem:$0x762];
	s0 =	sand.u32 $0xFFFFFC00, s29  }
0x4b6: {  	[smem:$0x764] =	sst s0  }
0x4b7: {  	s0 =	sand.u32 $0xFFFFFC00, s13;
	s23 =	sld [smem:$0x764]  }
0x4b8: {  	[smem:$0x769] =	sst s0;
	v4 =	vperm.xlane v4, v3;
	v5 =	vperm.xlane v5, v3  }
0x4b9: {  	s0 =	sshll.u32 s19, $0x3;
	s25 =	sld [smem:$0x766]  }
0x4ba: {  	s0 =	sand.u32 $0xFFFFFC00, s0;
	s28 =	sld [smem:$0x769];
	s3 =	sadd.s32 s23, s9;
	v4 =	vsel vm2, v5, v4  }
0x4bb: {  	[smem:$0x763] =	sst s0;
	s3 =	sadd.s32 s24, s3;
	[tilespmem:s2+$0x410] =	vst v4  }
0x4bc: {  	s22 =	sld [smem:$0x763];
	s3 =	sadd.s32 s30, s3;
	v4 =	vld [tilespmem:s1+$0x0]  }
0x4bd: {  	s26 =	sld [smem:$0x768];
	v5 =	vld [tilespmem:s3+$0x0]  }
0x4be: {  	s8 =	sadd.s32 s8, s9;
	s29 =	sld [smem:$0x76A]  }
0x4bf: {  	s5 =	sadd.s32 s28, s9;
	s31 =	sadd.s32 s25, s9;
	s4 =	sadd.s32 s22, s9  }
0x4c0: {  	s10 =	sadd.s32 s11, s31;
	s0 =	sadd.s32 s21, s4;
	s8 =	sadd.s32 s26, s8  }
0x4c1: {  	s4 =	simm.s32 $0x1;
	s11 =	sadd.s32 s30, s8;
	s1 =	sadd.s32 s29, s5  }
0x4c2: {  	s9 =	sadd.s32 s30, s0;
	s5 =	simm.s32 $0x0;
	s8 =	sadd.s32 s30, s1;
	v4 =	vperm.xlane v4, v3;
	v5 =	vperm.xlane v5, v3  }
.LBB2_10:
0x4c3: {  	_ = 	snop  }
0x4c4: {  	v4 =	vsel vm2, v5, v4  }
0x4c5: {  	[tilespmem:s2+$0x420] =	vst v4  }
0x4c6: {  	v4 =	vld [tilespmem:s3+$0x0]  }
0x4c7: {  	v5 =	vld [tilespmem:s11+$0x0];
	_ =	sdelay $0x4  }
0x4c8: {  	v4 =	vperm.xlane v4, v3;
	v5 =	vperm.xlane v5, v3;
	_ =	sdelay $0x1  }
0x4c9: {  	v4 =	vsel vm2, v5, v4  }
0x4ca: {  	[tilespmem:s2+$0x430] =	vst v4  }
0x4cb: {  	v4 =	vld [tilespmem:s11+$0x0]  }
0x4cc: {  	v5 =	vld [tilespmem:s8+$0x0];
	_ =	sdelay $0x4  }
0x4cd: {  	v4 =	vperm.xlane v4, v3;
	v5 =	vperm.xlane v5, v3;
	_ =	sdelay $0x1  }
0x4ce: {  	v4 =	vsel vm2, v5, v4  }
0x4cf: {  	[tilespmem:s2+$0x440] =	vst v4  }
0x4d0: {  	v4 =	vld [tilespmem:s8+$0x0]  }
0x4d1: {  	v5 =	vld [tilespmem:s7+$0x1000];
	_ =	sdelay $0x2  }
0x4d2: {  	s14 =	sld [smem:$0x75E]  }
0x4d3: {  	s1 =	sld [smem:$0x762]  }
0x4d4: {  	s22 =	sld [smem:$0x763];
	v4 =	vperm.xlane v4, v3;
	v5 =	vperm.xlane v5, v3  }
0x4d5: {  	s13 =	sld [smem:$0x76B]  }
0x4d6: {  	s15 =	sld [smem:$0x766];
	v4 =	vsel vm2, v5, v4  }
0x4d7: {  	s16 =	sld [smem:$0x76A];
	[tilespmem:s2+$0x450] =	vst v4  }
0x4d8: {  	[smem:$0x742] =	sst s1;
	s1 =	sadd.s32 s30, s10;
	v4 =	vld [tilespmem:s7+$0x1000]  }
0x4d9: {  	s20 =	sld [smem:$0x767];
	v5 =	vld [tilespmem:s1+$0x0]  }
0x4da: {  	s24 =	sld [smem:$0x765]  }
0x4db: {  	s29 =	sld [smem:$0x764]  }
0x4dc: {  	s28 =	sld [smem:$0x760];
	s0 =	smov.u32 s4  }
0x4dd: {  	s26 =	sld [smem:$0x761];
	s0 =	sshrl.u32 s0, $0x3  }
0x4de: {  	s19 =	sld [smem:$0x74C];
	s0 =	smul.u32 $0x5000, s0;
	v4 =	vperm.xlane v4, v3;
	v5 =	vperm.xlane v5, v3  }
0x4df: {  	s17 =	sld [smem:$0x74B]  }
0x4e0: {  	s23 =	sld [smem:$0x74D];
	s21 =	sshra.s32 s0, $0x2;
	v4 =	vsel vm2, v5, v4  }
0x4e1: {  	s25 =	sld [smem:$0x74E];
	s19 =	sadd.s32 s19, s21;
	[tilespmem:s2+$0x460] =	vst v4  }
0x4e2: {  	s18 =	sld [smem:$0x750];
	s10 =	sadd.s32 s17, s19;
	s19 =	smov.u32 s9;
	v4 =	vld [tilespmem:s1+$0x0]  }
0x4e3: {  	s31 =	sld [smem:$0x74F];
	s5 =	sadd.s32 $0x80, s5;
	v5 =	vld [tilespmem:s19+$0x0]  }
0x4e4: {  	p5 =	sne.s32 s4, $0x3F;
	s6 =	sadd.s32 $0x1, s4;
	s4 =	sld [smem:$0x768]  }
0x4e5: {  	[smem:$0x746] =	sst s5  }
0x4e6: {  	[smem:$0x745] =	sst s6;
	s30 =	sand.u32 $0x380, s5  }
0x4e7: {  	[smem:$0x741] =	sst s13;
	s5 =	sadd.s32 s30, s10  }
0x4e8: {  	[smem:$0x743] =	sst s5;
	v4 =	vperm.xlane v4, v3;
	v5 =	vperm.xlane v5, v3  }
0x4e9: {  	s19 =	sld [smem:$0x743]  }
0x4ea: {  	[smem:$0x740] =	sst s15;
	s23 =	sadd.s32 s23, s21;
	v4 =	vsel vm2, v5, v4  }
0x4eb: {  	[smem:$0x73F] =	sst s16;
	s25 =	sadd.s32 s25, s23;
	[tilespmem:s2+$0x470] =	vst v4  }
0x4ec: {  	s6 =	sld [smem:$0x769];
	s23 =	sadd.s32 s30, s25;
	v4 =	vld [tilespmem:s19+$0x0]  }
0x4ed: {  	s3 =	sld [smem:$0x753];
	v5 =	vld [tilespmem:s23+$0x0]  }
0x4ee: {  	s13 =	sld [smem:$0x752];
	s28 =	sadd.s32 s28, s21  }
0x4ef: {  	s26 =	sadd.s32 s26, s28;
	s28 =	sld [smem:$0x751]  }
0x4f0: {  	s12 =	sadd.s32 $0x100, s12;
	s15 =	sld [smem:$0x754];
	s29 =	sadd.s32 s29, s21  }
0x4f1: {  	s31 =	sadd.s32 s31, s21;
	s25 =	sadd.s32 s13, s21;
	s13 =	sand.u32 $0x3800, s12  }
0x4f2: {  	s31 =	sadd.s32 s18, s31;
	s18 =	sld [smem:$0x75A];
	s13 =	sadd.s32 s13, s28;
	v4 =	vperm.xlane v4, v3;
	v5 =	vperm.xlane v5, v3  }
0x4f3: {  	s29 =	sadd.s32 s24, s29;
	s24 =	sld [smem:$0x75F];
	s13 =	sadd.s32 s30, s13  }
0x4f4: {  	[smem:$0x744] =	sst s26;
	s2 =	smov.u32 s13;
	v4 =	vsel vm2, v5, v4  }
0x4f5: {  	s26 =	sld [smem:$0x75B];
	[tilespmem:s2+$0x0] =	vst v4  }
0x4f6: {  	s28 =	smov.u32 s12;
	s12 =	sadd.s32 s6, s21;
	s6 =	sadd.s32 s30, s31;
	v4 =	vld [tilespmem:s23+$0x0]  }
0x4f7: {  	s5 =	sadd.s32 s18, s21;
	s11 =	sld [smem:$0x755];
	v5 =	vld [tilespmem:s6+$0x0]  }
0x4f8: {  	s26 =	sadd.s32 s26, s5;
	s5 =	sld [smem:$0x73F]  }
0x4f9: {  	s20 =	sadd.s32 s20, s21;
	s10 =	sadd.s32 s15, s21;
	s15 =	sld [smem:$0x75C]  }
0x4fa: {  	s16 =	sld [smem:$0x758];
	s14 =	sadd.s32 s14, s21;
	s18 =	sadd.s32 s4, s20  }
0x4fb: {  	s5 =	sadd.s32 s5, s12;
	s20 =	sadd.s32 s11, s10;
	s12 =	sld [smem:$0x740]  }
0x4fc: {  	s11 =	sadd.s32 s24, s14;
	s14 =	sadd.s32 s15, s21;
	s15 =	sld [smem:$0x741];
	v4 =	vperm.xlane v4, v3;
	v5 =	vperm.xlane v5, v3  }
0x4fd: {  	s17 =	sld [smem:$0x756]  }
0x4fe: {  	s4 =	sadd.s32 s12, s21;
	v4 =	vsel vm2, v5, v4  }
0x4ff: {  	s22 =	sadd.s32 s22, s21;
	s10 =	sadd.s32 s15, s4;
	s4 =	sadd.s32 s3, s25;
	[tilespmem:s2+$0x10] =	vst v4  }
0x500: {  	s0 =	sadd.s32 s16, s21;
	s7 =	sadd.s32 s17, s21;
	s21 =	sadd.s32 s30, s4;
	v4 =	vld [tilespmem:s6+$0x0]  }
0x501: {  	v5 =	vld [tilespmem:s21+$0x0];
	_ =	sdelay $0x4  }
0x502: {  	s24 =	sld [smem:$0x742];
	v4 =	vperm.xlane v4, v3;
	v5 =	vperm.xlane v5, v3;
	_ =	sdelay $0x1  }
0x503: {  	v4 =	vsel vm2, v5, v4  }
0x504: {  	s31 =	sadd.s32 s24, s22;
	s22 =	sadd.s32 s30, s20;
	[tilespmem:s2+$0x20] =	vst v4  }
0x505: {  	v4 =	vld [tilespmem:s22+$0x0]  }
0x506: {  	v5 =	vld [tilespmem:s21+$0x0];
	_ =	sdelay $0x4  }
0x507: {  	s8 =	sld [smem:$0x757];
	v4 =	vperm.xlane v4, v3;
	v5 =	vperm.xlane v5, v3;
	_ =	sdelay $0x1  }
0x508: {  	v4 =	vsel vm2, v4, v5  }
0x509: {  	s3 =	sadd.s32 s8, s7;
	[tilespmem:s2+$0x30] =	vst v4  }
0x50a: {  	s24 =	sadd.s32 s30, s3;
	v4 =	vld [tilespmem:s22+$0x0]  }
0x50b: {  	v5 =	vld [tilespmem:s24+$0x0];
	_ =	sdelay $0x3  }
0x50c: {  	s16 =	sld [smem:$0x75D]  }
0x50d: {  	s9 =	sld [smem:$0x759];
	v4 =	vperm.xlane v4, v3;
	v5 =	vperm.xlane v5, v3;
	_ =	sdelay $0x1  }
0x50e: {  	v4 =	vsel vm2, v5, v4  }
0x50f: {  	s12 =	sadd.s32 s16, s14;
	s16 =	sadd.s32 s9, s0;
	[tilespmem:s2+$0x40] =	vst v4  }
0x510: {  	s7 =	sadd.s32 s30, s16;
	v4 =	vld [tilespmem:s24+$0x0]  }
0x511: {  	v5 =	vld [tilespmem:s7+$0xC00];
	_ =	sdelay $0x4  }
0x512: {  	v4 =	vperm.xlane v4, v3;
	v5 =	vperm.xlane v5, v3;
	_ =	sdelay $0x1  }
0x513: {  	v4 =	vsel vm2, v5, v4  }
0x514: {  	[tilespmem:s2+$0x50] =	vst v4  }
0x515: {  	s23 =	sadd.s32 s30, s26;
	v4 =	vld [tilespmem:s7+$0xC00]  }
0x516: {  	v5 =	vld [tilespmem:s23+$0x0];
	_ =	sdelay $0x4  }
0x517: {  	v4 =	vperm.xlane v4, v3;
	v5 =	vperm.xlane v5, v3;
	_ =	sdelay $0x1  }
0x518: {  	v4 =	vsel vm2, v5, v4  }
0x519: {  	[tilespmem:s2+$0x60] =	vst v4  }
0x51a: {  	s17 =	sadd.s32 s30, s31;
	s31 =	sadd.s32 s30, s12;
	v4 =	vld [tilespmem:s23+$0x0]  }
0x51b: {  	v5 =	vld [tilespmem:s31+$0x0];
	_ =	sdelay $0x4  }
0x51c: {  	v4 =	vperm.xlane v4, v3;
	v5 =	vperm.xlane v5, v3;
	_ =	sdelay $0x1  }
0x51d: {  	v4 =	vsel vm2, v5, v4  }
0x51e: {  	[tilespmem:s2+$0x70] =	vst v4  }
0x51f: {  	s25 =	sadd.s32 s30, s11;
	v4 =	vld [tilespmem:s31+$0x0]  }
0x520: {  	v5 =	vld [tilespmem:s25+$0x0];
	_ =	sdelay $0x4  }
0x521: {  	v4 =	vperm.xlane v4, v3;
	v5 =	vperm.xlane v5, v3  }
0x522: {  	s26 =	sld [smem:$0x744]  }
0x523: {  	v4 =	vsel vm2, v5, v4  }
0x524: {  	[tilespmem:s2+$0x400] =	vst v4  }
0x525: {  	s1 =	sadd.s32 s30, s26;
	v4 =	vld [tilespmem:s25+$0x0]  }
0x526: {  	v5 =	vld [tilespmem:s1+$0x0];
	_ =	sdelay $0x4  }
0x527: {  	v4 =	vperm.xlane v4, v3;
	v5 =	vperm.xlane v5, v3;
	_ =	sdelay $0x1  }
0x528: {  	v4 =	vsel vm2, v5, v4  }
0x529: {  	[tilespmem:s2+$0x410] =	vst v4  }
0x52a: {  	s3 =	sadd.s32 s30, s29;
	v4 =	vld [tilespmem:s1+$0x0]  }
0x52b: {  	v5 =	vld [tilespmem:s3+$0x0]  }
.Ltmp8:
0x52c: {  	_ = 	snop;
	(pc) =	sbr.rel @p5 .LBB2_10-.Ltmp8, $3  }
0x52d: {  	_ =	sdelay $0x1  }
0x52e: {  	s11 =	sadd.s32 s30, s18;
	s12 =	smov.u32 s28;
	s4 =	sld [smem:$0x745]  }
0x52f: {  	s9 =	smov.u32 s17;
	s8 =	sadd.s32 s30, s5;
	s5 =	sld [smem:$0x746];
	v4 =	vperm.xlane v4, v3;
	v5 =	vperm.xlane v5, v3  }
0x530: {  	_ = 	snop  }
0x531: {  	v4 =	vsel vm2, v5, v4  }
0x532: {  	[tilespmem:s2+$0x420] =	vst v4  }
0x533: {  	v4 =	vld [tilespmem:s3+$0x0]  }
0x534: {  	v59 =	vld [tilespmem:s11+$0x0];
	_ =	sdelay $0x4  }
0x535: {  	v4 =	vperm.xlane v4, v3;
	v5 =	vperm.xlane v59, v3;
	_ =	sdelay $0x1  }
0x536: {  	v4 =	vsel vm2, v5, v4  }
0x537: {  	[tilespmem:s2+$0x430] =	vst v4  }
0x538: {  	v4 =	vld [tilespmem:s11+$0x0]  }
0x539: {  	v60 =	vld [tilespmem:s8+$0x0];
	_ =	sdelay $0x4  }
0x53a: {  	v4 =	vperm.xlane v4, v3;
	v5 =	vperm.xlane v60, v3;
	_ =	sdelay $0x1  }
0x53b: {  	v4 =	vsel vm2, v5, v4  }
0x53c: {  	[tilespmem:s2+$0x440] =	vst v4  }
0x53d: {  	v4 =	vld [tilespmem:s8+$0x0]  }
0x53e: {  	v61 =	vld [tilespmem:s7+$0x1000];
	_ =	sdelay $0x4  }
0x53f: {  	v4 =	vperm.xlane v4, v3;
	v5 =	vperm.xlane v61, v3;
	_ =	sdelay $0x1  }
0x540: {  	v4 =	vsel vm2, v5, v4  }
0x541: {  	[tilespmem:s2+$0x450] =	vst v4  }
0x542: {  	s0 =	sadd.s32 s30, s10;
	v4 =	vld [tilespmem:s7+$0x1000]  }
0x543: {  	v62 =	vld [tilespmem:s0+$0x0];
	_ =	sdelay $0x4  }
0x544: {  	v4 =	vperm.xlane v4, v3;
	v5 =	vperm.xlane v62, v3;
	_ =	sdelay $0x1  }
0x545: {  	v4 =	vsel vm2, v5, v4  }
0x546: {  	[tilespmem:s2+$0x460] =	vst v4  }
0x547: {  	v4 =	vld [tilespmem:s0+$0x0]  }
0x548: {  	v63 =	vld [tilespmem:s9+$0x0];
	_ =	sdelay $0x2  }
0x549: {  	s18 =	sld [smem:$0x74A]  }
0x54a: {  	s1 =	rddreg [dreg:$0x1]  }
0x54b: {  	s11 =	sld [smem:$0x749];
	v4 =	vperm.xlane v4, v3;
	v3 =	vperm.xlane v63, v3  }
0x54c: {  	s4 =	sld [smem:$0x751];
	s0 =	sshll.u32 s18, $0xE  }
0x54d: {  	s1 =	sadd.s32 s1, s0;
	v3 =	vsel vm2, v3, v4  }
0x54e: {  	s19 =	simm.s32 $0x800;
	s20 =	simm.s32 $0x4000;
	s0 =	sadd.s32 s11, s1;
	[tilespmem:s2+$0x470] =	vst v3  }
0x54f: {  	[hbm4b:s0+s19] =	stream.strided.scatter [tilespmem:s4], [sflag:$0x1], $0x4000, s20, s19, $0x38;
	[tilespmem:$0x1A000] =	vst v63  }
0x550: {  	s0 =	sld [smem:$0x748];
	_ =	sdelay $0x2  }
0x551: {  	s10 =	rddreg [dreg:$0x3];
	s22 =	ssub.s32 $0x700, s11;
	p5 =	slt.s32 s0, $0x8  }
0x552: {  	s21 =	sand.u32 $0x200, s11;
	s23 =	sand.u32 $0x200, s22;
	p1 =	seq.s32 @p5 s0, $0x7  }
0x553: {  	s8 =	stileid.u32;
	s2 =	sadd.s32 $0x100, s11;
	p1 =	por p1, !p5  }
0x554: {  	s0 =	sshll.u32 @!p1 s8, $0x6;
	s3 =	sadd.s32 @!p1 s2, s1;
	s4 =	sshrl.u32 @!p1 s10, $0x3  }
0x555: {  	s5 =	simm.s32 @!p1 $0x40;
	s6 =	simm.s32 @!p1 $0x800;
	s0 =	sor.u32 @!p1 $0x1C02, s0  }
0x556: {  	[hbm:s3@s6], [sflag:s0] =	dma.strided @!p1 [spmem:s4@s6], $0x2000, s5, $0x10   }
0x557: {  	s24 =	sand.u32 $0x400, s22;
	s0 =	sshll.u32 @!p5 s8, $0x6;
	s4 =	simm.s32 @!p5 $0x40  }
0x558: {  	s5 =	simm.s32 @!p5 $0x800;
	p1 =	seq.s32 s21, $0x0;
	s9 =	rddreg [dreg:$0x2]  }
0x559: {  	s0 =	sor.u32 @!p5 $0x1C02, s0;
	s6 =	simm.s32 @!p1 $0x20;
	s3 =	sshrl.u32 @!p5 s9, $0x3  }
0x55a: {  	[hbm:s1@s5], [sflag:s0] =	dma.strided @!p5 [spmem:s3@s5], $0x2000, s4, $0x10   }
0x55b: {  	s7 =	simm.s32 @!p1 $0x800;
	s0 =	sand.u32 @!p1 $0x400, s11;
	s3 =	sshll.u32 @!p1 s8, $0x6  }
0x55c: {  	s5 =	sshrl.u32 @!p1 s9, $0x3;
	s0 =	sadd.s32 @!p1 s0, s1;
	s3 =	sor.u32 @!p1 $0x1C02, s3  }
0x55d: {  	[hbm:s0@s7], [sflag:s3] =	dma.strided @!p1 [spmem:s5@s7], $0x1000, s6, $0x10   }
0x55e: {  	s25 =	sand.u32 $0x100, s11;
	p1 =	seq.s32 s23, $0x0;
	s0 =	sadd.s32 s2, s24  }
0x55f: {  	s3 =	sshll.u32 @!p1 s8, $0x6;
	s0 =	sadd.s32 @!p1 s1, s0;
	s5 =	sshrl.u32 @!p1 s10, $0x3  }
0x560: {  	s6 =	simm.s32 @!p1 $0x20;
	s7 =	simm.s32 @!p1 $0x800;
	s3 =	sor.u32 @!p1 $0x1C02, s3  }
0x561: {  	[hbm:s0@s7], [sflag:s3] =	dma.strided @!p1 [spmem:s5@s7], $0x1000, s6, $0x10   }
0x562: {  	p1 =	seq.s32 s25, $0x0  }
0x563: {  	s26 =	sand.u32 $0x100, s22;
	s28 =	sand.u32 $0x600, s22;
	s0 =	sand.u32 @!p1 $0x600, s11  }
0x564: {  	s3 =	sshll.u32 @!p1 s8, $0x6;
	s5 =	sshrl.u32 @!p1 s9, $0x3;
	s6 =	simm.s32 @!p1 $0x10  }
0x565: {  	s7 =	simm.s32 @!p1 $0x800;
	s0 =	sadd.s32 @!p1 s0, s1;
	s3 =	sor.u32 @!p1 $0x1C02, s3  }
0x566: {  	[hbm:s0@s7], [sflag:s3] =	dma.strided @!p1 [spmem:s5@s7], $0x800, s6, $0x10   }
0x567: {  	s29 =	sand.u32 $0x80, s11;
	p1 =	seq.s32 s26, $0x0;
	s0 =	sadd.s32 s2, s28  }
0x568: {  	s3 =	sshll.u32 @!p1 s8, $0x6;
	s0 =	sadd.s32 @!p1 s1, s0;
	s5 =	sshrl.u32 @!p1 s10, $0x3  }
0x569: {  	s6 =	simm.s32 @!p1 $0x10;
	s7 =	simm.s32 @!p1 $0x800;
	s3 =	sor.u32 @!p1 $0x1C02, s3  }
0x56a: {  	[hbm:s0@s7], [sflag:s3] =	dma.strided @!p1 [spmem:s5@s7], $0x800, s6, $0x10   }
0x56b: {  	p1 =	seq.s32 s29, $0x0  }
0x56c: {  	s30 =	sand.u32 $0x80, s22;
	s0 =	sand.u32 @!p1 $0x700, s11  }
0x56d: {  	s3 =	sshll.u32 @!p1 s8, $0x6;
	s5 =	sshrl.u32 @!p1 s9, $0x3;
	s6 =	simm.s32 @!p1 $0x8  }
0x56e: {  	s7 =	simm.s32 @!p1 $0x800;
	s0 =	sadd.s32 @!p1 s0, s1;
	s3 =	sor.u32 @!p1 $0x1C02, s3  }
0x56f: {  	[hbm:s0@s7], [sflag:s3] =	dma.strided @!p1 [spmem:s5@s7], $0x400, s6, $0x10   }
0x570: {  	s31 =	sand.u32 $0x700, s22;
	p1 =	seq.s32 s30, $0x0  }
0x571: {  	s0 =	sadd.s32 s2, s31;
	s2 =	sshll.u32 @!p1 s8, $0x6  }
0x572: {  	s0 =	sadd.s32 @!p1 s1, s0;
	s3 =	simm.s32 @!p1 $0x8;
	s4 =	simm.s32 @!p1 $0x800  }
.Ltmp9:
0x573: {  	s1 =	sor.u32 @!p1 $0x1C02, s2;
	s2 =	sshrl.u32 @!p1 s10, $0x3;
	(pc) =	sbr.rel .LBB2_12-.Ltmp9, $3  }
0x574: {  	[hbm:s0@s4], [sflag:s1] =	dma.strided @!p1 [spmem:s2@s4], $0x400, s3, $0x10   }
0x575: {  	s1 =	sld [smem:$0x747];
	_ =	sdelay $0x1  }
0x576: {  	s5 =	stileid.u32  }
.LBB2_14:
0x577: {  	_ =	sfence.sel $0x180000  }
0x578: {  	[bflag:$0x0] =	sbarrier.arrive $0xFFFF  }
0x579: {  	_ =	strace $0x90000047  }
0x57a: {  	[bflag:$0x2] =	sbarrier.arrive $0xFFFF  }
0x57b: {  	p0 =	sne.s32 s5, $0x0;
	s0 =	rddreg [dreg:$0x4]  }
0x57c: {  	s0 =	sadd.s32 @!p0 $0x100000, s0  }
0x57d: {  	[sflag:s0] =	ssyncadd.tile.s32 @!p0 $0x1;
	_ =	shalt  }
.Lfunc_end2:
_tile_overlayer_lowered:
.L_overlay_start_2:
0x57e: {  	(tag) =	ssettag $0x2  }
0x57f: {  	s0 =	rddreg [dreg:$0x0];
	s2 =	stileid.u32  }
0x580: {  	s1 =	rddreg [dreg:$0x1];
	p0 =	sne.s32 s2, $0x0  }
0x581: {  	s3 =	rddreg [dreg:$0x2];
	[bflag:$0x3] =	sbarrier.arrive $0xFFFF;
	s2 =	simm.s32 @!p0 $0x1C03  }
0x582: {  	[timem:s3], [sflag:s2] =	dma.local @!p0 [hbm:s0], s1  }
0x583: {  	s0 =	simm.s32 @!p0 $0x3  }
0x584: {  	_ =	swait.ge @!p0 [sflag:s0], s1  }
0x585: {  	s1 =	ssub.s32 @!p0 $0x0, s1;
	[sflag:s0] =	ssyncset.done @!p0 $0x0  }
0x586: {  	[sflag:s0] =	ssyncadd.s32 @!p0 s1  }
0x587: {  	[bflag:$0x3] =	sbarrier.arrive $0xFFFF  }
0x588: {  	_ =	shalt  }

</sc_bundles>
